<compile_context>
chip_gen: v7x
topology: tpu7x:2x2x1
jax: 0.10.2.dev20260603
libtpu: 0.0.44.dev20260713+nightly
codegen_flags: <defaults>
</compile_context>

<pallas_src>
import functools

import jax
import jax.numpy as jnp
from jax import lax
from jax.experimental import pallas as pl
from jax.experimental.pallas import tpu as pltpu
from jax.experimental.pallas import tpu_sc as plsc

BATCH = 16384
N_FIELDS = 26
FIELD_SIZE = 100000
LANES = 16
CHUNK = 128


def _build_kernel(num_cores, num_workers, rows_per_worker):
    n_groups = rows_per_worker // CHUNK
    n_dmas = N_FIELDS * n_groups
    vpd = CHUNK // LANES
    mesh = plsc.VectorSubcoreMesh(core_axis_name="c", subcore_axis_name="s")

    @functools.partial(
        pl.kernel,
        out_type=jax.ShapeDtypeStruct((BATCH,), jnp.float32),
        mesh=mesh,
        compiler_params=pltpu.CompilerParams(needs_layout_passes=False),
        scratch_types=[
            pltpu.VMEM((rows_per_worker * N_FIELDS,), jnp.int32),
            pltpu.VMEM((n_dmas, CHUNK), jnp.int32),
            pltpu.VMEM((n_dmas, CHUNK), jnp.float32),
            pltpu.VMEM((rows_per_worker,), jnp.float32),
            pltpu.VMEM((LANES,), jnp.float32),
            pltpu.SemaphoreType.DMA,
        ],
    )
    def ker(x_hbm, w_hbm, bias_hbm, out_hbm, x_v, idx_v, emb_v, out_v,
            bias_v, sem):
        wid = lax.axis_index("s") * num_cores + lax.axis_index("c")
        base = wid * rows_per_worker

        pltpu.sync_copy(
            x_hbm.at[pl.ds(base * N_FIELDS, rows_per_worker * N_FIELDS)], x_v)
        pltpu.sync_copy(bias_hbm, bias_v)

        lane = lax.iota(jnp.int32, LANES)

        def build_c(c, carry):
            flat0 = (lane + c * LANES) * N_FIELDS
            g = c // vpd
            s16 = (c % vpd) * LANES
            for f in range(N_FIELDS):
                vals = plsc.load_gather(x_v, [flat0 + f])
                idx_v[g * N_FIELDS + f, pl.ds(s16, LANES)] = (
                    vals + f * FIELD_SIZE)
            return carry

        def build(g):
            lax.fori_loop(g * vpd, (g + 1) * vpd, build_c, 0)

        def fire(g):
            for f in range(N_FIELDS):
                j = g * N_FIELDS + f
                pltpu.async_copy(w_hbm.at[idx_v.at[j]], emb_v.at[j], sem)

        def drain(g):
            for f in range(N_FIELDS):
                j = g * N_FIELDS + f
                pltpu.make_async_copy(
                    w_hbm.at[idx_v.at[j]], emb_v.at[j], sem).wait()

        bias_vec = bias_v[...]

        def reduce_c(c, carry):
            g = c // vpd
            s16 = (c % vpd) * LANES
            acc = bias_vec
            for f in range(N_FIELDS):
                acc = acc + emb_v[g * N_FIELDS + f, pl.ds(s16, LANES)]
            out_v[pl.ds(c * LANES, LANES)] = acc
            return carry

        def reduce(g):
            lax.fori_loop(g * vpd, (g + 1) * vpd, reduce_c, 0)

        build(0)
        fire(0)

        def step(g, carry):
            @pl.when(g + 1 < n_groups)
            def _ahead():
                build(g + 1)
                fire(g + 1)

            drain(g)
            reduce(g)
            return carry

        lax.fori_loop(0, n_groups, step, 0)

        pltpu.sync_copy(out_v, out_hbm.at[pl.ds(base, rows_per_worker)])

    return ker


def kernel(x, weights, bias):
    info = plsc.get_sparse_core_info()
    num_workers = info.num_cores * info.num_subcores
    rows_per_worker = BATCH // num_workers
    ker = _build_kernel(info.num_cores, num_workers, rows_per_worker)
    w_flat = weights.reshape(-1)
    bias16 = jnp.broadcast_to(bias, (LANES,))
    out = ker(x.astype(jnp.int32).reshape(-1), w_flat, bias16)
    return out.reshape(BATCH, 1)

# --- scband reference (transcript-rebuilt; emitter-appended) ---
"""Pipeline reference for scband-linear-layer-58042188038690 (READ-ONLY COPY).

The authoritative reference and input builder live on the scoring server;
editing this copy changes nothing except your own understanding.
"""

import jax, jax.numpy as jnp
import numpy as np

NUM_FEATURES = [100000] * 26
OFFSETS = np.concatenate(([0], np.cumsum(NUM_FEATURES)[:-1])).astype(np.int64)
TOTAL_ROWS = sum(NUM_FEATURES) + 2
BATCH = 16384
N_FIELDS = 26
OUTPUT_DIM = 1


def setup_inputs(seed: int = 0) -> dict:
    key = jax.random.key(seed)
    k1, k2 = jax.random.split(key, 2)
    # per-field categorical indices, each in [0, field_vocab)
    x = jax.random.randint(k1, (BATCH, N_FIELDS), 0, 100000)
    # learned parameters per init_kwargs
    weights = jax.random.normal(k2, (TOTAL_ROWS, OUTPUT_DIM), dtype=jnp.float32) * 0.01
    bias = jnp.zeros((OUTPUT_DIM,), dtype=jnp.float32)
    return {"x": x, "weights": weights, "bias": bias}


def reference(x, weights, bias):
    # adjusted_x = x + feature_loc_offsets
    offsets = jnp.asarray(OFFSETS, dtype=x.dtype)
    adjusted_x = x + offsets  # [B, F]
    # embedding lookup -> [B, F, output_dim]
    emb = jnp.take(weights, adjusted_x, axis=0)
    # sum over fields + bias -> [B, output_dim]
    return jnp.sum(emb, axis=1) + bias

if __name__ == "__main__":
    import jax
    _d = setup_inputs()
    print(jax.jit(kernel)(*tuple(_d.values())))

</pallas_src>

<mosaic_0001>
#map = affine_map<(d0, d1) -> (0)>
module attributes {stable_mosaic.version = 14 : i64} {
  func.func @ker(%arg0: i32, %arg1: i32, %arg2: memref<425984xi32, #tpu.memory_space<hbm>>, %arg3: memref<2600002xf32, #tpu.memory_space<hbm>>, %arg4: memref<16xf32, #tpu.memory_space<hbm>>, %arg5: memref<16384xf32, #tpu.memory_space<hbm>>, %arg6: memref<13312xi32, #tpu.memory_space<vmem>>, %arg7: memref<104x128xi32, #tpu.memory_space<vmem>>, %arg8: memref<104x128xf32, #tpu.memory_space<vmem>>, %arg9: memref<512xf32, #tpu.memory_space<vmem>>, %arg10: memref<16xf32, #tpu.memory_space<vmem>>, %arg11: memref<!tpu.dma_semaphore, #tpu.memory_space<semaphore_mem>>) attributes {dimension_semantics = [#tpu.dimension_semantics<core_parallel>, #tpu.dimension_semantics<subcore_parallel>], iteration_bounds = array<i64: 2, 16>, scalar_prefetch = 0 : i64, scratch_operands = 6 : i64, tpu.core_type = #tpu.core_type<sc_vector_subcore>, window_params = [{transform_indices = #map}, {transform_indices = #map}, {transform_indices = #map}, {transform_indices = #map}]} {
    %mul3A = arith.constant 2 : i32
    %mul3A_0 = arith.muli %arg1, %mul3A : i32
    %add3A = arith.addi %mul3A_0, %arg0 : i32
    %mul3A_1 = arith.constant 512 : i32
    %mul3A_2 = arith.muli %add3A, %mul3A_1 : i32
    %mul3A_3 = arith.constant 26 : i32
    %mul3A_4 = arith.muli %mul3A_2, %mul3A_3 : i32
    "tpu.region"() ({
      %run_scoped3A = tpu.sem_alloc : memref<!tpu.dma_semaphore, #tpu.memory_space<semaphore_mem>>
      %dma_start3A_276 = tpu.memref_slice %arg2[%mul3A_4] : memref<425984xi32, #tpu.memory_space<hbm>> -> memref<13312xi32, #tpu.memory_space<hbm>>
      %dma_start3A_277 = tpu.memref_slice %arg2[%mul3A_4] : memref<425984xi32, #tpu.memory_space<hbm>> -> memref<13312xi32, #tpu.memory_space<hbm>>
      tpu.enqueue_dma source(%dma_start3A_277 : memref<13312xi32, #tpu.memory_space<hbm>>) target(%arg6 : memref<13312xi32, #tpu.memory_space<vmem>>) target_semaphore(%run_scoped3A : memref<!tpu.dma_semaphore, #tpu.memory_space<semaphore_mem>>)
      %dma_wait3A = tpu.memref_slice %arg2[%mul3A_4] : memref<425984xi32, #tpu.memory_space<hbm>> -> memref<13312xi32, #tpu.memory_space<hbm>>
      %dma_wait3A_278 = tpu.memref_slice %arg2[%mul3A_4] : memref<425984xi32, #tpu.memory_space<hbm>> -> memref<13312xi32, #tpu.memory_space<hbm>>
      tpu.wait_dma2 semaphore(%run_scoped3A : memref<!tpu.dma_semaphore, #tpu.memory_space<semaphore_mem>>) src(%dma_wait3A_278 : memref<13312xi32, #tpu.memory_space<hbm>>) dst(%arg6 : memref<13312xi32, #tpu.memory_space<vmem>>)
      tpu.yield
    }) : () -> ()
    "tpu.region"() ({
      %run_scoped3A = tpu.sem_alloc : memref<!tpu.dma_semaphore, #tpu.memory_space<semaphore_mem>>
      tpu.enqueue_dma source(%arg4 : memref<16xf32, #tpu.memory_space<hbm>>) target(%arg10 : memref<16xf32, #tpu.memory_space<vmem>>) target_semaphore(%run_scoped3A : memref<!tpu.dma_semaphore, #tpu.memory_space<semaphore_mem>>)
      tpu.wait_dma2 semaphore(%run_scoped3A : memref<!tpu.dma_semaphore, #tpu.memory_space<semaphore_mem>>) src(%arg4 : memref<16xf32, #tpu.memory_space<hbm>>) dst(%arg10 : memref<16xf32, #tpu.memory_space<vmem>>)
      tpu.yield
    }) : () -> ()
    %iota3A = tpu.iota {dimensions = array<i32: 0>} : vector<16xi32>
    %get3A = arith.constant 0 : index
    %get3A_5 = tpu.vector_load %arg10[%get3A] {strides = array<i32>} : memref<16xf32, #tpu.memory_space<vmem>>, vector<16xf32>,
    %scan3A = arith.constant 0 : i32
    %scan3A_6 = arith.constant 0 : i32
    %scan3A_7 = arith.constant 8 : i32
    %scan3A_8 = arith.addi %scan3A_6, %scan3A_7 : i32
    %scan3A_9 = arith.constant 1 : i32
    scf.for %scan3A_276 = %scan3A_6 to %scan3A_8 step %scan3A_9  : i32 {
      %mul3A_277 = arith.constant 16 : i32
      %mul3A_278 = arith.muli %scan3A_276, %mul3A_277 : i32
      %add3A_279 = vector.broadcast %mul3A_278 : i32 to vector<16xi32>
      %add3A_280 = arith.addi %iota3A, %add3A_279 : vector<16xi32>
      %mul3A_281 = arith.constant 26 : i32
      %mul3A_282 = vector.broadcast %mul3A_281 : i32 to vector<16xi32>
      %mul3A_283 = arith.muli %add3A_280, %mul3A_282 : vector<16xi32>
      %jit3A = arith.constant 8 : i32
      %div3A = arith.divsi %scan3A_276, %jit3A : i32
      %sign3A = arith.constant 0 : i32
      %sign3A_284 = arith.cmpi sgt, %scan3A_276, %sign3A : i32
      %sign3A_285 = arith.extui %sign3A_284 : i1 to i32
      %sign3A_286 = arith.constant 0 : i32
      %sign3A_287 = arith.cmpi slt, %scan3A_276, %sign3A_286 : i32
      %sign3A_288 = arith.extui %sign3A_287 : i1 to i32
      %sign3A_289 = arith.subi %sign3A_285, %sign3A_288 : i32
      %sign3A_290 = arith.constant 0 : i32
      %sign3A_291 = arith.cmpi sgt, %jit3A, %sign3A_290 : i32
      %sign3A_292 = arith.extui %sign3A_291 : i1 to i32
      %sign3A_293 = arith.constant 0 : i32
      %sign3A_294 = arith.cmpi slt, %jit3A, %sign3A_293 : i32
      %sign3A_295 = arith.extui %sign3A_294 : i1 to i32
      %sign3A_296 = arith.subi %sign3A_292, %sign3A_295 : i32
      %ne3A = arith.cmpi ne, %sign3A_289, %sign3A_296 : i32
      %rem3A = arith.remsi %scan3A_276, %jit3A : i32
      %ne3A_297 = arith.constant 0 : i32
      %ne3A_298 = arith.cmpi ne, %rem3A, %ne3A_297 : i32
      %and3A = arith.andi %ne3A, %ne3A_298 : i1
      %sub3A = arith.constant 1 : i32
      %sub3A_299 = arith.subi %div3A, %sub3A : i32
      %select_n3A = arith.select %and3A, %sub3A_299, %div3A : i32
      %jit3A_300 = arith.constant 8 : i32
      %eq3A = arith.constant 0 : i32
      %eq3A_301 = arith.cmpi eq, %jit3A_300, %eq3A : i32
      %jit3A_302 = arith.constant 1 : i32
      %select_n3A_303 = arith.select %eq3A_301, %jit3A_302, %jit3A_300 : i32
      %rem3A_304 = arith.remsi %scan3A_276, %select_n3A_303 : i32
      %ne3A_305 = arith.constant 0 : i32
      %ne3A_306 = arith.cmpi ne, %rem3A_304, %ne3A_305 : i32
      %lt3A = arith.constant 0 : i32
      %lt3A_307 = arith.cmpi slt, %rem3A_304, %lt3A : i32
      %lt3A_308 = arith.constant 0 : i32
      %lt3A_309 = arith.cmpi slt, %select_n3A_303, %lt3A_308 : i32
      %ne3A_310 = arith.xori %lt3A_307, %lt3A_309 : i1
      %and3A_311 = arith.andi %ne3A_310, %ne3A_306 : i1
      %add3A_312 = arith.addi %rem3A_304, %select_n3A_303 : i32
      %select_n3A_313 = arith.select %and3A_311, %add3A_312, %rem3A_304 : i32
      %mul3A_314 = arith.constant 16 : i32
      %mul3A_315 = arith.muli %select_n3A_313, %mul3A_314 : i32
      %add3A_316 = arith.constant 0 : i32
      %add3A_317 = vector.broadcast %add3A_316 : i32 to vector<16xi32>
      %add3A_318 = arith.addi %mul3A_283, %add3A_317 : vector<16xi32>
      %gather3A = tpu.vector_load_idx %arg6[%add3A_318] : memref<13312xi32, #tpu.memory_space<vmem>>[vector<16xi32>], vector<16xi32>,
      %add3A_319 = arith.constant 0 : i32
      %add3A_320 = vector.broadcast %add3A_319 : i32 to vector<16xi32>
      %add3A_321 = arith.addi %gather3A, %add3A_320 : vector<16xi32>
      %mul3A_322 = arith.constant 26 : i32
      %mul3A_323 = arith.muli %select_n3A, %mul3A_322 : i32
      %add3A_324 = arith.constant 0 : i32
      %add3A_325 = arith.addi %mul3A_323, %add3A_324 : i32
      %swap3A = arith.index_cast %add3A_325 : i32 to index
      %swap3A_326 = arith.index_cast %mul3A_315 : i32 to index
      %swap3A_327 = tpu.vector_load %arg7[%swap3A, %swap3A_326] {strides = array<i32>} : memref<104x128xi32, #tpu.memory_space<vmem>>, vector<16xi32>,
      tpu.vector_store %arg7[%swap3A, %swap3A_326], %add3A_321 {strides = array<i32>} : memref<104x128xi32, #tpu.memory_space<vmem>>, vector<16xi32>,
      %add3A_328 = arith.constant 1 : i32
      %add3A_329 = vector.broadcast %add3A_328 : i32 to vector<16xi32>
      %add3A_330 = arith.addi %mul3A_283, %add3A_329 : vector<16xi32>
      %gather3A_331 = tpu.vector_load_idx %arg6[%add3A_330] : memref<13312xi32, #tpu.memory_space<vmem>>[vector<16xi32>], vector<16xi32>,
      %add3A_332 = arith.constant 100000 : i32
      %add3A_333 = vector.broadcast %add3A_332 : i32 to vector<16xi32>
      %add3A_334 = arith.addi %gather3A_331, %add3A_333 : vector<16xi32>
      %mul3A_335 = arith.constant 26 : i32
      %mul3A_336 = arith.muli %select_n3A, %mul3A_335 : i32
      %add3A_337 = arith.constant 1 : i32
      %add3A_338 = arith.addi %mul3A_336, %add3A_337 : i32
      %swap3A_339 = arith.index_cast %add3A_338 : i32 to index
      %swap3A_340 = arith.index_cast %mul3A_315 : i32 to index
      %swap3A_341 = tpu.vector_load %arg7[%swap3A_339, %swap3A_340] {strides = array<i32>} : memref<104x128xi32, #tpu.memory_space<vmem>>, vector<16xi32>,
      tpu.vector_store %arg7[%swap3A_339, %swap3A_340], %add3A_334 {strides = array<i32>} : memref<104x128xi32, #tpu.memory_space<vmem>>, vector<16xi32>,
      %add3A_342 = arith.constant 2 : i32
      %add3A_343 = vector.broadcast %add3A_342 : i32 to vector<16xi32>
      %add3A_344 = arith.addi %mul3A_283, %add3A_343 : vector<16xi32>
      %gather3A_345 = tpu.vector_load_idx %arg6[%add3A_344] : memref<13312xi32, #tpu.memory_space<vmem>>[vector<16xi32>], vector<16xi32>,
      %add3A_346 = arith.constant 200000 : i32
      %add3A_347 = vector.broadcast %add3A_346 : i32 to vector<16xi32>
      %add3A_348 = arith.addi %gather3A_345, %add3A_347 : vector<16xi32>
      %mul3A_349 = arith.constant 26 : i32
      %mul3A_350 = arith.muli %select_n3A, %mul3A_349 : i32
      %add3A_351 = arith.constant 2 : i32
      %add3A_352 = arith.addi %mul3A_350, %add3A_351 : i32
      %swap3A_353 = arith.index_cast %add3A_352 : i32 to index
      %swap3A_354 = arith.index_cast %mul3A_315 : i32 to index
      %swap3A_355 = tpu.vector_load %arg7[%swap3A_353, %swap3A_354] {strides = array<i32>} : memref<104x128xi32, #tpu.memory_space<vmem>>, vector<16xi32>,
      tpu.vector_store %arg7[%swap3A_353, %swap3A_354], %add3A_348 {strides = array<i32>} : memref<104x128xi32, #tpu.memory_space<vmem>>, vector<16xi32>,
      %add3A_356 = arith.constant 3 : i32
      %add3A_357 = vector.broadcast %add3A_356 : i32 to vector<16xi32>
      %add3A_358 = arith.addi %mul3A_283, %add3A_357 : vector<16xi32>
      %gather3A_359 = tpu.vector_load_idx %arg6[%add3A_358] : memref<13312xi32, #tpu.memory_space<vmem>>[vector<16xi32>], vector<16xi32>,
      %add3A_360 = arith.constant 300000 : i32
      %add3A_361 = vector.broadcast %add3A_360 : i32 to vector<16xi32>
      %add3A_362 = arith.addi %gather3A_359, %add3A_361 : vector<16xi32>
      %mul3A_363 = arith.constant 26 : i32
      %mul3A_364 = arith.muli %select_n3A, %mul3A_363 : i32
      %add3A_365 = arith.constant 3 : i32
      %add3A_366 = arith.addi %mul3A_364, %add3A_365 : i32
      %swap3A_367 = arith.index_cast %add3A_366 : i32 to index
      %swap3A_368 = arith.index_cast %mul3A_315 : i32 to index
      %swap3A_369 = tpu.vector_load %arg7[%swap3A_367, %swap3A_368] {strides = array<i32>} : memref<104x128xi32, #tpu.memory_space<vmem>>, vector<16xi32>,
      tpu.vector_store %arg7[%swap3A_367, %swap3A_368], %add3A_362 {strides = array<i32>} : memref<104x128xi32, #tpu.memory_space<vmem>>, vector<16xi32>,
      %add3A_370 = arith.constant 4 : i32
      %add3A_371 = vector.broadcast %add3A_370 : i32 to vector<16xi32>
      %add3A_372 = arith.addi %mul3A_283, %add3A_371 : vector<16xi32>
      %gather3A_373 = tpu.vector_load_idx %arg6[%add3A_372] : memref<13312xi32, #tpu.memory_space<vmem>>[vector<16xi32>], vector<16xi32>,
      %add3A_374 = arith.constant 400000 : i32
      %add3A_375 = vector.broadcast %add3A_374 : i32 to vector<16xi32>
      %add3A_376 = arith.addi %gather3A_373, %add3A_375 : vector<16xi32>
      %mul3A_377 = arith.constant 26 : i32
      %mul3A_378 = arith.muli %select_n3A, %mul3A_377 : i32
      %add3A_379 = arith.constant 4 : i32
      %add3A_380 = arith.addi %mul3A_378, %add3A_379 : i32
      %swap3A_381 = arith.index_cast %add3A_380 : i32 to index
      %swap3A_382 = arith.index_cast %mul3A_315 : i32 to index
      %swap3A_383 = tpu.vector_load %arg7[%swap3A_381, %swap3A_382] {strides = array<i32>} : memref<104x128xi32, #tpu.memory_space<vmem>>, vector<16xi32>,
      tpu.vector_store %arg7[%swap3A_381, %swap3A_382], %add3A_376 {strides = array<i32>} : memref<104x128xi32, #tpu.memory_space<vmem>>, vector<16xi32>,
      %add3A_384 = arith.constant 5 : i32
      %add3A_385 = vector.broadcast %add3A_384 : i32 to vector<16xi32>
      %add3A_386 = arith.addi %mul3A_283, %add3A_385 : vector<16xi32>
      %gather3A_387 = tpu.vector_load_idx %arg6[%add3A_386] : memref<13312xi32, #tpu.memory_space<vmem>>[vector<16xi32>], vector<16xi32>,
      %add3A_388 = arith.constant 500000 : i32
      %add3A_389 = vector.broadcast %add3A_388 : i32 to vector<16xi32>
      %add3A_390 = arith.addi %gather3A_387, %add3A_389 : vector<16xi32>
      %mul3A_391 = arith.constant 26 : i32
      %mul3A_392 = arith.muli %select_n3A, %mul3A_391 : i32
      %add3A_393 = arith.constant 5 : i32
      %add3A_394 = arith.addi %mul3A_392, %add3A_393 : i32
      %swap3A_395 = arith.index_cast %add3A_394 : i32 to index
      %swap3A_396 = arith.index_cast %mul3A_315 : i32 to index
      %swap3A_397 = tpu.vector_load %arg7[%swap3A_395, %swap3A_396] {strides = array<i32>} : memref<104x128xi32, #tpu.memory_space<vmem>>, vector<16xi32>,
      tpu.vector_store %arg7[%swap3A_395, %swap3A_396], %add3A_390 {strides = array<i32>} : memref<104x128xi32, #tpu.memory_space<vmem>>, vector<16xi32>,
      %add3A_398 = arith.constant 6 : i32
      %add3A_399 = vector.broadcast %add3A_398 : i32 to vector<16xi32>
      %add3A_400 = arith.addi %mul3A_283, %add3A_399 : vector<16xi32>
      %gather3A_401 = tpu.vector_load_idx %arg6[%add3A_400] : memref<13312xi32, #tpu.memory_space<vmem>>[vector<16xi32>], vector<16xi32>,
      %add3A_402 = arith.constant 600000 : i32
      %add3A_403 = vector.broadcast %add3A_402 : i32 to vector<16xi32>
      %add3A_404 = arith.addi %gather3A_401, %add3A_403 : vector<16xi32>
      %mul3A_405 = arith.constant 26 : i32
      %mul3A_406 = arith.muli %select_n3A, %mul3A_405 : i32
      %add3A_407 = arith.constant 6 : i32
      %add3A_408 = arith.addi %mul3A_406, %add3A_407 : i32
      %swap3A_409 = arith.index_cast %add3A_408 : i32 to index
      %swap3A_410 = arith.index_cast %mul3A_315 : i32 to index
      %swap3A_411 = tpu.vector_load %arg7[%swap3A_409, %swap3A_410] {strides = array<i32>} : memref<104x128xi32, #tpu.memory_space<vmem>>, vector<16xi32>,
      tpu.vector_store %arg7[%swap3A_409, %swap3A_410], %add3A_404 {strides = array<i32>} : memref<104x128xi32, #tpu.memory_space<vmem>>, vector<16xi32>,
      %add3A_412 = arith.constant 7 : i32
      %add3A_413 = vector.broadcast %add3A_412 : i32 to vector<16xi32>
      %add3A_414 = arith.addi %mul3A_283, %add3A_413 : vector<16xi32>
      %gather3A_415 = tpu.vector_load_idx %arg6[%add3A_414] : memref<13312xi32, #tpu.memory_space<vmem>>[vector<16xi32>], vector<16xi32>,
      %add3A_416 = arith.constant 700000 : i32
      %add3A_417 = vector.broadcast %add3A_416 : i32 to vector<16xi32>
      %add3A_418 = arith.addi %gather3A_415, %add3A_417 : vector<16xi32>
      %mul3A_419 = arith.constant 26 : i32
      %mul3A_420 = arith.muli %select_n3A, %mul3A_419 : i32
      %add3A_421 = arith.constant 7 : i32
      %add3A_422 = arith.addi %mul3A_420, %add3A_421 : i32
      %swap3A_423 = arith.index_cast %add3A_422 : i32 to index
      %swap3A_424 = arith.index_cast %mul3A_315 : i32 to index
      %swap3A_425 = tpu.vector_load %arg7[%swap3A_423, %swap3A_424] {strides = array<i32>} : memref<104x128xi32, #tpu.memory_space<vmem>>, vector<16xi32>,
      tpu.vector_store %arg7[%swap3A_423, %swap3A_424], %add3A_418 {strides = array<i32>} : memref<104x128xi32, #tpu.memory_space<vmem>>, vector<16xi32>,
      %add3A_426 = arith.constant 8 : i32
      %add3A_427 = vector.broadcast %add3A_426 : i32 to vector<16xi32>
      %add3A_428 = arith.addi %mul3A_283, %add3A_427 : vector<16xi32>
      %gather3A_429 = tpu.vector_load_idx %arg6[%add3A_428] : memref<13312xi32, #tpu.memory_space<vmem>>[vector<16xi32>], vector<16xi32>,
      %add3A_430 = arith.constant 800000 : i32
      %add3A_431 = vector.broadcast %add3A_430 : i32 to vector<16xi32>
      %add3A_432 = arith.addi %gather3A_429, %add3A_431 : vector<16xi32>
      %mul3A_433 = arith.constant 26 : i32
      %mul3A_434 = arith.muli %select_n3A, %mul3A_433 : i32
      %add3A_435 = arith.constant 8 : i32
      %add3A_436 = arith.addi %mul3A_434, %add3A_435 : i32
      %swap3A_437 = arith.index_cast %add3A_436 : i32 to index
      %swap3A_438 = arith.index_cast %mul3A_315 : i32 to index
      %swap3A_439 = tpu.vector_load %arg7[%swap3A_437, %swap3A_438] {strides = array<i32>} : memref<104x128xi32, #tpu.memory_space<vmem>>, vector<16xi32>,
      tpu.vector_store %arg7[%swap3A_437, %swap3A_438], %add3A_432 {strides = array<i32>} : memref<104x128xi32, #tpu.memory_space<vmem>>, vector<16xi32>,
      %add3A_440 = arith.constant 9 : i32
      %add3A_441 = vector.broadcast %add3A_440 : i32 to vector<16xi32>
      %add3A_442 = arith.addi %mul3A_283, %add3A_441 : vector<16xi32>
      %gather3A_443 = tpu.vector_load_idx %arg6[%add3A_442] : memref<13312xi32, #tpu.memory_space<vmem>>[vector<16xi32>], vector<16xi32>,
      %add3A_444 = arith.constant 900000 : i32
      %add3A_445 = vector.broadcast %add3A_444 : i32 to vector<16xi32>
      %add3A_446 = arith.addi %gather3A_443, %add3A_445 : vector<16xi32>
      %mul3A_447 = arith.constant 26 : i32
      %mul3A_448 = arith.muli %select_n3A, %mul3A_447 : i32
      %add3A_449 = arith.constant 9 : i32
      %add3A_450 = arith.addi %mul3A_448, %add3A_449 : i32
      %swap3A_451 = arith.index_cast %add3A_450 : i32 to index
      %swap3A_452 = arith.index_cast %mul3A_315 : i32 to index
      %swap3A_453 = tpu.vector_load %arg7[%swap3A_451, %swap3A_452] {strides = array<i32>} : memref<104x128xi32, #tpu.memory_space<vmem>>, vector<16xi32>,
      tpu.vector_store %arg7[%swap3A_451, %swap3A_452], %add3A_446 {strides = array<i32>} : memref<104x128xi32, #tpu.memory_space<vmem>>, vector<16xi32>,
      %add3A_454 = arith.constant 10 : i32
      %add3A_455 = vector.broadcast %add3A_454 : i32 to vector<16xi32>
      %add3A_456 = arith.addi %mul3A_283, %add3A_455 : vector<16xi32>
      %gather3A_457 = tpu.vector_load_idx %arg6[%add3A_456] : memref<13312xi32, #tpu.memory_space<vmem>>[vector<16xi32>], vector<16xi32>,
      %add3A_458 = arith.constant 1000000 : i32
      %add3A_459 = vector.broadcast %add3A_458 : i32 to vector<16xi32>
      %add3A_460 = arith.addi %gather3A_457, %add3A_459 : vector<16xi32>
      %mul3A_461 = arith.constant 26 : i32
      %mul3A_462 = arith.muli %select_n3A, %mul3A_461 : i32
      %add3A_463 = arith.constant 10 : i32
      %add3A_464 = arith.addi %mul3A_462, %add3A_463 : i32
      %swap3A_465 = arith.index_cast %add3A_464 : i32 to index
      %swap3A_466 = arith.index_cast %mul3A_315 : i32 to index
      %swap3A_467 = tpu.vector_load %arg7[%swap3A_465, %swap3A_466] {strides = array<i32>} : memref<104x128xi32, #tpu.memory_space<vmem>>, vector<16xi32>,
      tpu.vector_store %arg7[%swap3A_465, %swap3A_466], %add3A_460 {strides = array<i32>} : memref<104x128xi32, #tpu.memory_space<vmem>>, vector<16xi32>,
      %add3A_468 = arith.constant 11 : i32
      %add3A_469 = vector.broadcast %add3A_468 : i32 to vector<16xi32>
      %add3A_470 = arith.addi %mul3A_283, %add3A_469 : vector<16xi32>
      %gather3A_471 = tpu.vector_load_idx %arg6[%add3A_470] : memref<13312xi32, #tpu.memory_space<vmem>>[vector<16xi32>], vector<16xi32>,
      %add3A_472 = arith.constant 1100000 : i32
      %add3A_473 = vector.broadcast %add3A_472 : i32 to vector<16xi32>
      %add3A_474 = arith.addi %gather3A_471, %add3A_473 : vector<16xi32>
      %mul3A_475 = arith.constant 26 : i32
      %mul3A_476 = arith.muli %select_n3A, %mul3A_475 : i32
      %add3A_477 = arith.constant 11 : i32
      %add3A_478 = arith.addi %mul3A_476, %add3A_477 : i32
      %swap3A_479 = arith.index_cast %add3A_478 : i32 to index
      %swap3A_480 = arith.index_cast %mul3A_315 : i32 to index
      %swap3A_481 = tpu.vector_load %arg7[%swap3A_479, %swap3A_480] {strides = array<i32>} : memref<104x128xi32, #tpu.memory_space<vmem>>, vector<16xi32>,
      tpu.vector_store %arg7[%swap3A_479, %swap3A_480], %add3A_474 {strides = array<i32>} : memref<104x128xi32, #tpu.memory_space<vmem>>, vector<16xi32>,
      %add3A_482 = arith.constant 12 : i32
      %add3A_483 = vector.broadcast %add3A_482 : i32 to vector<16xi32>
      %add3A_484 = arith.addi %mul3A_283, %add3A_483 : vector<16xi32>
      %gather3A_485 = tpu.vector_load_idx %arg6[%add3A_484] : memref<13312xi32, #tpu.memory_space<vmem>>[vector<16xi32>], vector<16xi32>,
      %add3A_486 = arith.constant 1200000 : i32
      %add3A_487 = vector.broadcast %add3A_486 : i32 to vector<16xi32>
      %add3A_488 = arith.addi %gather3A_485, %add3A_487 : vector<16xi32>
      %mul3A_489 = arith.constant 26 : i32
      %mul3A_490 = arith.muli %select_n3A, %mul3A_489 : i32
      %add3A_491 = arith.constant 12 : i32
      %add3A_492 = arith.addi %mul3A_490, %add3A_491 : i32
      %swap3A_493 = arith.index_cast %add3A_492 : i32 to index
      %swap3A_494 = arith.index_cast %mul3A_315 : i32 to index
      %swap3A_495 = tpu.vector_load %arg7[%swap3A_493, %swap3A_494] {strides = array<i32>} : memref<104x128xi32, #tpu.memory_space<vmem>>, vector<16xi32>,
      tpu.vector_store %arg7[%swap3A_493, %swap3A_494], %add3A_488 {strides = array<i32>} : memref<104x128xi32, #tpu.memory_space<vmem>>, vector<16xi32>,
      %add3A_496 = arith.constant 13 : i32
      %add3A_497 = vector.broadcast %add3A_496 : i32 to vector<16xi32>
      %add3A_498 = arith.addi %mul3A_283, %add3A_497 : vector<16xi32>
      %gather3A_499 = tpu.vector_load_idx %arg6[%add3A_498] : memref<13312xi32, #tpu.memory_space<vmem>>[vector<16xi32>], vector<16xi32>,
      %add3A_500 = arith.constant 1300000 : i32
      %add3A_501 = vector.broadcast %add3A_500 : i32 to vector<16xi32>
      %add3A_502 = arith.addi %gather3A_499, %add3A_501 : vector<16xi32>
      %mul3A_503 = arith.constant 26 : i32
      %mul3A_504 = arith.muli %select_n3A, %mul3A_503 : i32
      %add3A_505 = arith.constant 13 : i32
      %add3A_506 = arith.addi %mul3A_504, %add3A_505 : i32
      %swap3A_507 = arith.index_cast %add3A_506 : i32 to index
      %swap3A_508 = arith.index_cast %mul3A_315 : i32 to index
      %swap3A_509 = tpu.vector_load %arg7[%swap3A_507, %swap3A_508] {strides = array<i32>} : memref<104x128xi32, #tpu.memory_space<vmem>>, vector<16xi32>,
      tpu.vector_store %arg7[%swap3A_507, %swap3A_508], %add3A_502 {strides = array<i32>} : memref<104x128xi32, #tpu.memory_space<vmem>>, vector<16xi32>,
      %add3A_510 = arith.constant 14 : i32
      %add3A_511 = vector.broadcast %add3A_510 : i32 to vector<16xi32>
      %add3A_512 = arith.addi %mul3A_283, %add3A_511 : vector<16xi32>
      %gather3A_513 = tpu.vector_load_idx %arg6[%add3A_512] : memref<13312xi32, #tpu.memory_space<vmem>>[vector<16xi32>], vector<16xi32>,
      %add3A_514 = arith.constant 1400000 : i32
      %add3A_515 = vector.broadcast %add3A_514 : i32 to vector<16xi32>
      %add3A_516 = arith.addi %gather3A_513, %add3A_515 : vector<16xi32>
      %mul3A_517 = arith.constant 26 : i32
      %mul3A_518 = arith.muli %select_n3A, %mul3A_517 : i32
      %add3A_519 = arith.constant 14 : i32
      %add3A_520 = arith.addi %mul3A_518, %add3A_519 : i32
      %swap3A_521 = arith.index_cast %add3A_520 : i32 to index
      %swap3A_522 = arith.index_cast %mul3A_315 : i32 to index
      %swap3A_523 = tpu.vector_load %arg7[%swap3A_521, %swap3A_522] {strides = array<i32>} : memref<104x128xi32, #tpu.memory_space<vmem>>, vector<16xi32>,
      tpu.vector_store %arg7[%swap3A_521, %swap3A_522], %add3A_516 {strides = array<i32>} : memref<104x128xi32, #tpu.memory_space<vmem>>, vector<16xi32>,
      %add3A_524 = arith.constant 15 : i32
      %add3A_525 = vector.broadcast %add3A_524 : i32 to vector<16xi32>
      %add3A_526 = arith.addi %mul3A_283, %add3A_525 : vector<16xi32>
      %gather3A_527 = tpu.vector_load_idx %arg6[%add3A_526] : memref<13312xi32, #tpu.memory_space<vmem>>[vector<16xi32>], vector<16xi32>,
      %add3A_528 = arith.constant 1500000 : i32
      %add3A_529 = vector.broadcast %add3A_528 : i32 to vector<16xi32>
      %add3A_530 = arith.addi %gather3A_527, %add3A_529 : vector<16xi32>
      %mul3A_531 = arith.constant 26 : i32
      %mul3A_532 = arith.muli %select_n3A, %mul3A_531 : i32
      %add3A_533 = arith.constant 15 : i32
      %add3A_534 = arith.addi %mul3A_532, %add3A_533 : i32
      %swap3A_535 = arith.index_cast %add3A_534 : i32 to index
      %swap3A_536 = arith.index_cast %mul3A_315 : i32 to index
      %swap3A_537 = tpu.vector_load %arg7[%swap3A_535, %swap3A_536] {strides = array<i32>} : memref<104x128xi32, #tpu.memory_space<vmem>>, vector<16xi32>,
      tpu.vector_store %arg7[%swap3A_535, %swap3A_536], %add3A_530 {strides = array<i32>} : memref<104x128xi32, #tpu.memory_space<vmem>>, vector<16xi32>,
      %add3A_538 = arith.constant 16 : i32
      %add3A_539 = vector.broadcast %add3A_538 : i32 to vector<16xi32>
      %add3A_540 = arith.addi %mul3A_283, %add3A_539 : vector<16xi32>
      %gather3A_541 = tpu.vector_load_idx %arg6[%add3A_540] : memref<13312xi32, #tpu.memory_space<vmem>>[vector<16xi32>], vector<16xi32>,
      %add3A_542 = arith.constant 1600000 : i32
      %add3A_543 = vector.broadcast %add3A_542 : i32 to vector<16xi32>
      %add3A_544 = arith.addi %gather3A_541, %add3A_543 : vector<16xi32>
      %mul3A_545 = arith.constant 26 : i32
      %mul3A_546 = arith.muli %select_n3A, %mul3A_545 : i32
      %add3A_547 = arith.constant 16 : i32
      %add3A_548 = arith.addi %mul3A_546, %add3A_547 : i32
      %swap3A_549 = arith.index_cast %add3A_548 : i32 to index
      %swap3A_550 = arith.index_cast %mul3A_315 : i32 to index
      %swap3A_551 = tpu.vector_load %arg7[%swap3A_549, %swap3A_550] {strides = array<i32>} : memref<104x128xi32, #tpu.memory_space<vmem>>, vector<16xi32>,
      tpu.vector_store %arg7[%swap3A_549, %swap3A_550], %add3A_544 {strides = array<i32>} : memref<104x128xi32, #tpu.memory_space<vmem>>, vector<16xi32>,
      %add3A_552 = arith.constant 17 : i32
      %add3A_553 = vector.broadcast %add3A_552 : i32 to vector<16xi32>
      %add3A_554 = arith.addi %mul3A_283, %add3A_553 : vector<16xi32>
      %gather3A_555 = tpu.vector_load_idx %arg6[%add3A_554] : memref<13312xi32, #tpu.memory_space<vmem>>[vector<16xi32>], vector<16xi32>,
      %add3A_556 = arith.constant 1700000 : i32
      %add3A_557 = vector.broadcast %add3A_556 : i32 to vector<16xi32>
      %add3A_558 = arith.addi %gather3A_555, %add3A_557 : vector<16xi32>
      %mul3A_559 = arith.constant 26 : i32
      %mul3A_560 = arith.muli %select_n3A, %mul3A_559 : i32
      %add3A_561 = arith.constant 17 : i32
      %add3A_562 = arith.addi %mul3A_560, %add3A_561 : i32
      %swap3A_563 = arith.index_cast %add3A_562 : i32 to index
      %swap3A_564 = arith.index_cast %mul3A_315 : i32 to index
      %swap3A_565 = tpu.vector_load %arg7[%swap3A_563, %swap3A_564] {strides = array<i32>} : memref<104x128xi32, #tpu.memory_space<vmem>>, vector<16xi32>,
      tpu.vector_store %arg7[%swap3A_563, %swap3A_564], %add3A_558 {strides = array<i32>} : memref<104x128xi32, #tpu.memory_space<vmem>>, vector<16xi32>,
      %add3A_566 = arith.constant 18 : i32
      %add3A_567 = vector.broadcast %add3A_566 : i32 to vector<16xi32>
      %add3A_568 = arith.addi %mul3A_283, %add3A_567 : vector<16xi32>
      %gather3A_569 = tpu.vector_load_idx %arg6[%add3A_568] : memref<13312xi32, #tpu.memory_space<vmem>>[vector<16xi32>], vector<16xi32>,
      %add3A_570 = arith.constant 1800000 : i32
      %add3A_571 = vector.broadcast %add3A_570 : i32 to vector<16xi32>
      %add3A_572 = arith.addi %gather3A_569, %add3A_571 : vector<16xi32>
      %mul3A_573 = arith.constant 26 : i32
      %mul3A_574 = arith.muli %select_n3A, %mul3A_573 : i32
      %add3A_575 = arith.constant 18 : i32
      %add3A_576 = arith.addi %mul3A_574, %add3A_575 : i32
      %swap3A_577 = arith.index_cast %add3A_576 : i32 to index
      %swap3A_578 = arith.index_cast %mul3A_315 : i32 to index
      %swap3A_579 = tpu.vector_load %arg7[%swap3A_577, %swap3A_578] {strides = array<i32>} : memref<104x128xi32, #tpu.memory_space<vmem>>, vector<16xi32>,
      tpu.vector_store %arg7[%swap3A_577, %swap3A_578], %add3A_572 {strides = array<i32>} : memref<104x128xi32, #tpu.memory_space<vmem>>, vector<16xi32>,
      %add3A_580 = arith.constant 19 : i32
      %add3A_581 = vector.broadcast %add3A_580 : i32 to vector<16xi32>
      %add3A_582 = arith.addi %mul3A_283, %add3A_581 : vector<16xi32>
      %gather3A_583 = tpu.vector_load_idx %arg6[%add3A_582] : memref<13312xi32, #tpu.memory_space<vmem>>[vector<16xi32>], vector<16xi32>,
      %add3A_584 = arith.constant 1900000 : i32
      %add3A_585 = vector.broadcast %add3A_584 : i32 to vector<16xi32>
      %add3A_586 = arith.addi %gather3A_583, %add3A_585 : vector<16xi32>
      %mul3A_587 = arith.constant 26 : i32
      %mul3A_588 = arith.muli %select_n3A, %mul3A_587 : i32
      %add3A_589 = arith.constant 19 : i32
      %add3A_590 = arith.addi %mul3A_588, %add3A_589 : i32
      %swap3A_591 = arith.index_cast %add3A_590 : i32 to index
      %swap3A_592 = arith.index_cast %mul3A_315 : i32 to index
      %swap3A_593 = tpu.vector_load %arg7[%swap3A_591, %swap3A_592] {strides = array<i32>} : memref<104x128xi32, #tpu.memory_space<vmem>>, vector<16xi32>,
      tpu.vector_store %arg7[%swap3A_591, %swap3A_592], %add3A_586 {strides = array<i32>} : memref<104x128xi32, #tpu.memory_space<vmem>>, vector<16xi32>,
      %add3A_594 = arith.constant 20 : i32
      %add3A_595 = vector.broadcast %add3A_594 : i32 to vector<16xi32>
      %add3A_596 = arith.addi %mul3A_283, %add3A_595 : vector<16xi32>
      %gather3A_597 = tpu.vector_load_idx %arg6[%add3A_596] : memref<13312xi32, #tpu.memory_space<vmem>>[vector<16xi32>], vector<16xi32>,
      %add3A_598 = arith.constant 2000000 : i32
      %add3A_599 = vector.broadcast %add3A_598 : i32 to vector<16xi32>
      %add3A_600 = arith.addi %gather3A_597, %add3A_599 : vector<16xi32>
      %mul3A_601 = arith.constant 26 : i32
      %mul3A_602 = arith.muli %select_n3A, %mul3A_601 : i32
      %add3A_603 = arith.constant 20 : i32
      %add3A_604 = arith.addi %mul3A_602, %add3A_603 : i32
      %swap3A_605 = arith.index_cast %add3A_604 : i32 to index
      %swap3A_606 = arith.index_cast %mul3A_315 : i32 to index
      %swap3A_607 = tpu.vector_load %arg7[%swap3A_605, %swap3A_606] {strides = array<i32>} : memref<104x128xi32, #tpu.memory_space<vmem>>, vector<16xi32>,
      tpu.vector_store %arg7[%swap3A_605, %swap3A_606], %add3A_600 {strides = array<i32>} : memref<104x128xi32, #tpu.memory_space<vmem>>, vector<16xi32>,
      %add3A_608 = arith.constant 21 : i32
      %add3A_609 = vector.broadcast %add3A_608 : i32 to vector<16xi32>
      %add3A_610 = arith.addi %mul3A_283, %add3A_609 : vector<16xi32>
      %gather3A_611 = tpu.vector_load_idx %arg6[%add3A_610] : memref<13312xi32, #tpu.memory_space<vmem>>[vector<16xi32>], vector<16xi32>,
      %add3A_612 = arith.constant 2100000 : i32
      %add3A_613 = vector.broadcast %add3A_612 : i32 to vector<16xi32>
      %add3A_614 = arith.addi %gather3A_611, %add3A_613 : vector<16xi32>
      %mul3A_615 = arith.constant 26 : i32
      %mul3A_616 = arith.muli %select_n3A, %mul3A_615 : i32
      %add3A_617 = arith.constant 21 : i32
      %add3A_618 = arith.addi %mul3A_616, %add3A_617 : i32
      %swap3A_619 = arith.index_cast %add3A_618 : i32 to index
      %swap3A_620 = arith.index_cast %mul3A_315 : i32 to index
      %swap3A_621 = tpu.vector_load %arg7[%swap3A_619, %swap3A_620] {strides = array<i32>} : memref<104x128xi32, #tpu.memory_space<vmem>>, vector<16xi32>,
      tpu.vector_store %arg7[%swap3A_619, %swap3A_620], %add3A_614 {strides = array<i32>} : memref<104x128xi32, #tpu.memory_space<vmem>>, vector<16xi32>,
      %add3A_622 = arith.constant 22 : i32
      %add3A_623 = vector.broadcast %add3A_622 : i32 to vector<16xi32>
      %add3A_624 = arith.addi %mul3A_283, %add3A_623 : vector<16xi32>
      %gather3A_625 = tpu.vector_load_idx %arg6[%add3A_624] : memref<13312xi32, #tpu.memory_space<vmem>>[vector<16xi32>], vector<16xi32>,
      %add3A_626 = arith.constant 2200000 : i32
      %add3A_627 = vector.broadcast %add3A_626 : i32 to vector<16xi32>
      %add3A_628 = arith.addi %gather3A_625, %add3A_627 : vector<16xi32>
      %mul3A_629 = arith.constant 26 : i32
      %mul3A_630 = arith.muli %select_n3A, %mul3A_629 : i32
      %add3A_631 = arith.constant 22 : i32
      %add3A_632 = arith.addi %mul3A_630, %add3A_631 : i32
      %swap3A_633 = arith.index_cast %add3A_632 : i32 to index
      %swap3A_634 = arith.index_cast %mul3A_315 : i32 to index
      %swap3A_635 = tpu.vector_load %arg7[%swap3A_633, %swap3A_634] {strides = array<i32>} : memref<104x128xi32, #tpu.memory_space<vmem>>, vector<16xi32>,
      tpu.vector_store %arg7[%swap3A_633, %swap3A_634], %add3A_628 {strides = array<i32>} : memref<104x128xi32, #tpu.memory_space<vmem>>, vector<16xi32>,
      %add3A_636 = arith.constant 23 : i32
      %add3A_637 = vector.broadcast %add3A_636 : i32 to vector<16xi32>
      %add3A_638 = arith.addi %mul3A_283, %add3A_637 : vector<16xi32>
      %gather3A_639 = tpu.vector_load_idx %arg6[%add3A_638] : memref<13312xi32, #tpu.memory_space<vmem>>[vector<16xi32>], vector<16xi32>,
      %add3A_640 = arith.constant 2300000 : i32
      %add3A_641 = vector.broadcast %add3A_640 : i32 to vector<16xi32>
      %add3A_642 = arith.addi %gather3A_639, %add3A_641 : vector<16xi32>
      %mul3A_643 = arith.constant 26 : i32
      %mul3A_644 = arith.muli %select_n3A, %mul3A_643 : i32
      %add3A_645 = arith.constant 23 : i32
      %add3A_646 = arith.addi %mul3A_644, %add3A_645 : i32
      %swap3A_647 = arith.index_cast %add3A_646 : i32 to index
      %swap3A_648 = arith.index_cast %mul3A_315 : i32 to index
      %swap3A_649 = tpu.vector_load %arg7[%swap3A_647, %swap3A_648] {strides = array<i32>} : memref<104x128xi32, #tpu.memory_space<vmem>>, vector<16xi32>,
      tpu.vector_store %arg7[%swap3A_647, %swap3A_648], %add3A_642 {strides = array<i32>} : memref<104x128xi32, #tpu.memory_space<vmem>>, vector<16xi32>,
      %add3A_650 = arith.constant 24 : i32
      %add3A_651 = vector.broadcast %add3A_650 : i32 to vector<16xi32>
      %add3A_652 = arith.addi %mul3A_283, %add3A_651 : vector<16xi32>
      %gather3A_653 = tpu.vector_load_idx %arg6[%add3A_652] : memref<13312xi32, #tpu.memory_space<vmem>>[vector<16xi32>], vector<16xi32>,
      %add3A_654 = arith.constant 2400000 : i32
      %add3A_655 = vector.broadcast %add3A_654 : i32 to vector<16xi32>
      %add3A_656 = arith.addi %gather3A_653, %add3A_655 : vector<16xi32>
      %mul3A_657 = arith.constant 26 : i32
      %mul3A_658 = arith.muli %select_n3A, %mul3A_657 : i32
      %add3A_659 = arith.constant 24 : i32
      %add3A_660 = arith.addi %mul3A_658, %add3A_659 : i32
      %swap3A_661 = arith.index_cast %add3A_660 : i32 to index
      %swap3A_662 = arith.index_cast %mul3A_315 : i32 to index
      %swap3A_663 = tpu.vector_load %arg7[%swap3A_661, %swap3A_662] {strides = array<i32>} : memref<104x128xi32, #tpu.memory_space<vmem>>, vector<16xi32>,
      tpu.vector_store %arg7[%swap3A_661, %swap3A_662], %add3A_656 {strides = array<i32>} : memref<104x128xi32, #tpu.memory_space<vmem>>, vector<16xi32>,
      %add3A_664 = arith.constant 25 : i32
      %add3A_665 = vector.broadcast %add3A_664 : i32 to vector<16xi32>
      %add3A_666 = arith.addi %mul3A_283, %add3A_665 : vector<16xi32>
      %gather3A_667 = tpu.vector_load_idx %arg6[%add3A_666] : memref<13312xi32, #tpu.memory_space<vmem>>[vector<16xi32>], vector<16xi32>,
      %add3A_668 = arith.constant 2500000 : i32
      %add3A_669 = vector.broadcast %add3A_668 : i32 to vector<16xi32>
      %add3A_670 = arith.addi %gather3A_667, %add3A_669 : vector<16xi32>
      %mul3A_671 = arith.constant 26 : i32
      %mul3A_672 = arith.muli %select_n3A, %mul3A_671 : i32
      %add3A_673 = arith.constant 25 : i32
      %add3A_674 = arith.addi %mul3A_672, %add3A_673 : i32
      %swap3A_675 = arith.index_cast %add3A_674 : i32 to index
      %swap3A_676 = arith.index_cast %mul3A_315 : i32 to index
      %swap3A_677 = tpu.vector_load %arg7[%swap3A_675, %swap3A_676] {strides = array<i32>} : memref<104x128xi32, #tpu.memory_space<vmem>>, vector<16xi32>,
      tpu.vector_store %arg7[%swap3A_675, %swap3A_676], %add3A_670 {strides = array<i32>} : memref<104x128xi32, #tpu.memory_space<vmem>>, vector<16xi32>,
    }
    %scan3A_10 = arith.constant 8 : i32
    %dma_start3A = arith.constant 0 : i32
    %dma_start3A_11 = arith.constant 0 : i32
    %dma_start3A_12 = arith.constant 0 : i32
    %dma_start3A_13 = tpu.memref_slice %arg8[%dma_start3A_11, %dma_start3A_12] : memref<104x128xf32, #tpu.memory_space<vmem>> -> memref<1x128xf32, #tpu.memory_space<vmem>>
    %dma_start3A_14 = tpu.memref_squeeze %dma_start3A_13 : memref<1x128xf32, #tpu.memory_space<vmem>> -> memref<128xf32, #tpu.memory_space<vmem>>
    %dma_start3A_15 = arith.constant 0 : i32
    %dma_start3A_16 = tpu.memref_slice %arg7[%dma_start3A, %dma_start3A_15] : memref<104x128xi32, #tpu.memory_space<vmem>> -> memref<1x128xi32, #tpu.memory_space<vmem>>
    %dma_start3A_17 = tpu.memref_squeeze %dma_start3A_16 : memref<1x128xi32, #tpu.memory_space<vmem>> -> memref<128xi32, #tpu.memory_space<vmem>>
    %dma_start3A_18 = arith.constant 0 : i32
    %dma_start3A_19 = tpu.memref_slice %arg3[%dma_start3A_18] : memref<2600002xf32, #tpu.memory_space<hbm>> -> memref<2600002xf32, #tpu.memory_space<hbm>>
    tpu.enqueue_indirect_dma source(%dma_start3A_19 : memref<2600002xf32, #tpu.memory_space<hbm>>) target(%dma_start3A_14 : memref<128xf32, #tpu.memory_space<vmem>>) offsets(%dma_start3A_17 : memref<128xi32, #tpu.memory_space<vmem>>) semaphore(%arg11 : memref<!tpu.dma_semaphore, #tpu.memory_space<semaphore_mem>>)
    %dma_start3A_20 = arith.constant 1 : i32
    %dma_start3A_21 = arith.constant 1 : i32
    %dma_start3A_22 = arith.constant 0 : i32
    %dma_start3A_23 = tpu.memref_slice %arg8[%dma_start3A_21, %dma_start3A_22] : memref<104x128xf32, #tpu.memory_space<vmem>> -> memref<1x128xf32, #tpu.memory_space<vmem>>
    %dma_start3A_24 = tpu.memref_squeeze %dma_start3A_23 : memref<1x128xf32, #tpu.memory_space<vmem>> -> memref<128xf32, #tpu.memory_space<vmem>>
    %dma_start3A_25 = arith.constant 0 : i32
    %dma_start3A_26 = tpu.memref_slice %arg7[%dma_start3A_20, %dma_start3A_25] : memref<104x128xi32, #tpu.memory_space<vmem>> -> memref<1x128xi32, #tpu.memory_space<vmem>>
    %dma_start3A_27 = tpu.memref_squeeze %dma_start3A_26 : memref<1x128xi32, #tpu.memory_space<vmem>> -> memref<128xi32, #tpu.memory_space<vmem>>
    %dma_start3A_28 = arith.constant 0 : i32
    %dma_start3A_29 = tpu.memref_slice %arg3[%dma_start3A_28] : memref<2600002xf32, #tpu.memory_space<hbm>> -> memref<2600002xf32, #tpu.memory_space<hbm>>
    tpu.enqueue_indirect_dma source(%dma_start3A_29 : memref<2600002xf32, #tpu.memory_space<hbm>>) target(%dma_start3A_24 : memref<128xf32, #tpu.memory_space<vmem>>) offsets(%dma_start3A_27 : memref<128xi32, #tpu.memory_space<vmem>>) semaphore(%arg11 : memref<!tpu.dma_semaphore, #tpu.memory_space<semaphore_mem>>)
    %dma_start3A_30 = arith.constant 2 : i32
    %dma_start3A_31 = arith.constant 2 : i32
    %dma_start3A_32 = arith.constant 0 : i32
    %dma_start3A_33 = tpu.memref_slice %arg8[%dma_start3A_31, %dma_start3A_32] : memref<104x128xf32, #tpu.memory_space<vmem>> -> memref<1x128xf32, #tpu.memory_space<vmem>>
    %dma_start3A_34 = tpu.memref_squeeze %dma_start3A_33 : memref<1x128xf32, #tpu.memory_space<vmem>> -> memref<128xf32, #tpu.memory_space<vmem>>
    %dma_start3A_35 = arith.constant 0 : i32
    %dma_start3A_36 = tpu.memref_slice %arg7[%dma_start3A_30, %dma_start3A_35] : memref<104x128xi32, #tpu.memory_space<vmem>> -> memref<1x128xi32, #tpu.memory_space<vmem>>
    %dma_start3A_37 = tpu.memref_squeeze %dma_start3A_36 : memref<1x128xi32, #tpu.memory_space<vmem>> -> memref<128xi32, #tpu.memory_space<vmem>>
    %dma_start3A_38 = arith.constant 0 : i32
    %dma_start3A_39 = tpu.memref_slice %arg3[%dma_start3A_38] : memref<2600002xf32, #tpu.memory_space<hbm>> -> memref<2600002xf32, #tpu.memory_space<hbm>>
    tpu.enqueue_indirect_dma source(%dma_start3A_39 : memref<2600002xf32, #tpu.memory_space<hbm>>) target(%dma_start3A_34 : memref<128xf32, #tpu.memory_space<vmem>>) offsets(%dma_start3A_37 : memref<128xi32, #tpu.memory_space<vmem>>) semaphore(%arg11 : memref<!tpu.dma_semaphore, #tpu.memory_space<semaphore_mem>>)
    %dma_start3A_40 = arith.constant 3 : i32
    %dma_start3A_41 = arith.constant 3 : i32
    %dma_start3A_42 = arith.constant 0 : i32
    %dma_start3A_43 = tpu.memref_slice %arg8[%dma_start3A_41, %dma_start3A_42] : memref<104x128xf32, #tpu.memory_space<vmem>> -> memref<1x128xf32, #tpu.memory_space<vmem>>
    %dma_start3A_44 = tpu.memref_squeeze %dma_start3A_43 : memref<1x128xf32, #tpu.memory_space<vmem>> -> memref<128xf32, #tpu.memory_space<vmem>>
    %dma_start3A_45 = arith.constant 0 : i32
    %dma_start3A_46 = tpu.memref_slice %arg7[%dma_start3A_40, %dma_start3A_45] : memref<104x128xi32, #tpu.memory_space<vmem>> -> memref<1x128xi32, #tpu.memory_space<vmem>>
    %dma_start3A_47 = tpu.memref_squeeze %dma_start3A_46 : memref<1x128xi32, #tpu.memory_space<vmem>> -> memref<128xi32, #tpu.memory_space<vmem>>
    %dma_start3A_48 = arith.constant 0 : i32
    %dma_start3A_49 = tpu.memref_slice %arg3[%dma_start3A_48] : memref<2600002xf32, #tpu.memory_space<hbm>> -> memref<2600002xf32, #tpu.memory_space<hbm>>
    tpu.enqueue_indirect_dma source(%dma_start3A_49 : memref<2600002xf32, #tpu.memory_space<hbm>>) target(%dma_start3A_44 : memref<128xf32, #tpu.memory_space<vmem>>) offsets(%dma_start3A_47 : memref<128xi32, #tpu.memory_space<vmem>>) semaphore(%arg11 : memref<!tpu.dma_semaphore, #tpu.memory_space<semaphore_mem>>)
    %dma_start3A_50 = arith.constant 4 : i32
    %dma_start3A_51 = arith.constant 4 : i32
    %dma_start3A_52 = arith.constant 0 : i32
    %dma_start3A_53 = tpu.memref_slice %arg8[%dma_start3A_51, %dma_start3A_52] : memref<104x128xf32, #tpu.memory_space<vmem>> -> memref<1x128xf32, #tpu.memory_space<vmem>>
    %dma_start3A_54 = tpu.memref_squeeze %dma_start3A_53 : memref<1x128xf32, #tpu.memory_space<vmem>> -> memref<128xf32, #tpu.memory_space<vmem>>
    %dma_start3A_55 = arith.constant 0 : i32
    %dma_start3A_56 = tpu.memref_slice %arg7[%dma_start3A_50, %dma_start3A_55] : memref<104x128xi32, #tpu.memory_space<vmem>> -> memref<1x128xi32, #tpu.memory_space<vmem>>
    %dma_start3A_57 = tpu.memref_squeeze %dma_start3A_56 : memref<1x128xi32, #tpu.memory_space<vmem>> -> memref<128xi32, #tpu.memory_space<vmem>>
    %dma_start3A_58 = arith.constant 0 : i32
    %dma_start3A_59 = tpu.memref_slice %arg3[%dma_start3A_58] : memref<2600002xf32, #tpu.memory_space<hbm>> -> memref<2600002xf32, #tpu.memory_space<hbm>>
    tpu.enqueue_indirect_dma source(%dma_start3A_59 : memref<2600002xf32, #tpu.memory_space<hbm>>) target(%dma_start3A_54 : memref<128xf32, #tpu.memory_space<vmem>>) offsets(%dma_start3A_57 : memref<128xi32, #tpu.memory_space<vmem>>) semaphore(%arg11 : memref<!tpu.dma_semaphore, #tpu.memory_space<semaphore_mem>>)
    %dma_start3A_60 = arith.constant 5 : i32
    %dma_start3A_61 = arith.constant 5 : i32
    %dma_start3A_62 = arith.constant 0 : i32
    %dma_start3A_63 = tpu.memref_slice %arg8[%dma_start3A_61, %dma_start3A_62] : memref<104x128xf32, #tpu.memory_space<vmem>> -> memref<1x128xf32, #tpu.memory_space<vmem>>
    %dma_start3A_64 = tpu.memref_squeeze %dma_start3A_63 : memref<1x128xf32, #tpu.memory_space<vmem>> -> memref<128xf32, #tpu.memory_space<vmem>>
    %dma_start3A_65 = arith.constant 0 : i32
    %dma_start3A_66 = tpu.memref_slice %arg7[%dma_start3A_60, %dma_start3A_65] : memref<104x128xi32, #tpu.memory_space<vmem>> -> memref<1x128xi32, #tpu.memory_space<vmem>>
    %dma_start3A_67 = tpu.memref_squeeze %dma_start3A_66 : memref<1x128xi32, #tpu.memory_space<vmem>> -> memref<128xi32, #tpu.memory_space<vmem>>
    %dma_start3A_68 = arith.constant 0 : i32
    %dma_start3A_69 = tpu.memref_slice %arg3[%dma_start3A_68] : memref<2600002xf32, #tpu.memory_space<hbm>> -> memref<2600002xf32, #tpu.memory_space<hbm>>
    tpu.enqueue_indirect_dma source(%dma_start3A_69 : memref<2600002xf32, #tpu.memory_space<hbm>>) target(%dma_start3A_64 : memref<128xf32, #tpu.memory_space<vmem>>) offsets(%dma_start3A_67 : memref<128xi32, #tpu.memory_space<vmem>>) semaphore(%arg11 : memref<!tpu.dma_semaphore, #tpu.memory_space<semaphore_mem>>)
    %dma_start3A_70 = arith.constant 6 : i32
    %dma_start3A_71 = arith.constant 6 : i32
    %dma_start3A_72 = arith.constant 0 : i32
    %dma_start3A_73 = tpu.memref_slice %arg8[%dma_start3A_71, %dma_start3A_72] : memref<104x128xf32, #tpu.memory_space<vmem>> -> memref<1x128xf32, #tpu.memory_space<vmem>>
    %dma_start3A_74 = tpu.memref_squeeze %dma_start3A_73 : memref<1x128xf32, #tpu.memory_space<vmem>> -> memref<128xf32, #tpu.memory_space<vmem>>
    %dma_start3A_75 = arith.constant 0 : i32
    %dma_start3A_76 = tpu.memref_slice %arg7[%dma_start3A_70, %dma_start3A_75] : memref<104x128xi32, #tpu.memory_space<vmem>> -> memref<1x128xi32, #tpu.memory_space<vmem>>
    %dma_start3A_77 = tpu.memref_squeeze %dma_start3A_76 : memref<1x128xi32, #tpu.memory_space<vmem>> -> memref<128xi32, #tpu.memory_space<vmem>>
    %dma_start3A_78 = arith.constant 0 : i32
    %dma_start3A_79 = tpu.memref_slice %arg3[%dma_start3A_78] : memref<2600002xf32, #tpu.memory_space<hbm>> -> memref<2600002xf32, #tpu.memory_space<hbm>>
    tpu.enqueue_indirect_dma source(%dma_start3A_79 : memref<2600002xf32, #tpu.memory_space<hbm>>) target(%dma_start3A_74 : memref<128xf32, #tpu.memory_space<vmem>>) offsets(%dma_start3A_77 : memref<128xi32, #tpu.memory_space<vmem>>) semaphore(%arg11 : memref<!tpu.dma_semaphore, #tpu.memory_space<semaphore_mem>>)
    %dma_start3A_80 = arith.constant 7 : i32
    %dma_start3A_81 = arith.constant 7 : i32
    %dma_start3A_82 = arith.constant 0 : i32
    %dma_start3A_83 = tpu.memref_slice %arg8[%dma_start3A_81, %dma_start3A_82] : memref<104x128xf32, #tpu.memory_space<vmem>> -> memref<1x128xf32, #tpu.memory_space<vmem>>
    %dma_start3A_84 = tpu.memref_squeeze %dma_start3A_83 : memref<1x128xf32, #tpu.memory_space<vmem>> -> memref<128xf32, #tpu.memory_space<vmem>>
    %dma_start3A_85 = arith.constant 0 : i32
    %dma_start3A_86 = tpu.memref_slice %arg7[%dma_start3A_80, %dma_start3A_85] : memref<104x128xi32, #tpu.memory_space<vmem>> -> memref<1x128xi32, #tpu.memory_space<vmem>>
    %dma_start3A_87 = tpu.memref_squeeze %dma_start3A_86 : memref<1x128xi32, #tpu.memory_space<vmem>> -> memref<128xi32, #tpu.memory_space<vmem>>
    %dma_start3A_88 = arith.constant 0 : i32
    %dma_start3A_89 = tpu.memref_slice %arg3[%dma_start3A_88] : memref<2600002xf32, #tpu.memory_space<hbm>> -> memref<2600002xf32, #tpu.memory_space<hbm>>
    tpu.enqueue_indirect_dma source(%dma_start3A_89 : memref<2600002xf32, #tpu.memory_space<hbm>>) target(%dma_start3A_84 : memref<128xf32, #tpu.memory_space<vmem>>) offsets(%dma_start3A_87 : memref<128xi32, #tpu.memory_space<vmem>>) semaphore(%arg11 : memref<!tpu.dma_semaphore, #tpu.memory_space<semaphore_mem>>)
    %dma_start3A_90 = arith.constant 8 : i32
    %dma_start3A_91 = arith.constant 8 : i32
    %dma_start3A_92 = arith.constant 0 : i32
    %dma_start3A_93 = tpu.memref_slice %arg8[%dma_start3A_91, %dma_start3A_92] : memref<104x128xf32, #tpu.memory_space<vmem>> -> memref<1x128xf32, #tpu.memory_space<vmem>>
    %dma_start3A_94 = tpu.memref_squeeze %dma_start3A_93 : memref<1x128xf32, #tpu.memory_space<vmem>> -> memref<128xf32, #tpu.memory_space<vmem>>
    %dma_start3A_95 = arith.constant 0 : i32
    %dma_start3A_96 = tpu.memref_slice %arg7[%dma_start3A_90, %dma_start3A_95] : memref<104x128xi32, #tpu.memory_space<vmem>> -> memref<1x128xi32, #tpu.memory_space<vmem>>
    %dma_start3A_97 = tpu.memref_squeeze %dma_start3A_96 : memref<1x128xi32, #tpu.memory_space<vmem>> -> memref<128xi32, #tpu.memory_space<vmem>>
    %dma_start3A_98 = arith.constant 0 : i32
    %dma_start3A_99 = tpu.memref_slice %arg3[%dma_start3A_98] : memref<2600002xf32, #tpu.memory_space<hbm>> -> memref<2600002xf32, #tpu.memory_space<hbm>>
    tpu.enqueue_indirect_dma source(%dma_start3A_99 : memref<2600002xf32, #tpu.memory_space<hbm>>) target(%dma_start3A_94 : memref<128xf32, #tpu.memory_space<vmem>>) offsets(%dma_start3A_97 : memref<128xi32, #tpu.memory_space<vmem>>) semaphore(%arg11 : memref<!tpu.dma_semaphore, #tpu.memory_space<semaphore_mem>>)
    %dma_start3A_100 = arith.constant 9 : i32
    %dma_start3A_101 = arith.constant 9 : i32
    %dma_start3A_102 = arith.constant 0 : i32
    %dma_start3A_103 = tpu.memref_slice %arg8[%dma_start3A_101, %dma_start3A_102] : memref<104x128xf32, #tpu.memory_space<vmem>> -> memref<1x128xf32, #tpu.memory_space<vmem>>
    %dma_start3A_104 = tpu.memref_squeeze %dma_start3A_103 : memref<1x128xf32, #tpu.memory_space<vmem>> -> memref<128xf32, #tpu.memory_space<vmem>>
    %dma_start3A_105 = arith.constant 0 : i32
    %dma_start3A_106 = tpu.memref_slice %arg7[%dma_start3A_100, %dma_start3A_105] : memref<104x128xi32, #tpu.memory_space<vmem>> -> memref<1x128xi32, #tpu.memory_space<vmem>>
    %dma_start3A_107 = tpu.memref_squeeze %dma_start3A_106 : memref<1x128xi32, #tpu.memory_space<vmem>> -> memref<128xi32, #tpu.memory_space<vmem>>
    %dma_start3A_108 = arith.constant 0 : i32
    %dma_start3A_109 = tpu.memref_slice %arg3[%dma_start3A_108] : memref<2600002xf32, #tpu.memory_space<hbm>> -> memref<2600002xf32, #tpu.memory_space<hbm>>
    tpu.enqueue_indirect_dma source(%dma_start3A_109 : memref<2600002xf32, #tpu.memory_space<hbm>>) target(%dma_start3A_104 : memref<128xf32, #tpu.memory_space<vmem>>) offsets(%dma_start3A_107 : memref<128xi32, #tpu.memory_space<vmem>>) semaphore(%arg11 : memref<!tpu.dma_semaphore, #tpu.memory_space<semaphore_mem>>)
    %dma_start3A_110 = arith.constant 10 : i32
    %dma_start3A_111 = arith.constant 10 : i32
    %dma_start3A_112 = arith.constant 0 : i32
    %dma_start3A_113 = tpu.memref_slice %arg8[%dma_start3A_111, %dma_start3A_112] : memref<104x128xf32, #tpu.memory_space<vmem>> -> memref<1x128xf32, #tpu.memory_space<vmem>>
    %dma_start3A_114 = tpu.memref_squeeze %dma_start3A_113 : memref<1x128xf32, #tpu.memory_space<vmem>> -> memref<128xf32, #tpu.memory_space<vmem>>
    %dma_start3A_115 = arith.constant 0 : i32
    %dma_start3A_116 = tpu.memref_slice %arg7[%dma_start3A_110, %dma_start3A_115] : memref<104x128xi32, #tpu.memory_space<vmem>> -> memref<1x128xi32, #tpu.memory_space<vmem>>
    %dma_start3A_117 = tpu.memref_squeeze %dma_start3A_116 : memref<1x128xi32, #tpu.memory_space<vmem>> -> memref<128xi32, #tpu.memory_space<vmem>>
    %dma_start3A_118 = arith.constant 0 : i32
    %dma_start3A_119 = tpu.memref_slice %arg3[%dma_start3A_118] : memref<2600002xf32, #tpu.memory_space<hbm>> -> memref<2600002xf32, #tpu.memory_space<hbm>>
    tpu.enqueue_indirect_dma source(%dma_start3A_119 : memref<2600002xf32, #tpu.memory_space<hbm>>) target(%dma_start3A_114 : memref<128xf32, #tpu.memory_space<vmem>>) offsets(%dma_start3A_117 : memref<128xi32, #tpu.memory_space<vmem>>) semaphore(%arg11 : memref<!tpu.dma_semaphore, #tpu.memory_space<semaphore_mem>>)
    %dma_start3A_120 = arith.constant 11 : i32
    %dma_start3A_121 = arith.constant 11 : i32
    %dma_start3A_122 = arith.constant 0 : i32
    %dma_start3A_123 = tpu.memref_slice %arg8[%dma_start3A_121, %dma_start3A_122] : memref<104x128xf32, #tpu.memory_space<vmem>> -> memref<1x128xf32, #tpu.memory_space<vmem>>
    %dma_start3A_124 = tpu.memref_squeeze %dma_start3A_123 : memref<1x128xf32, #tpu.memory_space<vmem>> -> memref<128xf32, #tpu.memory_space<vmem>>
    %dma_start3A_125 = arith.constant 0 : i32
    %dma_start3A_126 = tpu.memref_slice %arg7[%dma_start3A_120, %dma_start3A_125] : memref<104x128xi32, #tpu.memory_space<vmem>> -> memref<1x128xi32, #tpu.memory_space<vmem>>
    %dma_start3A_127 = tpu.memref_squeeze %dma_start3A_126 : memref<1x128xi32, #tpu.memory_space<vmem>> -> memref<128xi32, #tpu.memory_space<vmem>>
    %dma_start3A_128 = arith.constant 0 : i32
    %dma_start3A_129 = tpu.memref_slice %arg3[%dma_start3A_128] : memref<2600002xf32, #tpu.memory_space<hbm>> -> memref<2600002xf32, #tpu.memory_space<hbm>>
    tpu.enqueue_indirect_dma source(%dma_start3A_129 : memref<2600002xf32, #tpu.memory_space<hbm>>) target(%dma_start3A_124 : memref<128xf32, #tpu.memory_space<vmem>>) offsets(%dma_start3A_127 : memref<128xi32, #tpu.memory_space<vmem>>) semaphore(%arg11 : memref<!tpu.dma_semaphore, #tpu.memory_space<semaphore_mem>>)
    %dma_start3A_130 = arith.constant 12 : i32
    %dma_start3A_131 = arith.constant 12 : i32
    %dma_start3A_132 = arith.constant 0 : i32
    %dma_start3A_133 = tpu.memref_slice %arg8[%dma_start3A_131, %dma_start3A_132] : memref<104x128xf32, #tpu.memory_space<vmem>> -> memref<1x128xf32, #tpu.memory_space<vmem>>
    %dma_start3A_134 = tpu.memref_squeeze %dma_start3A_133 : memref<1x128xf32, #tpu.memory_space<vmem>> -> memref<128xf32, #tpu.memory_space<vmem>>
    %dma_start3A_135 = arith.constant 0 : i32
    %dma_start3A_136 = tpu.memref_slice %arg7[%dma_start3A_130, %dma_start3A_135] : memref<104x128xi32, #tpu.memory_space<vmem>> -> memref<1x128xi32, #tpu.memory_space<vmem>>
    %dma_start3A_137 = tpu.memref_squeeze %dma_start3A_136 : memref<1x128xi32, #tpu.memory_space<vmem>> -> memref<128xi32, #tpu.memory_space<vmem>>
    %dma_start3A_138 = arith.constant 0 : i32
    %dma_start3A_139 = tpu.memref_slice %arg3[%dma_start3A_138] : memref<2600002xf32, #tpu.memory_space<hbm>> -> memref<2600002xf32, #tpu.memory_space<hbm>>
    tpu.enqueue_indirect_dma source(%dma_start3A_139 : memref<2600002xf32, #tpu.memory_space<hbm>>) target(%dma_start3A_134 : memref<128xf32, #tpu.memory_space<vmem>>) offsets(%dma_start3A_137 : memref<128xi32, #tpu.memory_space<vmem>>) semaphore(%arg11 : memref<!tpu.dma_semaphore, #tpu.memory_space<semaphore_mem>>)
    %dma_start3A_140 = arith.constant 13 : i32
    %dma_start3A_141 = arith.constant 13 : i32
    %dma_start3A_142 = arith.constant 0 : i32
    %dma_start3A_143 = tpu.memref_slice %arg8[%dma_start3A_141, %dma_start3A_142] : memref<104x128xf32, #tpu.memory_space<vmem>> -> memref<1x128xf32, #tpu.memory_space<vmem>>
    %dma_start3A_144 = tpu.memref_squeeze %dma_start3A_143 : memref<1x128xf32, #tpu.memory_space<vmem>> -> memref<128xf32, #tpu.memory_space<vmem>>
    %dma_start3A_145 = arith.constant 0 : i32
    %dma_start3A_146 = tpu.memref_slice %arg7[%dma_start3A_140, %dma_start3A_145] : memref<104x128xi32, #tpu.memory_space<vmem>> -> memref<1x128xi32, #tpu.memory_space<vmem>>
    %dma_start3A_147 = tpu.memref_squeeze %dma_start3A_146 : memref<1x128xi32, #tpu.memory_space<vmem>> -> memref<128xi32, #tpu.memory_space<vmem>>
    %dma_start3A_148 = arith.constant 0 : i32
    %dma_start3A_149 = tpu.memref_slice %arg3[%dma_start3A_148] : memref<2600002xf32, #tpu.memory_space<hbm>> -> memref<2600002xf32, #tpu.memory_space<hbm>>
    tpu.enqueue_indirect_dma source(%dma_start3A_149 : memref<2600002xf32, #tpu.memory_space<hbm>>) target(%dma_start3A_144 : memref<128xf32, #tpu.memory_space<vmem>>) offsets(%dma_start3A_147 : memref<128xi32, #tpu.memory_space<vmem>>) semaphore(%arg11 : memref<!tpu.dma_semaphore, #tpu.memory_space<semaphore_mem>>)
    %dma_start3A_150 = arith.constant 14 : i32
    %dma_start3A_151 = arith.constant 14 : i32
    %dma_start3A_152 = arith.constant 0 : i32
    %dma_start3A_153 = tpu.memref_slice %arg8[%dma_start3A_151, %dma_start3A_152] : memref<104x128xf32, #tpu.memory_space<vmem>> -> memref<1x128xf32, #tpu.memory_space<vmem>>
    %dma_start3A_154 = tpu.memref_squeeze %dma_start3A_153 : memref<1x128xf32, #tpu.memory_space<vmem>> -> memref<128xf32, #tpu.memory_space<vmem>>
    %dma_start3A_155 = arith.constant 0 : i32
    %dma_start3A_156 = tpu.memref_slice %arg7[%dma_start3A_150, %dma_start3A_155] : memref<104x128xi32, #tpu.memory_space<vmem>> -> memref<1x128xi32, #tpu.memory_space<vmem>>
    %dma_start3A_157 = tpu.memref_squeeze %dma_start3A_156 : memref<1x128xi32, #tpu.memory_space<vmem>> -> memref<128xi32, #tpu.memory_space<vmem>>
    %dma_start3A_158 = arith.constant 0 : i32
    %dma_start3A_159 = tpu.memref_slice %arg3[%dma_start3A_158] : memref<2600002xf32, #tpu.memory_space<hbm>> -> memref<2600002xf32, #tpu.memory_space<hbm>>
    tpu.enqueue_indirect_dma source(%dma_start3A_159 : memref<2600002xf32, #tpu.memory_space<hbm>>) target(%dma_start3A_154 : memref<128xf32, #tpu.memory_space<vmem>>) offsets(%dma_start3A_157 : memref<128xi32, #tpu.memory_space<vmem>>) semaphore(%arg11 : memref<!tpu.dma_semaphore, #tpu.memory_space<semaphore_mem>>)
    %dma_start3A_160 = arith.constant 15 : i32
    %dma_start3A_161 = arith.constant 15 : i32
    %dma_start3A_162 = arith.constant 0 : i32
    %dma_start3A_163 = tpu.memref_slice %arg8[%dma_start3A_161, %dma_start3A_162] : memref<104x128xf32, #tpu.memory_space<vmem>> -> memref<1x128xf32, #tpu.memory_space<vmem>>
    %dma_start3A_164 = tpu.memref_squeeze %dma_start3A_163 : memref<1x128xf32, #tpu.memory_space<vmem>> -> memref<128xf32, #tpu.memory_space<vmem>>
    %dma_start3A_165 = arith.constant 0 : i32
    %dma_start3A_166 = tpu.memref_slice %arg7[%dma_start3A_160, %dma_start3A_165] : memref<104x128xi32, #tpu.memory_space<vmem>> -> memref<1x128xi32, #tpu.memory_space<vmem>>
    %dma_start3A_167 = tpu.memref_squeeze %dma_start3A_166 : memref<1x128xi32, #tpu.memory_space<vmem>> -> memref<128xi32, #tpu.memory_space<vmem>>
    %dma_start3A_168 = arith.constant 0 : i32
    %dma_start3A_169 = tpu.memref_slice %arg3[%dma_start3A_168] : memref<2600002xf32, #tpu.memory_space<hbm>> -> memref<2600002xf32, #tpu.memory_space<hbm>>
    tpu.enqueue_indirect_dma source(%dma_start3A_169 : memref<2600002xf32, #tpu.memory_space<hbm>>) target(%dma_start3A_164 : memref<128xf32, #tpu.memory_space<vmem>>) offsets(%dma_start3A_167 : memref<128xi32, #tpu.memory_space<vmem>>) semaphore(%arg11 : memref<!tpu.dma_semaphore, #tpu.memory_space<semaphore_mem>>)
    %dma_start3A_170 = arith.constant 16 : i32
    %dma_start3A_171 = arith.constant 16 : i32
    %dma_start3A_172 = arith.constant 0 : i32
    %dma_start3A_173 = tpu.memref_slice %arg8[%dma_start3A_171, %dma_start3A_172] : memref<104x128xf32, #tpu.memory_space<vmem>> -> memref<1x128xf32, #tpu.memory_space<vmem>>
    %dma_start3A_174 = tpu.memref_squeeze %dma_start3A_173 : memref<1x128xf32, #tpu.memory_space<vmem>> -> memref<128xf32, #tpu.memory_space<vmem>>
    %dma_start3A_175 = arith.constant 0 : i32
    %dma_start3A_176 = tpu.memref_slice %arg7[%dma_start3A_170, %dma_start3A_175] : memref<104x128xi32, #tpu.memory_space<vmem>> -> memref<1x128xi32, #tpu.memory_space<vmem>>
    %dma_start3A_177 = tpu.memref_squeeze %dma_start3A_176 : memref<1x128xi32, #tpu.memory_space<vmem>> -> memref<128xi32, #tpu.memory_space<vmem>>
    %dma_start3A_178 = arith.constant 0 : i32
    %dma_start3A_179 = tpu.memref_slice %arg3[%dma_start3A_178] : memref<2600002xf32, #tpu.memory_space<hbm>> -> memref<2600002xf32, #tpu.memory_space<hbm>>
    tpu.enqueue_indirect_dma source(%dma_start3A_179 : memref<2600002xf32, #tpu.memory_space<hbm>>) target(%dma_start3A_174 : memref<128xf32, #tpu.memory_space<vmem>>) offsets(%dma_start3A_177 : memref<128xi32, #tpu.memory_space<vmem>>) semaphore(%arg11 : memref<!tpu.dma_semaphore, #tpu.memory_space<semaphore_mem>>)
    %dma_start3A_180 = arith.constant 17 : i32
    %dma_start3A_181 = arith.constant 17 : i32
    %dma_start3A_182 = arith.constant 0 : i32
    %dma_start3A_183 = tpu.memref_slice %arg8[%dma_start3A_181, %dma_start3A_182] : memref<104x128xf32, #tpu.memory_space<vmem>> -> memref<1x128xf32, #tpu.memory_space<vmem>>
    %dma_start3A_184 = tpu.memref_squeeze %dma_start3A_183 : memref<1x128xf32, #tpu.memory_space<vmem>> -> memref<128xf32, #tpu.memory_space<vmem>>
    %dma_start3A_185 = arith.constant 0 : i32
    %dma_start3A_186 = tpu.memref_slice %arg7[%dma_start3A_180, %dma_start3A_185] : memref<104x128xi32, #tpu.memory_space<vmem>> -> memref<1x128xi32, #tpu.memory_space<vmem>>
    %dma_start3A_187 = tpu.memref_squeeze %dma_start3A_186 : memref<1x128xi32, #tpu.memory_space<vmem>> -> memref<128xi32, #tpu.memory_space<vmem>>
    %dma_start3A_188 = arith.constant 0 : i32
    %dma_start3A_189 = tpu.memref_slice %arg3[%dma_start3A_188] : memref<2600002xf32, #tpu.memory_space<hbm>> -> memref<2600002xf32, #tpu.memory_space<hbm>>
    tpu.enqueue_indirect_dma source(%dma_start3A_189 : memref<2600002xf32, #tpu.memory_space<hbm>>) target(%dma_start3A_184 : memref<128xf32, #tpu.memory_space<vmem>>) offsets(%dma_start3A_187 : memref<128xi32, #tpu.memory_space<vmem>>) semaphore(%arg11 : memref<!tpu.dma_semaphore, #tpu.memory_space<semaphore_mem>>)
    %dma_start3A_190 = arith.constant 18 : i32
    %dma_start3A_191 = arith.constant 18 : i32
    %dma_start3A_192 = arith.constant 0 : i32
    %dma_start3A_193 = tpu.memref_slice %arg8[%dma_start3A_191, %dma_start3A_192] : memref<104x128xf32, #tpu.memory_space<vmem>> -> memref<1x128xf32, #tpu.memory_space<vmem>>
    %dma_start3A_194 = tpu.memref_squeeze %dma_start3A_193 : memref<1x128xf32, #tpu.memory_space<vmem>> -> memref<128xf32, #tpu.memory_space<vmem>>
    %dma_start3A_195 = arith.constant 0 : i32
    %dma_start3A_196 = tpu.memref_slice %arg7[%dma_start3A_190, %dma_start3A_195] : memref<104x128xi32, #tpu.memory_space<vmem>> -> memref<1x128xi32, #tpu.memory_space<vmem>>
    %dma_start3A_197 = tpu.memref_squeeze %dma_start3A_196 : memref<1x128xi32, #tpu.memory_space<vmem>> -> memref<128xi32, #tpu.memory_space<vmem>>
    %dma_start3A_198 = arith.constant 0 : i32
    %dma_start3A_199 = tpu.memref_slice %arg3[%dma_start3A_198] : memref<2600002xf32, #tpu.memory_space<hbm>> -> memref<2600002xf32, #tpu.memory_space<hbm>>
    tpu.enqueue_indirect_dma source(%dma_start3A_199 : memref<2600002xf32, #tpu.memory_space<hbm>>) target(%dma_start3A_194 : memref<128xf32, #tpu.memory_space<vmem>>) offsets(%dma_start3A_197 : memref<128xi32, #tpu.memory_space<vmem>>) semaphore(%arg11 : memref<!tpu.dma_semaphore, #tpu.memory_space<semaphore_mem>>)
    %dma_start3A_200 = arith.constant 19 : i32
    %dma_start3A_201 = arith.constant 19 : i32
    %dma_start3A_202 = arith.constant 0 : i32
    %dma_start3A_203 = tpu.memref_slice %arg8[%dma_start3A_201, %dma_start3A_202] : memref<104x128xf32, #tpu.memory_space<vmem>> -> memref<1x128xf32, #tpu.memory_space<vmem>>
    %dma_start3A_204 = tpu.memref_squeeze %dma_start3A_203 : memref<1x128xf32, #tpu.memory_space<vmem>> -> memref<128xf32, #tpu.memory_space<vmem>>
    %dma_start3A_205 = arith.constant 0 : i32
    %dma_start3A_206 = tpu.memref_slice %arg7[%dma_start3A_200, %dma_start3A_205] : memref<104x128xi32, #tpu.memory_space<vmem>> -> memref<1x128xi32, #tpu.memory_space<vmem>>
    %dma_start3A_207 = tpu.memref_squeeze %dma_start3A_206 : memref<1x128xi32, #tpu.memory_space<vmem>> -> memref<128xi32, #tpu.memory_space<vmem>>
    %dma_start3A_208 = arith.constant 0 : i32
    %dma_start3A_209 = tpu.memref_slice %arg3[%dma_start3A_208] : memref<2600002xf32, #tpu.memory_space<hbm>> -> memref<2600002xf32, #tpu.memory_space<hbm>>
    tpu.enqueue_indirect_dma source(%dma_start3A_209 : memref<2600002xf32, #tpu.memory_space<hbm>>) target(%dma_start3A_204 : memref<128xf32, #tpu.memory_space<vmem>>) offsets(%dma_start3A_207 : memref<128xi32, #tpu.memory_space<vmem>>) semaphore(%arg11 : memref<!tpu.dma_semaphore, #tpu.memory_space<semaphore_mem>>)
    %dma_start3A_210 = arith.constant 20 : i32
    %dma_start3A_211 = arith.constant 20 : i32
    %dma_start3A_212 = arith.constant 0 : i32
    %dma_start3A_213 = tpu.memref_slice %arg8[%dma_start3A_211, %dma_start3A_212] : memref<104x128xf32, #tpu.memory_space<vmem>> -> memref<1x128xf32, #tpu.memory_space<vmem>>
    %dma_start3A_214 = tpu.memref_squeeze %dma_start3A_213 : memref<1x128xf32, #tpu.memory_space<vmem>> -> memref<128xf32, #tpu.memory_space<vmem>>
    %dma_start3A_215 = arith.constant 0 : i32
    %dma_start3A_216 = tpu.memref_slice %arg7[%dma_start3A_210, %dma_start3A_215] : memref<104x128xi32, #tpu.memory_space<vmem>> -> memref<1x128xi32, #tpu.memory_space<vmem>>
    %dma_start3A_217 = tpu.memref_squeeze %dma_start3A_216 : memref<1x128xi32, #tpu.memory_space<vmem>> -> memref<128xi32, #tpu.memory_space<vmem>>
    %dma_start3A_218 = arith.constant 0 : i32
    %dma_start3A_219 = tpu.memref_slice %arg3[%dma_start3A_218] : memref<2600002xf32, #tpu.memory_space<hbm>> -> memref<2600002xf32, #tpu.memory_space<hbm>>
    tpu.enqueue_indirect_dma source(%dma_start3A_219 : memref<2600002xf32, #tpu.memory_space<hbm>>) target(%dma_start3A_214 : memref<128xf32, #tpu.memory_space<vmem>>) offsets(%dma_start3A_217 : memref<128xi32, #tpu.memory_space<vmem>>) semaphore(%arg11 : memref<!tpu.dma_semaphore, #tpu.memory_space<semaphore_mem>>)
    %dma_start3A_220 = arith.constant 21 : i32
    %dma_start3A_221 = arith.constant 21 : i32
    %dma_start3A_222 = arith.constant 0 : i32
    %dma_start3A_223 = tpu.memref_slice %arg8[%dma_start3A_221, %dma_start3A_222] : memref<104x128xf32, #tpu.memory_space<vmem>> -> memref<1x128xf32, #tpu.memory_space<vmem>>
    %dma_start3A_224 = tpu.memref_squeeze %dma_start3A_223 : memref<1x128xf32, #tpu.memory_space<vmem>> -> memref<128xf32, #tpu.memory_space<vmem>>
    %dma_start3A_225 = arith.constant 0 : i32
    %dma_start3A_226 = tpu.memref_slice %arg7[%dma_start3A_220, %dma_start3A_225] : memref<104x128xi32, #tpu.memory_space<vmem>> -> memref<1x128xi32, #tpu.memory_space<vmem>>
    %dma_start3A_227 = tpu.memref_squeeze %dma_start3A_226 : memref<1x128xi32, #tpu.memory_space<vmem>> -> memref<128xi32, #tpu.memory_space<vmem>>
    %dma_start3A_228 = arith.constant 0 : i32
    %dma_start3A_229 = tpu.memref_slice %arg3[%dma_start3A_228] : memref<2600002xf32, #tpu.memory_space<hbm>> -> memref<2600002xf32, #tpu.memory_space<hbm>>
    tpu.enqueue_indirect_dma source(%dma_start3A_229 : memref<2600002xf32, #tpu.memory_space<hbm>>) target(%dma_start3A_224 : memref<128xf32, #tpu.memory_space<vmem>>) offsets(%dma_start3A_227 : memref<128xi32, #tpu.memory_space<vmem>>) semaphore(%arg11 : memref<!tpu.dma_semaphore, #tpu.memory_space<semaphore_mem>>)
    %dma_start3A_230 = arith.constant 22 : i32
    %dma_start3A_231 = arith.constant 22 : i32
    %dma_start3A_232 = arith.constant 0 : i32
    %dma_start3A_233 = tpu.memref_slice %arg8[%dma_start3A_231, %dma_start3A_232] : memref<104x128xf32, #tpu.memory_space<vmem>> -> memref<1x128xf32, #tpu.memory_space<vmem>>
    %dma_start3A_234 = tpu.memref_squeeze %dma_start3A_233 : memref<1x128xf32, #tpu.memory_space<vmem>> -> memref<128xf32, #tpu.memory_space<vmem>>
    %dma_start3A_235 = arith.constant 0 : i32
    %dma_start3A_236 = tpu.memref_slice %arg7[%dma_start3A_230, %dma_start3A_235] : memref<104x128xi32, #tpu.memory_space<vmem>> -> memref<1x128xi32, #tpu.memory_space<vmem>>
    %dma_start3A_237 = tpu.memref_squeeze %dma_start3A_236 : memref<1x128xi32, #tpu.memory_space<vmem>> -> memref<128xi32, #tpu.memory_space<vmem>>
    %dma_start3A_238 = arith.constant 0 : i32
    %dma_start3A_239 = tpu.memref_slice %arg3[%dma_start3A_238] : memref<2600002xf32, #tpu.memory_space<hbm>> -> memref<2600002xf32, #tpu.memory_space<hbm>>
    tpu.enqueue_indirect_dma source(%dma_start3A_239 : memref<2600002xf32, #tpu.memory_space<hbm>>) target(%dma_start3A_234 : memref<128xf32, #tpu.memory_space<vmem>>) offsets(%dma_start3A_237 : memref<128xi32, #tpu.memory_space<vmem>>) semaphore(%arg11 : memref<!tpu.dma_semaphore, #tpu.memory_space<semaphore_mem>>)
    %dma_start3A_240 = arith.constant 23 : i32
    %dma_start3A_241 = arith.constant 23 : i32
    %dma_start3A_242 = arith.constant 0 : i32
    %dma_start3A_243 = tpu.memref_slice %arg8[%dma_start3A_241, %dma_start3A_242] : memref<104x128xf32, #tpu.memory_space<vmem>> -> memref<1x128xf32, #tpu.memory_space<vmem>>
    %dma_start3A_244 = tpu.memref_squeeze %dma_start3A_243 : memref<1x128xf32, #tpu.memory_space<vmem>> -> memref<128xf32, #tpu.memory_space<vmem>>
    %dma_start3A_245 = arith.constant 0 : i32
    %dma_start3A_246 = tpu.memref_slice %arg7[%dma_start3A_240, %dma_start3A_245] : memref<104x128xi32, #tpu.memory_space<vmem>> -> memref<1x128xi32, #tpu.memory_space<vmem>>
    %dma_start3A_247 = tpu.memref_squeeze %dma_start3A_246 : memref<1x128xi32, #tpu.memory_space<vmem>> -> memref<128xi32, #tpu.memory_space<vmem>>
    %dma_start3A_248 = arith.constant 0 : i32
    %dma_start3A_249 = tpu.memref_slice %arg3[%dma_start3A_248] : memref<2600002xf32, #tpu.memory_space<hbm>> -> memref<2600002xf32, #tpu.memory_space<hbm>>
    tpu.enqueue_indirect_dma source(%dma_start3A_249 : memref<2600002xf32, #tpu.memory_space<hbm>>) target(%dma_start3A_244 : memref<128xf32, #tpu.memory_space<vmem>>) offsets(%dma_start3A_247 : memref<128xi32, #tpu.memory_space<vmem>>) semaphore(%arg11 : memref<!tpu.dma_semaphore, #tpu.memory_space<semaphore_mem>>)
    %dma_start3A_250 = arith.constant 24 : i32
    %dma_start3A_251 = arith.constant 24 : i32
    %dma_start3A_252 = arith.constant 0 : i32
    %dma_start3A_253 = tpu.memref_slice %arg8[%dma_start3A_251, %dma_start3A_252] : memref<104x128xf32, #tpu.memory_space<vmem>> -> memref<1x128xf32, #tpu.memory_space<vmem>>
    %dma_start3A_254 = tpu.memref_squeeze %dma_start3A_253 : memref<1x128xf32, #tpu.memory_space<vmem>> -> memref<128xf32, #tpu.memory_space<vmem>>
    %dma_start3A_255 = arith.constant 0 : i32
    %dma_start3A_256 = tpu.memref_slice %arg7[%dma_start3A_250, %dma_start3A_255] : memref<104x128xi32, #tpu.memory_space<vmem>> -> memref<1x128xi32, #tpu.memory_space<vmem>>
    %dma_start3A_257 = tpu.memref_squeeze %dma_start3A_256 : memref<1x128xi32, #tpu.memory_space<vmem>> -> memref<128xi32, #tpu.memory_space<vmem>>
    %dma_start3A_258 = arith.constant 0 : i32
    %dma_start3A_259 = tpu.memref_slice %arg3[%dma_start3A_258] : memref<2600002xf32, #tpu.memory_space<hbm>> -> memref<2600002xf32, #tpu.memory_space<hbm>>
    tpu.enqueue_indirect_dma source(%dma_start3A_259 : memref<2600002xf32, #tpu.memory_space<hbm>>) target(%dma_start3A_254 : memref<128xf32, #tpu.memory_space<vmem>>) offsets(%dma_start3A_257 : memref<128xi32, #tpu.memory_space<vmem>>) semaphore(%arg11 : memref<!tpu.dma_semaphore, #tpu.memory_space<semaphore_mem>>)
    %dma_start3A_260 = arith.constant 25 : i32
    %dma_start3A_261 = arith.constant 25 : i32
    %dma_start3A_262 = arith.constant 0 : i32
    %dma_start3A_263 = tpu.memref_slice %arg8[%dma_start3A_261, %dma_start3A_262] : memref<104x128xf32, #tpu.memory_space<vmem>> -> memref<1x128xf32, #tpu.memory_space<vmem>>
    %dma_start3A_264 = tpu.memref_squeeze %dma_start3A_263 : memref<1x128xf32, #tpu.memory_space<vmem>> -> memref<128xf32, #tpu.memory_space<vmem>>
    %dma_start3A_265 = arith.constant 0 : i32
    %dma_start3A_266 = tpu.memref_slice %arg7[%dma_start3A_260, %dma_start3A_265] : memref<104x128xi32, #tpu.memory_space<vmem>> -> memref<1x128xi32, #tpu.memory_space<vmem>>
    %dma_start3A_267 = tpu.memref_squeeze %dma_start3A_266 : memref<1x128xi32, #tpu.memory_space<vmem>> -> memref<128xi32, #tpu.memory_space<vmem>>
    %dma_start3A_268 = arith.constant 0 : i32
    %dma_start3A_269 = tpu.memref_slice %arg3[%dma_start3A_268] : memref<2600002xf32, #tpu.memory_space<hbm>> -> memref<2600002xf32, #tpu.memory_space<hbm>>
    tpu.enqueue_indirect_dma source(%dma_start3A_269 : memref<2600002xf32, #tpu.memory_space<hbm>>) target(%dma_start3A_264 : memref<128xf32, #tpu.memory_space<vmem>>) offsets(%dma_start3A_267 : memref<128xi32, #tpu.memory_space<vmem>>) semaphore(%arg11 : memref<!tpu.dma_semaphore, #tpu.memory_space<semaphore_mem>>)
    %scan3A_270 = arith.constant 0 : i32
    %scan3A_271 = arith.constant 0 : i32
    %scan3A_272 = arith.constant 4 : i32
    %scan3A_273 = arith.addi %scan3A_271, %scan3A_272 : i32
    %scan3A_274 = arith.constant 1 : i32
    scf.for %scan3A_276 = %scan3A_271 to %scan3A_273 step %scan3A_274  : i32 {
      %add3A_277 = arith.constant 1 : i32
      %add3A_278 = arith.addi %scan3A_276, %add3A_277 : i32
      %lt3A = arith.constant 4 : i32
      %lt3A_279 = arith.cmpi slt, %add3A_278, %lt3A : i32
      %convert_element_type3A = arith.extui %lt3A_279 : i1 to i32
      %cond3A = arith.constant 0 : i32
      %cond3A_280 = arith.cmpi ne, %convert_element_type3A, %cond3A : i32
      scf.if %cond3A_280 {
        %add3A_606 = arith.constant 1 : i32
        %add3A_607 = arith.addi %scan3A_276, %add3A_606 : i32
        %mul3A_608 = arith.constant 8 : i32
        %mul3A_609 = arith.muli %add3A_607, %mul3A_608 : i32
        %add3A_610 = arith.constant 1 : i32
        %add3A_611 = arith.addi %add3A_607, %add3A_610 : i32
        %mul3A_612 = arith.constant 8 : i32
        %mul3A_613 = arith.muli %add3A_611, %mul3A_612 : i32
        %while3A_614 = arith.constant 0 : i32
        %while3A_615 = arith.subi %mul3A_613, %mul3A_609 : i32
        %while3A_616 = arith.addi %mul3A_609, %while3A_615 : i32
        %while3A_617 = arith.constant 1 : i32
        %while3A_618 = arith.divsi %while3A_615, %while3A_617 : i32
        %while3A_619 = arith.muli %while3A_618, %while3A_617 : i32
        %while3A_620 = arith.addi %mul3A_609, %while3A_619 : i32
        %while3A_621 = arith.constant 1 : i32
        scf.for %while3A_937 = %mul3A_609 to %while3A_620 step %while3A_621  : i32 {
          %mul3A_938 = arith.constant 16 : i32
          %mul3A_939 = arith.muli %while3A_937, %mul3A_938 : i32
          %add3A_940 = vector.broadcast %mul3A_939 : i32 to vector<16xi32>
          %add3A_941 = arith.addi %iota3A, %add3A_940 : vector<16xi32>
          %mul3A_942 = arith.constant 26 : i32
          %mul3A_943 = vector.broadcast %mul3A_942 : i32 to vector<16xi32>
          %mul3A_944 = arith.muli %add3A_941, %mul3A_943 : vector<16xi32>
          %jit3A = arith.constant 8 : i32
          %div3A = arith.divsi %while3A_937, %jit3A : i32
          %sign3A = arith.constant 0 : i32
          %sign3A_945 = arith.cmpi sgt, %while3A_937, %sign3A : i32
          %sign3A_946 = arith.extui %sign3A_945 : i1 to i32
          %sign3A_947 = arith.constant 0 : i32
          %sign3A_948 = arith.cmpi slt, %while3A_937, %sign3A_947 : i32
          %sign3A_949 = arith.extui %sign3A_948 : i1 to i32
          %sign3A_950 = arith.subi %sign3A_946, %sign3A_949 : i32
          %sign3A_951 = arith.constant 0 : i32
          %sign3A_952 = arith.cmpi sgt, %jit3A, %sign3A_951 : i32
          %sign3A_953 = arith.extui %sign3A_952 : i1 to i32
          %sign3A_954 = arith.constant 0 : i32
          %sign3A_955 = arith.cmpi slt, %jit3A, %sign3A_954 : i32
          %sign3A_956 = arith.extui %sign3A_955 : i1 to i32
          %sign3A_957 = arith.subi %sign3A_953, %sign3A_956 : i32
          %ne3A = arith.cmpi ne, %sign3A_950, %sign3A_957 : i32
          %rem3A = arith.remsi %while3A_937, %jit3A : i32
          %ne3A_958 = arith.constant 0 : i32
          %ne3A_959 = arith.cmpi ne, %rem3A, %ne3A_958 : i32
          %and3A = arith.andi %ne3A, %ne3A_959 : i1
          %sub3A = arith.constant 1 : i32
          %sub3A_960 = arith.subi %div3A, %sub3A : i32
          %select_n3A = arith.select %and3A, %sub3A_960, %div3A : i32
          %jit3A_961 = arith.constant 8 : i32
          %eq3A = arith.constant 0 : i32
          %eq3A_962 = arith.cmpi eq, %jit3A_961, %eq3A : i32
          %jit3A_963 = arith.constant 1 : i32
          %select_n3A_964 = arith.select %eq3A_962, %jit3A_963, %jit3A_961 : i32
          %rem3A_965 = arith.remsi %while3A_937, %select_n3A_964 : i32
          %ne3A_966 = arith.constant 0 : i32
          %ne3A_967 = arith.cmpi ne, %rem3A_965, %ne3A_966 : i32
          %lt3A_968 = arith.constant 0 : i32
          %lt3A_969 = arith.cmpi slt, %rem3A_965, %lt3A_968 : i32
          %lt3A_970 = arith.constant 0 : i32
          %lt3A_971 = arith.cmpi slt, %select_n3A_964, %lt3A_970 : i32
          %ne3A_972 = arith.xori %lt3A_969, %lt3A_971 : i1
          %and3A_973 = arith.andi %ne3A_972, %ne3A_967 : i1
          %add3A_974 = arith.addi %rem3A_965, %select_n3A_964 : i32
          %select_n3A_975 = arith.select %and3A_973, %add3A_974, %rem3A_965 : i32
          %mul3A_976 = arith.constant 16 : i32
          %mul3A_977 = arith.muli %select_n3A_975, %mul3A_976 : i32
          %add3A_978 = arith.constant 0 : i32
          %add3A_979 = vector.broadcast %add3A_978 : i32 to vector<16xi32>
          %add3A_980 = arith.addi %mul3A_944, %add3A_979 : vector<16xi32>
          %gather3A = tpu.vector_load_idx %arg6[%add3A_980] : memref<13312xi32, #tpu.memory_space<vmem>>[vector<16xi32>], vector<16xi32>,
          %add3A_981 = arith.constant 0 : i32
          %add3A_982 = vector.broadcast %add3A_981 : i32 to vector<16xi32>
          %add3A_983 = arith.addi %gather3A, %add3A_982 : vector<16xi32>
          %mul3A_984 = arith.constant 26 : i32
          %mul3A_985 = arith.muli %select_n3A, %mul3A_984 : i32
          %add3A_986 = arith.constant 0 : i32
          %add3A_987 = arith.addi %mul3A_985, %add3A_986 : i32
          %swap3A = arith.index_cast %add3A_987 : i32 to index
          %swap3A_988 = arith.index_cast %mul3A_977 : i32 to index
          %swap3A_989 = tpu.vector_load %arg7[%swap3A, %swap3A_988] {strides = array<i32>} : memref<104x128xi32, #tpu.memory_space<vmem>>, vector<16xi32>,
          tpu.vector_store %arg7[%swap3A, %swap3A_988], %add3A_983 {strides = array<i32>} : memref<104x128xi32, #tpu.memory_space<vmem>>, vector<16xi32>,
          %add3A_990 = arith.constant 1 : i32
          %add3A_991 = vector.broadcast %add3A_990 : i32 to vector<16xi32>
          %add3A_992 = arith.addi %mul3A_944, %add3A_991 : vector<16xi32>
          %gather3A_993 = tpu.vector_load_idx %arg6[%add3A_992] : memref<13312xi32, #tpu.memory_space<vmem>>[vector<16xi32>], vector<16xi32>,
          %add3A_994 = arith.constant 100000 : i32
          %add3A_995 = vector.broadcast %add3A_994 : i32 to vector<16xi32>
          %add3A_996 = arith.addi %gather3A_993, %add3A_995 : vector<16xi32>
          %mul3A_997 = arith.constant 26 : i32
          %mul3A_998 = arith.muli %select_n3A, %mul3A_997 : i32
          %add3A_999 = arith.constant 1 : i32
          %add3A_1000 = arith.addi %mul3A_998, %add3A_999 : i32
          %swap3A_1001 = arith.index_cast %add3A_1000 : i32 to index
          %swap3A_1002 = arith.index_cast %mul3A_977 : i32 to index
          %swap3A_1003 = tpu.vector_load %arg7[%swap3A_1001, %swap3A_1002] {strides = array<i32>} : memref<104x128xi32, #tpu.memory_space<vmem>>, vector<16xi32>,
          tpu.vector_store %arg7[%swap3A_1001, %swap3A_1002], %add3A_996 {strides = array<i32>} : memref<104x128xi32, #tpu.memory_space<vmem>>, vector<16xi32>,
          %add3A_1004 = arith.constant 2 : i32
          %add3A_1005 = vector.broadcast %add3A_1004 : i32 to vector<16xi32>
          %add3A_1006 = arith.addi %mul3A_944, %add3A_1005 : vector<16xi32>
          %gather3A_1007 = tpu.vector_load_idx %arg6[%add3A_1006] : memref<13312xi32, #tpu.memory_space<vmem>>[vector<16xi32>], vector<16xi32>,
          %add3A_1008 = arith.constant 200000 : i32
          %add3A_1009 = vector.broadcast %add3A_1008 : i32 to vector<16xi32>
          %add3A_1010 = arith.addi %gather3A_1007, %add3A_1009 : vector<16xi32>
          %mul3A_1011 = arith.constant 26 : i32
          %mul3A_1012 = arith.muli %select_n3A, %mul3A_1011 : i32
          %add3A_1013 = arith.constant 2 : i32
          %add3A_1014 = arith.addi %mul3A_1012, %add3A_1013 : i32
          %swap3A_1015 = arith.index_cast %add3A_1014 : i32 to index
          %swap3A_1016 = arith.index_cast %mul3A_977 : i32 to index
          %swap3A_1017 = tpu.vector_load %arg7[%swap3A_1015, %swap3A_1016] {strides = array<i32>} : memref<104x128xi32, #tpu.memory_space<vmem>>, vector<16xi32>,
          tpu.vector_store %arg7[%swap3A_1015, %swap3A_1016], %add3A_1010 {strides = array<i32>} : memref<104x128xi32, #tpu.memory_space<vmem>>, vector<16xi32>,
          %add3A_1018 = arith.constant 3 : i32
          %add3A_1019 = vector.broadcast %add3A_1018 : i32 to vector<16xi32>
          %add3A_1020 = arith.addi %mul3A_944, %add3A_1019 : vector<16xi32>
          %gather3A_1021 = tpu.vector_load_idx %arg6[%add3A_1020] : memref<13312xi32, #tpu.memory_space<vmem>>[vector<16xi32>], vector<16xi32>,
          %add3A_1022 = arith.constant 300000 : i32
          %add3A_1023 = vector.broadcast %add3A_1022 : i32 to vector<16xi32>
          %add3A_1024 = arith.addi %gather3A_1021, %add3A_1023 : vector<16xi32>
          %mul3A_1025 = arith.constant 26 : i32
          %mul3A_1026 = arith.muli %select_n3A, %mul3A_1025 : i32
          %add3A_1027 = arith.constant 3 : i32
          %add3A_1028 = arith.addi %mul3A_1026, %add3A_1027 : i32
          %swap3A_1029 = arith.index_cast %add3A_1028 : i32 to index
          %swap3A_1030 = arith.index_cast %mul3A_977 : i32 to index
          %swap3A_1031 = tpu.vector_load %arg7[%swap3A_1029, %swap3A_1030] {strides = array<i32>} : memref<104x128xi32, #tpu.memory_space<vmem>>, vector<16xi32>,
          tpu.vector_store %arg7[%swap3A_1029, %swap3A_1030], %add3A_1024 {strides = array<i32>} : memref<104x128xi32, #tpu.memory_space<vmem>>, vector<16xi32>,
          %add3A_1032 = arith.constant 4 : i32
          %add3A_1033 = vector.broadcast %add3A_1032 : i32 to vector<16xi32>
          %add3A_1034 = arith.addi %mul3A_944, %add3A_1033 : vector<16xi32>
          %gather3A_1035 = tpu.vector_load_idx %arg6[%add3A_1034] : memref<13312xi32, #tpu.memory_space<vmem>>[vector<16xi32>], vector<16xi32>,
          %add3A_1036 = arith.constant 400000 : i32
          %add3A_1037 = vector.broadcast %add3A_1036 : i32 to vector<16xi32>
          %add3A_1038 = arith.addi %gather3A_1035, %add3A_1037 : vector<16xi32>
          %mul3A_1039 = arith.constant 26 : i32
          %mul3A_1040 = arith.muli %select_n3A, %mul3A_1039 : i32
          %add3A_1041 = arith.constant 4 : i32
          %add3A_1042 = arith.addi %mul3A_1040, %add3A_1041 : i32
          %swap3A_1043 = arith.index_cast %add3A_1042 : i32 to index
          %swap3A_1044 = arith.index_cast %mul3A_977 : i32 to index
          %swap3A_1045 = tpu.vector_load %arg7[%swap3A_1043, %swap3A_1044] {strides = array<i32>} : memref<104x128xi32, #tpu.memory_space<vmem>>, vector<16xi32>,
          tpu.vector_store %arg7[%swap3A_1043, %swap3A_1044], %add3A_1038 {strides = array<i32>} : memref<104x128xi32, #tpu.memory_space<vmem>>, vector<16xi32>,
          %add3A_1046 = arith.constant 5 : i32
          %add3A_1047 = vector.broadcast %add3A_1046 : i32 to vector<16xi32>
          %add3A_1048 = arith.addi %mul3A_944, %add3A_1047 : vector<16xi32>
          %gather3A_1049 = tpu.vector_load_idx %arg6[%add3A_1048] : memref<13312xi32, #tpu.memory_space<vmem>>[vector<16xi32>], vector<16xi32>,
          %add3A_1050 = arith.constant 500000 : i32
          %add3A_1051 = vector.broadcast %add3A_1050 : i32 to vector<16xi32>
          %add3A_1052 = arith.addi %gather3A_1049, %add3A_1051 : vector<16xi32>
          %mul3A_1053 = arith.constant 26 : i32
          %mul3A_1054 = arith.muli %select_n3A, %mul3A_1053 : i32
          %add3A_1055 = arith.constant 5 : i32
          %add3A_1056 = arith.addi %mul3A_1054, %add3A_1055 : i32
          %swap3A_1057 = arith.index_cast %add3A_1056 : i32 to index
          %swap3A_1058 = arith.index_cast %mul3A_977 : i32 to index
          %swap3A_1059 = tpu.vector_load %arg7[%swap3A_1057, %swap3A_1058] {strides = array<i32>} : memref<104x128xi32, #tpu.memory_space<vmem>>, vector<16xi32>,
          tpu.vector_store %arg7[%swap3A_1057, %swap3A_1058], %add3A_1052 {strides = array<i32>} : memref<104x128xi32, #tpu.memory_space<vmem>>, vector<16xi32>,
          %add3A_1060 = arith.constant 6 : i32
          %add3A_1061 = vector.broadcast %add3A_1060 : i32 to vector<16xi32>
          %add3A_1062 = arith.addi %mul3A_944, %add3A_1061 : vector<16xi32>
          %gather3A_1063 = tpu.vector_load_idx %arg6[%add3A_1062] : memref<13312xi32, #tpu.memory_space<vmem>>[vector<16xi32>], vector<16xi32>,
          %add3A_1064 = arith.constant 600000 : i32
          %add3A_1065 = vector.broadcast %add3A_1064 : i32 to vector<16xi32>
          %add3A_1066 = arith.addi %gather3A_1063, %add3A_1065 : vector<16xi32>
          %mul3A_1067 = arith.constant 26 : i32
          %mul3A_1068 = arith.muli %select_n3A, %mul3A_1067 : i32
          %add3A_1069 = arith.constant 6 : i32
          %add3A_1070 = arith.addi %mul3A_1068, %add3A_1069 : i32
          %swap3A_1071 = arith.index_cast %add3A_1070 : i32 to index
          %swap3A_1072 = arith.index_cast %mul3A_977 : i32 to index
          %swap3A_1073 = tpu.vector_load %arg7[%swap3A_1071, %swap3A_1072] {strides = array<i32>} : memref<104x128xi32, #tpu.memory_space<vmem>>, vector<16xi32>,
          tpu.vector_store %arg7[%swap3A_1071, %swap3A_1072], %add3A_1066 {strides = array<i32>} : memref<104x128xi32, #tpu.memory_space<vmem>>, vector<16xi32>,
          %add3A_1074 = arith.constant 7 : i32
          %add3A_1075 = vector.broadcast %add3A_1074 : i32 to vector<16xi32>
          %add3A_1076 = arith.addi %mul3A_944, %add3A_1075 : vector<16xi32>
          %gather3A_1077 = tpu.vector_load_idx %arg6[%add3A_1076] : memref<13312xi32, #tpu.memory_space<vmem>>[vector<16xi32>], vector<16xi32>,
          %add3A_1078 = arith.constant 700000 : i32
          %add3A_1079 = vector.broadcast %add3A_1078 : i32 to vector<16xi32>
          %add3A_1080 = arith.addi %gather3A_1077, %add3A_1079 : vector<16xi32>
          %mul3A_1081 = arith.constant 26 : i32
          %mul3A_1082 = arith.muli %select_n3A, %mul3A_1081 : i32
          %add3A_1083 = arith.constant 7 : i32
          %add3A_1084 = arith.addi %mul3A_1082, %add3A_1083 : i32
          %swap3A_1085 = arith.index_cast %add3A_1084 : i32 to index
          %swap3A_1086 = arith.index_cast %mul3A_977 : i32 to index
          %swap3A_1087 = tpu.vector_load %arg7[%swap3A_1085, %swap3A_1086] {strides = array<i32>} : memref<104x128xi32, #tpu.memory_space<vmem>>, vector<16xi32>,
          tpu.vector_store %arg7[%swap3A_1085, %swap3A_1086], %add3A_1080 {strides = array<i32>} : memref<104x128xi32, #tpu.memory_space<vmem>>, vector<16xi32>,
          %add3A_1088 = arith.constant 8 : i32
          %add3A_1089 = vector.broadcast %add3A_1088 : i32 to vector<16xi32>
          %add3A_1090 = arith.addi %mul3A_944, %add3A_1089 : vector<16xi32>
          %gather3A_1091 = tpu.vector_load_idx %arg6[%add3A_1090] : memref<13312xi32, #tpu.memory_space<vmem>>[vector<16xi32>], vector<16xi32>,
          %add3A_1092 = arith.constant 800000 : i32
          %add3A_1093 = vector.broadcast %add3A_1092 : i32 to vector<16xi32>
          %add3A_1094 = arith.addi %gather3A_1091, %add3A_1093 : vector<16xi32>
          %mul3A_1095 = arith.constant 26 : i32
          %mul3A_1096 = arith.muli %select_n3A, %mul3A_1095 : i32
          %add3A_1097 = arith.constant 8 : i32
          %add3A_1098 = arith.addi %mul3A_1096, %add3A_1097 : i32
          %swap3A_1099 = arith.index_cast %add3A_1098 : i32 to index
          %swap3A_1100 = arith.index_cast %mul3A_977 : i32 to index
          %swap3A_1101 = tpu.vector_load %arg7[%swap3A_1099, %swap3A_1100] {strides = array<i32>} : memref<104x128xi32, #tpu.memory_space<vmem>>, vector<16xi32>,
          tpu.vector_store %arg7[%swap3A_1099, %swap3A_1100], %add3A_1094 {strides = array<i32>} : memref<104x128xi32, #tpu.memory_space<vmem>>, vector<16xi32>,
          %add3A_1102 = arith.constant 9 : i32
          %add3A_1103 = vector.broadcast %add3A_1102 : i32 to vector<16xi32>
          %add3A_1104 = arith.addi %mul3A_944, %add3A_1103 : vector<16xi32>
          %gather3A_1105 = tpu.vector_load_idx %arg6[%add3A_1104] : memref<13312xi32, #tpu.memory_space<vmem>>[vector<16xi32>], vector<16xi32>,
          %add3A_1106 = arith.constant 900000 : i32
          %add3A_1107 = vector.broadcast %add3A_1106 : i32 to vector<16xi32>
          %add3A_1108 = arith.addi %gather3A_1105, %add3A_1107 : vector<16xi32>
          %mul3A_1109 = arith.constant 26 : i32
          %mul3A_1110 = arith.muli %select_n3A, %mul3A_1109 : i32
          %add3A_1111 = arith.constant 9 : i32
          %add3A_1112 = arith.addi %mul3A_1110, %add3A_1111 : i32
          %swap3A_1113 = arith.index_cast %add3A_1112 : i32 to index
          %swap3A_1114 = arith.index_cast %mul3A_977 : i32 to index
          %swap3A_1115 = tpu.vector_load %arg7[%swap3A_1113, %swap3A_1114] {strides = array<i32>} : memref<104x128xi32, #tpu.memory_space<vmem>>, vector<16xi32>,
          tpu.vector_store %arg7[%swap3A_1113, %swap3A_1114], %add3A_1108 {strides = array<i32>} : memref<104x128xi32, #tpu.memory_space<vmem>>, vector<16xi32>,
          %add3A_1116 = arith.constant 10 : i32
          %add3A_1117 = vector.broadcast %add3A_1116 : i32 to vector<16xi32>
          %add3A_1118 = arith.addi %mul3A_944, %add3A_1117 : vector<16xi32>
          %gather3A_1119 = tpu.vector_load_idx %arg6[%add3A_1118] : memref<13312xi32, #tpu.memory_space<vmem>>[vector<16xi32>], vector<16xi32>,
          %add3A_1120 = arith.constant 1000000 : i32
          %add3A_1121 = vector.broadcast %add3A_1120 : i32 to vector<16xi32>
          %add3A_1122 = arith.addi %gather3A_1119, %add3A_1121 : vector<16xi32>
          %mul3A_1123 = arith.constant 26 : i32
          %mul3A_1124 = arith.muli %select_n3A, %mul3A_1123 : i32
          %add3A_1125 = arith.constant 10 : i32
          %add3A_1126 = arith.addi %mul3A_1124, %add3A_1125 : i32
          %swap3A_1127 = arith.index_cast %add3A_1126 : i32 to index
          %swap3A_1128 = arith.index_cast %mul3A_977 : i32 to index
          %swap3A_1129 = tpu.vector_load %arg7[%swap3A_1127, %swap3A_1128] {strides = array<i32>} : memref<104x128xi32, #tpu.memory_space<vmem>>, vector<16xi32>,
          tpu.vector_store %arg7[%swap3A_1127, %swap3A_1128], %add3A_1122 {strides = array<i32>} : memref<104x128xi32, #tpu.memory_space<vmem>>, vector<16xi32>,
          %add3A_1130 = arith.constant 11 : i32
          %add3A_1131 = vector.broadcast %add3A_1130 : i32 to vector<16xi32>
          %add3A_1132 = arith.addi %mul3A_944, %add3A_1131 : vector<16xi32>
          %gather3A_1133 = tpu.vector_load_idx %arg6[%add3A_1132] : memref<13312xi32, #tpu.memory_space<vmem>>[vector<16xi32>], vector<16xi32>,
          %add3A_1134 = arith.constant 1100000 : i32
          %add3A_1135 = vector.broadcast %add3A_1134 : i32 to vector<16xi32>
          %add3A_1136 = arith.addi %gather3A_1133, %add3A_1135 : vector<16xi32>
          %mul3A_1137 = arith.constant 26 : i32
          %mul3A_1138 = arith.muli %select_n3A, %mul3A_1137 : i32
          %add3A_1139 = arith.constant 11 : i32
          %add3A_1140 = arith.addi %mul3A_1138, %add3A_1139 : i32
          %swap3A_1141 = arith.index_cast %add3A_1140 : i32 to index
          %swap3A_1142 = arith.index_cast %mul3A_977 : i32 to index
          %swap3A_1143 = tpu.vector_load %arg7[%swap3A_1141, %swap3A_1142] {strides = array<i32>} : memref<104x128xi32, #tpu.memory_space<vmem>>, vector<16xi32>,
          tpu.vector_store %arg7[%swap3A_1141, %swap3A_1142], %add3A_1136 {strides = array<i32>} : memref<104x128xi32, #tpu.memory_space<vmem>>, vector<16xi32>,
          %add3A_1144 = arith.constant 12 : i32
          %add3A_1145 = vector.broadcast %add3A_1144 : i32 to vector<16xi32>
          %add3A_1146 = arith.addi %mul3A_944, %add3A_1145 : vector<16xi32>
          %gather3A_1147 = tpu.vector_load_idx %arg6[%add3A_1146] : memref<13312xi32, #tpu.memory_space<vmem>>[vector<16xi32>], vector<16xi32>,
          %add3A_1148 = arith.constant 1200000 : i32
          %add3A_1149 = vector.broadcast %add3A_1148 : i32 to vector<16xi32>
          %add3A_1150 = arith.addi %gather3A_1147, %add3A_1149 : vector<16xi32>
          %mul3A_1151 = arith.constant 26 : i32
          %mul3A_1152 = arith.muli %select_n3A, %mul3A_1151 : i32
          %add3A_1153 = arith.constant 12 : i32
          %add3A_1154 = arith.addi %mul3A_1152, %add3A_1153 : i32
          %swap3A_1155 = arith.index_cast %add3A_1154 : i32 to index
          %swap3A_1156 = arith.index_cast %mul3A_977 : i32 to index
          %swap3A_1157 = tpu.vector_load %arg7[%swap3A_1155, %swap3A_1156] {strides = array<i32>} : memref<104x128xi32, #tpu.memory_space<vmem>>, vector<16xi32>,
          tpu.vector_store %arg7[%swap3A_1155, %swap3A_1156], %add3A_1150 {strides = array<i32>} : memref<104x128xi32, #tpu.memory_space<vmem>>, vector<16xi32>,
          %add3A_1158 = arith.constant 13 : i32
          %add3A_1159 = vector.broadcast %add3A_1158 : i32 to vector<16xi32>
          %add3A_1160 = arith.addi %mul3A_944, %add3A_1159 : vector<16xi32>
          %gather3A_1161 = tpu.vector_load_idx %arg6[%add3A_1160] : memref<13312xi32, #tpu.memory_space<vmem>>[vector<16xi32>], vector<16xi32>,
          %add3A_1162 = arith.constant 1300000 : i32
          %add3A_1163 = vector.broadcast %add3A_1162 : i32 to vector<16xi32>
          %add3A_1164 = arith.addi %gather3A_1161, %add3A_1163 : vector<16xi32>
          %mul3A_1165 = arith.constant 26 : i32
          %mul3A_1166 = arith.muli %select_n3A, %mul3A_1165 : i32
          %add3A_1167 = arith.constant 13 : i32
          %add3A_1168 = arith.addi %mul3A_1166, %add3A_1167 : i32
          %swap3A_1169 = arith.index_cast %add3A_1168 : i32 to index
          %swap3A_1170 = arith.index_cast %mul3A_977 : i32 to index
          %swap3A_1171 = tpu.vector_load %arg7[%swap3A_1169, %swap3A_1170] {strides = array<i32>} : memref<104x128xi32, #tpu.memory_space<vmem>>, vector<16xi32>,
          tpu.vector_store %arg7[%swap3A_1169, %swap3A_1170], %add3A_1164 {strides = array<i32>} : memref<104x128xi32, #tpu.memory_space<vmem>>, vector<16xi32>,
          %add3A_1172 = arith.constant 14 : i32
          %add3A_1173 = vector.broadcast %add3A_1172 : i32 to vector<16xi32>
          %add3A_1174 = arith.addi %mul3A_944, %add3A_1173 : vector<16xi32>
          %gather3A_1175 = tpu.vector_load_idx %arg6[%add3A_1174] : memref<13312xi32, #tpu.memory_space<vmem>>[vector<16xi32>], vector<16xi32>,
          %add3A_1176 = arith.constant 1400000 : i32
          %add3A_1177 = vector.broadcast %add3A_1176 : i32 to vector<16xi32>
          %add3A_1178 = arith.addi %gather3A_1175, %add3A_1177 : vector<16xi32>
          %mul3A_1179 = arith.constant 26 : i32
          %mul3A_1180 = arith.muli %select_n3A, %mul3A_1179 : i32
          %add3A_1181 = arith.constant 14 : i32
          %add3A_1182 = arith.addi %mul3A_1180, %add3A_1181 : i32
          %swap3A_1183 = arith.index_cast %add3A_1182 : i32 to index
          %swap3A_1184 = arith.index_cast %mul3A_977 : i32 to index
          %swap3A_1185 = tpu.vector_load %arg7[%swap3A_1183, %swap3A_1184] {strides = array<i32>} : memref<104x128xi32, #tpu.memory_space<vmem>>, vector<16xi32>,
          tpu.vector_store %arg7[%swap3A_1183, %swap3A_1184], %add3A_1178 {strides = array<i32>} : memref<104x128xi32, #tpu.memory_space<vmem>>, vector<16xi32>,
          %add3A_1186 = arith.constant 15 : i32
          %add3A_1187 = vector.broadcast %add3A_1186 : i32 to vector<16xi32>
          %add3A_1188 = arith.addi %mul3A_944, %add3A_1187 : vector<16xi32>
          %gather3A_1189 = tpu.vector_load_idx %arg6[%add3A_1188] : memref<13312xi32, #tpu.memory_space<vmem>>[vector<16xi32>], vector<16xi32>,
          %add3A_1190 = arith.constant 1500000 : i32
          %add3A_1191 = vector.broadcast %add3A_1190 : i32 to vector<16xi32>
          %add3A_1192 = arith.addi %gather3A_1189, %add3A_1191 : vector<16xi32>
          %mul3A_1193 = arith.constant 26 : i32
          %mul3A_1194 = arith.muli %select_n3A, %mul3A_1193 : i32
          %add3A_1195 = arith.constant 15 : i32
          %add3A_1196 = arith.addi %mul3A_1194, %add3A_1195 : i32
          %swap3A_1197 = arith.index_cast %add3A_1196 : i32 to index
          %swap3A_1198 = arith.index_cast %mul3A_977 : i32 to index
          %swap3A_1199 = tpu.vector_load %arg7[%swap3A_1197, %swap3A_1198] {strides = array<i32>} : memref<104x128xi32, #tpu.memory_space<vmem>>, vector<16xi32>,
          tpu.vector_store %arg7[%swap3A_1197, %swap3A_1198], %add3A_1192 {strides = array<i32>} : memref<104x128xi32, #tpu.memory_space<vmem>>, vector<16xi32>,
          %add3A_1200 = arith.constant 16 : i32
          %add3A_1201 = vector.broadcast %add3A_1200 : i32 to vector<16xi32>
          %add3A_1202 = arith.addi %mul3A_944, %add3A_1201 : vector<16xi32>
          %gather3A_1203 = tpu.vector_load_idx %arg6[%add3A_1202] : memref<13312xi32, #tpu.memory_space<vmem>>[vector<16xi32>], vector<16xi32>,
          %add3A_1204 = arith.constant 1600000 : i32
          %add3A_1205 = vector.broadcast %add3A_1204 : i32 to vector<16xi32>
          %add3A_1206 = arith.addi %gather3A_1203, %add3A_1205 : vector<16xi32>
          %mul3A_1207 = arith.constant 26 : i32
          %mul3A_1208 = arith.muli %select_n3A, %mul3A_1207 : i32
          %add3A_1209 = arith.constant 16 : i32
          %add3A_1210 = arith.addi %mul3A_1208, %add3A_1209 : i32
          %swap3A_1211 = arith.index_cast %add3A_1210 : i32 to index
          %swap3A_1212 = arith.index_cast %mul3A_977 : i32 to index
          %swap3A_1213 = tpu.vector_load %arg7[%swap3A_1211, %swap3A_1212] {strides = array<i32>} : memref<104x128xi32, #tpu.memory_space<vmem>>, vector<16xi32>,
          tpu.vector_store %arg7[%swap3A_1211, %swap3A_1212], %add3A_1206 {strides = array<i32>} : memref<104x128xi32, #tpu.memory_space<vmem>>, vector<16xi32>,
          %add3A_1214 = arith.constant 17 : i32
          %add3A_1215 = vector.broadcast %add3A_1214 : i32 to vector<16xi32>
          %add3A_1216 = arith.addi %mul3A_944, %add3A_1215 : vector<16xi32>
          %gather3A_1217 = tpu.vector_load_idx %arg6[%add3A_1216] : memref<13312xi32, #tpu.memory_space<vmem>>[vector<16xi32>], vector<16xi32>,
          %add3A_1218 = arith.constant 1700000 : i32
          %add3A_1219 = vector.broadcast %add3A_1218 : i32 to vector<16xi32>
          %add3A_1220 = arith.addi %gather3A_1217, %add3A_1219 : vector<16xi32>
          %mul3A_1221 = arith.constant 26 : i32
          %mul3A_1222 = arith.muli %select_n3A, %mul3A_1221 : i32
          %add3A_1223 = arith.constant 17 : i32
          %add3A_1224 = arith.addi %mul3A_1222, %add3A_1223 : i32
          %swap3A_1225 = arith.index_cast %add3A_1224 : i32 to index
          %swap3A_1226 = arith.index_cast %mul3A_977 : i32 to index
          %swap3A_1227 = tpu.vector_load %arg7[%swap3A_1225, %swap3A_1226] {strides = array<i32>} : memref<104x128xi32, #tpu.memory_space<vmem>>, vector<16xi32>,
          tpu.vector_store %arg7[%swap3A_1225, %swap3A_1226], %add3A_1220 {strides = array<i32>} : memref<104x128xi32, #tpu.memory_space<vmem>>, vector<16xi32>,
          %add3A_1228 = arith.constant 18 : i32
          %add3A_1229 = vector.broadcast %add3A_1228 : i32 to vector<16xi32>
          %add3A_1230 = arith.addi %mul3A_944, %add3A_1229 : vector<16xi32>
          %gather3A_1231 = tpu.vector_load_idx %arg6[%add3A_1230] : memref<13312xi32, #tpu.memory_space<vmem>>[vector<16xi32>], vector<16xi32>,
          %add3A_1232 = arith.constant 1800000 : i32
          %add3A_1233 = vector.broadcast %add3A_1232 : i32 to vector<16xi32>
          %add3A_1234 = arith.addi %gather3A_1231, %add3A_1233 : vector<16xi32>
          %mul3A_1235 = arith.constant 26 : i32
          %mul3A_1236 = arith.muli %select_n3A, %mul3A_1235 : i32
          %add3A_1237 = arith.constant 18 : i32
          %add3A_1238 = arith.addi %mul3A_1236, %add3A_1237 : i32
          %swap3A_1239 = arith.index_cast %add3A_1238 : i32 to index
          %swap3A_1240 = arith.index_cast %mul3A_977 : i32 to index
          %swap3A_1241 = tpu.vector_load %arg7[%swap3A_1239, %swap3A_1240] {strides = array<i32>} : memref<104x128xi32, #tpu.memory_space<vmem>>, vector<16xi32>,
          tpu.vector_store %arg7[%swap3A_1239, %swap3A_1240], %add3A_1234 {strides = array<i32>} : memref<104x128xi32, #tpu.memory_space<vmem>>, vector<16xi32>,
          %add3A_1242 = arith.constant 19 : i32
          %add3A_1243 = vector.broadcast %add3A_1242 : i32 to vector<16xi32>
          %add3A_1244 = arith.addi %mul3A_944, %add3A_1243 : vector<16xi32>
          %gather3A_1245 = tpu.vector_load_idx %arg6[%add3A_1244] : memref<13312xi32, #tpu.memory_space<vmem>>[vector<16xi32>], vector<16xi32>,
          %add3A_1246 = arith.constant 1900000 : i32
          %add3A_1247 = vector.broadcast %add3A_1246 : i32 to vector<16xi32>
          %add3A_1248 = arith.addi %gather3A_1245, %add3A_1247 : vector<16xi32>
          %mul3A_1249 = arith.constant 26 : i32
          %mul3A_1250 = arith.muli %select_n3A, %mul3A_1249 : i32
          %add3A_1251 = arith.constant 19 : i32
          %add3A_1252 = arith.addi %mul3A_1250, %add3A_1251 : i32
          %swap3A_1253 = arith.index_cast %add3A_1252 : i32 to index
          %swap3A_1254 = arith.index_cast %mul3A_977 : i32 to index
          %swap3A_1255 = tpu.vector_load %arg7[%swap3A_1253, %swap3A_1254] {strides = array<i32>} : memref<104x128xi32, #tpu.memory_space<vmem>>, vector<16xi32>,
          tpu.vector_store %arg7[%swap3A_1253, %swap3A_1254], %add3A_1248 {strides = array<i32>} : memref<104x128xi32, #tpu.memory_space<vmem>>, vector<16xi32>,
          %add3A_1256 = arith.constant 20 : i32
          %add3A_1257 = vector.broadcast %add3A_1256 : i32 to vector<16xi32>
          %add3A_1258 = arith.addi %mul3A_944, %add3A_1257 : vector<16xi32>
          %gather3A_1259 = tpu.vector_load_idx %arg6[%add3A_1258] : memref<13312xi32, #tpu.memory_space<vmem>>[vector<16xi32>], vector<16xi32>,
          %add3A_1260 = arith.constant 2000000 : i32
          %add3A_1261 = vector.broadcast %add3A_1260 : i32 to vector<16xi32>
          %add3A_1262 = arith.addi %gather3A_1259, %add3A_1261 : vector<16xi32>
          %mul3A_1263 = arith.constant 26 : i32
          %mul3A_1264 = arith.muli %select_n3A, %mul3A_1263 : i32
          %add3A_1265 = arith.constant 20 : i32
          %add3A_1266 = arith.addi %mul3A_1264, %add3A_1265 : i32
          %swap3A_1267 = arith.index_cast %add3A_1266 : i32 to index
          %swap3A_1268 = arith.index_cast %mul3A_977 : i32 to index
          %swap3A_1269 = tpu.vector_load %arg7[%swap3A_1267, %swap3A_1268] {strides = array<i32>} : memref<104x128xi32, #tpu.memory_space<vmem>>, vector<16xi32>,
          tpu.vector_store %arg7[%swap3A_1267, %swap3A_1268], %add3A_1262 {strides = array<i32>} : memref<104x128xi32, #tpu.memory_space<vmem>>, vector<16xi32>,
          %add3A_1270 = arith.constant 21 : i32
          %add3A_1271 = vector.broadcast %add3A_1270 : i32 to vector<16xi32>
          %add3A_1272 = arith.addi %mul3A_944, %add3A_1271 : vector<16xi32>
          %gather3A_1273 = tpu.vector_load_idx %arg6[%add3A_1272] : memref<13312xi32, #tpu.memory_space<vmem>>[vector<16xi32>], vector<16xi32>,
          %add3A_1274 = arith.constant 2100000 : i32
          %add3A_1275 = vector.broadcast %add3A_1274 : i32 to vector<16xi32>
          %add3A_1276 = arith.addi %gather3A_1273, %add3A_1275 : vector<16xi32>
          %mul3A_1277 = arith.constant 26 : i32
          %mul3A_1278 = arith.muli %select_n3A, %mul3A_1277 : i32
          %add3A_1279 = arith.constant 21 : i32
          %add3A_1280 = arith.addi %mul3A_1278, %add3A_1279 : i32
          %swap3A_1281 = arith.index_cast %add3A_1280 : i32 to index
          %swap3A_1282 = arith.index_cast %mul3A_977 : i32 to index
          %swap3A_1283 = tpu.vector_load %arg7[%swap3A_1281, %swap3A_1282] {strides = array<i32>} : memref<104x128xi32, #tpu.memory_space<vmem>>, vector<16xi32>,
          tpu.vector_store %arg7[%swap3A_1281, %swap3A_1282], %add3A_1276 {strides = array<i32>} : memref<104x128xi32, #tpu.memory_space<vmem>>, vector<16xi32>,
          %add3A_1284 = arith.constant 22 : i32
          %add3A_1285 = vector.broadcast %add3A_1284 : i32 to vector<16xi32>
          %add3A_1286 = arith.addi %mul3A_944, %add3A_1285 : vector<16xi32>
          %gather3A_1287 = tpu.vector_load_idx %arg6[%add3A_1286] : memref<13312xi32, #tpu.memory_space<vmem>>[vector<16xi32>], vector<16xi32>,
          %add3A_1288 = arith.constant 2200000 : i32
          %add3A_1289 = vector.broadcast %add3A_1288 : i32 to vector<16xi32>
          %add3A_1290 = arith.addi %gather3A_1287, %add3A_1289 : vector<16xi32>
          %mul3A_1291 = arith.constant 26 : i32
          %mul3A_1292 = arith.muli %select_n3A, %mul3A_1291 : i32
          %add3A_1293 = arith.constant 22 : i32
          %add3A_1294 = arith.addi %mul3A_1292, %add3A_1293 : i32
          %swap3A_1295 = arith.index_cast %add3A_1294 : i32 to index
          %swap3A_1296 = arith.index_cast %mul3A_977 : i32 to index
          %swap3A_1297 = tpu.vector_load %arg7[%swap3A_1295, %swap3A_1296] {strides = array<i32>} : memref<104x128xi32, #tpu.memory_space<vmem>>, vector<16xi32>,
          tpu.vector_store %arg7[%swap3A_1295, %swap3A_1296], %add3A_1290 {strides = array<i32>} : memref<104x128xi32, #tpu.memory_space<vmem>>, vector<16xi32>,
          %add3A_1298 = arith.constant 23 : i32
          %add3A_1299 = vector.broadcast %add3A_1298 : i32 to vector<16xi32>
          %add3A_1300 = arith.addi %mul3A_944, %add3A_1299 : vector<16xi32>
          %gather3A_1301 = tpu.vector_load_idx %arg6[%add3A_1300] : memref<13312xi32, #tpu.memory_space<vmem>>[vector<16xi32>], vector<16xi32>,
          %add3A_1302 = arith.constant 2300000 : i32
          %add3A_1303 = vector.broadcast %add3A_1302 : i32 to vector<16xi32>
          %add3A_1304 = arith.addi %gather3A_1301, %add3A_1303 : vector<16xi32>
          %mul3A_1305 = arith.constant 26 : i32
          %mul3A_1306 = arith.muli %select_n3A, %mul3A_1305 : i32
          %add3A_1307 = arith.constant 23 : i32
          %add3A_1308 = arith.addi %mul3A_1306, %add3A_1307 : i32
          %swap3A_1309 = arith.index_cast %add3A_1308 : i32 to index
          %swap3A_1310 = arith.index_cast %mul3A_977 : i32 to index
          %swap3A_1311 = tpu.vector_load %arg7[%swap3A_1309, %swap3A_1310] {strides = array<i32>} : memref<104x128xi32, #tpu.memory_space<vmem>>, vector<16xi32>,
          tpu.vector_store %arg7[%swap3A_1309, %swap3A_1310], %add3A_1304 {strides = array<i32>} : memref<104x128xi32, #tpu.memory_space<vmem>>, vector<16xi32>,
          %add3A_1312 = arith.constant 24 : i32
          %add3A_1313 = vector.broadcast %add3A_1312 : i32 to vector<16xi32>
          %add3A_1314 = arith.addi %mul3A_944, %add3A_1313 : vector<16xi32>
          %gather3A_1315 = tpu.vector_load_idx %arg6[%add3A_1314] : memref<13312xi32, #tpu.memory_space<vmem>>[vector<16xi32>], vector<16xi32>,
          %add3A_1316 = arith.constant 2400000 : i32
          %add3A_1317 = vector.broadcast %add3A_1316 : i32 to vector<16xi32>
          %add3A_1318 = arith.addi %gather3A_1315, %add3A_1317 : vector<16xi32>
          %mul3A_1319 = arith.constant 26 : i32
          %mul3A_1320 = arith.muli %select_n3A, %mul3A_1319 : i32
          %add3A_1321 = arith.constant 24 : i32
          %add3A_1322 = arith.addi %mul3A_1320, %add3A_1321 : i32
          %swap3A_1323 = arith.index_cast %add3A_1322 : i32 to index
          %swap3A_1324 = arith.index_cast %mul3A_977 : i32 to index
          %swap3A_1325 = tpu.vector_load %arg7[%swap3A_1323, %swap3A_1324] {strides = array<i32>} : memref<104x128xi32, #tpu.memory_space<vmem>>, vector<16xi32>,
          tpu.vector_store %arg7[%swap3A_1323, %swap3A_1324], %add3A_1318 {strides = array<i32>} : memref<104x128xi32, #tpu.memory_space<vmem>>, vector<16xi32>,
          %add3A_1326 = arith.constant 25 : i32
          %add3A_1327 = vector.broadcast %add3A_1326 : i32 to vector<16xi32>
          %add3A_1328 = arith.addi %mul3A_944, %add3A_1327 : vector<16xi32>
          %gather3A_1329 = tpu.vector_load_idx %arg6[%add3A_1328] : memref<13312xi32, #tpu.memory_space<vmem>>[vector<16xi32>], vector<16xi32>,
          %add3A_1330 = arith.constant 2500000 : i32
          %add3A_1331 = vector.broadcast %add3A_1330 : i32 to vector<16xi32>
          %add3A_1332 = arith.addi %gather3A_1329, %add3A_1331 : vector<16xi32>
          %mul3A_1333 = arith.constant 26 : i32
          %mul3A_1334 = arith.muli %select_n3A, %mul3A_1333 : i32
          %add3A_1335 = arith.constant 25 : i32
          %add3A_1336 = arith.addi %mul3A_1334, %add3A_1335 : i32
          %swap3A_1337 = arith.index_cast %add3A_1336 : i32 to index
          %swap3A_1338 = arith.index_cast %mul3A_977 : i32 to index
          %swap3A_1339 = tpu.vector_load %arg7[%swap3A_1337, %swap3A_1338] {strides = array<i32>} : memref<104x128xi32, #tpu.memory_space<vmem>>, vector<16xi32>,
          tpu.vector_store %arg7[%swap3A_1337, %swap3A_1338], %add3A_1332 {strides = array<i32>} : memref<104x128xi32, #tpu.memory_space<vmem>>, vector<16xi32>,
        }
        %while3A_622 = arith.constant 1 : i32
        scf.for %while3A_937 = %while3A_620 to %while3A_616 step %while3A_622  : i32 {
          %mul3A_938 = arith.constant 16 : i32
          %mul3A_939 = arith.muli %while3A_937, %mul3A_938 : i32
          %add3A_940 = vector.broadcast %mul3A_939 : i32 to vector<16xi32>
          %add3A_941 = arith.addi %iota3A, %add3A_940 : vector<16xi32>
          %mul3A_942 = arith.constant 26 : i32
          %mul3A_943 = vector.broadcast %mul3A_942 : i32 to vector<16xi32>
          %mul3A_944 = arith.muli %add3A_941, %mul3A_943 : vector<16xi32>
          %jit3A = arith.constant 8 : i32
          %div3A = arith.divsi %while3A_937, %jit3A : i32
          %sign3A = arith.constant 0 : i32
          %sign3A_945 = arith.cmpi sgt, %while3A_937, %sign3A : i32
          %sign3A_946 = arith.extui %sign3A_945 : i1 to i32
          %sign3A_947 = arith.constant 0 : i32
          %sign3A_948 = arith.cmpi slt, %while3A_937, %sign3A_947 : i32
          %sign3A_949 = arith.extui %sign3A_948 : i1 to i32
          %sign3A_950 = arith.subi %sign3A_946, %sign3A_949 : i32
          %sign3A_951 = arith.constant 0 : i32
          %sign3A_952 = arith.cmpi sgt, %jit3A, %sign3A_951 : i32
          %sign3A_953 = arith.extui %sign3A_952 : i1 to i32
          %sign3A_954 = arith.constant 0 : i32
          %sign3A_955 = arith.cmpi slt, %jit3A, %sign3A_954 : i32
          %sign3A_956 = arith.extui %sign3A_955 : i1 to i32
          %sign3A_957 = arith.subi %sign3A_953, %sign3A_956 : i32
          %ne3A = arith.cmpi ne, %sign3A_950, %sign3A_957 : i32
          %rem3A = arith.remsi %while3A_937, %jit3A : i32
          %ne3A_958 = arith.constant 0 : i32
          %ne3A_959 = arith.cmpi ne, %rem3A, %ne3A_958 : i32
          %and3A = arith.andi %ne3A, %ne3A_959 : i1
          %sub3A = arith.constant 1 : i32
          %sub3A_960 = arith.subi %div3A, %sub3A : i32
          %select_n3A = arith.select %and3A, %sub3A_960, %div3A : i32
          %jit3A_961 = arith.constant 8 : i32
          %eq3A = arith.constant 0 : i32
          %eq3A_962 = arith.cmpi eq, %jit3A_961, %eq3A : i32
          %jit3A_963 = arith.constant 1 : i32
          %select_n3A_964 = arith.select %eq3A_962, %jit3A_963, %jit3A_961 : i32
          %rem3A_965 = arith.remsi %while3A_937, %select_n3A_964 : i32
          %ne3A_966 = arith.constant 0 : i32
          %ne3A_967 = arith.cmpi ne, %rem3A_965, %ne3A_966 : i32
          %lt3A_968 = arith.constant 0 : i32
          %lt3A_969 = arith.cmpi slt, %rem3A_965, %lt3A_968 : i32
          %lt3A_970 = arith.constant 0 : i32
          %lt3A_971 = arith.cmpi slt, %select_n3A_964, %lt3A_970 : i32
          %ne3A_972 = arith.xori %lt3A_969, %lt3A_971 : i1
          %and3A_973 = arith.andi %ne3A_972, %ne3A_967 : i1
          %add3A_974 = arith.addi %rem3A_965, %select_n3A_964 : i32
          %select_n3A_975 = arith.select %and3A_973, %add3A_974, %rem3A_965 : i32
          %mul3A_976 = arith.constant 16 : i32
          %mul3A_977 = arith.muli %select_n3A_975, %mul3A_976 : i32
          %add3A_978 = arith.constant 0 : i32
          %add3A_979 = vector.broadcast %add3A_978 : i32 to vector<16xi32>
          %add3A_980 = arith.addi %mul3A_944, %add3A_979 : vector<16xi32>
          %gather3A = tpu.vector_load_idx %arg6[%add3A_980] : memref<13312xi32, #tpu.memory_space<vmem>>[vector<16xi32>], vector<16xi32>,
          %add3A_981 = arith.constant 0 : i32
          %add3A_982 = vector.broadcast %add3A_981 : i32 to vector<16xi32>
          %add3A_983 = arith.addi %gather3A, %add3A_982 : vector<16xi32>
          %mul3A_984 = arith.constant 26 : i32
          %mul3A_985 = arith.muli %select_n3A, %mul3A_984 : i32
          %add3A_986 = arith.constant 0 : i32
          %add3A_987 = arith.addi %mul3A_985, %add3A_986 : i32
          %swap3A = arith.index_cast %add3A_987 : i32 to index
          %swap3A_988 = arith.index_cast %mul3A_977 : i32 to index
          %swap3A_989 = tpu.vector_load %arg7[%swap3A, %swap3A_988] {strides = array<i32>} : memref<104x128xi32, #tpu.memory_space<vmem>>, vector<16xi32>,
          tpu.vector_store %arg7[%swap3A, %swap3A_988], %add3A_983 {strides = array<i32>} : memref<104x128xi32, #tpu.memory_space<vmem>>, vector<16xi32>,
          %add3A_990 = arith.constant 1 : i32
          %add3A_991 = vector.broadcast %add3A_990 : i32 to vector<16xi32>
          %add3A_992 = arith.addi %mul3A_944, %add3A_991 : vector<16xi32>
          %gather3A_993 = tpu.vector_load_idx %arg6[%add3A_992] : memref<13312xi32, #tpu.memory_space<vmem>>[vector<16xi32>], vector<16xi32>,
          %add3A_994 = arith.constant 100000 : i32
          %add3A_995 = vector.broadcast %add3A_994 : i32 to vector<16xi32>
          %add3A_996 = arith.addi %gather3A_993, %add3A_995 : vector<16xi32>
          %mul3A_997 = arith.constant 26 : i32
          %mul3A_998 = arith.muli %select_n3A, %mul3A_997 : i32
          %add3A_999 = arith.constant 1 : i32
          %add3A_1000 = arith.addi %mul3A_998, %add3A_999 : i32
          %swap3A_1001 = arith.index_cast %add3A_1000 : i32 to index
          %swap3A_1002 = arith.index_cast %mul3A_977 : i32 to index
          %swap3A_1003 = tpu.vector_load %arg7[%swap3A_1001, %swap3A_1002] {strides = array<i32>} : memref<104x128xi32, #tpu.memory_space<vmem>>, vector<16xi32>,
          tpu.vector_store %arg7[%swap3A_1001, %swap3A_1002], %add3A_996 {strides = array<i32>} : memref<104x128xi32, #tpu.memory_space<vmem>>, vector<16xi32>,
          %add3A_1004 = arith.constant 2 : i32
          %add3A_1005 = vector.broadcast %add3A_1004 : i32 to vector<16xi32>
          %add3A_1006 = arith.addi %mul3A_944, %add3A_1005 : vector<16xi32>
          %gather3A_1007 = tpu.vector_load_idx %arg6[%add3A_1006] : memref<13312xi32, #tpu.memory_space<vmem>>[vector<16xi32>], vector<16xi32>,
          %add3A_1008 = arith.constant 200000 : i32
          %add3A_1009 = vector.broadcast %add3A_1008 : i32 to vector<16xi32>
          %add3A_1010 = arith.addi %gather3A_1007, %add3A_1009 : vector<16xi32>
          %mul3A_1011 = arith.constant 26 : i32
          %mul3A_1012 = arith.muli %select_n3A, %mul3A_1011 : i32
          %add3A_1013 = arith.constant 2 : i32
          %add3A_1014 = arith.addi %mul3A_1012, %add3A_1013 : i32
          %swap3A_1015 = arith.index_cast %add3A_1014 : i32 to index
          %swap3A_1016 = arith.index_cast %mul3A_977 : i32 to index
          %swap3A_1017 = tpu.vector_load %arg7[%swap3A_1015, %swap3A_1016] {strides = array<i32>} : memref<104x128xi32, #tpu.memory_space<vmem>>, vector<16xi32>,
          tpu.vector_store %arg7[%swap3A_1015, %swap3A_1016], %add3A_1010 {strides = array<i32>} : memref<104x128xi32, #tpu.memory_space<vmem>>, vector<16xi32>,
          %add3A_1018 = arith.constant 3 : i32
          %add3A_1019 = vector.broadcast %add3A_1018 : i32 to vector<16xi32>
          %add3A_1020 = arith.addi %mul3A_944, %add3A_1019 : vector<16xi32>
          %gather3A_1021 = tpu.vector_load_idx %arg6[%add3A_1020] : memref<13312xi32, #tpu.memory_space<vmem>>[vector<16xi32>], vector<16xi32>,
          %add3A_1022 = arith.constant 300000 : i32
          %add3A_1023 = vector.broadcast %add3A_1022 : i32 to vector<16xi32>
          %add3A_1024 = arith.addi %gather3A_1021, %add3A_1023 : vector<16xi32>
          %mul3A_1025 = arith.constant 26 : i32
          %mul3A_1026 = arith.muli %select_n3A, %mul3A_1025 : i32
          %add3A_1027 = arith.constant 3 : i32
          %add3A_1028 = arith.addi %mul3A_1026, %add3A_1027 : i32
          %swap3A_1029 = arith.index_cast %add3A_1028 : i32 to index
          %swap3A_1030 = arith.index_cast %mul3A_977 : i32 to index
          %swap3A_1031 = tpu.vector_load %arg7[%swap3A_1029, %swap3A_1030] {strides = array<i32>} : memref<104x128xi32, #tpu.memory_space<vmem>>, vector<16xi32>,
          tpu.vector_store %arg7[%swap3A_1029, %swap3A_1030], %add3A_1024 {strides = array<i32>} : memref<104x128xi32, #tpu.memory_space<vmem>>, vector<16xi32>,
          %add3A_1032 = arith.constant 4 : i32
          %add3A_1033 = vector.broadcast %add3A_1032 : i32 to vector<16xi32>
          %add3A_1034 = arith.addi %mul3A_944, %add3A_1033 : vector<16xi32>
          %gather3A_1035 = tpu.vector_load_idx %arg6[%add3A_1034] : memref<13312xi32, #tpu.memory_space<vmem>>[vector<16xi32>], vector<16xi32>,
          %add3A_1036 = arith.constant 400000 : i32
          %add3A_1037 = vector.broadcast %add3A_1036 : i32 to vector<16xi32>
          %add3A_1038 = arith.addi %gather3A_1035, %add3A_1037 : vector<16xi32>
          %mul3A_1039 = arith.constant 26 : i32
          %mul3A_1040 = arith.muli %select_n3A, %mul3A_1039 : i32
          %add3A_1041 = arith.constant 4 : i32
          %add3A_1042 = arith.addi %mul3A_1040, %add3A_1041 : i32
          %swap3A_1043 = arith.index_cast %add3A_1042 : i32 to index
          %swap3A_1044 = arith.index_cast %mul3A_977 : i32 to index
          %swap3A_1045 = tpu.vector_load %arg7[%swap3A_1043, %swap3A_1044] {strides = array<i32>} : memref<104x128xi32, #tpu.memory_space<vmem>>, vector<16xi32>,
          tpu.vector_store %arg7[%swap3A_1043, %swap3A_1044], %add3A_1038 {strides = array<i32>} : memref<104x128xi32, #tpu.memory_space<vmem>>, vector<16xi32>,
          %add3A_1046 = arith.constant 5 : i32
          %add3A_1047 = vector.broadcast %add3A_1046 : i32 to vector<16xi32>
          %add3A_1048 = arith.addi %mul3A_944, %add3A_1047 : vector<16xi32>
          %gather3A_1049 = tpu.vector_load_idx %arg6[%add3A_1048] : memref<13312xi32, #tpu.memory_space<vmem>>[vector<16xi32>], vector<16xi32>,
          %add3A_1050 = arith.constant 500000 : i32
          %add3A_1051 = vector.broadcast %add3A_1050 : i32 to vector<16xi32>
          %add3A_1052 = arith.addi %gather3A_1049, %add3A_1051 : vector<16xi32>
          %mul3A_1053 = arith.constant 26 : i32
          %mul3A_1054 = arith.muli %select_n3A, %mul3A_1053 : i32
          %add3A_1055 = arith.constant 5 : i32
          %add3A_1056 = arith.addi %mul3A_1054, %add3A_1055 : i32
          %swap3A_1057 = arith.index_cast %add3A_1056 : i32 to index
          %swap3A_1058 = arith.index_cast %mul3A_977 : i32 to index
          %swap3A_1059 = tpu.vector_load %arg7[%swap3A_1057, %swap3A_1058] {strides = array<i32>} : memref<104x128xi32, #tpu.memory_space<vmem>>, vector<16xi32>,
          tpu.vector_store %arg7[%swap3A_1057, %swap3A_1058], %add3A_1052 {strides = array<i32>} : memref<104x128xi32, #tpu.memory_space<vmem>>, vector<16xi32>,
          %add3A_1060 = arith.constant 6 : i32
          %add3A_1061 = vector.broadcast %add3A_1060 : i32 to vector<16xi32>
          %add3A_1062 = arith.addi %mul3A_944, %add3A_1061 : vector<16xi32>
          %gather3A_1063 = tpu.vector_load_idx %arg6[%add3A_1062] : memref<13312xi32, #tpu.memory_space<vmem>>[vector<16xi32>], vector<16xi32>,
          %add3A_1064 = arith.constant 600000 : i32
          %add3A_1065 = vector.broadcast %add3A_1064 : i32 to vector<16xi32>
          %add3A_1066 = arith.addi %gather3A_1063, %add3A_1065 : vector<16xi32>
          %mul3A_1067 = arith.constant 26 : i32
          %mul3A_1068 = arith.muli %select_n3A, %mul3A_1067 : i32
          %add3A_1069 = arith.constant 6 : i32
          %add3A_1070 = arith.addi %mul3A_1068, %add3A_1069 : i32
          %swap3A_1071 = arith.index_cast %add3A_1070 : i32 to index
          %swap3A_1072 = arith.index_cast %mul3A_977 : i32 to index
          %swap3A_1073 = tpu.vector_load %arg7[%swap3A_1071, %swap3A_1072] {strides = array<i32>} : memref<104x128xi32, #tpu.memory_space<vmem>>, vector<16xi32>,
          tpu.vector_store %arg7[%swap3A_1071, %swap3A_1072], %add3A_1066 {strides = array<i32>} : memref<104x128xi32, #tpu.memory_space<vmem>>, vector<16xi32>,
          %add3A_1074 = arith.constant 7 : i32
          %add3A_1075 = vector.broadcast %add3A_1074 : i32 to vector<16xi32>
          %add3A_1076 = arith.addi %mul3A_944, %add3A_1075 : vector<16xi32>
          %gather3A_1077 = tpu.vector_load_idx %arg6[%add3A_1076] : memref<13312xi32, #tpu.memory_space<vmem>>[vector<16xi32>], vector<16xi32>,
          %add3A_1078 = arith.constant 700000 : i32
          %add3A_1079 = vector.broadcast %add3A_1078 : i32 to vector<16xi32>
          %add3A_1080 = arith.addi %gather3A_1077, %add3A_1079 : vector<16xi32>
          %mul3A_1081 = arith.constant 26 : i32
          %mul3A_1082 = arith.muli %select_n3A, %mul3A_1081 : i32
          %add3A_1083 = arith.constant 7 : i32
          %add3A_1084 = arith.addi %mul3A_1082, %add3A_1083 : i32
          %swap3A_1085 = arith.index_cast %add3A_1084 : i32 to index
          %swap3A_1086 = arith.index_cast %mul3A_977 : i32 to index
          %swap3A_1087 = tpu.vector_load %arg7[%swap3A_1085, %swap3A_1086] {strides = array<i32>} : memref<104x128xi32, #tpu.memory_space<vmem>>, vector<16xi32>,
          tpu.vector_store %arg7[%swap3A_1085, %swap3A_1086], %add3A_1080 {strides = array<i32>} : memref<104x128xi32, #tpu.memory_space<vmem>>, vector<16xi32>,
          %add3A_1088 = arith.constant 8 : i32
          %add3A_1089 = vector.broadcast %add3A_1088 : i32 to vector<16xi32>
          %add3A_1090 = arith.addi %mul3A_944, %add3A_1089 : vector<16xi32>
          %gather3A_1091 = tpu.vector_load_idx %arg6[%add3A_1090] : memref<13312xi32, #tpu.memory_space<vmem>>[vector<16xi32>], vector<16xi32>,
          %add3A_1092 = arith.constant 800000 : i32
          %add3A_1093 = vector.broadcast %add3A_1092 : i32 to vector<16xi32>
          %add3A_1094 = arith.addi %gather3A_1091, %add3A_1093 : vector<16xi32>
          %mul3A_1095 = arith.constant 26 : i32
          %mul3A_1096 = arith.muli %select_n3A, %mul3A_1095 : i32
          %add3A_1097 = arith.constant 8 : i32
          %add3A_1098 = arith.addi %mul3A_1096, %add3A_1097 : i32
          %swap3A_1099 = arith.index_cast %add3A_1098 : i32 to index
          %swap3A_1100 = arith.index_cast %mul3A_977 : i32 to index
          %swap3A_1101 = tpu.vector_load %arg7[%swap3A_1099, %swap3A_1100] {strides = array<i32>} : memref<104x128xi32, #tpu.memory_space<vmem>>, vector<16xi32>,
          tpu.vector_store %arg7[%swap3A_1099, %swap3A_1100], %add3A_1094 {strides = array<i32>} : memref<104x128xi32, #tpu.memory_space<vmem>>, vector<16xi32>,
          %add3A_1102 = arith.constant 9 : i32
          %add3A_1103 = vector.broadcast %add3A_1102 : i32 to vector<16xi32>
          %add3A_1104 = arith.addi %mul3A_944, %add3A_1103 : vector<16xi32>
          %gather3A_1105 = tpu.vector_load_idx %arg6[%add3A_1104] : memref<13312xi32, #tpu.memory_space<vmem>>[vector<16xi32>], vector<16xi32>,
          %add3A_1106 = arith.constant 900000 : i32
          %add3A_1107 = vector.broadcast %add3A_1106 : i32 to vector<16xi32>
          %add3A_1108 = arith.addi %gather3A_1105, %add3A_1107 : vector<16xi32>
          %mul3A_1109 = arith.constant 26 : i32
          %mul3A_1110 = arith.muli %select_n3A, %mul3A_1109 : i32
          %add3A_1111 = arith.constant 9 : i32
          %add3A_1112 = arith.addi %mul3A_1110, %add3A_1111 : i32
          %swap3A_1113 = arith.index_cast %add3A_1112 : i32 to index
          %swap3A_1114 = arith.index_cast %mul3A_977 : i32 to index
          %swap3A_1115 = tpu.vector_load %arg7[%swap3A_1113, %swap3A_1114] {strides = array<i32>} : memref<104x128xi32, #tpu.memory_space<vmem>>, vector<16xi32>,
          tpu.vector_store %arg7[%swap3A_1113, %swap3A_1114], %add3A_1108 {strides = array<i32>} : memref<104x128xi32, #tpu.memory_space<vmem>>, vector<16xi32>,
          %add3A_1116 = arith.constant 10 : i32
          %add3A_1117 = vector.broadcast %add3A_1116 : i32 to vector<16xi32>
          %add3A_1118 = arith.addi %mul3A_944, %add3A_1117 : vector<16xi32>
          %gather3A_1119 = tpu.vector_load_idx %arg6[%add3A_1118] : memref<13312xi32, #tpu.memory_space<vmem>>[vector<16xi32>], vector<16xi32>,
          %add3A_1120 = arith.constant 1000000 : i32
          %add3A_1121 = vector.broadcast %add3A_1120 : i32 to vector<16xi32>
          %add3A_1122 = arith.addi %gather3A_1119, %add3A_1121 : vector<16xi32>
          %mul3A_1123 = arith.constant 26 : i32
          %mul3A_1124 = arith.muli %select_n3A, %mul3A_1123 : i32
          %add3A_1125 = arith.constant 10 : i32
          %add3A_1126 = arith.addi %mul3A_1124, %add3A_1125 : i32
          %swap3A_1127 = arith.index_cast %add3A_1126 : i32 to index
          %swap3A_1128 = arith.index_cast %mul3A_977 : i32 to index
          %swap3A_1129 = tpu.vector_load %arg7[%swap3A_1127, %swap3A_1128] {strides = array<i32>} : memref<104x128xi32, #tpu.memory_space<vmem>>, vector<16xi32>,
          tpu.vector_store %arg7[%swap3A_1127, %swap3A_1128], %add3A_1122 {strides = array<i32>} : memref<104x128xi32, #tpu.memory_space<vmem>>, vector<16xi32>,
          %add3A_1130 = arith.constant 11 : i32
          %add3A_1131 = vector.broadcast %add3A_1130 : i32 to vector<16xi32>
          %add3A_1132 = arith.addi %mul3A_944, %add3A_1131 : vector<16xi32>
          %gather3A_1133 = tpu.vector_load_idx %arg6[%add3A_1132] : memref<13312xi32, #tpu.memory_space<vmem>>[vector<16xi32>], vector<16xi32>,
          %add3A_1134 = arith.constant 1100000 : i32
          %add3A_1135 = vector.broadcast %add3A_1134 : i32 to vector<16xi32>
          %add3A_1136 = arith.addi %gather3A_1133, %add3A_1135 : vector<16xi32>
          %mul3A_1137 = arith.constant 26 : i32
          %mul3A_1138 = arith.muli %select_n3A, %mul3A_1137 : i32
          %add3A_1139 = arith.constant 11 : i32
          %add3A_1140 = arith.addi %mul3A_1138, %add3A_1139 : i32
          %swap3A_1141 = arith.index_cast %add3A_1140 : i32 to index
          %swap3A_1142 = arith.index_cast %mul3A_977 : i32 to index
          %swap3A_1143 = tpu.vector_load %arg7[%swap3A_1141, %swap3A_1142] {strides = array<i32>} : memref<104x128xi32, #tpu.memory_space<vmem>>, vector<16xi32>,
          tpu.vector_store %arg7[%swap3A_1141, %swap3A_1142], %add3A_1136 {strides = array<i32>} : memref<104x128xi32, #tpu.memory_space<vmem>>, vector<16xi32>,
          %add3A_1144 = arith.constant 12 : i32
          %add3A_1145 = vector.broadcast %add3A_1144 : i32 to vector<16xi32>
          %add3A_1146 = arith.addi %mul3A_944, %add3A_1145 : vector<16xi32>
          %gather3A_1147 = tpu.vector_load_idx %arg6[%add3A_1146] : memref<13312xi32, #tpu.memory_space<vmem>>[vector<16xi32>], vector<16xi32>,
          %add3A_1148 = arith.constant 1200000 : i32
          %add3A_1149 = vector.broadcast %add3A_1148 : i32 to vector<16xi32>
          %add3A_1150 = arith.addi %gather3A_1147, %add3A_1149 : vector<16xi32>
          %mul3A_1151 = arith.constant 26 : i32
          %mul3A_1152 = arith.muli %select_n3A, %mul3A_1151 : i32
          %add3A_1153 = arith.constant 12 : i32
          %add3A_1154 = arith.addi %mul3A_1152, %add3A_1153 : i32
          %swap3A_1155 = arith.index_cast %add3A_1154 : i32 to index
          %swap3A_1156 = arith.index_cast %mul3A_977 : i32 to index
          %swap3A_1157 = tpu.vector_load %arg7[%swap3A_1155, %swap3A_1156] {strides = array<i32>} : memref<104x128xi32, #tpu.memory_space<vmem>>, vector<16xi32>,
          tpu.vector_store %arg7[%swap3A_1155, %swap3A_1156], %add3A_1150 {strides = array<i32>} : memref<104x128xi32, #tpu.memory_space<vmem>>, vector<16xi32>,
          %add3A_1158 = arith.constant 13 : i32
          %add3A_1159 = vector.broadcast %add3A_1158 : i32 to vector<16xi32>
          %add3A_1160 = arith.addi %mul3A_944, %add3A_1159 : vector<16xi32>
          %gather3A_1161 = tpu.vector_load_idx %arg6[%add3A_1160] : memref<13312xi32, #tpu.memory_space<vmem>>[vector<16xi32>], vector<16xi32>,
          %add3A_1162 = arith.constant 1300000 : i32
          %add3A_1163 = vector.broadcast %add3A_1162 : i32 to vector<16xi32>
          %add3A_1164 = arith.addi %gather3A_1161, %add3A_1163 : vector<16xi32>
          %mul3A_1165 = arith.constant 26 : i32
          %mul3A_1166 = arith.muli %select_n3A, %mul3A_1165 : i32
          %add3A_1167 = arith.constant 13 : i32
          %add3A_1168 = arith.addi %mul3A_1166, %add3A_1167 : i32
          %swap3A_1169 = arith.index_cast %add3A_1168 : i32 to index
          %swap3A_1170 = arith.index_cast %mul3A_977 : i32 to index
          %swap3A_1171 = tpu.vector_load %arg7[%swap3A_1169, %swap3A_1170] {strides = array<i32>} : memref<104x128xi32, #tpu.memory_space<vmem>>, vector<16xi32>,
          tpu.vector_store %arg7[%swap3A_1169, %swap3A_1170], %add3A_1164 {strides = array<i32>} : memref<104x128xi32, #tpu.memory_space<vmem>>, vector<16xi32>,
          %add3A_1172 = arith.constant 14 : i32
          %add3A_1173 = vector.broadcast %add3A_1172 : i32 to vector<16xi32>
          %add3A_1174 = arith.addi %mul3A_944, %add3A_1173 : vector<16xi32>
          %gather3A_1175 = tpu.vector_load_idx %arg6[%add3A_1174] : memref<13312xi32, #tpu.memory_space<vmem>>[vector<16xi32>], vector<16xi32>,
          %add3A_1176 = arith.constant 1400000 : i32
          %add3A_1177 = vector.broadcast %add3A_1176 : i32 to vector<16xi32>
          %add3A_1178 = arith.addi %gather3A_1175, %add3A_1177 : vector<16xi32>
          %mul3A_1179 = arith.constant 26 : i32
          %mul3A_1180 = arith.muli %select_n3A, %mul3A_1179 : i32
          %add3A_1181 = arith.constant 14 : i32
          %add3A_1182 = arith.addi %mul3A_1180, %add3A_1181 : i32
          %swap3A_1183 = arith.index_cast %add3A_1182 : i32 to index
          %swap3A_1184 = arith.index_cast %mul3A_977 : i32 to index
          %swap3A_1185 = tpu.vector_load %arg7[%swap3A_1183, %swap3A_1184] {strides = array<i32>} : memref<104x128xi32, #tpu.memory_space<vmem>>, vector<16xi32>,
          tpu.vector_store %arg7[%swap3A_1183, %swap3A_1184], %add3A_1178 {strides = array<i32>} : memref<104x128xi32, #tpu.memory_space<vmem>>, vector<16xi32>,
          %add3A_1186 = arith.constant 15 : i32
          %add3A_1187 = vector.broadcast %add3A_1186 : i32 to vector<16xi32>
          %add3A_1188 = arith.addi %mul3A_944, %add3A_1187 : vector<16xi32>
          %gather3A_1189 = tpu.vector_load_idx %arg6[%add3A_1188] : memref<13312xi32, #tpu.memory_space<vmem>>[vector<16xi32>], vector<16xi32>,
          %add3A_1190 = arith.constant 1500000 : i32
          %add3A_1191 = vector.broadcast %add3A_1190 : i32 to vector<16xi32>
          %add3A_1192 = arith.addi %gather3A_1189, %add3A_1191 : vector<16xi32>
          %mul3A_1193 = arith.constant 26 : i32
          %mul3A_1194 = arith.muli %select_n3A, %mul3A_1193 : i32
          %add3A_1195 = arith.constant 15 : i32
          %add3A_1196 = arith.addi %mul3A_1194, %add3A_1195 : i32
          %swap3A_1197 = arith.index_cast %add3A_1196 : i32 to index
          %swap3A_1198 = arith.index_cast %mul3A_977 : i32 to index
          %swap3A_1199 = tpu.vector_load %arg7[%swap3A_1197, %swap3A_1198] {strides = array<i32>} : memref<104x128xi32, #tpu.memory_space<vmem>>, vector<16xi32>,
          tpu.vector_store %arg7[%swap3A_1197, %swap3A_1198], %add3A_1192 {strides = array<i32>} : memref<104x128xi32, #tpu.memory_space<vmem>>, vector<16xi32>,
          %add3A_1200 = arith.constant 16 : i32
          %add3A_1201 = vector.broadcast %add3A_1200 : i32 to vector<16xi32>
          %add3A_1202 = arith.addi %mul3A_944, %add3A_1201 : vector<16xi32>
          %gather3A_1203 = tpu.vector_load_idx %arg6[%add3A_1202] : memref<13312xi32, #tpu.memory_space<vmem>>[vector<16xi32>], vector<16xi32>,
          %add3A_1204 = arith.constant 1600000 : i32
          %add3A_1205 = vector.broadcast %add3A_1204 : i32 to vector<16xi32>
          %add3A_1206 = arith.addi %gather3A_1203, %add3A_1205 : vector<16xi32>
          %mul3A_1207 = arith.constant 26 : i32
          %mul3A_1208 = arith.muli %select_n3A, %mul3A_1207 : i32
          %add3A_1209 = arith.constant 16 : i32
          %add3A_1210 = arith.addi %mul3A_1208, %add3A_1209 : i32
          %swap3A_1211 = arith.index_cast %add3A_1210 : i32 to index
          %swap3A_1212 = arith.index_cast %mul3A_977 : i32 to index
          %swap3A_1213 = tpu.vector_load %arg7[%swap3A_1211, %swap3A_1212] {strides = array<i32>} : memref<104x128xi32, #tpu.memory_space<vmem>>, vector<16xi32>,
          tpu.vector_store %arg7[%swap3A_1211, %swap3A_1212], %add3A_1206 {strides = array<i32>} : memref<104x128xi32, #tpu.memory_space<vmem>>, vector<16xi32>,
          %add3A_1214 = arith.constant 17 : i32
          %add3A_1215 = vector.broadcast %add3A_1214 : i32 to vector<16xi32>
          %add3A_1216 = arith.addi %mul3A_944, %add3A_1215 : vector<16xi32>
          %gather3A_1217 = tpu.vector_load_idx %arg6[%add3A_1216] : memref<13312xi32, #tpu.memory_space<vmem>>[vector<16xi32>], vector<16xi32>,
          %add3A_1218 = arith.constant 1700000 : i32
          %add3A_1219 = vector.broadcast %add3A_1218 : i32 to vector<16xi32>
          %add3A_1220 = arith.addi %gather3A_1217, %add3A_1219 : vector<16xi32>
          %mul3A_1221 = arith.constant 26 : i32
          %mul3A_1222 = arith.muli %select_n3A, %mul3A_1221 : i32
          %add3A_1223 = arith.constant 17 : i32
          %add3A_1224 = arith.addi %mul3A_1222, %add3A_1223 : i32
          %swap3A_1225 = arith.index_cast %add3A_1224 : i32 to index
          %swap3A_1226 = arith.index_cast %mul3A_977 : i32 to index
          %swap3A_1227 = tpu.vector_load %arg7[%swap3A_1225, %swap3A_1226] {strides = array<i32>} : memref<104x128xi32, #tpu.memory_space<vmem>>, vector<16xi32>,
          tpu.vector_store %arg7[%swap3A_1225, %swap3A_1226], %add3A_1220 {strides = array<i32>} : memref<104x128xi32, #tpu.memory_space<vmem>>, vector<16xi32>,
          %add3A_1228 = arith.constant 18 : i32
          %add3A_1229 = vector.broadcast %add3A_1228 : i32 to vector<16xi32>
          %add3A_1230 = arith.addi %mul3A_944, %add3A_1229 : vector<16xi32>
          %gather3A_1231 = tpu.vector_load_idx %arg6[%add3A_1230] : memref<13312xi32, #tpu.memory_space<vmem>>[vector<16xi32>], vector<16xi32>,
          %add3A_1232 = arith.constant 1800000 : i32
          %add3A_1233 = vector.broadcast %add3A_1232 : i32 to vector<16xi32>
          %add3A_1234 = arith.addi %gather3A_1231, %add3A_1233 : vector<16xi32>
          %mul3A_1235 = arith.constant 26 : i32
          %mul3A_1236 = arith.muli %select_n3A, %mul3A_1235 : i32
          %add3A_1237 = arith.constant 18 : i32
          %add3A_1238 = arith.addi %mul3A_1236, %add3A_1237 : i32
          %swap3A_1239 = arith.index_cast %add3A_1238 : i32 to index
          %swap3A_1240 = arith.index_cast %mul3A_977 : i32 to index
          %swap3A_1241 = tpu.vector_load %arg7[%swap3A_1239, %swap3A_1240] {strides = array<i32>} : memref<104x128xi32, #tpu.memory_space<vmem>>, vector<16xi32>,
          tpu.vector_store %arg7[%swap3A_1239, %swap3A_1240], %add3A_1234 {strides = array<i32>} : memref<104x128xi32, #tpu.memory_space<vmem>>, vector<16xi32>,
          %add3A_1242 = arith.constant 19 : i32
          %add3A_1243 = vector.broadcast %add3A_1242 : i32 to vector<16xi32>
          %add3A_1244 = arith.addi %mul3A_944, %add3A_1243 : vector<16xi32>
          %gather3A_1245 = tpu.vector_load_idx %arg6[%add3A_1244] : memref<13312xi32, #tpu.memory_space<vmem>>[vector<16xi32>], vector<16xi32>,
          %add3A_1246 = arith.constant 1900000 : i32
          %add3A_1247 = vector.broadcast %add3A_1246 : i32 to vector<16xi32>
          %add3A_1248 = arith.addi %gather3A_1245, %add3A_1247 : vector<16xi32>
          %mul3A_1249 = arith.constant 26 : i32
          %mul3A_1250 = arith.muli %select_n3A, %mul3A_1249 : i32
          %add3A_1251 = arith.constant 19 : i32
          %add3A_1252 = arith.addi %mul3A_1250, %add3A_1251 : i32
          %swap3A_1253 = arith.index_cast %add3A_1252 : i32 to index
          %swap3A_1254 = arith.index_cast %mul3A_977 : i32 to index
          %swap3A_1255 = tpu.vector_load %arg7[%swap3A_1253, %swap3A_1254] {strides = array<i32>} : memref<104x128xi32, #tpu.memory_space<vmem>>, vector<16xi32>,
          tpu.vector_store %arg7[%swap3A_1253, %swap3A_1254], %add3A_1248 {strides = array<i32>} : memref<104x128xi32, #tpu.memory_space<vmem>>, vector<16xi32>,
          %add3A_1256 = arith.constant 20 : i32
          %add3A_1257 = vector.broadcast %add3A_1256 : i32 to vector<16xi32>
          %add3A_1258 = arith.addi %mul3A_944, %add3A_1257 : vector<16xi32>
          %gather3A_1259 = tpu.vector_load_idx %arg6[%add3A_1258] : memref<13312xi32, #tpu.memory_space<vmem>>[vector<16xi32>], vector<16xi32>,
          %add3A_1260 = arith.constant 2000000 : i32
          %add3A_1261 = vector.broadcast %add3A_1260 : i32 to vector<16xi32>
          %add3A_1262 = arith.addi %gather3A_1259, %add3A_1261 : vector<16xi32>
          %mul3A_1263 = arith.constant 26 : i32
          %mul3A_1264 = arith.muli %select_n3A, %mul3A_1263 : i32
          %add3A_1265 = arith.constant 20 : i32
          %add3A_1266 = arith.addi %mul3A_1264, %add3A_1265 : i32
          %swap3A_1267 = arith.index_cast %add3A_1266 : i32 to index
          %swap3A_1268 = arith.index_cast %mul3A_977 : i32 to index
          %swap3A_1269 = tpu.vector_load %arg7[%swap3A_1267, %swap3A_1268] {strides = array<i32>} : memref<104x128xi32, #tpu.memory_space<vmem>>, vector<16xi32>,
          tpu.vector_store %arg7[%swap3A_1267, %swap3A_1268], %add3A_1262 {strides = array<i32>} : memref<104x128xi32, #tpu.memory_space<vmem>>, vector<16xi32>,
          %add3A_1270 = arith.constant 21 : i32
          %add3A_1271 = vector.broadcast %add3A_1270 : i32 to vector<16xi32>
          %add3A_1272 = arith.addi %mul3A_944, %add3A_1271 : vector<16xi32>
          %gather3A_1273 = tpu.vector_load_idx %arg6[%add3A_1272] : memref<13312xi32, #tpu.memory_space<vmem>>[vector<16xi32>], vector<16xi32>,
          %add3A_1274 = arith.constant 2100000 : i32
          %add3A_1275 = vector.broadcast %add3A_1274 : i32 to vector<16xi32>
          %add3A_1276 = arith.addi %gather3A_1273, %add3A_1275 : vector<16xi32>
          %mul3A_1277 = arith.constant 26 : i32
          %mul3A_1278 = arith.muli %select_n3A, %mul3A_1277 : i32
          %add3A_1279 = arith.constant 21 : i32
          %add3A_1280 = arith.addi %mul3A_1278, %add3A_1279 : i32
          %swap3A_1281 = arith.index_cast %add3A_1280 : i32 to index
          %swap3A_1282 = arith.index_cast %mul3A_977 : i32 to index
          %swap3A_1283 = tpu.vector_load %arg7[%swap3A_1281, %swap3A_1282] {strides = array<i32>} : memref<104x128xi32, #tpu.memory_space<vmem>>, vector<16xi32>,
          tpu.vector_store %arg7[%swap3A_1281, %swap3A_1282], %add3A_1276 {strides = array<i32>} : memref<104x128xi32, #tpu.memory_space<vmem>>, vector<16xi32>,
          %add3A_1284 = arith.constant 22 : i32
          %add3A_1285 = vector.broadcast %add3A_1284 : i32 to vector<16xi32>
          %add3A_1286 = arith.addi %mul3A_944, %add3A_1285 : vector<16xi32>
          %gather3A_1287 = tpu.vector_load_idx %arg6[%add3A_1286] : memref<13312xi32, #tpu.memory_space<vmem>>[vector<16xi32>], vector<16xi32>,
          %add3A_1288 = arith.constant 2200000 : i32
          %add3A_1289 = vector.broadcast %add3A_1288 : i32 to vector<16xi32>
          %add3A_1290 = arith.addi %gather3A_1287, %add3A_1289 : vector<16xi32>
          %mul3A_1291 = arith.constant 26 : i32
          %mul3A_1292 = arith.muli %select_n3A, %mul3A_1291 : i32
          %add3A_1293 = arith.constant 22 : i32
          %add3A_1294 = arith.addi %mul3A_1292, %add3A_1293 : i32
          %swap3A_1295 = arith.index_cast %add3A_1294 : i32 to index
          %swap3A_1296 = arith.index_cast %mul3A_977 : i32 to index
          %swap3A_1297 = tpu.vector_load %arg7[%swap3A_1295, %swap3A_1296] {strides = array<i32>} : memref<104x128xi32, #tpu.memory_space<vmem>>, vector<16xi32>,
          tpu.vector_store %arg7[%swap3A_1295, %swap3A_1296], %add3A_1290 {strides = array<i32>} : memref<104x128xi32, #tpu.memory_space<vmem>>, vector<16xi32>,
          %add3A_1298 = arith.constant 23 : i32
          %add3A_1299 = vector.broadcast %add3A_1298 : i32 to vector<16xi32>
          %add3A_1300 = arith.addi %mul3A_944, %add3A_1299 : vector<16xi32>
          %gather3A_1301 = tpu.vector_load_idx %arg6[%add3A_1300] : memref<13312xi32, #tpu.memory_space<vmem>>[vector<16xi32>], vector<16xi32>,
          %add3A_1302 = arith.constant 2300000 : i32
          %add3A_1303 = vector.broadcast %add3A_1302 : i32 to vector<16xi32>
          %add3A_1304 = arith.addi %gather3A_1301, %add3A_1303 : vector<16xi32>
          %mul3A_1305 = arith.constant 26 : i32
          %mul3A_1306 = arith.muli %select_n3A, %mul3A_1305 : i32
          %add3A_1307 = arith.constant 23 : i32
          %add3A_1308 = arith.addi %mul3A_1306, %add3A_1307 : i32
          %swap3A_1309 = arith.index_cast %add3A_1308 : i32 to index
          %swap3A_1310 = arith.index_cast %mul3A_977 : i32 to index
          %swap3A_1311 = tpu.vector_load %arg7[%swap3A_1309, %swap3A_1310] {strides = array<i32>} : memref<104x128xi32, #tpu.memory_space<vmem>>, vector<16xi32>,
          tpu.vector_store %arg7[%swap3A_1309, %swap3A_1310], %add3A_1304 {strides = array<i32>} : memref<104x128xi32, #tpu.memory_space<vmem>>, vector<16xi32>,
          %add3A_1312 = arith.constant 24 : i32
          %add3A_1313 = vector.broadcast %add3A_1312 : i32 to vector<16xi32>
          %add3A_1314 = arith.addi %mul3A_944, %add3A_1313 : vector<16xi32>
          %gather3A_1315 = tpu.vector_load_idx %arg6[%add3A_1314] : memref<13312xi32, #tpu.memory_space<vmem>>[vector<16xi32>], vector<16xi32>,
          %add3A_1316 = arith.constant 2400000 : i32
          %add3A_1317 = vector.broadcast %add3A_1316 : i32 to vector<16xi32>
          %add3A_1318 = arith.addi %gather3A_1315, %add3A_1317 : vector<16xi32>
          %mul3A_1319 = arith.constant 26 : i32
          %mul3A_1320 = arith.muli %select_n3A, %mul3A_1319 : i32
          %add3A_1321 = arith.constant 24 : i32
          %add3A_1322 = arith.addi %mul3A_1320, %add3A_1321 : i32
          %swap3A_1323 = arith.index_cast %add3A_1322 : i32 to index
          %swap3A_1324 = arith.index_cast %mul3A_977 : i32 to index
          %swap3A_1325 = tpu.vector_load %arg7[%swap3A_1323, %swap3A_1324] {strides = array<i32>} : memref<104x128xi32, #tpu.memory_space<vmem>>, vector<16xi32>,
          tpu.vector_store %arg7[%swap3A_1323, %swap3A_1324], %add3A_1318 {strides = array<i32>} : memref<104x128xi32, #tpu.memory_space<vmem>>, vector<16xi32>,
          %add3A_1326 = arith.constant 25 : i32
          %add3A_1327 = vector.broadcast %add3A_1326 : i32 to vector<16xi32>
          %add3A_1328 = arith.addi %mul3A_944, %add3A_1327 : vector<16xi32>
          %gather3A_1329 = tpu.vector_load_idx %arg6[%add3A_1328] : memref<13312xi32, #tpu.memory_space<vmem>>[vector<16xi32>], vector<16xi32>,
          %add3A_1330 = arith.constant 2500000 : i32
          %add3A_1331 = vector.broadcast %add3A_1330 : i32 to vector<16xi32>
          %add3A_1332 = arith.addi %gather3A_1329, %add3A_1331 : vector<16xi32>
          %mul3A_1333 = arith.constant 26 : i32
          %mul3A_1334 = arith.muli %select_n3A, %mul3A_1333 : i32
          %add3A_1335 = arith.constant 25 : i32
          %add3A_1336 = arith.addi %mul3A_1334, %add3A_1335 : i32
          %swap3A_1337 = arith.index_cast %add3A_1336 : i32 to index
          %swap3A_1338 = arith.index_cast %mul3A_977 : i32 to index
          %swap3A_1339 = tpu.vector_load %arg7[%swap3A_1337, %swap3A_1338] {strides = array<i32>} : memref<104x128xi32, #tpu.memory_space<vmem>>, vector<16xi32>,
          tpu.vector_store %arg7[%swap3A_1337, %swap3A_1338], %add3A_1332 {strides = array<i32>} : memref<104x128xi32, #tpu.memory_space<vmem>>, vector<16xi32>,
        }
        %add3A_623 = arith.constant 1 : i32
        %add3A_624 = arith.addi %scan3A_276, %add3A_623 : i32
        %mul3A_625 = arith.constant 26 : i32
        %mul3A_626 = arith.muli %add3A_624, %mul3A_625 : i32
        %add3A_627 = arith.constant 0 : i32
        %add3A_628 = arith.addi %mul3A_626, %add3A_627 : i32
        %dma_start3A_629 = arith.constant 0 : i32
        %dma_start3A_630 = tpu.memref_slice %arg8[%add3A_628, %dma_start3A_629] : memref<104x128xf32, #tpu.memory_space<vmem>> -> memref<1x128xf32, #tpu.memory_space<vmem>>
        %dma_start3A_631 = tpu.memref_squeeze %dma_start3A_630 : memref<1x128xf32, #tpu.memory_space<vmem>> -> memref<128xf32, #tpu.memory_space<vmem>>
        %dma_start3A_632 = arith.constant 0 : i32
        %dma_start3A_633 = tpu.memref_slice %arg7[%add3A_628, %dma_start3A_632] : memref<104x128xi32, #tpu.memory_space<vmem>> -> memref<1x128xi32, #tpu.memory_space<vmem>>
        %dma_start3A_634 = tpu.memref_squeeze %dma_start3A_633 : memref<1x128xi32, #tpu.memory_space<vmem>> -> memref<128xi32, #tpu.memory_space<vmem>>
        %dma_start3A_635 = arith.constant 0 : i32
        %dma_start3A_636 = tpu.memref_slice %arg3[%dma_start3A_635] : memref<2600002xf32, #tpu.memory_space<hbm>> -> memref<2600002xf32, #tpu.memory_space<hbm>>
        tpu.enqueue_indirect_dma source(%dma_start3A_636 : memref<2600002xf32, #tpu.memory_space<hbm>>) target(%dma_start3A_631 : memref<128xf32, #tpu.memory_space<vmem>>) offsets(%dma_start3A_634 : memref<128xi32, #tpu.memory_space<vmem>>) semaphore(%arg11 : memref<!tpu.dma_semaphore, #tpu.memory_space<semaphore_mem>>)
        %mul3A_637 = arith.constant 26 : i32
        %mul3A_638 = arith.muli %add3A_624, %mul3A_637 : i32
        %add3A_639 = arith.constant 1 : i32
        %add3A_640 = arith.addi %mul3A_638, %add3A_639 : i32
        %dma_start3A_641 = arith.constant 0 : i32
        %dma_start3A_642 = tpu.memref_slice %arg8[%add3A_640, %dma_start3A_641] : memref<104x128xf32, #tpu.memory_space<vmem>> -> memref<1x128xf32, #tpu.memory_space<vmem>>
        %dma_start3A_643 = tpu.memref_squeeze %dma_start3A_642 : memref<1x128xf32, #tpu.memory_space<vmem>> -> memref<128xf32, #tpu.memory_space<vmem>>
        %dma_start3A_644 = arith.constant 0 : i32
        %dma_start3A_645 = tpu.memref_slice %arg7[%add3A_640, %dma_start3A_644] : memref<104x128xi32, #tpu.memory_space<vmem>> -> memref<1x128xi32, #tpu.memory_space<vmem>>
        %dma_start3A_646 = tpu.memref_squeeze %dma_start3A_645 : memref<1x128xi32, #tpu.memory_space<vmem>> -> memref<128xi32, #tpu.memory_space<vmem>>
        %dma_start3A_647 = arith.constant 0 : i32
        %dma_start3A_648 = tpu.memref_slice %arg3[%dma_start3A_647] : memref<2600002xf32, #tpu.memory_space<hbm>> -> memref<2600002xf32, #tpu.memory_space<hbm>>
        tpu.enqueue_indirect_dma source(%dma_start3A_648 : memref<2600002xf32, #tpu.memory_space<hbm>>) target(%dma_start3A_643 : memref<128xf32, #tpu.memory_space<vmem>>) offsets(%dma_start3A_646 : memref<128xi32, #tpu.memory_space<vmem>>) semaphore(%arg11 : memref<!tpu.dma_semaphore, #tpu.memory_space<semaphore_mem>>)
        %mul3A_649 = arith.constant 26 : i32
        %mul3A_650 = arith.muli %add3A_624, %mul3A_649 : i32
        %add3A_651 = arith.constant 2 : i32
        %add3A_652 = arith.addi %mul3A_650, %add3A_651 : i32
        %dma_start3A_653 = arith.constant 0 : i32
        %dma_start3A_654 = tpu.memref_slice %arg8[%add3A_652, %dma_start3A_653] : memref<104x128xf32, #tpu.memory_space<vmem>> -> memref<1x128xf32, #tpu.memory_space<vmem>>
        %dma_start3A_655 = tpu.memref_squeeze %dma_start3A_654 : memref<1x128xf32, #tpu.memory_space<vmem>> -> memref<128xf32, #tpu.memory_space<vmem>>
        %dma_start3A_656 = arith.constant 0 : i32
        %dma_start3A_657 = tpu.memref_slice %arg7[%add3A_652, %dma_start3A_656] : memref<104x128xi32, #tpu.memory_space<vmem>> -> memref<1x128xi32, #tpu.memory_space<vmem>>
        %dma_start3A_658 = tpu.memref_squeeze %dma_start3A_657 : memref<1x128xi32, #tpu.memory_space<vmem>> -> memref<128xi32, #tpu.memory_space<vmem>>
        %dma_start3A_659 = arith.constant 0 : i32
        %dma_start3A_660 = tpu.memref_slice %arg3[%dma_start3A_659] : memref<2600002xf32, #tpu.memory_space<hbm>> -> memref<2600002xf32, #tpu.memory_space<hbm>>
        tpu.enqueue_indirect_dma source(%dma_start3A_660 : memref<2600002xf32, #tpu.memory_space<hbm>>) target(%dma_start3A_655 : memref<128xf32, #tpu.memory_space<vmem>>) offsets(%dma_start3A_658 : memref<128xi32, #tpu.memory_space<vmem>>) semaphore(%arg11 : memref<!tpu.dma_semaphore, #tpu.memory_space<semaphore_mem>>)
        %mul3A_661 = arith.constant 26 : i32
        %mul3A_662 = arith.muli %add3A_624, %mul3A_661 : i32
        %add3A_663 = arith.constant 3 : i32
        %add3A_664 = arith.addi %mul3A_662, %add3A_663 : i32
        %dma_start3A_665 = arith.constant 0 : i32
        %dma_start3A_666 = tpu.memref_slice %arg8[%add3A_664, %dma_start3A_665] : memref<104x128xf32, #tpu.memory_space<vmem>> -> memref<1x128xf32, #tpu.memory_space<vmem>>
        %dma_start3A_667 = tpu.memref_squeeze %dma_start3A_666 : memref<1x128xf32, #tpu.memory_space<vmem>> -> memref<128xf32, #tpu.memory_space<vmem>>
        %dma_start3A_668 = arith.constant 0 : i32
        %dma_start3A_669 = tpu.memref_slice %arg7[%add3A_664, %dma_start3A_668] : memref<104x128xi32, #tpu.memory_space<vmem>> -> memref<1x128xi32, #tpu.memory_space<vmem>>
        %dma_start3A_670 = tpu.memref_squeeze %dma_start3A_669 : memref<1x128xi32, #tpu.memory_space<vmem>> -> memref<128xi32, #tpu.memory_space<vmem>>
        %dma_start3A_671 = arith.constant 0 : i32
        %dma_start3A_672 = tpu.memref_slice %arg3[%dma_start3A_671] : memref<2600002xf32, #tpu.memory_space<hbm>> -> memref<2600002xf32, #tpu.memory_space<hbm>>
        tpu.enqueue_indirect_dma source(%dma_start3A_672 : memref<2600002xf32, #tpu.memory_space<hbm>>) target(%dma_start3A_667 : memref<128xf32, #tpu.memory_space<vmem>>) offsets(%dma_start3A_670 : memref<128xi32, #tpu.memory_space<vmem>>) semaphore(%arg11 : memref<!tpu.dma_semaphore, #tpu.memory_space<semaphore_mem>>)
        %mul3A_673 = arith.constant 26 : i32
        %mul3A_674 = arith.muli %add3A_624, %mul3A_673 : i32
        %add3A_675 = arith.constant 4 : i32
        %add3A_676 = arith.addi %mul3A_674, %add3A_675 : i32
        %dma_start3A_677 = arith.constant 0 : i32
        %dma_start3A_678 = tpu.memref_slice %arg8[%add3A_676, %dma_start3A_677] : memref<104x128xf32, #tpu.memory_space<vmem>> -> memref<1x128xf32, #tpu.memory_space<vmem>>
        %dma_start3A_679 = tpu.memref_squeeze %dma_start3A_678 : memref<1x128xf32, #tpu.memory_space<vmem>> -> memref<128xf32, #tpu.memory_space<vmem>>
        %dma_start3A_680 = arith.constant 0 : i32
        %dma_start3A_681 = tpu.memref_slice %arg7[%add3A_676, %dma_start3A_680] : memref<104x128xi32, #tpu.memory_space<vmem>> -> memref<1x128xi32, #tpu.memory_space<vmem>>
        %dma_start3A_682 = tpu.memref_squeeze %dma_start3A_681 : memref<1x128xi32, #tpu.memory_space<vmem>> -> memref<128xi32, #tpu.memory_space<vmem>>
        %dma_start3A_683 = arith.constant 0 : i32
        %dma_start3A_684 = tpu.memref_slice %arg3[%dma_start3A_683] : memref<2600002xf32, #tpu.memory_space<hbm>> -> memref<2600002xf32, #tpu.memory_space<hbm>>
        tpu.enqueue_indirect_dma source(%dma_start3A_684 : memref<2600002xf32, #tpu.memory_space<hbm>>) target(%dma_start3A_679 : memref<128xf32, #tpu.memory_space<vmem>>) offsets(%dma_start3A_682 : memref<128xi32, #tpu.memory_space<vmem>>) semaphore(%arg11 : memref<!tpu.dma_semaphore, #tpu.memory_space<semaphore_mem>>)
        %mul3A_685 = arith.constant 26 : i32
        %mul3A_686 = arith.muli %add3A_624, %mul3A_685 : i32
        %add3A_687 = arith.constant 5 : i32
        %add3A_688 = arith.addi %mul3A_686, %add3A_687 : i32
        %dma_start3A_689 = arith.constant 0 : i32
        %dma_start3A_690 = tpu.memref_slice %arg8[%add3A_688, %dma_start3A_689] : memref<104x128xf32, #tpu.memory_space<vmem>> -> memref<1x128xf32, #tpu.memory_space<vmem>>
        %dma_start3A_691 = tpu.memref_squeeze %dma_start3A_690 : memref<1x128xf32, #tpu.memory_space<vmem>> -> memref<128xf32, #tpu.memory_space<vmem>>
        %dma_start3A_692 = arith.constant 0 : i32
        %dma_start3A_693 = tpu.memref_slice %arg7[%add3A_688, %dma_start3A_692] : memref<104x128xi32, #tpu.memory_space<vmem>> -> memref<1x128xi32, #tpu.memory_space<vmem>>
        %dma_start3A_694 = tpu.memref_squeeze %dma_start3A_693 : memref<1x128xi32, #tpu.memory_space<vmem>> -> memref<128xi32, #tpu.memory_space<vmem>>
        %dma_start3A_695 = arith.constant 0 : i32
        %dma_start3A_696 = tpu.memref_slice %arg3[%dma_start3A_695] : memref<2600002xf32, #tpu.memory_space<hbm>> -> memref<2600002xf32, #tpu.memory_space<hbm>>
        tpu.enqueue_indirect_dma source(%dma_start3A_696 : memref<2600002xf32, #tpu.memory_space<hbm>>) target(%dma_start3A_691 : memref<128xf32, #tpu.memory_space<vmem>>) offsets(%dma_start3A_694 : memref<128xi32, #tpu.memory_space<vmem>>) semaphore(%arg11 : memref<!tpu.dma_semaphore, #tpu.memory_space<semaphore_mem>>)
        %mul3A_697 = arith.constant 26 : i32
        %mul3A_698 = arith.muli %add3A_624, %mul3A_697 : i32
        %add3A_699 = arith.constant 6 : i32
        %add3A_700 = arith.addi %mul3A_698, %add3A_699 : i32
        %dma_start3A_701 = arith.constant 0 : i32
        %dma_start3A_702 = tpu.memref_slice %arg8[%add3A_700, %dma_start3A_701] : memref<104x128xf32, #tpu.memory_space<vmem>> -> memref<1x128xf32, #tpu.memory_space<vmem>>
        %dma_start3A_703 = tpu.memref_squeeze %dma_start3A_702 : memref<1x128xf32, #tpu.memory_space<vmem>> -> memref<128xf32, #tpu.memory_space<vmem>>
        %dma_start3A_704 = arith.constant 0 : i32
        %dma_start3A_705 = tpu.memref_slice %arg7[%add3A_700, %dma_start3A_704] : memref<104x128xi32, #tpu.memory_space<vmem>> -> memref<1x128xi32, #tpu.memory_space<vmem>>
        %dma_start3A_706 = tpu.memref_squeeze %dma_start3A_705 : memref<1x128xi32, #tpu.memory_space<vmem>> -> memref<128xi32, #tpu.memory_space<vmem>>
        %dma_start3A_707 = arith.constant 0 : i32
        %dma_start3A_708 = tpu.memref_slice %arg3[%dma_start3A_707] : memref<2600002xf32, #tpu.memory_space<hbm>> -> memref<2600002xf32, #tpu.memory_space<hbm>>
        tpu.enqueue_indirect_dma source(%dma_start3A_708 : memref<2600002xf32, #tpu.memory_space<hbm>>) target(%dma_start3A_703 : memref<128xf32, #tpu.memory_space<vmem>>) offsets(%dma_start3A_706 : memref<128xi32, #tpu.memory_space<vmem>>) semaphore(%arg11 : memref<!tpu.dma_semaphore, #tpu.memory_space<semaphore_mem>>)
        %mul3A_709 = arith.constant 26 : i32
        %mul3A_710 = arith.muli %add3A_624, %mul3A_709 : i32
        %add3A_711 = arith.constant 7 : i32
        %add3A_712 = arith.addi %mul3A_710, %add3A_711 : i32
        %dma_start3A_713 = arith.constant 0 : i32
        %dma_start3A_714 = tpu.memref_slice %arg8[%add3A_712, %dma_start3A_713] : memref<104x128xf32, #tpu.memory_space<vmem>> -> memref<1x128xf32, #tpu.memory_space<vmem>>
        %dma_start3A_715 = tpu.memref_squeeze %dma_start3A_714 : memref<1x128xf32, #tpu.memory_space<vmem>> -> memref<128xf32, #tpu.memory_space<vmem>>
        %dma_start3A_716 = arith.constant 0 : i32
        %dma_start3A_717 = tpu.memref_slice %arg7[%add3A_712, %dma_start3A_716] : memref<104x128xi32, #tpu.memory_space<vmem>> -> memref<1x128xi32, #tpu.memory_space<vmem>>
        %dma_start3A_718 = tpu.memref_squeeze %dma_start3A_717 : memref<1x128xi32, #tpu.memory_space<vmem>> -> memref<128xi32, #tpu.memory_space<vmem>>
        %dma_start3A_719 = arith.constant 0 : i32
        %dma_start3A_720 = tpu.memref_slice %arg3[%dma_start3A_719] : memref<2600002xf32, #tpu.memory_space<hbm>> -> memref<2600002xf32, #tpu.memory_space<hbm>>
        tpu.enqueue_indirect_dma source(%dma_start3A_720 : memref<2600002xf32, #tpu.memory_space<hbm>>) target(%dma_start3A_715 : memref<128xf32, #tpu.memory_space<vmem>>) offsets(%dma_start3A_718 : memref<128xi32, #tpu.memory_space<vmem>>) semaphore(%arg11 : memref<!tpu.dma_semaphore, #tpu.memory_space<semaphore_mem>>)
        %mul3A_721 = arith.constant 26 : i32
        %mul3A_722 = arith.muli %add3A_624, %mul3A_721 : i32
        %add3A_723 = arith.constant 8 : i32
        %add3A_724 = arith.addi %mul3A_722, %add3A_723 : i32
        %dma_start3A_725 = arith.constant 0 : i32
        %dma_start3A_726 = tpu.memref_slice %arg8[%add3A_724, %dma_start3A_725] : memref<104x128xf32, #tpu.memory_space<vmem>> -> memref<1x128xf32, #tpu.memory_space<vmem>>
        %dma_start3A_727 = tpu.memref_squeeze %dma_start3A_726 : memref<1x128xf32, #tpu.memory_space<vmem>> -> memref<128xf32, #tpu.memory_space<vmem>>
        %dma_start3A_728 = arith.constant 0 : i32
        %dma_start3A_729 = tpu.memref_slice %arg7[%add3A_724, %dma_start3A_728] : memref<104x128xi32, #tpu.memory_space<vmem>> -> memref<1x128xi32, #tpu.memory_space<vmem>>
        %dma_start3A_730 = tpu.memref_squeeze %dma_start3A_729 : memref<1x128xi32, #tpu.memory_space<vmem>> -> memref<128xi32, #tpu.memory_space<vmem>>
        %dma_start3A_731 = arith.constant 0 : i32
        %dma_start3A_732 = tpu.memref_slice %arg3[%dma_start3A_731] : memref<2600002xf32, #tpu.memory_space<hbm>> -> memref<2600002xf32, #tpu.memory_space<hbm>>
        tpu.enqueue_indirect_dma source(%dma_start3A_732 : memref<2600002xf32, #tpu.memory_space<hbm>>) target(%dma_start3A_727 : memref<128xf32, #tpu.memory_space<vmem>>) offsets(%dma_start3A_730 : memref<128xi32, #tpu.memory_space<vmem>>) semaphore(%arg11 : memref<!tpu.dma_semaphore, #tpu.memory_space<semaphore_mem>>)
        %mul3A_733 = arith.constant 26 : i32
        %mul3A_734 = arith.muli %add3A_624, %mul3A_733 : i32
        %add3A_735 = arith.constant 9 : i32
        %add3A_736 = arith.addi %mul3A_734, %add3A_735 : i32
        %dma_start3A_737 = arith.constant 0 : i32
        %dma_start3A_738 = tpu.memref_slice %arg8[%add3A_736, %dma_start3A_737] : memref<104x128xf32, #tpu.memory_space<vmem>> -> memref<1x128xf32, #tpu.memory_space<vmem>>
        %dma_start3A_739 = tpu.memref_squeeze %dma_start3A_738 : memref<1x128xf32, #tpu.memory_space<vmem>> -> memref<128xf32, #tpu.memory_space<vmem>>
        %dma_start3A_740 = arith.constant 0 : i32
        %dma_start3A_741 = tpu.memref_slice %arg7[%add3A_736, %dma_start3A_740] : memref<104x128xi32, #tpu.memory_space<vmem>> -> memref<1x128xi32, #tpu.memory_space<vmem>>
        %dma_start3A_742 = tpu.memref_squeeze %dma_start3A_741 : memref<1x128xi32, #tpu.memory_space<vmem>> -> memref<128xi32, #tpu.memory_space<vmem>>
        %dma_start3A_743 = arith.constant 0 : i32
        %dma_start3A_744 = tpu.memref_slice %arg3[%dma_start3A_743] : memref<2600002xf32, #tpu.memory_space<hbm>> -> memref<2600002xf32, #tpu.memory_space<hbm>>
        tpu.enqueue_indirect_dma source(%dma_start3A_744 : memref<2600002xf32, #tpu.memory_space<hbm>>) target(%dma_start3A_739 : memref<128xf32, #tpu.memory_space<vmem>>) offsets(%dma_start3A_742 : memref<128xi32, #tpu.memory_space<vmem>>) semaphore(%arg11 : memref<!tpu.dma_semaphore, #tpu.memory_space<semaphore_mem>>)
        %mul3A_745 = arith.constant 26 : i32
        %mul3A_746 = arith.muli %add3A_624, %mul3A_745 : i32
        %add3A_747 = arith.constant 10 : i32
        %add3A_748 = arith.addi %mul3A_746, %add3A_747 : i32
        %dma_start3A_749 = arith.constant 0 : i32
        %dma_start3A_750 = tpu.memref_slice %arg8[%add3A_748, %dma_start3A_749] : memref<104x128xf32, #tpu.memory_space<vmem>> -> memref<1x128xf32, #tpu.memory_space<vmem>>
        %dma_start3A_751 = tpu.memref_squeeze %dma_start3A_750 : memref<1x128xf32, #tpu.memory_space<vmem>> -> memref<128xf32, #tpu.memory_space<vmem>>
        %dma_start3A_752 = arith.constant 0 : i32
        %dma_start3A_753 = tpu.memref_slice %arg7[%add3A_748, %dma_start3A_752] : memref<104x128xi32, #tpu.memory_space<vmem>> -> memref<1x128xi32, #tpu.memory_space<vmem>>
        %dma_start3A_754 = tpu.memref_squeeze %dma_start3A_753 : memref<1x128xi32, #tpu.memory_space<vmem>> -> memref<128xi32, #tpu.memory_space<vmem>>
        %dma_start3A_755 = arith.constant 0 : i32
        %dma_start3A_756 = tpu.memref_slice %arg3[%dma_start3A_755] : memref<2600002xf32, #tpu.memory_space<hbm>> -> memref<2600002xf32, #tpu.memory_space<hbm>>
        tpu.enqueue_indirect_dma source(%dma_start3A_756 : memref<2600002xf32, #tpu.memory_space<hbm>>) target(%dma_start3A_751 : memref<128xf32, #tpu.memory_space<vmem>>) offsets(%dma_start3A_754 : memref<128xi32, #tpu.memory_space<vmem>>) semaphore(%arg11 : memref<!tpu.dma_semaphore, #tpu.memory_space<semaphore_mem>>)
        %mul3A_757 = arith.constant 26 : i32
        %mul3A_758 = arith.muli %add3A_624, %mul3A_757 : i32
        %add3A_759 = arith.constant 11 : i32
        %add3A_760 = arith.addi %mul3A_758, %add3A_759 : i32
        %dma_start3A_761 = arith.constant 0 : i32
        %dma_start3A_762 = tpu.memref_slice %arg8[%add3A_760, %dma_start3A_761] : memref<104x128xf32, #tpu.memory_space<vmem>> -> memref<1x128xf32, #tpu.memory_space<vmem>>
        %dma_start3A_763 = tpu.memref_squeeze %dma_start3A_762 : memref<1x128xf32, #tpu.memory_space<vmem>> -> memref<128xf32, #tpu.memory_space<vmem>>
        %dma_start3A_764 = arith.constant 0 : i32
        %dma_start3A_765 = tpu.memref_slice %arg7[%add3A_760, %dma_start3A_764] : memref<104x128xi32, #tpu.memory_space<vmem>> -> memref<1x128xi32, #tpu.memory_space<vmem>>
        %dma_start3A_766 = tpu.memref_squeeze %dma_start3A_765 : memref<1x128xi32, #tpu.memory_space<vmem>> -> memref<128xi32, #tpu.memory_space<vmem>>
        %dma_start3A_767 = arith.constant 0 : i32
        %dma_start3A_768 = tpu.memref_slice %arg3[%dma_start3A_767] : memref<2600002xf32, #tpu.memory_space<hbm>> -> memref<2600002xf32, #tpu.memory_space<hbm>>
        tpu.enqueue_indirect_dma source(%dma_start3A_768 : memref<2600002xf32, #tpu.memory_space<hbm>>) target(%dma_start3A_763 : memref<128xf32, #tpu.memory_space<vmem>>) offsets(%dma_start3A_766 : memref<128xi32, #tpu.memory_space<vmem>>) semaphore(%arg11 : memref<!tpu.dma_semaphore, #tpu.memory_space<semaphore_mem>>)
        %mul3A_769 = arith.constant 26 : i32
        %mul3A_770 = arith.muli %add3A_624, %mul3A_769 : i32
        %add3A_771 = arith.constant 12 : i32
        %add3A_772 = arith.addi %mul3A_770, %add3A_771 : i32
        %dma_start3A_773 = arith.constant 0 : i32
        %dma_start3A_774 = tpu.memref_slice %arg8[%add3A_772, %dma_start3A_773] : memref<104x128xf32, #tpu.memory_space<vmem>> -> memref<1x128xf32, #tpu.memory_space<vmem>>
        %dma_start3A_775 = tpu.memref_squeeze %dma_start3A_774 : memref<1x128xf32, #tpu.memory_space<vmem>> -> memref<128xf32, #tpu.memory_space<vmem>>
        %dma_start3A_776 = arith.constant 0 : i32
        %dma_start3A_777 = tpu.memref_slice %arg7[%add3A_772, %dma_start3A_776] : memref<104x128xi32, #tpu.memory_space<vmem>> -> memref<1x128xi32, #tpu.memory_space<vmem>>
        %dma_start3A_778 = tpu.memref_squeeze %dma_start3A_777 : memref<1x128xi32, #tpu.memory_space<vmem>> -> memref<128xi32, #tpu.memory_space<vmem>>
        %dma_start3A_779 = arith.constant 0 : i32
        %dma_start3A_780 = tpu.memref_slice %arg3[%dma_start3A_779] : memref<2600002xf32, #tpu.memory_space<hbm>> -> memref<2600002xf32, #tpu.memory_space<hbm>>
        tpu.enqueue_indirect_dma source(%dma_start3A_780 : memref<2600002xf32, #tpu.memory_space<hbm>>) target(%dma_start3A_775 : memref<128xf32, #tpu.memory_space<vmem>>) offsets(%dma_start3A_778 : memref<128xi32, #tpu.memory_space<vmem>>) semaphore(%arg11 : memref<!tpu.dma_semaphore, #tpu.memory_space<semaphore_mem>>)
        %mul3A_781 = arith.constant 26 : i32
        %mul3A_782 = arith.muli %add3A_624, %mul3A_781 : i32
        %add3A_783 = arith.constant 13 : i32
        %add3A_784 = arith.addi %mul3A_782, %add3A_783 : i32
        %dma_start3A_785 = arith.constant 0 : i32
        %dma_start3A_786 = tpu.memref_slice %arg8[%add3A_784, %dma_start3A_785] : memref<104x128xf32, #tpu.memory_space<vmem>> -> memref<1x128xf32, #tpu.memory_space<vmem>>
        %dma_start3A_787 = tpu.memref_squeeze %dma_start3A_786 : memref<1x128xf32, #tpu.memory_space<vmem>> -> memref<128xf32, #tpu.memory_space<vmem>>
        %dma_start3A_788 = arith.constant 0 : i32
        %dma_start3A_789 = tpu.memref_slice %arg7[%add3A_784, %dma_start3A_788] : memref<104x128xi32, #tpu.memory_space<vmem>> -> memref<1x128xi32, #tpu.memory_space<vmem>>
        %dma_start3A_790 = tpu.memref_squeeze %dma_start3A_789 : memref<1x128xi32, #tpu.memory_space<vmem>> -> memref<128xi32, #tpu.memory_space<vmem>>
        %dma_start3A_791 = arith.constant 0 : i32
        %dma_start3A_792 = tpu.memref_slice %arg3[%dma_start3A_791] : memref<2600002xf32, #tpu.memory_space<hbm>> -> memref<2600002xf32, #tpu.memory_space<hbm>>
        tpu.enqueue_indirect_dma source(%dma_start3A_792 : memref<2600002xf32, #tpu.memory_space<hbm>>) target(%dma_start3A_787 : memref<128xf32, #tpu.memory_space<vmem>>) offsets(%dma_start3A_790 : memref<128xi32, #tpu.memory_space<vmem>>) semaphore(%arg11 : memref<!tpu.dma_semaphore, #tpu.memory_space<semaphore_mem>>)
        %mul3A_793 = arith.constant 26 : i32
        %mul3A_794 = arith.muli %add3A_624, %mul3A_793 : i32
        %add3A_795 = arith.constant 14 : i32
        %add3A_796 = arith.addi %mul3A_794, %add3A_795 : i32
        %dma_start3A_797 = arith.constant 0 : i32
        %dma_start3A_798 = tpu.memref_slice %arg8[%add3A_796, %dma_start3A_797] : memref<104x128xf32, #tpu.memory_space<vmem>> -> memref<1x128xf32, #tpu.memory_space<vmem>>
        %dma_start3A_799 = tpu.memref_squeeze %dma_start3A_798 : memref<1x128xf32, #tpu.memory_space<vmem>> -> memref<128xf32, #tpu.memory_space<vmem>>
        %dma_start3A_800 = arith.constant 0 : i32
        %dma_start3A_801 = tpu.memref_slice %arg7[%add3A_796, %dma_start3A_800] : memref<104x128xi32, #tpu.memory_space<vmem>> -> memref<1x128xi32, #tpu.memory_space<vmem>>
        %dma_start3A_802 = tpu.memref_squeeze %dma_start3A_801 : memref<1x128xi32, #tpu.memory_space<vmem>> -> memref<128xi32, #tpu.memory_space<vmem>>
        %dma_start3A_803 = arith.constant 0 : i32
        %dma_start3A_804 = tpu.memref_slice %arg3[%dma_start3A_803] : memref<2600002xf32, #tpu.memory_space<hbm>> -> memref<2600002xf32, #tpu.memory_space<hbm>>
        tpu.enqueue_indirect_dma source(%dma_start3A_804 : memref<2600002xf32, #tpu.memory_space<hbm>>) target(%dma_start3A_799 : memref<128xf32, #tpu.memory_space<vmem>>) offsets(%dma_start3A_802 : memref<128xi32, #tpu.memory_space<vmem>>) semaphore(%arg11 : memref<!tpu.dma_semaphore, #tpu.memory_space<semaphore_mem>>)
        %mul3A_805 = arith.constant 26 : i32
        %mul3A_806 = arith.muli %add3A_624, %mul3A_805 : i32
        %add3A_807 = arith.constant 15 : i32
        %add3A_808 = arith.addi %mul3A_806, %add3A_807 : i32
        %dma_start3A_809 = arith.constant 0 : i32
        %dma_start3A_810 = tpu.memref_slice %arg8[%add3A_808, %dma_start3A_809] : memref<104x128xf32, #tpu.memory_space<vmem>> -> memref<1x128xf32, #tpu.memory_space<vmem>>
        %dma_start3A_811 = tpu.memref_squeeze %dma_start3A_810 : memref<1x128xf32, #tpu.memory_space<vmem>> -> memref<128xf32, #tpu.memory_space<vmem>>
        %dma_start3A_812 = arith.constant 0 : i32
        %dma_start3A_813 = tpu.memref_slice %arg7[%add3A_808, %dma_start3A_812] : memref<104x128xi32, #tpu.memory_space<vmem>> -> memref<1x128xi32, #tpu.memory_space<vmem>>
        %dma_start3A_814 = tpu.memref_squeeze %dma_start3A_813 : memref<1x128xi32, #tpu.memory_space<vmem>> -> memref<128xi32, #tpu.memory_space<vmem>>
        %dma_start3A_815 = arith.constant 0 : i32
        %dma_start3A_816 = tpu.memref_slice %arg3[%dma_start3A_815] : memref<2600002xf32, #tpu.memory_space<hbm>> -> memref<2600002xf32, #tpu.memory_space<hbm>>
        tpu.enqueue_indirect_dma source(%dma_start3A_816 : memref<2600002xf32, #tpu.memory_space<hbm>>) target(%dma_start3A_811 : memref<128xf32, #tpu.memory_space<vmem>>) offsets(%dma_start3A_814 : memref<128xi32, #tpu.memory_space<vmem>>) semaphore(%arg11 : memref<!tpu.dma_semaphore, #tpu.memory_space<semaphore_mem>>)
        %mul3A_817 = arith.constant 26 : i32
        %mul3A_818 = arith.muli %add3A_624, %mul3A_817 : i32
        %add3A_819 = arith.constant 16 : i32
        %add3A_820 = arith.addi %mul3A_818, %add3A_819 : i32
        %dma_start3A_821 = arith.constant 0 : i32
        %dma_start3A_822 = tpu.memref_slice %arg8[%add3A_820, %dma_start3A_821] : memref<104x128xf32, #tpu.memory_space<vmem>> -> memref<1x128xf32, #tpu.memory_space<vmem>>
        %dma_start3A_823 = tpu.memref_squeeze %dma_start3A_822 : memref<1x128xf32, #tpu.memory_space<vmem>> -> memref<128xf32, #tpu.memory_space<vmem>>
        %dma_start3A_824 = arith.constant 0 : i32
        %dma_start3A_825 = tpu.memref_slice %arg7[%add3A_820, %dma_start3A_824] : memref<104x128xi32, #tpu.memory_space<vmem>> -> memref<1x128xi32, #tpu.memory_space<vmem>>
        %dma_start3A_826 = tpu.memref_squeeze %dma_start3A_825 : memref<1x128xi32, #tpu.memory_space<vmem>> -> memref<128xi32, #tpu.memory_space<vmem>>
        %dma_start3A_827 = arith.constant 0 : i32
        %dma_start3A_828 = tpu.memref_slice %arg3[%dma_start3A_827] : memref<2600002xf32, #tpu.memory_space<hbm>> -> memref<2600002xf32, #tpu.memory_space<hbm>>
        tpu.enqueue_indirect_dma source(%dma_start3A_828 : memref<2600002xf32, #tpu.memory_space<hbm>>) target(%dma_start3A_823 : memref<128xf32, #tpu.memory_space<vmem>>) offsets(%dma_start3A_826 : memref<128xi32, #tpu.memory_space<vmem>>) semaphore(%arg11 : memref<!tpu.dma_semaphore, #tpu.memory_space<semaphore_mem>>)
        %mul3A_829 = arith.constant 26 : i32
        %mul3A_830 = arith.muli %add3A_624, %mul3A_829 : i32
        %add3A_831 = arith.constant 17 : i32
        %add3A_832 = arith.addi %mul3A_830, %add3A_831 : i32
        %dma_start3A_833 = arith.constant 0 : i32
        %dma_start3A_834 = tpu.memref_slice %arg8[%add3A_832, %dma_start3A_833] : memref<104x128xf32, #tpu.memory_space<vmem>> -> memref<1x128xf32, #tpu.memory_space<vmem>>
        %dma_start3A_835 = tpu.memref_squeeze %dma_start3A_834 : memref<1x128xf32, #tpu.memory_space<vmem>> -> memref<128xf32, #tpu.memory_space<vmem>>
        %dma_start3A_836 = arith.constant 0 : i32
        %dma_start3A_837 = tpu.memref_slice %arg7[%add3A_832, %dma_start3A_836] : memref<104x128xi32, #tpu.memory_space<vmem>> -> memref<1x128xi32, #tpu.memory_space<vmem>>
        %dma_start3A_838 = tpu.memref_squeeze %dma_start3A_837 : memref<1x128xi32, #tpu.memory_space<vmem>> -> memref<128xi32, #tpu.memory_space<vmem>>
        %dma_start3A_839 = arith.constant 0 : i32
        %dma_start3A_840 = tpu.memref_slice %arg3[%dma_start3A_839] : memref<2600002xf32, #tpu.memory_space<hbm>> -> memref<2600002xf32, #tpu.memory_space<hbm>>
        tpu.enqueue_indirect_dma source(%dma_start3A_840 : memref<2600002xf32, #tpu.memory_space<hbm>>) target(%dma_start3A_835 : memref<128xf32, #tpu.memory_space<vmem>>) offsets(%dma_start3A_838 : memref<128xi32, #tpu.memory_space<vmem>>) semaphore(%arg11 : memref<!tpu.dma_semaphore, #tpu.memory_space<semaphore_mem>>)
        %mul3A_841 = arith.constant 26 : i32
        %mul3A_842 = arith.muli %add3A_624, %mul3A_841 : i32
        %add3A_843 = arith.constant 18 : i32
        %add3A_844 = arith.addi %mul3A_842, %add3A_843 : i32
        %dma_start3A_845 = arith.constant 0 : i32
        %dma_start3A_846 = tpu.memref_slice %arg8[%add3A_844, %dma_start3A_845] : memref<104x128xf32, #tpu.memory_space<vmem>> -> memref<1x128xf32, #tpu.memory_space<vmem>>
        %dma_start3A_847 = tpu.memref_squeeze %dma_start3A_846 : memref<1x128xf32, #tpu.memory_space<vmem>> -> memref<128xf32, #tpu.memory_space<vmem>>
        %dma_start3A_848 = arith.constant 0 : i32
        %dma_start3A_849 = tpu.memref_slice %arg7[%add3A_844, %dma_start3A_848] : memref<104x128xi32, #tpu.memory_space<vmem>> -> memref<1x128xi32, #tpu.memory_space<vmem>>
        %dma_start3A_850 = tpu.memref_squeeze %dma_start3A_849 : memref<1x128xi32, #tpu.memory_space<vmem>> -> memref<128xi32, #tpu.memory_space<vmem>>
        %dma_start3A_851 = arith.constant 0 : i32
        %dma_start3A_852 = tpu.memref_slice %arg3[%dma_start3A_851] : memref<2600002xf32, #tpu.memory_space<hbm>> -> memref<2600002xf32, #tpu.memory_space<hbm>>
        tpu.enqueue_indirect_dma source(%dma_start3A_852 : memref<2600002xf32, #tpu.memory_space<hbm>>) target(%dma_start3A_847 : memref<128xf32, #tpu.memory_space<vmem>>) offsets(%dma_start3A_850 : memref<128xi32, #tpu.memory_space<vmem>>) semaphore(%arg11 : memref<!tpu.dma_semaphore, #tpu.memory_space<semaphore_mem>>)
        %mul3A_853 = arith.constant 26 : i32
        %mul3A_854 = arith.muli %add3A_624, %mul3A_853 : i32
        %add3A_855 = arith.constant 19 : i32
        %add3A_856 = arith.addi %mul3A_854, %add3A_855 : i32
        %dma_start3A_857 = arith.constant 0 : i32
        %dma_start3A_858 = tpu.memref_slice %arg8[%add3A_856, %dma_start3A_857] : memref<104x128xf32, #tpu.memory_space<vmem>> -> memref<1x128xf32, #tpu.memory_space<vmem>>
        %dma_start3A_859 = tpu.memref_squeeze %dma_start3A_858 : memref<1x128xf32, #tpu.memory_space<vmem>> -> memref<128xf32, #tpu.memory_space<vmem>>
        %dma_start3A_860 = arith.constant 0 : i32
        %dma_start3A_861 = tpu.memref_slice %arg7[%add3A_856, %dma_start3A_860] : memref<104x128xi32, #tpu.memory_space<vmem>> -> memref<1x128xi32, #tpu.memory_space<vmem>>
        %dma_start3A_862 = tpu.memref_squeeze %dma_start3A_861 : memref<1x128xi32, #tpu.memory_space<vmem>> -> memref<128xi32, #tpu.memory_space<vmem>>
        %dma_start3A_863 = arith.constant 0 : i32
        %dma_start3A_864 = tpu.memref_slice %arg3[%dma_start3A_863] : memref<2600002xf32, #tpu.memory_space<hbm>> -> memref<2600002xf32, #tpu.memory_space<hbm>>
        tpu.enqueue_indirect_dma source(%dma_start3A_864 : memref<2600002xf32, #tpu.memory_space<hbm>>) target(%dma_start3A_859 : memref<128xf32, #tpu.memory_space<vmem>>) offsets(%dma_start3A_862 : memref<128xi32, #tpu.memory_space<vmem>>) semaphore(%arg11 : memref<!tpu.dma_semaphore, #tpu.memory_space<semaphore_mem>>)
        %mul3A_865 = arith.constant 26 : i32
        %mul3A_866 = arith.muli %add3A_624, %mul3A_865 : i32
        %add3A_867 = arith.constant 20 : i32
        %add3A_868 = arith.addi %mul3A_866, %add3A_867 : i32
        %dma_start3A_869 = arith.constant 0 : i32
        %dma_start3A_870 = tpu.memref_slice %arg8[%add3A_868, %dma_start3A_869] : memref<104x128xf32, #tpu.memory_space<vmem>> -> memref<1x128xf32, #tpu.memory_space<vmem>>
        %dma_start3A_871 = tpu.memref_squeeze %dma_start3A_870 : memref<1x128xf32, #tpu.memory_space<vmem>> -> memref<128xf32, #tpu.memory_space<vmem>>
        %dma_start3A_872 = arith.constant 0 : i32
        %dma_start3A_873 = tpu.memref_slice %arg7[%add3A_868, %dma_start3A_872] : memref<104x128xi32, #tpu.memory_space<vmem>> -> memref<1x128xi32, #tpu.memory_space<vmem>>
        %dma_start3A_874 = tpu.memref_squeeze %dma_start3A_873 : memref<1x128xi32, #tpu.memory_space<vmem>> -> memref<128xi32, #tpu.memory_space<vmem>>
        %dma_start3A_875 = arith.constant 0 : i32
        %dma_start3A_876 = tpu.memref_slice %arg3[%dma_start3A_875] : memref<2600002xf32, #tpu.memory_space<hbm>> -> memref<2600002xf32, #tpu.memory_space<hbm>>
        tpu.enqueue_indirect_dma source(%dma_start3A_876 : memref<2600002xf32, #tpu.memory_space<hbm>>) target(%dma_start3A_871 : memref<128xf32, #tpu.memory_space<vmem>>) offsets(%dma_start3A_874 : memref<128xi32, #tpu.memory_space<vmem>>) semaphore(%arg11 : memref<!tpu.dma_semaphore, #tpu.memory_space<semaphore_mem>>)
        %mul3A_877 = arith.constant 26 : i32
        %mul3A_878 = arith.muli %add3A_624, %mul3A_877 : i32
        %add3A_879 = arith.constant 21 : i32
        %add3A_880 = arith.addi %mul3A_878, %add3A_879 : i32
        %dma_start3A_881 = arith.constant 0 : i32
        %dma_start3A_882 = tpu.memref_slice %arg8[%add3A_880, %dma_start3A_881] : memref<104x128xf32, #tpu.memory_space<vmem>> -> memref<1x128xf32, #tpu.memory_space<vmem>>
        %dma_start3A_883 = tpu.memref_squeeze %dma_start3A_882 : memref<1x128xf32, #tpu.memory_space<vmem>> -> memref<128xf32, #tpu.memory_space<vmem>>
        %dma_start3A_884 = arith.constant 0 : i32
        %dma_start3A_885 = tpu.memref_slice %arg7[%add3A_880, %dma_start3A_884] : memref<104x128xi32, #tpu.memory_space<vmem>> -> memref<1x128xi32, #tpu.memory_space<vmem>>
        %dma_start3A_886 = tpu.memref_squeeze %dma_start3A_885 : memref<1x128xi32, #tpu.memory_space<vmem>> -> memref<128xi32, #tpu.memory_space<vmem>>
        %dma_start3A_887 = arith.constant 0 : i32
        %dma_start3A_888 = tpu.memref_slice %arg3[%dma_start3A_887] : memref<2600002xf32, #tpu.memory_space<hbm>> -> memref<2600002xf32, #tpu.memory_space<hbm>>
        tpu.enqueue_indirect_dma source(%dma_start3A_888 : memref<2600002xf32, #tpu.memory_space<hbm>>) target(%dma_start3A_883 : memref<128xf32, #tpu.memory_space<vmem>>) offsets(%dma_start3A_886 : memref<128xi32, #tpu.memory_space<vmem>>) semaphore(%arg11 : memref<!tpu.dma_semaphore, #tpu.memory_space<semaphore_mem>>)
        %mul3A_889 = arith.constant 26 : i32
        %mul3A_890 = arith.muli %add3A_624, %mul3A_889 : i32
        %add3A_891 = arith.constant 22 : i32
        %add3A_892 = arith.addi %mul3A_890, %add3A_891 : i32
        %dma_start3A_893 = arith.constant 0 : i32
        %dma_start3A_894 = tpu.memref_slice %arg8[%add3A_892, %dma_start3A_893] : memref<104x128xf32, #tpu.memory_space<vmem>> -> memref<1x128xf32, #tpu.memory_space<vmem>>
        %dma_start3A_895 = tpu.memref_squeeze %dma_start3A_894 : memref<1x128xf32, #tpu.memory_space<vmem>> -> memref<128xf32, #tpu.memory_space<vmem>>
        %dma_start3A_896 = arith.constant 0 : i32
        %dma_start3A_897 = tpu.memref_slice %arg7[%add3A_892, %dma_start3A_896] : memref<104x128xi32, #tpu.memory_space<vmem>> -> memref<1x128xi32, #tpu.memory_space<vmem>>
        %dma_start3A_898 = tpu.memref_squeeze %dma_start3A_897 : memref<1x128xi32, #tpu.memory_space<vmem>> -> memref<128xi32, #tpu.memory_space<vmem>>
        %dma_start3A_899 = arith.constant 0 : i32
        %dma_start3A_900 = tpu.memref_slice %arg3[%dma_start3A_899] : memref<2600002xf32, #tpu.memory_space<hbm>> -> memref<2600002xf32, #tpu.memory_space<hbm>>
        tpu.enqueue_indirect_dma source(%dma_start3A_900 : memref<2600002xf32, #tpu.memory_space<hbm>>) target(%dma_start3A_895 : memref<128xf32, #tpu.memory_space<vmem>>) offsets(%dma_start3A_898 : memref<128xi32, #tpu.memory_space<vmem>>) semaphore(%arg11 : memref<!tpu.dma_semaphore, #tpu.memory_space<semaphore_mem>>)
        %mul3A_901 = arith.constant 26 : i32
        %mul3A_902 = arith.muli %add3A_624, %mul3A_901 : i32
        %add3A_903 = arith.constant 23 : i32
        %add3A_904 = arith.addi %mul3A_902, %add3A_903 : i32
        %dma_start3A_905 = arith.constant 0 : i32
        %dma_start3A_906 = tpu.memref_slice %arg8[%add3A_904, %dma_start3A_905] : memref<104x128xf32, #tpu.memory_space<vmem>> -> memref<1x128xf32, #tpu.memory_space<vmem>>
        %dma_start3A_907 = tpu.memref_squeeze %dma_start3A_906 : memref<1x128xf32, #tpu.memory_space<vmem>> -> memref<128xf32, #tpu.memory_space<vmem>>
        %dma_start3A_908 = arith.constant 0 : i32
        %dma_start3A_909 = tpu.memref_slice %arg7[%add3A_904, %dma_start3A_908] : memref<104x128xi32, #tpu.memory_space<vmem>> -> memref<1x128xi32, #tpu.memory_space<vmem>>
        %dma_start3A_910 = tpu.memref_squeeze %dma_start3A_909 : memref<1x128xi32, #tpu.memory_space<vmem>> -> memref<128xi32, #tpu.memory_space<vmem>>
        %dma_start3A_911 = arith.constant 0 : i32
        %dma_start3A_912 = tpu.memref_slice %arg3[%dma_start3A_911] : memref<2600002xf32, #tpu.memory_space<hbm>> -> memref<2600002xf32, #tpu.memory_space<hbm>>
        tpu.enqueue_indirect_dma source(%dma_start3A_912 : memref<2600002xf32, #tpu.memory_space<hbm>>) target(%dma_start3A_907 : memref<128xf32, #tpu.memory_space<vmem>>) offsets(%dma_start3A_910 : memref<128xi32, #tpu.memory_space<vmem>>) semaphore(%arg11 : memref<!tpu.dma_semaphore, #tpu.memory_space<semaphore_mem>>)
        %mul3A_913 = arith.constant 26 : i32
        %mul3A_914 = arith.muli %add3A_624, %mul3A_913 : i32
        %add3A_915 = arith.constant 24 : i32
        %add3A_916 = arith.addi %mul3A_914, %add3A_915 : i32
        %dma_start3A_917 = arith.constant 0 : i32
        %dma_start3A_918 = tpu.memref_slice %arg8[%add3A_916, %dma_start3A_917] : memref<104x128xf32, #tpu.memory_space<vmem>> -> memref<1x128xf32, #tpu.memory_space<vmem>>
        %dma_start3A_919 = tpu.memref_squeeze %dma_start3A_918 : memref<1x128xf32, #tpu.memory_space<vmem>> -> memref<128xf32, #tpu.memory_space<vmem>>
        %dma_start3A_920 = arith.constant 0 : i32
        %dma_start3A_921 = tpu.memref_slice %arg7[%add3A_916, %dma_start3A_920] : memref<104x128xi32, #tpu.memory_space<vmem>> -> memref<1x128xi32, #tpu.memory_space<vmem>>
        %dma_start3A_922 = tpu.memref_squeeze %dma_start3A_921 : memref<1x128xi32, #tpu.memory_space<vmem>> -> memref<128xi32, #tpu.memory_space<vmem>>
        %dma_start3A_923 = arith.constant 0 : i32
        %dma_start3A_924 = tpu.memref_slice %arg3[%dma_start3A_923] : memref<2600002xf32, #tpu.memory_space<hbm>> -> memref<2600002xf32, #tpu.memory_space<hbm>>
        tpu.enqueue_indirect_dma source(%dma_start3A_924 : memref<2600002xf32, #tpu.memory_space<hbm>>) target(%dma_start3A_919 : memref<128xf32, #tpu.memory_space<vmem>>) offsets(%dma_start3A_922 : memref<128xi32, #tpu.memory_space<vmem>>) semaphore(%arg11 : memref<!tpu.dma_semaphore, #tpu.memory_space<semaphore_mem>>)
        %mul3A_925 = arith.constant 26 : i32
        %mul3A_926 = arith.muli %add3A_624, %mul3A_925 : i32
        %add3A_927 = arith.constant 25 : i32
        %add3A_928 = arith.addi %mul3A_926, %add3A_927 : i32
        %dma_start3A_929 = arith.constant 0 : i32
        %dma_start3A_930 = tpu.memref_slice %arg8[%add3A_928, %dma_start3A_929] : memref<104x128xf32, #tpu.memory_space<vmem>> -> memref<1x128xf32, #tpu.memory_space<vmem>>
        %dma_start3A_931 = tpu.memref_squeeze %dma_start3A_930 : memref<1x128xf32, #tpu.memory_space<vmem>> -> memref<128xf32, #tpu.memory_space<vmem>>
        %dma_start3A_932 = arith.constant 0 : i32
        %dma_start3A_933 = tpu.memref_slice %arg7[%add3A_928, %dma_start3A_932] : memref<104x128xi32, #tpu.memory_space<vmem>> -> memref<1x128xi32, #tpu.memory_space<vmem>>
        %dma_start3A_934 = tpu.memref_squeeze %dma_start3A_933 : memref<1x128xi32, #tpu.memory_space<vmem>> -> memref<128xi32, #tpu.memory_space<vmem>>
        %dma_start3A_935 = arith.constant 0 : i32
        %dma_start3A_936 = tpu.memref_slice %arg3[%dma_start3A_935] : memref<2600002xf32, #tpu.memory_space<hbm>> -> memref<2600002xf32, #tpu.memory_space<hbm>>
        tpu.enqueue_indirect_dma source(%dma_start3A_936 : memref<2600002xf32, #tpu.memory_space<hbm>>) target(%dma_start3A_931 : memref<128xf32, #tpu.memory_space<vmem>>) offsets(%dma_start3A_934 : memref<128xi32, #tpu.memory_space<vmem>>) semaphore(%arg11 : memref<!tpu.dma_semaphore, #tpu.memory_space<semaphore_mem>>)
      } else {
      }
      %mul3A_281 = arith.constant 26 : i32
      %mul3A_282 = arith.muli %scan3A_276, %mul3A_281 : i32
      %add3A_283 = arith.constant 0 : i32
      %add3A_284 = arith.addi %mul3A_282, %add3A_283 : i32
      %dma_wait3A = arith.constant 0 : i32
      %dma_wait3A_285 = tpu.memref_slice %arg8[%add3A_284, %dma_wait3A] : memref<104x128xf32, #tpu.memory_space<vmem>> -> memref<1x128xf32, #tpu.memory_space<vmem>>
      %dma_wait3A_286 = tpu.memref_squeeze %dma_wait3A_285 : memref<1x128xf32, #tpu.memory_space<vmem>> -> memref<128xf32, #tpu.memory_space<vmem>>
      %dma_wait3A_287 = arith.constant 0 : i32
      %dma_wait3A_288 = tpu.memref_slice %arg7[%add3A_284, %dma_wait3A_287] : memref<104x128xi32, #tpu.memory_space<vmem>> -> memref<1x128xi32, #tpu.memory_space<vmem>>
      %dma_wait3A_289 = tpu.memref_squeeze %dma_wait3A_288 : memref<1x128xi32, #tpu.memory_space<vmem>> -> memref<128xi32, #tpu.memory_space<vmem>>
      %dma_wait3A_290 = arith.constant 0 : i32
      %dma_wait3A_291 = tpu.memref_slice %arg3[%dma_wait3A_290] : memref<2600002xf32, #tpu.memory_space<hbm>> -> memref<2600002xf32, #tpu.memory_space<hbm>>
      tpu.wait_indirect_dma semaphore(%arg11 : memref<!tpu.dma_semaphore, #tpu.memory_space<semaphore_mem>>) src(%dma_wait3A_291 : memref<2600002xf32, #tpu.memory_space<hbm>>) dst(%dma_wait3A_286 : memref<128xf32, #tpu.memory_space<vmem>>)
      %mul3A_292 = arith.constant 26 : i32
      %mul3A_293 = arith.muli %scan3A_276, %mul3A_292 : i32
      %add3A_294 = arith.constant 1 : i32
      %add3A_295 = arith.addi %mul3A_293, %add3A_294 : i32
      %dma_wait3A_296 = arith.constant 0 : i32
      %dma_wait3A_297 = tpu.memref_slice %arg8[%add3A_295, %dma_wait3A_296] : memref<104x128xf32, #tpu.memory_space<vmem>> -> memref<1x128xf32, #tpu.memory_space<vmem>>
      %dma_wait3A_298 = tpu.memref_squeeze %dma_wait3A_297 : memref<1x128xf32, #tpu.memory_space<vmem>> -> memref<128xf32, #tpu.memory_space<vmem>>
      %dma_wait3A_299 = arith.constant 0 : i32
      %dma_wait3A_300 = tpu.memref_slice %arg7[%add3A_295, %dma_wait3A_299] : memref<104x128xi32, #tpu.memory_space<vmem>> -> memref<1x128xi32, #tpu.memory_space<vmem>>
      %dma_wait3A_301 = tpu.memref_squeeze %dma_wait3A_300 : memref<1x128xi32, #tpu.memory_space<vmem>> -> memref<128xi32, #tpu.memory_space<vmem>>
      %dma_wait3A_302 = arith.constant 0 : i32
      %dma_wait3A_303 = tpu.memref_slice %arg3[%dma_wait3A_302] : memref<2600002xf32, #tpu.memory_space<hbm>> -> memref<2600002xf32, #tpu.memory_space<hbm>>
      tpu.wait_indirect_dma semaphore(%arg11 : memref<!tpu.dma_semaphore, #tpu.memory_space<semaphore_mem>>) src(%dma_wait3A_303 : memref<2600002xf32, #tpu.memory_space<hbm>>) dst(%dma_wait3A_298 : memref<128xf32, #tpu.memory_space<vmem>>)
      %mul3A_304 = arith.constant 26 : i32
      %mul3A_305 = arith.muli %scan3A_276, %mul3A_304 : i32
      %add3A_306 = arith.constant 2 : i32
      %add3A_307 = arith.addi %mul3A_305, %add3A_306 : i32
      %dma_wait3A_308 = arith.constant 0 : i32
      %dma_wait3A_309 = tpu.memref_slice %arg8[%add3A_307, %dma_wait3A_308] : memref<104x128xf32, #tpu.memory_space<vmem>> -> memref<1x128xf32, #tpu.memory_space<vmem>>
      %dma_wait3A_310 = tpu.memref_squeeze %dma_wait3A_309 : memref<1x128xf32, #tpu.memory_space<vmem>> -> memref<128xf32, #tpu.memory_space<vmem>>
      %dma_wait3A_311 = arith.constant 0 : i32
      %dma_wait3A_312 = tpu.memref_slice %arg7[%add3A_307, %dma_wait3A_311] : memref<104x128xi32, #tpu.memory_space<vmem>> -> memref<1x128xi32, #tpu.memory_space<vmem>>
      %dma_wait3A_313 = tpu.memref_squeeze %dma_wait3A_312 : memref<1x128xi32, #tpu.memory_space<vmem>> -> memref<128xi32, #tpu.memory_space<vmem>>
      %dma_wait3A_314 = arith.constant 0 : i32
      %dma_wait3A_315 = tpu.memref_slice %arg3[%dma_wait3A_314] : memref<2600002xf32, #tpu.memory_space<hbm>> -> memref<2600002xf32, #tpu.memory_space<hbm>>
      tpu.wait_indirect_dma semaphore(%arg11 : memref<!tpu.dma_semaphore, #tpu.memory_space<semaphore_mem>>) src(%dma_wait3A_315 : memref<2600002xf32, #tpu.memory_space<hbm>>) dst(%dma_wait3A_310 : memref<128xf32, #tpu.memory_space<vmem>>)
      %mul3A_316 = arith.constant 26 : i32
      %mul3A_317 = arith.muli %scan3A_276, %mul3A_316 : i32
      %add3A_318 = arith.constant 3 : i32
      %add3A_319 = arith.addi %mul3A_317, %add3A_318 : i32
      %dma_wait3A_320 = arith.constant 0 : i32
      %dma_wait3A_321 = tpu.memref_slice %arg8[%add3A_319, %dma_wait3A_320] : memref<104x128xf32, #tpu.memory_space<vmem>> -> memref<1x128xf32, #tpu.memory_space<vmem>>
      %dma_wait3A_322 = tpu.memref_squeeze %dma_wait3A_321 : memref<1x128xf32, #tpu.memory_space<vmem>> -> memref<128xf32, #tpu.memory_space<vmem>>
      %dma_wait3A_323 = arith.constant 0 : i32
      %dma_wait3A_324 = tpu.memref_slice %arg7[%add3A_319, %dma_wait3A_323] : memref<104x128xi32, #tpu.memory_space<vmem>> -> memref<1x128xi32, #tpu.memory_space<vmem>>
      %dma_wait3A_325 = tpu.memref_squeeze %dma_wait3A_324 : memref<1x128xi32, #tpu.memory_space<vmem>> -> memref<128xi32, #tpu.memory_space<vmem>>
      %dma_wait3A_326 = arith.constant 0 : i32
      %dma_wait3A_327 = tpu.memref_slice %arg3[%dma_wait3A_326] : memref<2600002xf32, #tpu.memory_space<hbm>> -> memref<2600002xf32, #tpu.memory_space<hbm>>
      tpu.wait_indirect_dma semaphore(%arg11 : memref<!tpu.dma_semaphore, #tpu.memory_space<semaphore_mem>>) src(%dma_wait3A_327 : memref<2600002xf32, #tpu.memory_space<hbm>>) dst(%dma_wait3A_322 : memref<128xf32, #tpu.memory_space<vmem>>)
      %mul3A_328 = arith.constant 26 : i32
      %mul3A_329 = arith.muli %scan3A_276, %mul3A_328 : i32
      %add3A_330 = arith.constant 4 : i32
      %add3A_331 = arith.addi %mul3A_329, %add3A_330 : i32
      %dma_wait3A_332 = arith.constant 0 : i32
      %dma_wait3A_333 = tpu.memref_slice %arg8[%add3A_331, %dma_wait3A_332] : memref<104x128xf32, #tpu.memory_space<vmem>> -> memref<1x128xf32, #tpu.memory_space<vmem>>
      %dma_wait3A_334 = tpu.memref_squeeze %dma_wait3A_333 : memref<1x128xf32, #tpu.memory_space<vmem>> -> memref<128xf32, #tpu.memory_space<vmem>>
      %dma_wait3A_335 = arith.constant 0 : i32
      %dma_wait3A_336 = tpu.memref_slice %arg7[%add3A_331, %dma_wait3A_335] : memref<104x128xi32, #tpu.memory_space<vmem>> -> memref<1x128xi32, #tpu.memory_space<vmem>>
      %dma_wait3A_337 = tpu.memref_squeeze %dma_wait3A_336 : memref<1x128xi32, #tpu.memory_space<vmem>> -> memref<128xi32, #tpu.memory_space<vmem>>
      %dma_wait3A_338 = arith.constant 0 : i32
      %dma_wait3A_339 = tpu.memref_slice %arg3[%dma_wait3A_338] : memref<2600002xf32, #tpu.memory_space<hbm>> -> memref<2600002xf32, #tpu.memory_space<hbm>>
      tpu.wait_indirect_dma semaphore(%arg11 : memref<!tpu.dma_semaphore, #tpu.memory_space<semaphore_mem>>) src(%dma_wait3A_339 : memref<2600002xf32, #tpu.memory_space<hbm>>) dst(%dma_wait3A_334 : memref<128xf32, #tpu.memory_space<vmem>>)
      %mul3A_340 = arith.constant 26 : i32
      %mul3A_341 = arith.muli %scan3A_276, %mul3A_340 : i32
      %add3A_342 = arith.constant 5 : i32
      %add3A_343 = arith.addi %mul3A_341, %add3A_342 : i32
      %dma_wait3A_344 = arith.constant 0 : i32
      %dma_wait3A_345 = tpu.memref_slice %arg8[%add3A_343, %dma_wait3A_344] : memref<104x128xf32, #tpu.memory_space<vmem>> -> memref<1x128xf32, #tpu.memory_space<vmem>>
      %dma_wait3A_346 = tpu.memref_squeeze %dma_wait3A_345 : memref<1x128xf32, #tpu.memory_space<vmem>> -> memref<128xf32, #tpu.memory_space<vmem>>
      %dma_wait3A_347 = arith.constant 0 : i32
      %dma_wait3A_348 = tpu.memref_slice %arg7[%add3A_343, %dma_wait3A_347] : memref<104x128xi32, #tpu.memory_space<vmem>> -> memref<1x128xi32, #tpu.memory_space<vmem>>
      %dma_wait3A_349 = tpu.memref_squeeze %dma_wait3A_348 : memref<1x128xi32, #tpu.memory_space<vmem>> -> memref<128xi32, #tpu.memory_space<vmem>>
      %dma_wait3A_350 = arith.constant 0 : i32
      %dma_wait3A_351 = tpu.memref_slice %arg3[%dma_wait3A_350] : memref<2600002xf32, #tpu.memory_space<hbm>> -> memref<2600002xf32, #tpu.memory_space<hbm>>
      tpu.wait_indirect_dma semaphore(%arg11 : memref<!tpu.dma_semaphore, #tpu.memory_space<semaphore_mem>>) src(%dma_wait3A_351 : memref<2600002xf32, #tpu.memory_space<hbm>>) dst(%dma_wait3A_346 : memref<128xf32, #tpu.memory_space<vmem>>)
      %mul3A_352 = arith.constant 26 : i32
      %mul3A_353 = arith.muli %scan3A_276, %mul3A_352 : i32
      %add3A_354 = arith.constant 6 : i32
      %add3A_355 = arith.addi %mul3A_353, %add3A_354 : i32
      %dma_wait3A_356 = arith.constant 0 : i32
      %dma_wait3A_357 = tpu.memref_slice %arg8[%add3A_355, %dma_wait3A_356] : memref<104x128xf32, #tpu.memory_space<vmem>> -> memref<1x128xf32, #tpu.memory_space<vmem>>
      %dma_wait3A_358 = tpu.memref_squeeze %dma_wait3A_357 : memref<1x128xf32, #tpu.memory_space<vmem>> -> memref<128xf32, #tpu.memory_space<vmem>>
      %dma_wait3A_359 = arith.constant 0 : i32
      %dma_wait3A_360 = tpu.memref_slice %arg7[%add3A_355, %dma_wait3A_359] : memref<104x128xi32, #tpu.memory_space<vmem>> -> memref<1x128xi32, #tpu.memory_space<vmem>>
      %dma_wait3A_361 = tpu.memref_squeeze %dma_wait3A_360 : memref<1x128xi32, #tpu.memory_space<vmem>> -> memref<128xi32, #tpu.memory_space<vmem>>
      %dma_wait3A_362 = arith.constant 0 : i32
      %dma_wait3A_363 = tpu.memref_slice %arg3[%dma_wait3A_362] : memref<2600002xf32, #tpu.memory_space<hbm>> -> memref<2600002xf32, #tpu.memory_space<hbm>>
      tpu.wait_indirect_dma semaphore(%arg11 : memref<!tpu.dma_semaphore, #tpu.memory_space<semaphore_mem>>) src(%dma_wait3A_363 : memref<2600002xf32, #tpu.memory_space<hbm>>) dst(%dma_wait3A_358 : memref<128xf32, #tpu.memory_space<vmem>>)
      %mul3A_364 = arith.constant 26 : i32
      %mul3A_365 = arith.muli %scan3A_276, %mul3A_364 : i32
      %add3A_366 = arith.constant 7 : i32
      %add3A_367 = arith.addi %mul3A_365, %add3A_366 : i32
      %dma_wait3A_368 = arith.constant 0 : i32
      %dma_wait3A_369 = tpu.memref_slice %arg8[%add3A_367, %dma_wait3A_368] : memref<104x128xf32, #tpu.memory_space<vmem>> -> memref<1x128xf32, #tpu.memory_space<vmem>>
      %dma_wait3A_370 = tpu.memref_squeeze %dma_wait3A_369 : memref<1x128xf32, #tpu.memory_space<vmem>> -> memref<128xf32, #tpu.memory_space<vmem>>
      %dma_wait3A_371 = arith.constant 0 : i32
      %dma_wait3A_372 = tpu.memref_slice %arg7[%add3A_367, %dma_wait3A_371] : memref<104x128xi32, #tpu.memory_space<vmem>> -> memref<1x128xi32, #tpu.memory_space<vmem>>
      %dma_wait3A_373 = tpu.memref_squeeze %dma_wait3A_372 : memref<1x128xi32, #tpu.memory_space<vmem>> -> memref<128xi32, #tpu.memory_space<vmem>>
      %dma_wait3A_374 = arith.constant 0 : i32
      %dma_wait3A_375 = tpu.memref_slice %arg3[%dma_wait3A_374] : memref<2600002xf32, #tpu.memory_space<hbm>> -> memref<2600002xf32, #tpu.memory_space<hbm>>
      tpu.wait_indirect_dma semaphore(%arg11 : memref<!tpu.dma_semaphore, #tpu.memory_space<semaphore_mem>>) src(%dma_wait3A_375 : memref<2600002xf32, #tpu.memory_space<hbm>>) dst(%dma_wait3A_370 : memref<128xf32, #tpu.memory_space<vmem>>)
      %mul3A_376 = arith.constant 26 : i32
      %mul3A_377 = arith.muli %scan3A_276, %mul3A_376 : i32
      %add3A_378 = arith.constant 8 : i32
      %add3A_379 = arith.addi %mul3A_377, %add3A_378 : i32
      %dma_wait3A_380 = arith.constant 0 : i32
      %dma_wait3A_381 = tpu.memref_slice %arg8[%add3A_379, %dma_wait3A_380] : memref<104x128xf32, #tpu.memory_space<vmem>> -> memref<1x128xf32, #tpu.memory_space<vmem>>
      %dma_wait3A_382 = tpu.memref_squeeze %dma_wait3A_381 : memref<1x128xf32, #tpu.memory_space<vmem>> -> memref<128xf32, #tpu.memory_space<vmem>>
      %dma_wait3A_383 = arith.constant 0 : i32
      %dma_wait3A_384 = tpu.memref_slice %arg7[%add3A_379, %dma_wait3A_383] : memref<104x128xi32, #tpu.memory_space<vmem>> -> memref<1x128xi32, #tpu.memory_space<vmem>>
      %dma_wait3A_385 = tpu.memref_squeeze %dma_wait3A_384 : memref<1x128xi32, #tpu.memory_space<vmem>> -> memref<128xi32, #tpu.memory_space<vmem>>
      %dma_wait3A_386 = arith.constant 0 : i32
      %dma_wait3A_387 = tpu.memref_slice %arg3[%dma_wait3A_386] : memref<2600002xf32, #tpu.memory_space<hbm>> -> memref<2600002xf32, #tpu.memory_space<hbm>>
      tpu.wait_indirect_dma semaphore(%arg11 : memref<!tpu.dma_semaphore, #tpu.memory_space<semaphore_mem>>) src(%dma_wait3A_387 : memref<2600002xf32, #tpu.memory_space<hbm>>) dst(%dma_wait3A_382 : memref<128xf32, #tpu.memory_space<vmem>>)
      %mul3A_388 = arith.constant 26 : i32
      %mul3A_389 = arith.muli %scan3A_276, %mul3A_388 : i32
      %add3A_390 = arith.constant 9 : i32
      %add3A_391 = arith.addi %mul3A_389, %add3A_390 : i32
      %dma_wait3A_392 = arith.constant 0 : i32
      %dma_wait3A_393 = tpu.memref_slice %arg8[%add3A_391, %dma_wait3A_392] : memref<104x128xf32, #tpu.memory_space<vmem>> -> memref<1x128xf32, #tpu.memory_space<vmem>>
      %dma_wait3A_394 = tpu.memref_squeeze %dma_wait3A_393 : memref<1x128xf32, #tpu.memory_space<vmem>> -> memref<128xf32, #tpu.memory_space<vmem>>
      %dma_wait3A_395 = arith.constant 0 : i32
      %dma_wait3A_396 = tpu.memref_slice %arg7[%add3A_391, %dma_wait3A_395] : memref<104x128xi32, #tpu.memory_space<vmem>> -> memref<1x128xi32, #tpu.memory_space<vmem>>
      %dma_wait3A_397 = tpu.memref_squeeze %dma_wait3A_396 : memref<1x128xi32, #tpu.memory_space<vmem>> -> memref<128xi32, #tpu.memory_space<vmem>>
      %dma_wait3A_398 = arith.constant 0 : i32
      %dma_wait3A_399 = tpu.memref_slice %arg3[%dma_wait3A_398] : memref<2600002xf32, #tpu.memory_space<hbm>> -> memref<2600002xf32, #tpu.memory_space<hbm>>
      tpu.wait_indirect_dma semaphore(%arg11 : memref<!tpu.dma_semaphore, #tpu.memory_space<semaphore_mem>>) src(%dma_wait3A_399 : memref<2600002xf32, #tpu.memory_space<hbm>>) dst(%dma_wait3A_394 : memref<128xf32, #tpu.memory_space<vmem>>)
      %mul3A_400 = arith.constant 26 : i32
      %mul3A_401 = arith.muli %scan3A_276, %mul3A_400 : i32
      %add3A_402 = arith.constant 10 : i32
      %add3A_403 = arith.addi %mul3A_401, %add3A_402 : i32
      %dma_wait3A_404 = arith.constant 0 : i32
      %dma_wait3A_405 = tpu.memref_slice %arg8[%add3A_403, %dma_wait3A_404] : memref<104x128xf32, #tpu.memory_space<vmem>> -> memref<1x128xf32, #tpu.memory_space<vmem>>
      %dma_wait3A_406 = tpu.memref_squeeze %dma_wait3A_405 : memref<1x128xf32, #tpu.memory_space<vmem>> -> memref<128xf32, #tpu.memory_space<vmem>>
      %dma_wait3A_407 = arith.constant 0 : i32
      %dma_wait3A_408 = tpu.memref_slice %arg7[%add3A_403, %dma_wait3A_407] : memref<104x128xi32, #tpu.memory_space<vmem>> -> memref<1x128xi32, #tpu.memory_space<vmem>>
      %dma_wait3A_409 = tpu.memref_squeeze %dma_wait3A_408 : memref<1x128xi32, #tpu.memory_space<vmem>> -> memref<128xi32, #tpu.memory_space<vmem>>
      %dma_wait3A_410 = arith.constant 0 : i32
      %dma_wait3A_411 = tpu.memref_slice %arg3[%dma_wait3A_410] : memref<2600002xf32, #tpu.memory_space<hbm>> -> memref<2600002xf32, #tpu.memory_space<hbm>>
      tpu.wait_indirect_dma semaphore(%arg11 : memref<!tpu.dma_semaphore, #tpu.memory_space<semaphore_mem>>) src(%dma_wait3A_411 : memref<2600002xf32, #tpu.memory_space<hbm>>) dst(%dma_wait3A_406 : memref<128xf32, #tpu.memory_space<vmem>>)
      %mul3A_412 = arith.constant 26 : i32
      %mul3A_413 = arith.muli %scan3A_276, %mul3A_412 : i32
      %add3A_414 = arith.constant 11 : i32
      %add3A_415 = arith.addi %mul3A_413, %add3A_414 : i32
      %dma_wait3A_416 = arith.constant 0 : i32
      %dma_wait3A_417 = tpu.memref_slice %arg8[%add3A_415, %dma_wait3A_416] : memref<104x128xf32, #tpu.memory_space<vmem>> -> memref<1x128xf32, #tpu.memory_space<vmem>>
      %dma_wait3A_418 = tpu.memref_squeeze %dma_wait3A_417 : memref<1x128xf32, #tpu.memory_space<vmem>> -> memref<128xf32, #tpu.memory_space<vmem>>
      %dma_wait3A_419 = arith.constant 0 : i32
      %dma_wait3A_420 = tpu.memref_slice %arg7[%add3A_415, %dma_wait3A_419] : memref<104x128xi32, #tpu.memory_space<vmem>> -> memref<1x128xi32, #tpu.memory_space<vmem>>
      %dma_wait3A_421 = tpu.memref_squeeze %dma_wait3A_420 : memref<1x128xi32, #tpu.memory_space<vmem>> -> memref<128xi32, #tpu.memory_space<vmem>>
      %dma_wait3A_422 = arith.constant 0 : i32
      %dma_wait3A_423 = tpu.memref_slice %arg3[%dma_wait3A_422] : memref<2600002xf32, #tpu.memory_space<hbm>> -> memref<2600002xf32, #tpu.memory_space<hbm>>
      tpu.wait_indirect_dma semaphore(%arg11 : memref<!tpu.dma_semaphore, #tpu.memory_space<semaphore_mem>>) src(%dma_wait3A_423 : memref<2600002xf32, #tpu.memory_space<hbm>>) dst(%dma_wait3A_418 : memref<128xf32, #tpu.memory_space<vmem>>)
      %mul3A_424 = arith.constant 26 : i32
      %mul3A_425 = arith.muli %scan3A_276, %mul3A_424 : i32
      %add3A_426 = arith.constant 12 : i32
      %add3A_427 = arith.addi %mul3A_425, %add3A_426 : i32
      %dma_wait3A_428 = arith.constant 0 : i32
      %dma_wait3A_429 = tpu.memref_slice %arg8[%add3A_427, %dma_wait3A_428] : memref<104x128xf32, #tpu.memory_space<vmem>> -> memref<1x128xf32, #tpu.memory_space<vmem>>
      %dma_wait3A_430 = tpu.memref_squeeze %dma_wait3A_429 : memref<1x128xf32, #tpu.memory_space<vmem>> -> memref<128xf32, #tpu.memory_space<vmem>>
      %dma_wait3A_431 = arith.constant 0 : i32
      %dma_wait3A_432 = tpu.memref_slice %arg7[%add3A_427, %dma_wait3A_431] : memref<104x128xi32, #tpu.memory_space<vmem>> -> memref<1x128xi32, #tpu.memory_space<vmem>>
      %dma_wait3A_433 = tpu.memref_squeeze %dma_wait3A_432 : memref<1x128xi32, #tpu.memory_space<vmem>> -> memref<128xi32, #tpu.memory_space<vmem>>
      %dma_wait3A_434 = arith.constant 0 : i32
      %dma_wait3A_435 = tpu.memref_slice %arg3[%dma_wait3A_434] : memref<2600002xf32, #tpu.memory_space<hbm>> -> memref<2600002xf32, #tpu.memory_space<hbm>>
      tpu.wait_indirect_dma semaphore(%arg11 : memref<!tpu.dma_semaphore, #tpu.memory_space<semaphore_mem>>) src(%dma_wait3A_435 : memref<2600002xf32, #tpu.memory_space<hbm>>) dst(%dma_wait3A_430 : memref<128xf32, #tpu.memory_space<vmem>>)
      %mul3A_436 = arith.constant 26 : i32
      %mul3A_437 = arith.muli %scan3A_276, %mul3A_436 : i32
      %add3A_438 = arith.constant 13 : i32
      %add3A_439 = arith.addi %mul3A_437, %add3A_438 : i32
      %dma_wait3A_440 = arith.constant 0 : i32
      %dma_wait3A_441 = tpu.memref_slice %arg8[%add3A_439, %dma_wait3A_440] : memref<104x128xf32, #tpu.memory_space<vmem>> -> memref<1x128xf32, #tpu.memory_space<vmem>>
      %dma_wait3A_442 = tpu.memref_squeeze %dma_wait3A_441 : memref<1x128xf32, #tpu.memory_space<vmem>> -> memref<128xf32, #tpu.memory_space<vmem>>
      %dma_wait3A_443 = arith.constant 0 : i32
      %dma_wait3A_444 = tpu.memref_slice %arg7[%add3A_439, %dma_wait3A_443] : memref<104x128xi32, #tpu.memory_space<vmem>> -> memref<1x128xi32, #tpu.memory_space<vmem>>
      %dma_wait3A_445 = tpu.memref_squeeze %dma_wait3A_444 : memref<1x128xi32, #tpu.memory_space<vmem>> -> memref<128xi32, #tpu.memory_space<vmem>>
      %dma_wait3A_446 = arith.constant 0 : i32
      %dma_wait3A_447 = tpu.memref_slice %arg3[%dma_wait3A_446] : memref<2600002xf32, #tpu.memory_space<hbm>> -> memref<2600002xf32, #tpu.memory_space<hbm>>
      tpu.wait_indirect_dma semaphore(%arg11 : memref<!tpu.dma_semaphore, #tpu.memory_space<semaphore_mem>>) src(%dma_wait3A_447 : memref<2600002xf32, #tpu.memory_space<hbm>>) dst(%dma_wait3A_442 : memref<128xf32, #tpu.memory_space<vmem>>)
      %mul3A_448 = arith.constant 26 : i32
      %mul3A_449 = arith.muli %scan3A_276, %mul3A_448 : i32
      %add3A_450 = arith.constant 14 : i32
      %add3A_451 = arith.addi %mul3A_449, %add3A_450 : i32
      %dma_wait3A_452 = arith.constant 0 : i32
      %dma_wait3A_453 = tpu.memref_slice %arg8[%add3A_451, %dma_wait3A_452] : memref<104x128xf32, #tpu.memory_space<vmem>> -> memref<1x128xf32, #tpu.memory_space<vmem>>
      %dma_wait3A_454 = tpu.memref_squeeze %dma_wait3A_453 : memref<1x128xf32, #tpu.memory_space<vmem>> -> memref<128xf32, #tpu.memory_space<vmem>>
      %dma_wait3A_455 = arith.constant 0 : i32
      %dma_wait3A_456 = tpu.memref_slice %arg7[%add3A_451, %dma_wait3A_455] : memref<104x128xi32, #tpu.memory_space<vmem>> -> memref<1x128xi32, #tpu.memory_space<vmem>>
      %dma_wait3A_457 = tpu.memref_squeeze %dma_wait3A_456 : memref<1x128xi32, #tpu.memory_space<vmem>> -> memref<128xi32, #tpu.memory_space<vmem>>
      %dma_wait3A_458 = arith.constant 0 : i32
      %dma_wait3A_459 = tpu.memref_slice %arg3[%dma_wait3A_458] : memref<2600002xf32, #tpu.memory_space<hbm>> -> memref<2600002xf32, #tpu.memory_space<hbm>>
      tpu.wait_indirect_dma semaphore(%arg11 : memref<!tpu.dma_semaphore, #tpu.memory_space<semaphore_mem>>) src(%dma_wait3A_459 : memref<2600002xf32, #tpu.memory_space<hbm>>) dst(%dma_wait3A_454 : memref<128xf32, #tpu.memory_space<vmem>>)
      %mul3A_460 = arith.constant 26 : i32
      %mul3A_461 = arith.muli %scan3A_276, %mul3A_460 : i32
      %add3A_462 = arith.constant 15 : i32
      %add3A_463 = arith.addi %mul3A_461, %add3A_462 : i32
      %dma_wait3A_464 = arith.constant 0 : i32
      %dma_wait3A_465 = tpu.memref_slice %arg8[%add3A_463, %dma_wait3A_464] : memref<104x128xf32, #tpu.memory_space<vmem>> -> memref<1x128xf32, #tpu.memory_space<vmem>>
      %dma_wait3A_466 = tpu.memref_squeeze %dma_wait3A_465 : memref<1x128xf32, #tpu.memory_space<vmem>> -> memref<128xf32, #tpu.memory_space<vmem>>
      %dma_wait3A_467 = arith.constant 0 : i32
      %dma_wait3A_468 = tpu.memref_slice %arg7[%add3A_463, %dma_wait3A_467] : memref<104x128xi32, #tpu.memory_space<vmem>> -> memref<1x128xi32, #tpu.memory_space<vmem>>
      %dma_wait3A_469 = tpu.memref_squeeze %dma_wait3A_468 : memref<1x128xi32, #tpu.memory_space<vmem>> -> memref<128xi32, #tpu.memory_space<vmem>>
      %dma_wait3A_470 = arith.constant 0 : i32
      %dma_wait3A_471 = tpu.memref_slice %arg3[%dma_wait3A_470] : memref<2600002xf32, #tpu.memory_space<hbm>> -> memref<2600002xf32, #tpu.memory_space<hbm>>
      tpu.wait_indirect_dma semaphore(%arg11 : memref<!tpu.dma_semaphore, #tpu.memory_space<semaphore_mem>>) src(%dma_wait3A_471 : memref<2600002xf32, #tpu.memory_space<hbm>>) dst(%dma_wait3A_466 : memref<128xf32, #tpu.memory_space<vmem>>)
      %mul3A_472 = arith.constant 26 : i32
      %mul3A_473 = arith.muli %scan3A_276, %mul3A_472 : i32
      %add3A_474 = arith.constant 16 : i32
      %add3A_475 = arith.addi %mul3A_473, %add3A_474 : i32
      %dma_wait3A_476 = arith.constant 0 : i32
      %dma_wait3A_477 = tpu.memref_slice %arg8[%add3A_475, %dma_wait3A_476] : memref<104x128xf32, #tpu.memory_space<vmem>> -> memref<1x128xf32, #tpu.memory_space<vmem>>
      %dma_wait3A_478 = tpu.memref_squeeze %dma_wait3A_477 : memref<1x128xf32, #tpu.memory_space<vmem>> -> memref<128xf32, #tpu.memory_space<vmem>>
      %dma_wait3A_479 = arith.constant 0 : i32
      %dma_wait3A_480 = tpu.memref_slice %arg7[%add3A_475, %dma_wait3A_479] : memref<104x128xi32, #tpu.memory_space<vmem>> -> memref<1x128xi32, #tpu.memory_space<vmem>>
      %dma_wait3A_481 = tpu.memref_squeeze %dma_wait3A_480 : memref<1x128xi32, #tpu.memory_space<vmem>> -> memref<128xi32, #tpu.memory_space<vmem>>
      %dma_wait3A_482 = arith.constant 0 : i32
      %dma_wait3A_483 = tpu.memref_slice %arg3[%dma_wait3A_482] : memref<2600002xf32, #tpu.memory_space<hbm>> -> memref<2600002xf32, #tpu.memory_space<hbm>>
      tpu.wait_indirect_dma semaphore(%arg11 : memref<!tpu.dma_semaphore, #tpu.memory_space<semaphore_mem>>) src(%dma_wait3A_483 : memref<2600002xf32, #tpu.memory_space<hbm>>) dst(%dma_wait3A_478 : memref<128xf32, #tpu.memory_space<vmem>>)
      %mul3A_484 = arith.constant 26 : i32
      %mul3A_485 = arith.muli %scan3A_276, %mul3A_484 : i32
      %add3A_486 = arith.constant 17 : i32
      %add3A_487 = arith.addi %mul3A_485, %add3A_486 : i32
      %dma_wait3A_488 = arith.constant 0 : i32
      %dma_wait3A_489 = tpu.memref_slice %arg8[%add3A_487, %dma_wait3A_488] : memref<104x128xf32, #tpu.memory_space<vmem>> -> memref<1x128xf32, #tpu.memory_space<vmem>>
      %dma_wait3A_490 = tpu.memref_squeeze %dma_wait3A_489 : memref<1x128xf32, #tpu.memory_space<vmem>> -> memref<128xf32, #tpu.memory_space<vmem>>
      %dma_wait3A_491 = arith.constant 0 : i32
      %dma_wait3A_492 = tpu.memref_slice %arg7[%add3A_487, %dma_wait3A_491] : memref<104x128xi32, #tpu.memory_space<vmem>> -> memref<1x128xi32, #tpu.memory_space<vmem>>
      %dma_wait3A_493 = tpu.memref_squeeze %dma_wait3A_492 : memref<1x128xi32, #tpu.memory_space<vmem>> -> memref<128xi32, #tpu.memory_space<vmem>>
      %dma_wait3A_494 = arith.constant 0 : i32
      %dma_wait3A_495 = tpu.memref_slice %arg3[%dma_wait3A_494] : memref<2600002xf32, #tpu.memory_space<hbm>> -> memref<2600002xf32, #tpu.memory_space<hbm>>
      tpu.wait_indirect_dma semaphore(%arg11 : memref<!tpu.dma_semaphore, #tpu.memory_space<semaphore_mem>>) src(%dma_wait3A_495 : memref<2600002xf32, #tpu.memory_space<hbm>>) dst(%dma_wait3A_490 : memref<128xf32, #tpu.memory_space<vmem>>)
      %mul3A_496 = arith.constant 26 : i32
      %mul3A_497 = arith.muli %scan3A_276, %mul3A_496 : i32
      %add3A_498 = arith.constant 18 : i32
      %add3A_499 = arith.addi %mul3A_497, %add3A_498 : i32
      %dma_wait3A_500 = arith.constant 0 : i32
      %dma_wait3A_501 = tpu.memref_slice %arg8[%add3A_499, %dma_wait3A_500] : memref<104x128xf32, #tpu.memory_space<vmem>> -> memref<1x128xf32, #tpu.memory_space<vmem>>
      %dma_wait3A_502 = tpu.memref_squeeze %dma_wait3A_501 : memref<1x128xf32, #tpu.memory_space<vmem>> -> memref<128xf32, #tpu.memory_space<vmem>>
      %dma_wait3A_503 = arith.constant 0 : i32
      %dma_wait3A_504 = tpu.memref_slice %arg7[%add3A_499, %dma_wait3A_503] : memref<104x128xi32, #tpu.memory_space<vmem>> -> memref<1x128xi32, #tpu.memory_space<vmem>>
      %dma_wait3A_505 = tpu.memref_squeeze %dma_wait3A_504 : memref<1x128xi32, #tpu.memory_space<vmem>> -> memref<128xi32, #tpu.memory_space<vmem>>
      %dma_wait3A_506 = arith.constant 0 : i32
      %dma_wait3A_507 = tpu.memref_slice %arg3[%dma_wait3A_506] : memref<2600002xf32, #tpu.memory_space<hbm>> -> memref<2600002xf32, #tpu.memory_space<hbm>>
      tpu.wait_indirect_dma semaphore(%arg11 : memref<!tpu.dma_semaphore, #tpu.memory_space<semaphore_mem>>) src(%dma_wait3A_507 : memref<2600002xf32, #tpu.memory_space<hbm>>) dst(%dma_wait3A_502 : memref<128xf32, #tpu.memory_space<vmem>>)
      %mul3A_508 = arith.constant 26 : i32
      %mul3A_509 = arith.muli %scan3A_276, %mul3A_508 : i32
      %add3A_510 = arith.constant 19 : i32
      %add3A_511 = arith.addi %mul3A_509, %add3A_510 : i32
      %dma_wait3A_512 = arith.constant 0 : i32
      %dma_wait3A_513 = tpu.memref_slice %arg8[%add3A_511, %dma_wait3A_512] : memref<104x128xf32, #tpu.memory_space<vmem>> -> memref<1x128xf32, #tpu.memory_space<vmem>>
      %dma_wait3A_514 = tpu.memref_squeeze %dma_wait3A_513 : memref<1x128xf32, #tpu.memory_space<vmem>> -> memref<128xf32, #tpu.memory_space<vmem>>
      %dma_wait3A_515 = arith.constant 0 : i32
      %dma_wait3A_516 = tpu.memref_slice %arg7[%add3A_511, %dma_wait3A_515] : memref<104x128xi32, #tpu.memory_space<vmem>> -> memref<1x128xi32, #tpu.memory_space<vmem>>
      %dma_wait3A_517 = tpu.memref_squeeze %dma_wait3A_516 : memref<1x128xi32, #tpu.memory_space<vmem>> -> memref<128xi32, #tpu.memory_space<vmem>>
      %dma_wait3A_518 = arith.constant 0 : i32
      %dma_wait3A_519 = tpu.memref_slice %arg3[%dma_wait3A_518] : memref<2600002xf32, #tpu.memory_space<hbm>> -> memref<2600002xf32, #tpu.memory_space<hbm>>
      tpu.wait_indirect_dma semaphore(%arg11 : memref<!tpu.dma_semaphore, #tpu.memory_space<semaphore_mem>>) src(%dma_wait3A_519 : memref<2600002xf32, #tpu.memory_space<hbm>>) dst(%dma_wait3A_514 : memref<128xf32, #tpu.memory_space<vmem>>)
      %mul3A_520 = arith.constant 26 : i32
      %mul3A_521 = arith.muli %scan3A_276, %mul3A_520 : i32
      %add3A_522 = arith.constant 20 : i32
      %add3A_523 = arith.addi %mul3A_521, %add3A_522 : i32
      %dma_wait3A_524 = arith.constant 0 : i32
      %dma_wait3A_525 = tpu.memref_slice %arg8[%add3A_523, %dma_wait3A_524] : memref<104x128xf32, #tpu.memory_space<vmem>> -> memref<1x128xf32, #tpu.memory_space<vmem>>
      %dma_wait3A_526 = tpu.memref_squeeze %dma_wait3A_525 : memref<1x128xf32, #tpu.memory_space<vmem>> -> memref<128xf32, #tpu.memory_space<vmem>>
      %dma_wait3A_527 = arith.constant 0 : i32
      %dma_wait3A_528 = tpu.memref_slice %arg7[%add3A_523, %dma_wait3A_527] : memref<104x128xi32, #tpu.memory_space<vmem>> -> memref<1x128xi32, #tpu.memory_space<vmem>>
      %dma_wait3A_529 = tpu.memref_squeeze %dma_wait3A_528 : memref<1x128xi32, #tpu.memory_space<vmem>> -> memref<128xi32, #tpu.memory_space<vmem>>
      %dma_wait3A_530 = arith.constant 0 : i32
      %dma_wait3A_531 = tpu.memref_slice %arg3[%dma_wait3A_530] : memref<2600002xf32, #tpu.memory_space<hbm>> -> memref<2600002xf32, #tpu.memory_space<hbm>>
      tpu.wait_indirect_dma semaphore(%arg11 : memref<!tpu.dma_semaphore, #tpu.memory_space<semaphore_mem>>) src(%dma_wait3A_531 : memref<2600002xf32, #tpu.memory_space<hbm>>) dst(%dma_wait3A_526 : memref<128xf32, #tpu.memory_space<vmem>>)
      %mul3A_532 = arith.constant 26 : i32
      %mul3A_533 = arith.muli %scan3A_276, %mul3A_532 : i32
      %add3A_534 = arith.constant 21 : i32
      %add3A_535 = arith.addi %mul3A_533, %add3A_534 : i32
      %dma_wait3A_536 = arith.constant 0 : i32
      %dma_wait3A_537 = tpu.memref_slice %arg8[%add3A_535, %dma_wait3A_536] : memref<104x128xf32, #tpu.memory_space<vmem>> -> memref<1x128xf32, #tpu.memory_space<vmem>>
      %dma_wait3A_538 = tpu.memref_squeeze %dma_wait3A_537 : memref<1x128xf32, #tpu.memory_space<vmem>> -> memref<128xf32, #tpu.memory_space<vmem>>
      %dma_wait3A_539 = arith.constant 0 : i32
      %dma_wait3A_540 = tpu.memref_slice %arg7[%add3A_535, %dma_wait3A_539] : memref<104x128xi32, #tpu.memory_space<vmem>> -> memref<1x128xi32, #tpu.memory_space<vmem>>
      %dma_wait3A_541 = tpu.memref_squeeze %dma_wait3A_540 : memref<1x128xi32, #tpu.memory_space<vmem>> -> memref<128xi32, #tpu.memory_space<vmem>>
      %dma_wait3A_542 = arith.constant 0 : i32
      %dma_wait3A_543 = tpu.memref_slice %arg3[%dma_wait3A_542] : memref<2600002xf32, #tpu.memory_space<hbm>> -> memref<2600002xf32, #tpu.memory_space<hbm>>
      tpu.wait_indirect_dma semaphore(%arg11 : memref<!tpu.dma_semaphore, #tpu.memory_space<semaphore_mem>>) src(%dma_wait3A_543 : memref<2600002xf32, #tpu.memory_space<hbm>>) dst(%dma_wait3A_538 : memref<128xf32, #tpu.memory_space<vmem>>)
      %mul3A_544 = arith.constant 26 : i32
      %mul3A_545 = arith.muli %scan3A_276, %mul3A_544 : i32
      %add3A_546 = arith.constant 22 : i32
      %add3A_547 = arith.addi %mul3A_545, %add3A_546 : i32
      %dma_wait3A_548 = arith.constant 0 : i32
      %dma_wait3A_549 = tpu.memref_slice %arg8[%add3A_547, %dma_wait3A_548] : memref<104x128xf32, #tpu.memory_space<vmem>> -> memref<1x128xf32, #tpu.memory_space<vmem>>
      %dma_wait3A_550 = tpu.memref_squeeze %dma_wait3A_549 : memref<1x128xf32, #tpu.memory_space<vmem>> -> memref<128xf32, #tpu.memory_space<vmem>>
      %dma_wait3A_551 = arith.constant 0 : i32
      %dma_wait3A_552 = tpu.memref_slice %arg7[%add3A_547, %dma_wait3A_551] : memref<104x128xi32, #tpu.memory_space<vmem>> -> memref<1x128xi32, #tpu.memory_space<vmem>>
      %dma_wait3A_553 = tpu.memref_squeeze %dma_wait3A_552 : memref<1x128xi32, #tpu.memory_space<vmem>> -> memref<128xi32, #tpu.memory_space<vmem>>
      %dma_wait3A_554 = arith.constant 0 : i32
      %dma_wait3A_555 = tpu.memref_slice %arg3[%dma_wait3A_554] : memref<2600002xf32, #tpu.memory_space<hbm>> -> memref<2600002xf32, #tpu.memory_space<hbm>>
      tpu.wait_indirect_dma semaphore(%arg11 : memref<!tpu.dma_semaphore, #tpu.memory_space<semaphore_mem>>) src(%dma_wait3A_555 : memref<2600002xf32, #tpu.memory_space<hbm>>) dst(%dma_wait3A_550 : memref<128xf32, #tpu.memory_space<vmem>>)
      %mul3A_556 = arith.constant 26 : i32
      %mul3A_557 = arith.muli %scan3A_276, %mul3A_556 : i32
      %add3A_558 = arith.constant 23 : i32
      %add3A_559 = arith.addi %mul3A_557, %add3A_558 : i32
      %dma_wait3A_560 = arith.constant 0 : i32
      %dma_wait3A_561 = tpu.memref_slice %arg8[%add3A_559, %dma_wait3A_560] : memref<104x128xf32, #tpu.memory_space<vmem>> -> memref<1x128xf32, #tpu.memory_space<vmem>>
      %dma_wait3A_562 = tpu.memref_squeeze %dma_wait3A_561 : memref<1x128xf32, #tpu.memory_space<vmem>> -> memref<128xf32, #tpu.memory_space<vmem>>
      %dma_wait3A_563 = arith.constant 0 : i32
      %dma_wait3A_564 = tpu.memref_slice %arg7[%add3A_559, %dma_wait3A_563] : memref<104x128xi32, #tpu.memory_space<vmem>> -> memref<1x128xi32, #tpu.memory_space<vmem>>
      %dma_wait3A_565 = tpu.memref_squeeze %dma_wait3A_564 : memref<1x128xi32, #tpu.memory_space<vmem>> -> memref<128xi32, #tpu.memory_space<vmem>>
      %dma_wait3A_566 = arith.constant 0 : i32
      %dma_wait3A_567 = tpu.memref_slice %arg3[%dma_wait3A_566] : memref<2600002xf32, #tpu.memory_space<hbm>> -> memref<2600002xf32, #tpu.memory_space<hbm>>
      tpu.wait_indirect_dma semaphore(%arg11 : memref<!tpu.dma_semaphore, #tpu.memory_space<semaphore_mem>>) src(%dma_wait3A_567 : memref<2600002xf32, #tpu.memory_space<hbm>>) dst(%dma_wait3A_562 : memref<128xf32, #tpu.memory_space<vmem>>)
      %mul3A_568 = arith.constant 26 : i32
      %mul3A_569 = arith.muli %scan3A_276, %mul3A_568 : i32
      %add3A_570 = arith.constant 24 : i32
      %add3A_571 = arith.addi %mul3A_569, %add3A_570 : i32
      %dma_wait3A_572 = arith.constant 0 : i32
      %dma_wait3A_573 = tpu.memref_slice %arg8[%add3A_571, %dma_wait3A_572] : memref<104x128xf32, #tpu.memory_space<vmem>> -> memref<1x128xf32, #tpu.memory_space<vmem>>
      %dma_wait3A_574 = tpu.memref_squeeze %dma_wait3A_573 : memref<1x128xf32, #tpu.memory_space<vmem>> -> memref<128xf32, #tpu.memory_space<vmem>>
      %dma_wait3A_575 = arith.constant 0 : i32
      %dma_wait3A_576 = tpu.memref_slice %arg7[%add3A_571, %dma_wait3A_575] : memref<104x128xi32, #tpu.memory_space<vmem>> -> memref<1x128xi32, #tpu.memory_space<vmem>>
      %dma_wait3A_577 = tpu.memref_squeeze %dma_wait3A_576 : memref<1x128xi32, #tpu.memory_space<vmem>> -> memref<128xi32, #tpu.memory_space<vmem>>
      %dma_wait3A_578 = arith.constant 0 : i32
      %dma_wait3A_579 = tpu.memref_slice %arg3[%dma_wait3A_578] : memref<2600002xf32, #tpu.memory_space<hbm>> -> memref<2600002xf32, #tpu.memory_space<hbm>>
      tpu.wait_indirect_dma semaphore(%arg11 : memref<!tpu.dma_semaphore, #tpu.memory_space<semaphore_mem>>) src(%dma_wait3A_579 : memref<2600002xf32, #tpu.memory_space<hbm>>) dst(%dma_wait3A_574 : memref<128xf32, #tpu.memory_space<vmem>>)
      %mul3A_580 = arith.constant 26 : i32
      %mul3A_581 = arith.muli %scan3A_276, %mul3A_580 : i32
      %add3A_582 = arith.constant 25 : i32
      %add3A_583 = arith.addi %mul3A_581, %add3A_582 : i32
      %dma_wait3A_584 = arith.constant 0 : i32
      %dma_wait3A_585 = tpu.memref_slice %arg8[%add3A_583, %dma_wait3A_584] : memref<104x128xf32, #tpu.memory_space<vmem>> -> memref<1x128xf32, #tpu.memory_space<vmem>>
      %dma_wait3A_586 = tpu.memref_squeeze %dma_wait3A_585 : memref<1x128xf32, #tpu.memory_space<vmem>> -> memref<128xf32, #tpu.memory_space<vmem>>
      %dma_wait3A_587 = arith.constant 0 : i32
      %dma_wait3A_588 = tpu.memref_slice %arg7[%add3A_583, %dma_wait3A_587] : memref<104x128xi32, #tpu.memory_space<vmem>> -> memref<1x128xi32, #tpu.memory_space<vmem>>
      %dma_wait3A_589 = tpu.memref_squeeze %dma_wait3A_588 : memref<1x128xi32, #tpu.memory_space<vmem>> -> memref<128xi32, #tpu.memory_space<vmem>>
      %dma_wait3A_590 = arith.constant 0 : i32
      %dma_wait3A_591 = tpu.memref_slice %arg3[%dma_wait3A_590] : memref<2600002xf32, #tpu.memory_space<hbm>> -> memref<2600002xf32, #tpu.memory_space<hbm>>
      tpu.wait_indirect_dma semaphore(%arg11 : memref<!tpu.dma_semaphore, #tpu.memory_space<semaphore_mem>>) src(%dma_wait3A_591 : memref<2600002xf32, #tpu.memory_space<hbm>>) dst(%dma_wait3A_586 : memref<128xf32, #tpu.memory_space<vmem>>)
      %mul3A_592 = arith.constant 8 : i32
      %mul3A_593 = arith.muli %scan3A_276, %mul3A_592 : i32
      %add3A_594 = arith.constant 1 : i32
      %add3A_595 = arith.addi %scan3A_276, %add3A_594 : i32
      %mul3A_596 = arith.constant 8 : i32
      %mul3A_597 = arith.muli %add3A_595, %mul3A_596 : i32
      %while3A = arith.constant 0 : i32
      %while3A_598 = arith.subi %mul3A_597, %mul3A_593 : i32
      %while3A_599 = arith.addi %mul3A_593, %while3A_598 : i32
      %while3A_600 = arith.constant 1 : i32
      %while3A_601 = arith.divsi %while3A_598, %while3A_600 : i32
      %while3A_602 = arith.muli %while3A_601, %while3A_600 : i32
      %while3A_603 = arith.addi %mul3A_593, %while3A_602 : i32
      %while3A_604 = arith.constant 1 : i32
      scf.for %while3A_606 = %mul3A_593 to %while3A_603 step %while3A_604  : i32 {
        %jit3A = arith.constant 8 : i32
        %div3A = arith.divsi %while3A_606, %jit3A : i32
        %sign3A = arith.constant 0 : i32
        %sign3A_607 = arith.cmpi sgt, %while3A_606, %sign3A : i32
        %sign3A_608 = arith.extui %sign3A_607 : i1 to i32
        %sign3A_609 = arith.constant 0 : i32
        %sign3A_610 = arith.cmpi slt, %while3A_606, %sign3A_609 : i32
        %sign3A_611 = arith.extui %sign3A_610 : i1 to i32
        %sign3A_612 = arith.subi %sign3A_608, %sign3A_611 : i32
        %sign3A_613 = arith.constant 0 : i32
        %sign3A_614 = arith.cmpi sgt, %jit3A, %sign3A_613 : i32
        %sign3A_615 = arith.extui %sign3A_614 : i1 to i32
        %sign3A_616 = arith.constant 0 : i32
        %sign3A_617 = arith.cmpi slt, %jit3A, %sign3A_616 : i32
        %sign3A_618 = arith.extui %sign3A_617 : i1 to i32
        %sign3A_619 = arith.subi %sign3A_615, %sign3A_618 : i32
        %ne3A = arith.cmpi ne, %sign3A_612, %sign3A_619 : i32
        %rem3A = arith.remsi %while3A_606, %jit3A : i32
        %ne3A_620 = arith.constant 0 : i32
        %ne3A_621 = arith.cmpi ne, %rem3A, %ne3A_620 : i32
        %and3A = arith.andi %ne3A, %ne3A_621 : i1
        %sub3A = arith.constant 1 : i32
        %sub3A_622 = arith.subi %div3A, %sub3A : i32
        %select_n3A = arith.select %and3A, %sub3A_622, %div3A : i32
        %jit3A_623 = arith.constant 8 : i32
        %eq3A = arith.constant 0 : i32
        %eq3A_624 = arith.cmpi eq, %jit3A_623, %eq3A : i32
        %jit3A_625 = arith.constant 1 : i32
        %select_n3A_626 = arith.select %eq3A_624, %jit3A_625, %jit3A_623 : i32
        %rem3A_627 = arith.remsi %while3A_606, %select_n3A_626 : i32
        %ne3A_628 = arith.constant 0 : i32
        %ne3A_629 = arith.cmpi ne, %rem3A_627, %ne3A_628 : i32
        %lt3A_630 = arith.constant 0 : i32
        %lt3A_631 = arith.cmpi slt, %rem3A_627, %lt3A_630 : i32
        %lt3A_632 = arith.constant 0 : i32
        %lt3A_633 = arith.cmpi slt, %select_n3A_626, %lt3A_632 : i32
        %ne3A_634 = arith.xori %lt3A_631, %lt3A_633 : i1
        %and3A_635 = arith.andi %ne3A_634, %ne3A_629 : i1
        %add3A_636 = arith.addi %rem3A_627, %select_n3A_626 : i32
        %select_n3A_637 = arith.select %and3A_635, %add3A_636, %rem3A_627 : i32
        %mul3A_638 = arith.constant 16 : i32
        %mul3A_639 = arith.muli %select_n3A_637, %mul3A_638 : i32
        %mul3A_640 = arith.constant 26 : i32
        %mul3A_641 = arith.muli %select_n3A, %mul3A_640 : i32
        %add3A_642 = arith.constant 0 : i32
        %add3A_643 = arith.addi %mul3A_641, %add3A_642 : i32
        %get3A_644 = arith.index_cast %add3A_643 : i32 to index
        %get3A_645 = arith.index_cast %mul3A_639 : i32 to index
        %get3A_646 = tpu.vector_load %arg8[%get3A_644, %get3A_645] {strides = array<i32>} : memref<104x128xf32, #tpu.memory_space<vmem>>, vector<16xf32>,
        %add3A_647 = arith.addf %get3A_5, %get3A_646 : vector<16xf32>
        %mul3A_648 = arith.constant 26 : i32
        %mul3A_649 = arith.muli %select_n3A, %mul3A_648 : i32
        %add3A_650 = arith.constant 1 : i32
        %add3A_651 = arith.addi %mul3A_649, %add3A_650 : i32
        %get3A_652 = arith.index_cast %add3A_651 : i32 to index
        %get3A_653 = arith.index_cast %mul3A_639 : i32 to index
        %get3A_654 = tpu.vector_load %arg8[%get3A_652, %get3A_653] {strides = array<i32>} : memref<104x128xf32, #tpu.memory_space<vmem>>, vector<16xf32>,
        %add3A_655 = arith.addf %add3A_647, %get3A_654 : vector<16xf32>
        %mul3A_656 = arith.constant 26 : i32
        %mul3A_657 = arith.muli %select_n3A, %mul3A_656 : i32
        %add3A_658 = arith.constant 2 : i32
        %add3A_659 = arith.addi %mul3A_657, %add3A_658 : i32
        %get3A_660 = arith.index_cast %add3A_659 : i32 to index
        %get3A_661 = arith.index_cast %mul3A_639 : i32 to index
        %get3A_662 = tpu.vector_load %arg8[%get3A_660, %get3A_661] {strides = array<i32>} : memref<104x128xf32, #tpu.memory_space<vmem>>, vector<16xf32>,
        %add3A_663 = arith.addf %add3A_655, %get3A_662 : vector<16xf32>
        %mul3A_664 = arith.constant 26 : i32
        %mul3A_665 = arith.muli %select_n3A, %mul3A_664 : i32
        %add3A_666 = arith.constant 3 : i32
        %add3A_667 = arith.addi %mul3A_665, %add3A_666 : i32
        %get3A_668 = arith.index_cast %add3A_667 : i32 to index
        %get3A_669 = arith.index_cast %mul3A_639 : i32 to index
        %get3A_670 = tpu.vector_load %arg8[%get3A_668, %get3A_669] {strides = array<i32>} : memref<104x128xf32, #tpu.memory_space<vmem>>, vector<16xf32>,
        %add3A_671 = arith.addf %add3A_663, %get3A_670 : vector<16xf32>
        %mul3A_672 = arith.constant 26 : i32
        %mul3A_673 = arith.muli %select_n3A, %mul3A_672 : i32
        %add3A_674 = arith.constant 4 : i32
        %add3A_675 = arith.addi %mul3A_673, %add3A_674 : i32
        %get3A_676 = arith.index_cast %add3A_675 : i32 to index
        %get3A_677 = arith.index_cast %mul3A_639 : i32 to index
        %get3A_678 = tpu.vector_load %arg8[%get3A_676, %get3A_677] {strides = array<i32>} : memref<104x128xf32, #tpu.memory_space<vmem>>, vector<16xf32>,
        %add3A_679 = arith.addf %add3A_671, %get3A_678 : vector<16xf32>
        %mul3A_680 = arith.constant 26 : i32
        %mul3A_681 = arith.muli %select_n3A, %mul3A_680 : i32
        %add3A_682 = arith.constant 5 : i32
        %add3A_683 = arith.addi %mul3A_681, %add3A_682 : i32
        %get3A_684 = arith.index_cast %add3A_683 : i32 to index
        %get3A_685 = arith.index_cast %mul3A_639 : i32 to index
        %get3A_686 = tpu.vector_load %arg8[%get3A_684, %get3A_685] {strides = array<i32>} : memref<104x128xf32, #tpu.memory_space<vmem>>, vector<16xf32>,
        %add3A_687 = arith.addf %add3A_679, %get3A_686 : vector<16xf32>
        %mul3A_688 = arith.constant 26 : i32
        %mul3A_689 = arith.muli %select_n3A, %mul3A_688 : i32
        %add3A_690 = arith.constant 6 : i32
        %add3A_691 = arith.addi %mul3A_689, %add3A_690 : i32
        %get3A_692 = arith.index_cast %add3A_691 : i32 to index
        %get3A_693 = arith.index_cast %mul3A_639 : i32 to index
        %get3A_694 = tpu.vector_load %arg8[%get3A_692, %get3A_693] {strides = array<i32>} : memref<104x128xf32, #tpu.memory_space<vmem>>, vector<16xf32>,
        %add3A_695 = arith.addf %add3A_687, %get3A_694 : vector<16xf32>
        %mul3A_696 = arith.constant 26 : i32
        %mul3A_697 = arith.muli %select_n3A, %mul3A_696 : i32
        %add3A_698 = arith.constant 7 : i32
        %add3A_699 = arith.addi %mul3A_697, %add3A_698 : i32
        %get3A_700 = arith.index_cast %add3A_699 : i32 to index
        %get3A_701 = arith.index_cast %mul3A_639 : i32 to index
        %get3A_702 = tpu.vector_load %arg8[%get3A_700, %get3A_701] {strides = array<i32>} : memref<104x128xf32, #tpu.memory_space<vmem>>, vector<16xf32>,
        %add3A_703 = arith.addf %add3A_695, %get3A_702 : vector<16xf32>
        %mul3A_704 = arith.constant 26 : i32
        %mul3A_705 = arith.muli %select_n3A, %mul3A_704 : i32
        %add3A_706 = arith.constant 8 : i32
        %add3A_707 = arith.addi %mul3A_705, %add3A_706 : i32
        %get3A_708 = arith.index_cast %add3A_707 : i32 to index
        %get3A_709 = arith.index_cast %mul3A_639 : i32 to index
        %get3A_710 = tpu.vector_load %arg8[%get3A_708, %get3A_709] {strides = array<i32>} : memref<104x128xf32, #tpu.memory_space<vmem>>, vector<16xf32>,
        %add3A_711 = arith.addf %add3A_703, %get3A_710 : vector<16xf32>
        %mul3A_712 = arith.constant 26 : i32
        %mul3A_713 = arith.muli %select_n3A, %mul3A_712 : i32
        %add3A_714 = arith.constant 9 : i32
        %add3A_715 = arith.addi %mul3A_713, %add3A_714 : i32
        %get3A_716 = arith.index_cast %add3A_715 : i32 to index
        %get3A_717 = arith.index_cast %mul3A_639 : i32 to index
        %get3A_718 = tpu.vector_load %arg8[%get3A_716, %get3A_717] {strides = array<i32>} : memref<104x128xf32, #tpu.memory_space<vmem>>, vector<16xf32>,
        %add3A_719 = arith.addf %add3A_711, %get3A_718 : vector<16xf32>
        %mul3A_720 = arith.constant 26 : i32
        %mul3A_721 = arith.muli %select_n3A, %mul3A_720 : i32
        %add3A_722 = arith.constant 10 : i32
        %add3A_723 = arith.addi %mul3A_721, %add3A_722 : i32
        %get3A_724 = arith.index_cast %add3A_723 : i32 to index
        %get3A_725 = arith.index_cast %mul3A_639 : i32 to index
        %get3A_726 = tpu.vector_load %arg8[%get3A_724, %get3A_725] {strides = array<i32>} : memref<104x128xf32, #tpu.memory_space<vmem>>, vector<16xf32>,
        %add3A_727 = arith.addf %add3A_719, %get3A_726 : vector<16xf32>
        %mul3A_728 = arith.constant 26 : i32
        %mul3A_729 = arith.muli %select_n3A, %mul3A_728 : i32
        %add3A_730 = arith.constant 11 : i32
        %add3A_731 = arith.addi %mul3A_729, %add3A_730 : i32
        %get3A_732 = arith.index_cast %add3A_731 : i32 to index
        %get3A_733 = arith.index_cast %mul3A_639 : i32 to index
        %get3A_734 = tpu.vector_load %arg8[%get3A_732, %get3A_733] {strides = array<i32>} : memref<104x128xf32, #tpu.memory_space<vmem>>, vector<16xf32>,
        %add3A_735 = arith.addf %add3A_727, %get3A_734 : vector<16xf32>
        %mul3A_736 = arith.constant 26 : i32
        %mul3A_737 = arith.muli %select_n3A, %mul3A_736 : i32
        %add3A_738 = arith.constant 12 : i32
        %add3A_739 = arith.addi %mul3A_737, %add3A_738 : i32
        %get3A_740 = arith.index_cast %add3A_739 : i32 to index
        %get3A_741 = arith.index_cast %mul3A_639 : i32 to index
        %get3A_742 = tpu.vector_load %arg8[%get3A_740, %get3A_741] {strides = array<i32>} : memref<104x128xf32, #tpu.memory_space<vmem>>, vector<16xf32>,
        %add3A_743 = arith.addf %add3A_735, %get3A_742 : vector<16xf32>
        %mul3A_744 = arith.constant 26 : i32
        %mul3A_745 = arith.muli %select_n3A, %mul3A_744 : i32
        %add3A_746 = arith.constant 13 : i32
        %add3A_747 = arith.addi %mul3A_745, %add3A_746 : i32
        %get3A_748 = arith.index_cast %add3A_747 : i32 to index
        %get3A_749 = arith.index_cast %mul3A_639 : i32 to index
        %get3A_750 = tpu.vector_load %arg8[%get3A_748, %get3A_749] {strides = array<i32>} : memref<104x128xf32, #tpu.memory_space<vmem>>, vector<16xf32>,
        %add3A_751 = arith.addf %add3A_743, %get3A_750 : vector<16xf32>
        %mul3A_752 = arith.constant 26 : i32
        %mul3A_753 = arith.muli %select_n3A, %mul3A_752 : i32
        %add3A_754 = arith.constant 14 : i32
        %add3A_755 = arith.addi %mul3A_753, %add3A_754 : i32
        %get3A_756 = arith.index_cast %add3A_755 : i32 to index
        %get3A_757 = arith.index_cast %mul3A_639 : i32 to index
        %get3A_758 = tpu.vector_load %arg8[%get3A_756, %get3A_757] {strides = array<i32>} : memref<104x128xf32, #tpu.memory_space<vmem>>, vector<16xf32>,
        %add3A_759 = arith.addf %add3A_751, %get3A_758 : vector<16xf32>
        %mul3A_760 = arith.constant 26 : i32
        %mul3A_761 = arith.muli %select_n3A, %mul3A_760 : i32
        %add3A_762 = arith.constant 15 : i32
        %add3A_763 = arith.addi %mul3A_761, %add3A_762 : i32
        %get3A_764 = arith.index_cast %add3A_763 : i32 to index
        %get3A_765 = arith.index_cast %mul3A_639 : i32 to index
        %get3A_766 = tpu.vector_load %arg8[%get3A_764, %get3A_765] {strides = array<i32>} : memref<104x128xf32, #tpu.memory_space<vmem>>, vector<16xf32>,
        %add3A_767 = arith.addf %add3A_759, %get3A_766 : vector<16xf32>
        %mul3A_768 = arith.constant 26 : i32
        %mul3A_769 = arith.muli %select_n3A, %mul3A_768 : i32
        %add3A_770 = arith.constant 16 : i32
        %add3A_771 = arith.addi %mul3A_769, %add3A_770 : i32
        %get3A_772 = arith.index_cast %add3A_771 : i32 to index
        %get3A_773 = arith.index_cast %mul3A_639 : i32 to index
        %get3A_774 = tpu.vector_load %arg8[%get3A_772, %get3A_773] {strides = array<i32>} : memref<104x128xf32, #tpu.memory_space<vmem>>, vector<16xf32>,
        %add3A_775 = arith.addf %add3A_767, %get3A_774 : vector<16xf32>
        %mul3A_776 = arith.constant 26 : i32
        %mul3A_777 = arith.muli %select_n3A, %mul3A_776 : i32
        %add3A_778 = arith.constant 17 : i32
        %add3A_779 = arith.addi %mul3A_777, %add3A_778 : i32
        %get3A_780 = arith.index_cast %add3A_779 : i32 to index
        %get3A_781 = arith.index_cast %mul3A_639 : i32 to index
        %get3A_782 = tpu.vector_load %arg8[%get3A_780, %get3A_781] {strides = array<i32>} : memref<104x128xf32, #tpu.memory_space<vmem>>, vector<16xf32>,
        %add3A_783 = arith.addf %add3A_775, %get3A_782 : vector<16xf32>
        %mul3A_784 = arith.constant 26 : i32
        %mul3A_785 = arith.muli %select_n3A, %mul3A_784 : i32
        %add3A_786 = arith.constant 18 : i32
        %add3A_787 = arith.addi %mul3A_785, %add3A_786 : i32
        %get3A_788 = arith.index_cast %add3A_787 : i32 to index
        %get3A_789 = arith.index_cast %mul3A_639 : i32 to index
        %get3A_790 = tpu.vector_load %arg8[%get3A_788, %get3A_789] {strides = array<i32>} : memref<104x128xf32, #tpu.memory_space<vmem>>, vector<16xf32>,
        %add3A_791 = arith.addf %add3A_783, %get3A_790 : vector<16xf32>
        %mul3A_792 = arith.constant 26 : i32
        %mul3A_793 = arith.muli %select_n3A, %mul3A_792 : i32
        %add3A_794 = arith.constant 19 : i32
        %add3A_795 = arith.addi %mul3A_793, %add3A_794 : i32
        %get3A_796 = arith.index_cast %add3A_795 : i32 to index
        %get3A_797 = arith.index_cast %mul3A_639 : i32 to index
        %get3A_798 = tpu.vector_load %arg8[%get3A_796, %get3A_797] {strides = array<i32>} : memref<104x128xf32, #tpu.memory_space<vmem>>, vector<16xf32>,
        %add3A_799 = arith.addf %add3A_791, %get3A_798 : vector<16xf32>
        %mul3A_800 = arith.constant 26 : i32
        %mul3A_801 = arith.muli %select_n3A, %mul3A_800 : i32
        %add3A_802 = arith.constant 20 : i32
        %add3A_803 = arith.addi %mul3A_801, %add3A_802 : i32
        %get3A_804 = arith.index_cast %add3A_803 : i32 to index
        %get3A_805 = arith.index_cast %mul3A_639 : i32 to index
        %get3A_806 = tpu.vector_load %arg8[%get3A_804, %get3A_805] {strides = array<i32>} : memref<104x128xf32, #tpu.memory_space<vmem>>, vector<16xf32>,
        %add3A_807 = arith.addf %add3A_799, %get3A_806 : vector<16xf32>
        %mul3A_808 = arith.constant 26 : i32
        %mul3A_809 = arith.muli %select_n3A, %mul3A_808 : i32
        %add3A_810 = arith.constant 21 : i32
        %add3A_811 = arith.addi %mul3A_809, %add3A_810 : i32
        %get3A_812 = arith.index_cast %add3A_811 : i32 to index
        %get3A_813 = arith.index_cast %mul3A_639 : i32 to index
        %get3A_814 = tpu.vector_load %arg8[%get3A_812, %get3A_813] {strides = array<i32>} : memref<104x128xf32, #tpu.memory_space<vmem>>, vector<16xf32>,
        %add3A_815 = arith.addf %add3A_807, %get3A_814 : vector<16xf32>
        %mul3A_816 = arith.constant 26 : i32
        %mul3A_817 = arith.muli %select_n3A, %mul3A_816 : i32
        %add3A_818 = arith.constant 22 : i32
        %add3A_819 = arith.addi %mul3A_817, %add3A_818 : i32
        %get3A_820 = arith.index_cast %add3A_819 : i32 to index
        %get3A_821 = arith.index_cast %mul3A_639 : i32 to index
        %get3A_822 = tpu.vector_load %arg8[%get3A_820, %get3A_821] {strides = array<i32>} : memref<104x128xf32, #tpu.memory_space<vmem>>, vector<16xf32>,
        %add3A_823 = arith.addf %add3A_815, %get3A_822 : vector<16xf32>
        %mul3A_824 = arith.constant 26 : i32
        %mul3A_825 = arith.muli %select_n3A, %mul3A_824 : i32
        %add3A_826 = arith.constant 23 : i32
        %add3A_827 = arith.addi %mul3A_825, %add3A_826 : i32
        %get3A_828 = arith.index_cast %add3A_827 : i32 to index
        %get3A_829 = arith.index_cast %mul3A_639 : i32 to index
        %get3A_830 = tpu.vector_load %arg8[%get3A_828, %get3A_829] {strides = array<i32>} : memref<104x128xf32, #tpu.memory_space<vmem>>, vector<16xf32>,
        %add3A_831 = arith.addf %add3A_823, %get3A_830 : vector<16xf32>
        %mul3A_832 = arith.constant 26 : i32
        %mul3A_833 = arith.muli %select_n3A, %mul3A_832 : i32
        %add3A_834 = arith.constant 24 : i32
        %add3A_835 = arith.addi %mul3A_833, %add3A_834 : i32
        %get3A_836 = arith.index_cast %add3A_835 : i32 to index
        %get3A_837 = arith.index_cast %mul3A_639 : i32 to index
        %get3A_838 = tpu.vector_load %arg8[%get3A_836, %get3A_837] {strides = array<i32>} : memref<104x128xf32, #tpu.memory_space<vmem>>, vector<16xf32>,
        %add3A_839 = arith.addf %add3A_831, %get3A_838 : vector<16xf32>
        %mul3A_840 = arith.constant 26 : i32
        %mul3A_841 = arith.muli %select_n3A, %mul3A_840 : i32
        %add3A_842 = arith.constant 25 : i32
        %add3A_843 = arith.addi %mul3A_841, %add3A_842 : i32
        %get3A_844 = arith.index_cast %add3A_843 : i32 to index
        %get3A_845 = arith.index_cast %mul3A_639 : i32 to index
        %get3A_846 = tpu.vector_load %arg8[%get3A_844, %get3A_845] {strides = array<i32>} : memref<104x128xf32, #tpu.memory_space<vmem>>, vector<16xf32>,
        %add3A_847 = arith.addf %add3A_839, %get3A_846 : vector<16xf32>
        %mul3A_848 = arith.constant 16 : i32
        %mul3A_849 = arith.muli %while3A_606, %mul3A_848 : i32
        %swap3A = arith.index_cast %mul3A_849 : i32 to index
        %swap3A_850 = tpu.vector_load %arg9[%swap3A] {strides = array<i32>} : memref<512xf32, #tpu.memory_space<vmem>>, vector<16xf32>,
        tpu.vector_store %arg9[%swap3A], %add3A_847 {strides = array<i32>} : memref<512xf32, #tpu.memory_space<vmem>>, vector<16xf32>,
      }
      %while3A_605 = arith.constant 1 : i32
      scf.for %while3A_606 = %while3A_603 to %while3A_599 step %while3A_605  : i32 {
        %jit3A = arith.constant 8 : i32
        %div3A = arith.divsi %while3A_606, %jit3A : i32
        %sign3A = arith.constant 0 : i32
        %sign3A_607 = arith.cmpi sgt, %while3A_606, %sign3A : i32
        %sign3A_608 = arith.extui %sign3A_607 : i1 to i32
        %sign3A_609 = arith.constant 0 : i32
        %sign3A_610 = arith.cmpi slt, %while3A_606, %sign3A_609 : i32
        %sign3A_611 = arith.extui %sign3A_610 : i1 to i32
        %sign3A_612 = arith.subi %sign3A_608, %sign3A_611 : i32
        %sign3A_613 = arith.constant 0 : i32
        %sign3A_614 = arith.cmpi sgt, %jit3A, %sign3A_613 : i32
        %sign3A_615 = arith.extui %sign3A_614 : i1 to i32
        %sign3A_616 = arith.constant 0 : i32
        %sign3A_617 = arith.cmpi slt, %jit3A, %sign3A_616 : i32
        %sign3A_618 = arith.extui %sign3A_617 : i1 to i32
        %sign3A_619 = arith.subi %sign3A_615, %sign3A_618 : i32
        %ne3A = arith.cmpi ne, %sign3A_612, %sign3A_619 : i32
        %rem3A = arith.remsi %while3A_606, %jit3A : i32
        %ne3A_620 = arith.constant 0 : i32
        %ne3A_621 = arith.cmpi ne, %rem3A, %ne3A_620 : i32
        %and3A = arith.andi %ne3A, %ne3A_621 : i1
        %sub3A = arith.constant 1 : i32
        %sub3A_622 = arith.subi %div3A, %sub3A : i32
        %select_n3A = arith.select %and3A, %sub3A_622, %div3A : i32
        %jit3A_623 = arith.constant 8 : i32
        %eq3A = arith.constant 0 : i32
        %eq3A_624 = arith.cmpi eq, %jit3A_623, %eq3A : i32
        %jit3A_625 = arith.constant 1 : i32
        %select_n3A_626 = arith.select %eq3A_624, %jit3A_625, %jit3A_623 : i32
        %rem3A_627 = arith.remsi %while3A_606, %select_n3A_626 : i32
        %ne3A_628 = arith.constant 0 : i32
        %ne3A_629 = arith.cmpi ne, %rem3A_627, %ne3A_628 : i32
        %lt3A_630 = arith.constant 0 : i32
        %lt3A_631 = arith.cmpi slt, %rem3A_627, %lt3A_630 : i32
        %lt3A_632 = arith.constant 0 : i32
        %lt3A_633 = arith.cmpi slt, %select_n3A_626, %lt3A_632 : i32
        %ne3A_634 = arith.xori %lt3A_631, %lt3A_633 : i1
        %and3A_635 = arith.andi %ne3A_634, %ne3A_629 : i1
        %add3A_636 = arith.addi %rem3A_627, %select_n3A_626 : i32
        %select_n3A_637 = arith.select %and3A_635, %add3A_636, %rem3A_627 : i32
        %mul3A_638 = arith.constant 16 : i32
        %mul3A_639 = arith.muli %select_n3A_637, %mul3A_638 : i32
        %mul3A_640 = arith.constant 26 : i32
        %mul3A_641 = arith.muli %select_n3A, %mul3A_640 : i32
        %add3A_642 = arith.constant 0 : i32
        %add3A_643 = arith.addi %mul3A_641, %add3A_642 : i32
        %get3A_644 = arith.index_cast %add3A_643 : i32 to index
        %get3A_645 = arith.index_cast %mul3A_639 : i32 to index
        %get3A_646 = tpu.vector_load %arg8[%get3A_644, %get3A_645] {strides = array<i32>} : memref<104x128xf32, #tpu.memory_space<vmem>>, vector<16xf32>,
        %add3A_647 = arith.addf %get3A_5, %get3A_646 : vector<16xf32>
        %mul3A_648 = arith.constant 26 : i32
        %mul3A_649 = arith.muli %select_n3A, %mul3A_648 : i32
        %add3A_650 = arith.constant 1 : i32
        %add3A_651 = arith.addi %mul3A_649, %add3A_650 : i32
        %get3A_652 = arith.index_cast %add3A_651 : i32 to index
        %get3A_653 = arith.index_cast %mul3A_639 : i32 to index
        %get3A_654 = tpu.vector_load %arg8[%get3A_652, %get3A_653] {strides = array<i32>} : memref<104x128xf32, #tpu.memory_space<vmem>>, vector<16xf32>,
        %add3A_655 = arith.addf %add3A_647, %get3A_654 : vector<16xf32>
        %mul3A_656 = arith.constant 26 : i32
        %mul3A_657 = arith.muli %select_n3A, %mul3A_656 : i32
        %add3A_658 = arith.constant 2 : i32
        %add3A_659 = arith.addi %mul3A_657, %add3A_658 : i32
        %get3A_660 = arith.index_cast %add3A_659 : i32 to index
        %get3A_661 = arith.index_cast %mul3A_639 : i32 to index
        %get3A_662 = tpu.vector_load %arg8[%get3A_660, %get3A_661] {strides = array<i32>} : memref<104x128xf32, #tpu.memory_space<vmem>>, vector<16xf32>,
        %add3A_663 = arith.addf %add3A_655, %get3A_662 : vector<16xf32>
        %mul3A_664 = arith.constant 26 : i32
        %mul3A_665 = arith.muli %select_n3A, %mul3A_664 : i32
        %add3A_666 = arith.constant 3 : i32
        %add3A_667 = arith.addi %mul3A_665, %add3A_666 : i32
        %get3A_668 = arith.index_cast %add3A_667 : i32 to index
        %get3A_669 = arith.index_cast %mul3A_639 : i32 to index
        %get3A_670 = tpu.vector_load %arg8[%get3A_668, %get3A_669] {strides = array<i32>} : memref<104x128xf32, #tpu.memory_space<vmem>>, vector<16xf32>,
        %add3A_671 = arith.addf %add3A_663, %get3A_670 : vector<16xf32>
        %mul3A_672 = arith.constant 26 : i32
        %mul3A_673 = arith.muli %select_n3A, %mul3A_672 : i32
        %add3A_674 = arith.constant 4 : i32
        %add3A_675 = arith.addi %mul3A_673, %add3A_674 : i32
        %get3A_676 = arith.index_cast %add3A_675 : i32 to index
        %get3A_677 = arith.index_cast %mul3A_639 : i32 to index
        %get3A_678 = tpu.vector_load %arg8[%get3A_676, %get3A_677] {strides = array<i32>} : memref<104x128xf32, #tpu.memory_space<vmem>>, vector<16xf32>,
        %add3A_679 = arith.addf %add3A_671, %get3A_678 : vector<16xf32>
        %mul3A_680 = arith.constant 26 : i32
        %mul3A_681 = arith.muli %select_n3A, %mul3A_680 : i32
        %add3A_682 = arith.constant 5 : i32
        %add3A_683 = arith.addi %mul3A_681, %add3A_682 : i32
        %get3A_684 = arith.index_cast %add3A_683 : i32 to index
        %get3A_685 = arith.index_cast %mul3A_639 : i32 to index
        %get3A_686 = tpu.vector_load %arg8[%get3A_684, %get3A_685] {strides = array<i32>} : memref<104x128xf32, #tpu.memory_space<vmem>>, vector<16xf32>,
        %add3A_687 = arith.addf %add3A_679, %get3A_686 : vector<16xf32>
        %mul3A_688 = arith.constant 26 : i32
        %mul3A_689 = arith.muli %select_n3A, %mul3A_688 : i32
        %add3A_690 = arith.constant 6 : i32
        %add3A_691 = arith.addi %mul3A_689, %add3A_690 : i32
        %get3A_692 = arith.index_cast %add3A_691 : i32 to index
        %get3A_693 = arith.index_cast %mul3A_639 : i32 to index
        %get3A_694 = tpu.vector_load %arg8[%get3A_692, %get3A_693] {strides = array<i32>} : memref<104x128xf32, #tpu.memory_space<vmem>>, vector<16xf32>,
        %add3A_695 = arith.addf %add3A_687, %get3A_694 : vector<16xf32>
        %mul3A_696 = arith.constant 26 : i32
        %mul3A_697 = arith.muli %select_n3A, %mul3A_696 : i32
        %add3A_698 = arith.constant 7 : i32
        %add3A_699 = arith.addi %mul3A_697, %add3A_698 : i32
        %get3A_700 = arith.index_cast %add3A_699 : i32 to index
        %get3A_701 = arith.index_cast %mul3A_639 : i32 to index
        %get3A_702 = tpu.vector_load %arg8[%get3A_700, %get3A_701] {strides = array<i32>} : memref<104x128xf32, #tpu.memory_space<vmem>>, vector<16xf32>,
        %add3A_703 = arith.addf %add3A_695, %get3A_702 : vector<16xf32>
        %mul3A_704 = arith.constant 26 : i32
        %mul3A_705 = arith.muli %select_n3A, %mul3A_704 : i32
        %add3A_706 = arith.constant 8 : i32
        %add3A_707 = arith.addi %mul3A_705, %add3A_706 : i32
        %get3A_708 = arith.index_cast %add3A_707 : i32 to index
        %get3A_709 = arith.index_cast %mul3A_639 : i32 to index
        %get3A_710 = tpu.vector_load %arg8[%get3A_708, %get3A_709] {strides = array<i32>} : memref<104x128xf32, #tpu.memory_space<vmem>>, vector<16xf32>,
        %add3A_711 = arith.addf %add3A_703, %get3A_710 : vector<16xf32>
        %mul3A_712 = arith.constant 26 : i32
        %mul3A_713 = arith.muli %select_n3A, %mul3A_712 : i32
        %add3A_714 = arith.constant 9 : i32
        %add3A_715 = arith.addi %mul3A_713, %add3A_714 : i32
        %get3A_716 = arith.index_cast %add3A_715 : i32 to index
        %get3A_717 = arith.index_cast %mul3A_639 : i32 to index
        %get3A_718 = tpu.vector_load %arg8[%get3A_716, %get3A_717] {strides = array<i32>} : memref<104x128xf32, #tpu.memory_space<vmem>>, vector<16xf32>,
        %add3A_719 = arith.addf %add3A_711, %get3A_718 : vector<16xf32>
        %mul3A_720 = arith.constant 26 : i32
        %mul3A_721 = arith.muli %select_n3A, %mul3A_720 : i32
        %add3A_722 = arith.constant 10 : i32
        %add3A_723 = arith.addi %mul3A_721, %add3A_722 : i32
        %get3A_724 = arith.index_cast %add3A_723 : i32 to index
        %get3A_725 = arith.index_cast %mul3A_639 : i32 to index
        %get3A_726 = tpu.vector_load %arg8[%get3A_724, %get3A_725] {strides = array<i32>} : memref<104x128xf32, #tpu.memory_space<vmem>>, vector<16xf32>,
        %add3A_727 = arith.addf %add3A_719, %get3A_726 : vector<16xf32>
        %mul3A_728 = arith.constant 26 : i32
        %mul3A_729 = arith.muli %select_n3A, %mul3A_728 : i32
        %add3A_730 = arith.constant 11 : i32
        %add3A_731 = arith.addi %mul3A_729, %add3A_730 : i32
        %get3A_732 = arith.index_cast %add3A_731 : i32 to index
        %get3A_733 = arith.index_cast %mul3A_639 : i32 to index
        %get3A_734 = tpu.vector_load %arg8[%get3A_732, %get3A_733] {strides = array<i32>} : memref<104x128xf32, #tpu.memory_space<vmem>>, vector<16xf32>,
        %add3A_735 = arith.addf %add3A_727, %get3A_734 : vector<16xf32>
        %mul3A_736 = arith.constant 26 : i32
        %mul3A_737 = arith.muli %select_n3A, %mul3A_736 : i32
        %add3A_738 = arith.constant 12 : i32
        %add3A_739 = arith.addi %mul3A_737, %add3A_738 : i32
        %get3A_740 = arith.index_cast %add3A_739 : i32 to index
        %get3A_741 = arith.index_cast %mul3A_639 : i32 to index
        %get3A_742 = tpu.vector_load %arg8[%get3A_740, %get3A_741] {strides = array<i32>} : memref<104x128xf32, #tpu.memory_space<vmem>>, vector<16xf32>,
        %add3A_743 = arith.addf %add3A_735, %get3A_742 : vector<16xf32>
        %mul3A_744 = arith.constant 26 : i32
        %mul3A_745 = arith.muli %select_n3A, %mul3A_744 : i32
        %add3A_746 = arith.constant 13 : i32
        %add3A_747 = arith.addi %mul3A_745, %add3A_746 : i32
        %get3A_748 = arith.index_cast %add3A_747 : i32 to index
        %get3A_749 = arith.index_cast %mul3A_639 : i32 to index
        %get3A_750 = tpu.vector_load %arg8[%get3A_748, %get3A_749] {strides = array<i32>} : memref<104x128xf32, #tpu.memory_space<vmem>>, vector<16xf32>,
        %add3A_751 = arith.addf %add3A_743, %get3A_750 : vector<16xf32>
        %mul3A_752 = arith.constant 26 : i32
        %mul3A_753 = arith.muli %select_n3A, %mul3A_752 : i32
        %add3A_754 = arith.constant 14 : i32
        %add3A_755 = arith.addi %mul3A_753, %add3A_754 : i32
        %get3A_756 = arith.index_cast %add3A_755 : i32 to index
        %get3A_757 = arith.index_cast %mul3A_639 : i32 to index
        %get3A_758 = tpu.vector_load %arg8[%get3A_756, %get3A_757] {strides = array<i32>} : memref<104x128xf32, #tpu.memory_space<vmem>>, vector<16xf32>,
        %add3A_759 = arith.addf %add3A_751, %get3A_758 : vector<16xf32>
        %mul3A_760 = arith.constant 26 : i32
        %mul3A_761 = arith.muli %select_n3A, %mul3A_760 : i32
        %add3A_762 = arith.constant 15 : i32
        %add3A_763 = arith.addi %mul3A_761, %add3A_762 : i32
        %get3A_764 = arith.index_cast %add3A_763 : i32 to index
        %get3A_765 = arith.index_cast %mul3A_639 : i32 to index
        %get3A_766 = tpu.vector_load %arg8[%get3A_764, %get3A_765] {strides = array<i32>} : memref<104x128xf32, #tpu.memory_space<vmem>>, vector<16xf32>,
        %add3A_767 = arith.addf %add3A_759, %get3A_766 : vector<16xf32>
        %mul3A_768 = arith.constant 26 : i32
        %mul3A_769 = arith.muli %select_n3A, %mul3A_768 : i32
        %add3A_770 = arith.constant 16 : i32
        %add3A_771 = arith.addi %mul3A_769, %add3A_770 : i32
        %get3A_772 = arith.index_cast %add3A_771 : i32 to index
        %get3A_773 = arith.index_cast %mul3A_639 : i32 to index
        %get3A_774 = tpu.vector_load %arg8[%get3A_772, %get3A_773] {strides = array<i32>} : memref<104x128xf32, #tpu.memory_space<vmem>>, vector<16xf32>,
        %add3A_775 = arith.addf %add3A_767, %get3A_774 : vector<16xf32>
        %mul3A_776 = arith.constant 26 : i32
        %mul3A_777 = arith.muli %select_n3A, %mul3A_776 : i32
        %add3A_778 = arith.constant 17 : i32
        %add3A_779 = arith.addi %mul3A_777, %add3A_778 : i32
        %get3A_780 = arith.index_cast %add3A_779 : i32 to index
        %get3A_781 = arith.index_cast %mul3A_639 : i32 to index
        %get3A_782 = tpu.vector_load %arg8[%get3A_780, %get3A_781] {strides = array<i32>} : memref<104x128xf32, #tpu.memory_space<vmem>>, vector<16xf32>,
        %add3A_783 = arith.addf %add3A_775, %get3A_782 : vector<16xf32>
        %mul3A_784 = arith.constant 26 : i32
        %mul3A_785 = arith.muli %select_n3A, %mul3A_784 : i32
        %add3A_786 = arith.constant 18 : i32
        %add3A_787 = arith.addi %mul3A_785, %add3A_786 : i32
        %get3A_788 = arith.index_cast %add3A_787 : i32 to index
        %get3A_789 = arith.index_cast %mul3A_639 : i32 to index
        %get3A_790 = tpu.vector_load %arg8[%get3A_788, %get3A_789] {strides = array<i32>} : memref<104x128xf32, #tpu.memory_space<vmem>>, vector<16xf32>,
        %add3A_791 = arith.addf %add3A_783, %get3A_790 : vector<16xf32>
        %mul3A_792 = arith.constant 26 : i32
        %mul3A_793 = arith.muli %select_n3A, %mul3A_792 : i32
        %add3A_794 = arith.constant 19 : i32
        %add3A_795 = arith.addi %mul3A_793, %add3A_794 : i32
        %get3A_796 = arith.index_cast %add3A_795 : i32 to index
        %get3A_797 = arith.index_cast %mul3A_639 : i32 to index
        %get3A_798 = tpu.vector_load %arg8[%get3A_796, %get3A_797] {strides = array<i32>} : memref<104x128xf32, #tpu.memory_space<vmem>>, vector<16xf32>,
        %add3A_799 = arith.addf %add3A_791, %get3A_798 : vector<16xf32>
        %mul3A_800 = arith.constant 26 : i32
        %mul3A_801 = arith.muli %select_n3A, %mul3A_800 : i32
        %add3A_802 = arith.constant 20 : i32
        %add3A_803 = arith.addi %mul3A_801, %add3A_802 : i32
        %get3A_804 = arith.index_cast %add3A_803 : i32 to index
        %get3A_805 = arith.index_cast %mul3A_639 : i32 to index
        %get3A_806 = tpu.vector_load %arg8[%get3A_804, %get3A_805] {strides = array<i32>} : memref<104x128xf32, #tpu.memory_space<vmem>>, vector<16xf32>,
        %add3A_807 = arith.addf %add3A_799, %get3A_806 : vector<16xf32>
        %mul3A_808 = arith.constant 26 : i32
        %mul3A_809 = arith.muli %select_n3A, %mul3A_808 : i32
        %add3A_810 = arith.constant 21 : i32
        %add3A_811 = arith.addi %mul3A_809, %add3A_810 : i32
        %get3A_812 = arith.index_cast %add3A_811 : i32 to index
        %get3A_813 = arith.index_cast %mul3A_639 : i32 to index
        %get3A_814 = tpu.vector_load %arg8[%get3A_812, %get3A_813] {strides = array<i32>} : memref<104x128xf32, #tpu.memory_space<vmem>>, vector<16xf32>,
        %add3A_815 = arith.addf %add3A_807, %get3A_814 : vector<16xf32>
        %mul3A_816 = arith.constant 26 : i32
        %mul3A_817 = arith.muli %select_n3A, %mul3A_816 : i32
        %add3A_818 = arith.constant 22 : i32
        %add3A_819 = arith.addi %mul3A_817, %add3A_818 : i32
        %get3A_820 = arith.index_cast %add3A_819 : i32 to index
        %get3A_821 = arith.index_cast %mul3A_639 : i32 to index
        %get3A_822 = tpu.vector_load %arg8[%get3A_820, %get3A_821] {strides = array<i32>} : memref<104x128xf32, #tpu.memory_space<vmem>>, vector<16xf32>,
        %add3A_823 = arith.addf %add3A_815, %get3A_822 : vector<16xf32>
        %mul3A_824 = arith.constant 26 : i32
        %mul3A_825 = arith.muli %select_n3A, %mul3A_824 : i32
        %add3A_826 = arith.constant 23 : i32
        %add3A_827 = arith.addi %mul3A_825, %add3A_826 : i32
        %get3A_828 = arith.index_cast %add3A_827 : i32 to index
        %get3A_829 = arith.index_cast %mul3A_639 : i32 to index
        %get3A_830 = tpu.vector_load %arg8[%get3A_828, %get3A_829] {strides = array<i32>} : memref<104x128xf32, #tpu.memory_space<vmem>>, vector<16xf32>,
        %add3A_831 = arith.addf %add3A_823, %get3A_830 : vector<16xf32>
        %mul3A_832 = arith.constant 26 : i32
        %mul3A_833 = arith.muli %select_n3A, %mul3A_832 : i32
        %add3A_834 = arith.constant 24 : i32
        %add3A_835 = arith.addi %mul3A_833, %add3A_834 : i32
        %get3A_836 = arith.index_cast %add3A_835 : i32 to index
        %get3A_837 = arith.index_cast %mul3A_639 : i32 to index
        %get3A_838 = tpu.vector_load %arg8[%get3A_836, %get3A_837] {strides = array<i32>} : memref<104x128xf32, #tpu.memory_space<vmem>>, vector<16xf32>,
        %add3A_839 = arith.addf %add3A_831, %get3A_838 : vector<16xf32>
        %mul3A_840 = arith.constant 26 : i32
        %mul3A_841 = arith.muli %select_n3A, %mul3A_840 : i32
        %add3A_842 = arith.constant 25 : i32
        %add3A_843 = arith.addi %mul3A_841, %add3A_842 : i32
        %get3A_844 = arith.index_cast %add3A_843 : i32 to index
        %get3A_845 = arith.index_cast %mul3A_639 : i32 to index
        %get3A_846 = tpu.vector_load %arg8[%get3A_844, %get3A_845] {strides = array<i32>} : memref<104x128xf32, #tpu.memory_space<vmem>>, vector<16xf32>,
        %add3A_847 = arith.addf %add3A_839, %get3A_846 : vector<16xf32>
        %mul3A_848 = arith.constant 16 : i32
        %mul3A_849 = arith.muli %while3A_606, %mul3A_848 : i32
        %swap3A = arith.index_cast %mul3A_849 : i32 to index
        %swap3A_850 = tpu.vector_load %arg9[%swap3A] {strides = array<i32>} : memref<512xf32, #tpu.memory_space<vmem>>, vector<16xf32>,
        tpu.vector_store %arg9[%swap3A], %add3A_847 {strides = array<i32>} : memref<512xf32, #tpu.memory_space<vmem>>, vector<16xf32>,
      }
    }
    %scan3A_275 = arith.constant 4 : i32
    "tpu.region"() ({
      %run_scoped3A = tpu.sem_alloc : memref<!tpu.dma_semaphore, #tpu.memory_space<semaphore_mem>>
      %dma_start3A_276 = tpu.memref_slice %arg5[%mul3A_2] : memref<16384xf32, #tpu.memory_space<hbm>> -> memref<512xf32, #tpu.memory_space<hbm>>
      %dma_start3A_277 = tpu.memref_slice %arg5[%mul3A_2] : memref<16384xf32, #tpu.memory_space<hbm>> -> memref<512xf32, #tpu.memory_space<hbm>>
      tpu.enqueue_dma source(%arg9 : memref<512xf32, #tpu.memory_space<vmem>>) target(%dma_start3A_277 : memref<512xf32, #tpu.memory_space<hbm>>) target_semaphore(%run_scoped3A : memref<!tpu.dma_semaphore, #tpu.memory_space<semaphore_mem>>)
      %dma_wait3A = tpu.memref_slice %arg5[%mul3A_2] : memref<16384xf32, #tpu.memory_space<hbm>> -> memref<512xf32, #tpu.memory_space<hbm>>
      %dma_wait3A_278 = tpu.memref_slice %arg5[%mul3A_2] : memref<16384xf32, #tpu.memory_space<hbm>> -> memref<512xf32, #tpu.memory_space<hbm>>
      tpu.wait_dma2 semaphore(%run_scoped3A : memref<!tpu.dma_semaphore, #tpu.memory_space<semaphore_mem>>) src(%arg9 : memref<512xf32, #tpu.memory_space<vmem>>) dst(%dma_wait3A_278 : memref<512xf32, #tpu.memory_space<hbm>>)
      tpu.yield
    }) : () -> ()
    return
  }
}

</mosaic_0001>

<sc_bundles>
// kernel: kernel.3.cloned.1.call-start
scs
__scs_entry_jumppad:
0x0: {  	(pc) =	sbr.rel $0x88, $3  }
0x1: {  	(tag) =	ssettag $0x0;
	lr =	simm.s32 $0x1  }
0x2: {  	[smem:$0x3F9E] =	sst lr;
	_ =	strace $0xD0000000  }
0x3: {  	_ = 	snop  }
0x4: {  	_ = 	snop  }
0x5: {  	_ = 	snop  }
0x6: {  	_ = 	snop  }
0x7: {  	_ = 	snop  }
__scs_overlays_trampoline_lowered:
0x8: {  	[smem:$0x3FAD] =	sst s0  }
0x9: {  	[smem:$0x3FAE] =	sst s1  }
0xa: {  	[smem:$0x3FAF] =	sst s2  }
0xb: {  	[smem:$0x3FB0] =	sst s3  }
0xc: {  	[smem:$0x3FB1] =	sst s4  }
0xd: {  	[smem:$0x3FB2] =	sst s5  }
0xe: {  	[smem:$0x3FB3] =	sst s6  }
0xf: {  	[smem:$0x3FB4] =	sst s7  }
0x10: {  	[smem:$0x3FB5] =	sst s8  }
0x11: {  	[smem:$0x3FB6] =	sst s9;
	s0 =	simm.s32 @!p0 $0x0  }
0x12: {  	s1 =	sld [smem:$0x3F9C];
	s0 =	simm.s32 @p0 $0x1  }
0x13: {  	[smem:$0x3FB7] =	sst s0;
	s0 =	simm.s32 @!p1 $0x0  }
0x14: {  	s2 =	sld [smem:$0x3F9B];
	s0 =	simm.s32 @p1 $0x1  }
0x15: {  	[smem:$0x3FB8] =	sst s0;
	s0 =	simm.s32 @!p2 $0x0  }
0x16: {  	s3 =	sld [smem:$0x3FDB];
	s0 =	simm.s32 @p2 $0x1  }
0x17: {  	s4 =	simm.s32 $0x1BF5;
	[smem:$0x3FBA] =	sst s0  }
0x18: {  	s0 =	sld [smem:$0x3F9D];
	_ =	swait.ge [sflag:s4], $0x0  }
0x19: {  	s7 =	sld [smem:$0x3F9E]  }
0x1a: {  	s8 =	sadd.s32 $0xFFFFE003, lr  }
0x1b: {  	s9 =	sadd.s32 $0xFFFFFEF7, lr;
	s5 =	simm.s32 $0xFFFFFFFF;
	p2 =	slt.u32 s8, $0xFFFFF086  }
0x1c: {  	p1 =	slt.u32 s9, $0xF7A;
	s5 =	simm.s32 @!p2 $0x0  }
0x1d: {  	s5 =	simm.s32 @p1 $0x1;
	p0 =	seq.s32 s7, s2  }
0x1e: {  	s7 =	smul.u32 @!p0 $0xF7A, s2;
	p2 =	seq.s32 @!p0 s5, $0x0  }
0x1f: {  	s9 =	smul.u32 $0xF7A, s1;
	s8 =	simm.s32 @!p0 $0x1BF5;
	p2 =	por !p2, p0  }
0x20: {  	[sflag:s8] =	ssyncset.s32 @!p0 $0xFFFFF086;
	s6 =	sadd.s32 @!p0 s3, s7;
	s7 =	simm.s32 @!p0 $0x108  }
0x21: {  	s3 =	sadd.s32 s3, s9;
	s6 =	sadd.s32 @!p0 $0x88, s6;
	s7 =	simm.s32 @p2 $0x1082  }
0x22: {  	[simem:s7], [sflag:s8] =	dma.local @!p0 [hbm:s6], $0xF7A  }
0x23: {  	s9 =	sor.u32 $0xD0000000, s2;
	s6 =	simm.s32 $0x108;
	_ =	swait.ge @!p0 [sflag:s8], $0x0  }
0x24: {  	s3 =	sadd.s32 $0x88, s3;
	s6 =	simm.s32 @!p1 $0x1082;
	[sflag:s4] =	ssyncset.s32 $0xFFFFF086  }
0x25: {  	[simem:s6], [sflag:s4] =	dma.local [hbm:s3], $0xF7A  }
0x26: {  	[smem:$0x3F9E] =	sst s1;
	(tag) =	ssettag s2;
	_ =	strace s9  }
0x27: {  	s1 =	sld [smem:$0x3FAE]  }
0x28: {  	s2 =	sld [smem:$0x3FAF]  }
0x29: {  	s4 =	sld [smem:$0x3FB1]  }
0x2a: {  	p0 =	seq.s32 s5, $0x0;
	s5 =	sld [smem:$0x3FB2]  }
0x2b: {  	s6 =	sld [smem:$0x3FB3]  }
0x2c: {  	s7 =	sld [smem:$0x3FB4]  }
0x2d: {  	s3 =	simm.s32 $0x108;
	s8 =	sld [smem:$0x3FB5]  }
0x2e: {  	s3 =	simm.s32 @!p0 $0x1082;
	s9 =	sld [smem:$0x3FB6]  }
0x2f: {  	lr =	sadd.s32 s0, s3;
	s0 =	sld [smem:$0x3FAD]  }
0x30: {  	s3 =	sld [smem:$0x3FB0]  }
0x31: {  	[smem:$0x3FB9] =	sst s10  }
0x32: {  	s10 =	sld [smem:$0x3FB7];
	_ =	sdelay $0x3  }
0x33: {  	p0 =	seq.s32 s10, $0x1;
	s10 =	sld [smem:$0x3FB9];
	_ =	sdelay $0x3  }
0x34: {  	[smem:$0x3FB9] =	sst s10  }
0x35: {  	s10 =	sld [smem:$0x3FB8];
	_ =	sdelay $0x3  }
0x36: {  	p1 =	seq.s32 s10, $0x1;
	s10 =	sld [smem:$0x3FB9];
	_ =	sdelay $0x3  }
0x37: {  	[smem:$0x3FB9] =	sst s10  }
0x38: {  	s10 =	sld [smem:$0x3FBA]  }
0x39: {  	_ = 	snop;
	(pc) =	sbr.ind lr, $3  }
0x3a: {  	_ = 	snop  }
0x3b: {  	_ = 	snop  }
0x3c: {  	p2 =	seq.s32 s10, $0x1;
	s10 =	sld [smem:$0x3FB9]  }
0x3d: {  	_ =	shalt  }
0x3e: {  	_ =	shalt  }
0x3f: {  	_ =	shalt  }
0x40: {  	_ =	shalt  }
0x41: {  	_ =	shalt  }
0x42: {  	_ =	shalt  }
0x43: {  	_ =	shalt  }
0x44: {  	_ =	shalt  }
0x45: {  	_ =	shalt  }
0x46: {  	_ =	shalt  }
0x47: {  	_ =	shalt  }
0x48: {  	_ =	shalt  }
0x49: {  	_ =	shalt  }
0x4a: {  	_ =	shalt  }
0x4b: {  	_ =	shalt  }
0x4c: {  	_ =	shalt  }
0x4d: {  	_ =	shalt  }
0x4e: {  	_ =	shalt  }
0x4f: {  	_ =	shalt  }
0x50: {  	_ =	shalt  }
0x51: {  	_ =	shalt  }
0x52: {  	_ =	shalt  }
0x53: {  	_ =	shalt  }
0x54: {  	_ =	shalt  }
0x55: {  	_ =	shalt  }
0x56: {  	_ =	shalt  }
0x57: {  	_ =	shalt  }
0x58: {  	_ =	shalt  }
0x59: {  	_ =	shalt  }
0x5a: {  	_ =	shalt  }
0x5b: {  	_ =	shalt  }
0x5c: {  	_ =	shalt  }
0x5d: {  	_ =	shalt  }
0x5e: {  	_ =	shalt  }
0x5f: {  	_ =	shalt  }
0x60: {  	_ =	shalt  }
0x61: {  	_ =	shalt  }
0x62: {  	_ =	shalt  }
0x63: {  	_ =	shalt  }
0x64: {  	_ =	shalt  }
0x65: {  	_ =	shalt  }
0x66: {  	_ =	shalt  }
0x67: {  	_ =	shalt  }
0x68: {  	_ =	shalt  }
0x69: {  	_ =	shalt  }
0x6a: {  	_ =	shalt  }
0x6b: {  	_ =	shalt  }
0x6c: {  	_ =	shalt  }
0x6d: {  	_ =	shalt  }
0x6e: {  	_ =	shalt  }
0x6f: {  	_ =	shalt  }
0x70: {  	_ =	shalt  }
0x71: {  	_ =	shalt  }
0x72: {  	_ =	shalt  }
0x73: {  	_ =	shalt  }
0x74: {  	_ =	shalt  }
0x75: {  	_ =	shalt  }
0x76: {  	_ =	shalt  }
0x77: {  	_ =	shalt  }
0x78: {  	_ =	shalt  }
0x79: {  	_ =	shalt  }
0x7a: {  	_ =	shalt  }
0x7b: {  	_ =	shalt  }
0x7c: {  	_ =	shalt  }
0x7d: {  	_ =	shalt  }
0x7e: {  	_ =	shalt  }
0x7f: {  	_ =	shalt  }
0x80: {  	_ =	shalt  }
0x81: {  	_ =	shalt  }
0x82: {  	_ =	shalt  }
0x83: {  	_ =	shalt  }
0x84: {  	_ =	shalt  }
0x85: {  	_ =	shalt  }
0x86: {  	_ =	shalt  }
0x87: {  	_ =	shalt  }
.Lfunc_end0:
.L_simem_size_0:
called_computation_lowered:
.L_overlay_start_0:
0x88: {  	s2 =	sld [smem:$0x3FD9]  }
0x89: {  	s3 =	sld [smem:$0x3FFE];
	_ =	sdelay $0x1  }
0x8a: {  	s1 =	srdreg.scid  }
0x8b: {  	s0 =	sand.u32 $0x1, s1  }
0x8c: {  	s17 =	sshll.u32 s0, $0xA;
	s2 =	sadd.s32 s3, s2  }
0x8d: {  	s2 =	sadd.s32 s2, s17  }
0x8e: {  	[smem:$0x3FC5] =	sst s2  }
0x8f: {  	_ = 	snop  }
0x90: {  	s2 =	sld [smem:$0x3FD0];
	(tm) =	ssettm $0x1  }
0x91: {  	s18 =	sld [smem:$0x3FFB];
	_ =	sdelay $0x3  }
0x92: {  	_ =	strace s18  }
0x93: {  	s3 =	sld [smem:$0x3FFC];
	_ =	sdelay $0x3  }
0x94: {  	_ =	strace s3  }
0x95: {  	s3 =	sld [smem:$0x3FFD];
	_ =	sdelay $0x3  }
0x96: {  	_ =	strace s3  }
0x97: {  	_ =	strace $0x8FFFFFFF  }
0x98: {  	s19 =	sld [smem:$0x3FDB];
	_ =	sdelay $0x1  }
0x99: {  	s4 =	simm.s32 $_scs_section_size  }
0x9a: {  	s5 =	simm.s32 $_size__tile_overlayer_lowered;
	s6 =	simm.s32 $_tile_overlayer_lowered  }
0x9b: {  	s22 =	simm.s32 $0x1BFF;
	s21 =	sshll.u32 s6, $0x1;
	s3 =	sadd.s32 s4, s19  }
0x9c: {  	s7 =	simm.s32 $0x0;
	s20 =	sshll.u32 s5, $0x1;
	s5 =	sadd.s32 s21, s3  }
0x9d: {  	[timem:s7], [sflag:s22] =	dma.local [hbm:s5], s20  }
0x9e: {  	_ =	swait.ge [sflag:s22], s20  }
0x9f: {  	s4 =	ssub.s32 $0x0, s20;
	[sflag:s22] =	ssyncset.done $0x0  }
0xa0: {  	[sflag:s22] =	ssyncadd.s32 s4;
	_ =	sdelay $0x1  }
0xa1: {  	s23 =	simm.s32 $0x1B8B  }
0xa2: {  	_ =	swait.ge [sflag:s23], $0x1  }
0xa3: {  	[sflag:s23] =	ssyncset.done $0x0  }
0xa4: {  	s25 =	simm.s32 $0x1B8E;
	s24 =	sld [smem:$0x3FFE];
	[sflag:s23] =	ssyncadd.s32 $0xFFFFFFFF  }
0xa5: {  	s26 =	simm.s32 $execute0_lowered;
	[smem:$0x3FD2] =	sst s25  }
0xa6: {  	s5 =	sshll.u32 s26, $0x1;
	_ =	strace $0x80000046;
	[dreg:$0x1] =	wrdreg $0xFFFFFFFF  }
0xa7: {  	s28 =	simm.s32 $_size_execute0_lowered;
	s3 =	sadd.s32 s3, s5;
	[dreg:$0x0] =	wrdreg $0x0  }
0xa8: {  	s5 =	sshll.u32 s28, $0x1;
	[dreg:$0x2] =	wrdreg s3  }
0xa9: {  	[dreg:$0x3] =	wrdreg s5  }
0xaa: {  	[dreg:$0x4] =	wrdreg $0xC0  }
0xab: {  	_ =	task [dreg:s7], $0x5FFFF  }
0xac: {  	[dreg:$0x1] =	wrdreg $0xFFFFFFFF  }
0xad: {  	[dreg:$0x0] =	wrdreg $0x60  }
0xae: {  	[dreg:$0x2] =	wrdreg s24  }
0xaf: {  	[dreg:$0x3] =	wrdreg s2  }
0xb0: {  	[dreg:$0x4] =	wrdreg $0x9  }
0xb1: {  	_ =	task.clear_ibuf [dreg:s7], $0x5FFFF;
	_ =	strace $0x90000046  }
0xb2: {  	s29 =	simm.s32 $0x9;
	_ =	strace $0x80000048  }
0xb3: {  	_ =	swait.ge [sflag:s29], $0x1  }
0xb4: {  	[sflag:s29] =	ssyncadd.s32 $0xFFFFFFFF  }
0xb5: {  	_ =	strace $0x90000048  }
0xb6: {  	_ =	sfence  }
0xb7: {  	s30 =	sld [smem:$0x0];
	_ =	sdelay $0x2  }
0xb8: {  	s31 =	sshll.u32 s1, $0xD;
	s1 =	sshrl.u32 s1, $0x2  }
0xb9: {  	s3 =	sand.u32 $0x4000, s31;
	s1 =	sadd.s32 s1, s30  }
0xba: {  	s0 =	sor.u32 s3, s0;
	s1 =	sshll.u32 s1, $0x11  }
0xbb: {  	s0 =	sor.u32 s1, s0  }
0xbc: {  	s0 =	sadd.s32 $0x8F2B, s0  }
0xbd: {  	[sflag:s0] =	ssyncadd.remote.s32 $0x1  }
0xbe: {  	_ =	sfence.sel $0xFFFF  }
0xbf: {  	[dreg:$0x0] =	wrdreg $0xFFFFFFFF;
	(pc) =	sbr.abs _section_cstart, $3  }
0xc0: {  	[dreg:$0x1] =	wrdreg $0xFFFFFFFF  }
0xc1: {  	_ =	task.clear_ibuf [dreg:s7], $0x2FFFF;
	_ =	strace $0x9FFFFFFF  }
0xc2: {  	(tm) =	ssettm $0x7FFFFFFF  }
0xc3: {  	_ =	shalt  }
tec
execute0_lowered:
.L_overlay_start_1:
0x0: {  	(tag) =	ssettag $0x1  }
0x1: {  	s0 =	srdreg.scid  }
0x2: {  	s2 =	stileid.u32;
	s1 =	rddreg [dreg:$0x0];
	v0 =	vlaneseq.u32  }
0x3: {  	s6 =	rddreg [dreg:$0x1];
	s8 =	simm.s32 $0x2;
	s12 =	simm.s32 $0x3A80;
	v0 =	vmul.u32 $0x1A, v0  }
0x4: {  	s30 =	simm.s32 $0x7280;
	s31 =	simm.s32 $0x3F00;
	s9 =	simm.s32 $0x7380  }
0x5: {  	s10 =	simm.s32 $0x4000;
	s11 =	simm.s32 $0x7400;
	s13 =	simm.s32 $0x4080;
	v1 =	vor.u32 $0x1, v0  }
0x6: {  	s14 =	simm.s32 $0x7480;
	s15 =	simm.s32 $0x1;
	s16 =	simm.s32 $0x9C00;
	v2 =	vadd.s32 $0x2, v0;
	v3 =	vadd.s32 $0x3, v0;
	v4 =	vadd.s32 $0x4, v0  }
0x7: {  	s17 =	simm.s32 $0x80;
	s0 =	sand.u32 $0x1, s0;
	s2 =	sshll.u32 s2, $0x1;
	v5 =	vadd.s32 $0x5, v0;
	v6 =	vadd.s32 $0x6, v0;
	v7 =	vadd.s32 $0x7, v0  }
0x8: {  	s18 =	simm.s32 $0x0;
	s4 =	sadd.s32 $0x5D200, s1;
	s7 =	sor.u32 s0, s2;
	v8 =	vadd.s32 $0x8, v0;
	v9 =	vadd.s32 $0x9, v0;
	v10 =	vadd.s32 $0xA, v0  }
0x9: {  	s2 =	simm.s32 $0x0;
	s0 =	ssub.s32 $0x2, s0;
	s3 =	smul.u32 $0x680, s7;
	v11 =	vadd.s32 $0xB, v0;
	v12 =	vadd.s32 $0xC, v0;
	v13 =	vadd.s32 $0xD, v0  }
0xa: {  	[smem:$0x7FF] =	sst s2;
	s28 =	sshrl.u32 s0, $0x1;
	s29 =	sshll.u32 s7, $0x6;
	v14 =	vadd.s32 $0xE, v0;
	v15 =	vadd.s32 $0xF, v0;
	v16 =	vadd.s32 $0x10, v0  }
0xb: {  	v17 =	vadd.s32 $0x11, v0;
	v18 =	vadd.s32 $0x12, v0;
	v19 =	vadd.s32 $0x13, v0;
	_ =	strace $0x80000047;
	s0 =	ssub.s32 s0, s28;
	s6 =	sadd.s32 s6, s29  }
0xc: {  	v20 =	vadd.s32 $0x14, v0;
	v21 =	vadd.s32 $0x15, v0;
	v22 =	vadd.s32 $0x16, v0;
	s5 =	sadd.s32 s3, s1;
	s3 =	sadd.s32 $0xDC00, s1;
	s7 =	smax.u32 s0, $0x1  }
0xd: {  	v23 =	vadd.s32 $0x17, v0;
	v24 =	vadd.s32 $0x18, v0;
	v25 =	vadd.s32 $0x19, v0;
	s1 =	simm.s32 $0x7300;
	s0 =	simm.s32 $0x3F80;
	s5 =	sadd.s32 $0xC00, s5  }
.LBB2_1:
0xe: {  	v26 =	vmov s2  }
0xf: {  	v26 =	vmul.u32 $0x1A, v26  }
0x10: {  	[tilespmem:s2], [sflag:$0x2] =	stream.linear.gather [hbm4b:s5+s2], $0x3400, $0x38;
	[tilespmem:$0x9E80] =	vst v63  }
0x11: {  	_ =	swait.ge [sflag:s8], $0x3400;
	v27 =	vbroadcast v26, $0x0  }
0x12: {  	[sflag:s8] =	ssyncset.done $0x0  }
0x13: {  	s19 =	simm.s32 $0x9E00;
	[sflag:s8] =	ssyncadd.s32 $0xFFFFCC00;
	v26 =	vadd.s32 v0, v27  }
0x14: {  	[tilespmem:s19], [sflag:$0x2] =	stream.linear.gather [hbm4b:s4+s2], $0x80, $0x38;
	[tilespmem:$0x9E80] =	vst v63  }
0x15: {  	_ =	swait.ge [sflag:s8], $0x80  }
0x16: {  	[sflag:s8] =	ssyncset.done $0x0  }
0x17: {  	[sflag:s8] =	ssyncadd.s32 $0xFFFFFF80  }
0x18: {  	v28 =	vld.idx.msk [tilespmem:v26+s2+$0x0], $0xffff  }
0x19: {  	v29 =	vadd.s32 v1, v27;
	_ =	sdelay $0x3  }
0x1a: {  	v26 =	vld [tilespmem:$0x9E00];
	[tilespmem:s12+$0xFFFFF980] =	vst v28  }
0x1b: {  	v28 =	vld.idx.msk [tilespmem:v29+s2+$0x0], $0xffff;
	_ =	sdelay $0x1  }
0x1c: {  	v29 =	vadd.s32 v2, v27;
	_ =	sdelay $0x2  }
0x1d: {  	v28 =	vadd.s32 $0x186A0, v28  }
0x1e: {  	[tilespmem:s12+$0xFFFFFA00] =	vst v28  }
0x1f: {  	v28 =	vld.idx.msk [tilespmem:v29+s2+$0x0], $0xffff;
	_ =	sdelay $0x1  }
0x20: {  	v29 =	vadd.s32 v3, v27;
	_ =	sdelay $0x2  }
0x21: {  	v28 =	vadd.s32 $0x30D40, v28  }
0x22: {  	[tilespmem:s12+$0xFFFFFA80] =	vst v28  }
0x23: {  	v28 =	vld.idx.msk [tilespmem:v29+s2+$0x0], $0xffff;
	_ =	sdelay $0x1  }
0x24: {  	v29 =	vadd.s32 v4, v27;
	_ =	sdelay $0x2  }
0x25: {  	v28 =	vadd.s32 $0x493E0, v28  }
0x26: {  	[tilespmem:s12+$0xFFFFFB00] =	vst v28  }
0x27: {  	v28 =	vld.idx.msk [tilespmem:v29+s2+$0x0], $0xffff;
	_ =	sdelay $0x1  }
0x28: {  	v29 =	vadd.s32 v5, v27;
	_ =	sdelay $0x2  }
0x29: {  	v28 =	vadd.s32 $0x61A80, v28  }
0x2a: {  	[tilespmem:s12+$0xFFFFFB80] =	vst v28  }
0x2b: {  	v28 =	vld.idx.msk [tilespmem:v29+s2+$0x0], $0xffff;
	_ =	sdelay $0x1  }
0x2c: {  	v29 =	vadd.s32 v6, v27;
	_ =	sdelay $0x2  }
0x2d: {  	v28 =	vadd.s32 $0x7A120, v28  }
0x2e: {  	[tilespmem:s12+$0xFFFFFC00] =	vst v28  }
0x2f: {  	v28 =	vld.idx.msk [tilespmem:v29+s2+$0x0], $0xffff;
	_ =	sdelay $0x1  }
0x30: {  	v29 =	vadd.s32 v7, v27;
	_ =	sdelay $0x2  }
0x31: {  	v28 =	vadd.s32 $0x927C0, v28  }
0x32: {  	[tilespmem:s12+$0xFFFFFC80] =	vst v28  }
0x33: {  	v28 =	vld.idx.msk [tilespmem:v29+s2+$0x0], $0xffff;
	_ =	sdelay $0x1  }
0x34: {  	v29 =	vadd.s32 v8, v27;
	_ =	sdelay $0x2  }
0x35: {  	v28 =	vadd.s32 $0xAAE60, v28  }
0x36: {  	[tilespmem:s12+$0xFFFFFD00] =	vst v28  }
0x37: {  	v28 =	vld.idx.msk [tilespmem:v29+s2+$0x0], $0xffff;
	_ =	sdelay $0x1  }
0x38: {  	v29 =	vadd.s32 v9, v27;
	_ =	sdelay $0x2  }
0x39: {  	v28 =	vadd.s32 $0xC3500, v28  }
0x3a: {  	[tilespmem:s12+$0xFFFFFD80] =	vst v28  }
0x3b: {  	v28 =	vld.idx.msk [tilespmem:v29+s2+$0x0], $0xffff;
	_ =	sdelay $0x1  }
0x3c: {  	v29 =	vadd.s32 v10, v27;
	_ =	sdelay $0x2  }
0x3d: {  	v28 =	vadd.s32 $0xDBBA0, v28  }
0x3e: {  	[tilespmem:s12+$0xFFFFFE00] =	vst v28  }
0x3f: {  	v28 =	vld.idx.msk [tilespmem:v29+s2+$0x0], $0xffff;
	_ =	sdelay $0x1  }
0x40: {  	v29 =	vadd.s32 v11, v27;
	_ =	sdelay $0x2  }
0x41: {  	v28 =	vadd.s32 $0xF4240, v28  }
0x42: {  	[tilespmem:s12+$0xFFFFFE80] =	vst v28  }
0x43: {  	v28 =	vld.idx.msk [tilespmem:v29+s2+$0x0], $0xffff;
	_ =	sdelay $0x1  }
0x44: {  	v29 =	vadd.s32 v12, v27;
	_ =	sdelay $0x2  }
0x45: {  	v28 =	vadd.s32 $0x10C8E0, v28  }
0x46: {  	[tilespmem:s12+$0xFFFFFF00] =	vst v28  }
0x47: {  	v28 =	vld.idx.msk [tilespmem:v29+s2+$0x0], $0xffff;
	_ =	sdelay $0x1  }
0x48: {  	v29 =	vadd.s32 v13, v27;
	_ =	sdelay $0x2  }
0x49: {  	v28 =	vadd.s32 $0x124F80, v28  }
0x4a: {  	[tilespmem:s12+$0xFFFFFF80] =	vst v28  }
0x4b: {  	v28 =	vld.idx.msk [tilespmem:v29+s2+$0x0], $0xffff;
	_ =	sdelay $0x1  }
0x4c: {  	v29 =	vadd.s32 v14, v27;
	_ =	sdelay $0x2  }
0x4d: {  	v28 =	vadd.s32 $0x13D620, v28  }
0x4e: {  	[tilespmem:s12+$0x0] =	vst v28  }
0x4f: {  	v28 =	vld.idx.msk [tilespmem:v29+s2+$0x0], $0xffff;
	_ =	sdelay $0x1  }
0x50: {  	v29 =	vadd.s32 v15, v27;
	_ =	sdelay $0x2  }
0x51: {  	v28 =	vadd.s32 $0x155CC0, v28  }
0x52: {  	[tilespmem:s12+$0x80] =	vst v28  }
0x53: {  	v28 =	vld.idx.msk [tilespmem:v29+s2+$0x0], $0xffff;
	_ =	sdelay $0x1  }
0x54: {  	v29 =	vadd.s32 v16, v27;
	_ =	sdelay $0x2  }
0x55: {  	v28 =	vadd.s32 $0x16E360, v28  }
0x56: {  	[tilespmem:s12+$0x100] =	vst v28  }
0x57: {  	v28 =	vld.idx.msk [tilespmem:v29+s2+$0x0], $0xffff;
	_ =	sdelay $0x1  }
0x58: {  	v29 =	vadd.s32 v17, v27;
	_ =	sdelay $0x2  }
0x59: {  	v28 =	vadd.s32 $0x186A00, v28  }
0x5a: {  	[tilespmem:s12+$0x180] =	vst v28  }
0x5b: {  	v28 =	vld.idx.msk [tilespmem:v29+s2+$0x0], $0xffff;
	_ =	sdelay $0x1  }
0x5c: {  	v29 =	vadd.s32 v18, v27;
	_ =	sdelay $0x2  }
0x5d: {  	v28 =	vadd.s32 $0x19F0A0, v28  }
0x5e: {  	[tilespmem:s12+$0x200] =	vst v28  }
0x5f: {  	v28 =	vld.idx.msk [tilespmem:v29+s2+$0x0], $0xffff;
	_ =	sdelay $0x1  }
0x60: {  	v29 =	vadd.s32 v19, v27;
	_ =	sdelay $0x2  }
0x61: {  	v28 =	vadd.s32 $0x1B7740, v28  }
0x62: {  	[tilespmem:s12+$0x280] =	vst v28  }
0x63: {  	v28 =	vld.idx.msk [tilespmem:v29+s2+$0x0], $0xffff;
	_ =	sdelay $0x1  }
0x64: {  	v29 =	vadd.s32 v20, v27;
	_ =	sdelay $0x2  }
0x65: {  	v28 =	vadd.s32 $0x1CFDE0, v28  }
0x66: {  	[tilespmem:s12+$0x300] =	vst v28  }
0x67: {  	v28 =	vld.idx.msk [tilespmem:v29+s2+$0x0], $0xffff;
	_ =	sdelay $0x1  }
0x68: {  	v29 =	vadd.s32 v21, v27;
	_ =	sdelay $0x2  }
0x69: {  	v28 =	vadd.s32 $0x1E8480, v28  }
0x6a: {  	[tilespmem:s12+$0x380] =	vst v28  }
0x6b: {  	v28 =	vld.idx.msk [tilespmem:v29+s2+$0x0], $0xffff;
	_ =	sdelay $0x1  }
0x6c: {  	v29 =	vadd.s32 v22, v27;
	_ =	sdelay $0x2  }
0x6d: {  	v28 =	vadd.s32 $0x200B20, v28  }
0x6e: {  	[tilespmem:s12+$0x400] =	vst v28  }
0x6f: {  	v28 =	vld.idx.msk [tilespmem:v29+s2+$0x0], $0xffff;
	_ =	sdelay $0x1  }
0x70: {  	v29 =	vadd.s32 v23, v27;
	_ =	sdelay $0x2  }
0x71: {  	v28 =	vadd.s32 $0x2191C0, v28  }
0x72: {  	[tilespmem:s12+$0x480] =	vst v28  }
0x73: {  	v28 =	vld.idx.msk [tilespmem:v29+s2+$0x0], $0xffff;
	_ =	sdelay $0x1  }
0x74: {  	v29 =	vadd.s32 v24, v27;
	_ =	sdelay $0x2  }
0x75: {  	v28 =	vadd.s32 $0x231860, v28  }
0x76: {  	[tilespmem:s12+$0x500] =	vst v28  }
0x77: {  	v29 =	vld.idx.msk [tilespmem:v29+s2+$0x0], $0xffff;
	_ =	sdelay $0x1  }
0x78: {  	v27 =	vadd.s32 v25, v27;
	_ =	sdelay $0x1  }
0x79: {  	s29 =	simm.s32 $0x10  }
0x7a: {  	s20 =	simm.s32 $0x20;
	s19 =	simm.s32 $0x3A80;
	v28 =	vmov s29;
	v29 =	vadd.s32 $0x249F00, v29  }
.LBB2_2:
0x7b: {  	p0 =	sne.s32 s20, $0x70;
	v28 =	vmul.u32 $0x1A, v28;
	[tilespmem:s19+$0x580] =	vst v29  }
0x7c: {  	v29 =	vld.idx.msk [tilespmem:v27+s2+$0x0], $0xffff  }
0x7d: {  	v27 =	vbroadcast v28, $0x0;
	_ =	sdelay $0x1  }
0x7e: {  	v28 =	vadd.s32 v0, v27;
	_ =	sdelay $0x2  }
0x7f: {  	v29 =	vadd.s32 $0x2625A0, v29  }
0x80: {  	[tilespmem:s19+$0x600] =	vst v29  }
0x81: {  	v28 =	vld.idx.msk [tilespmem:v28+s2+$0x0], $0xffff;
	_ =	sdelay $0x1  }
0x82: {  	v29 =	vadd.s32 v1, v27;
	_ =	sdelay $0x2  }
0x83: {  	s19 =	sadd.s32 $0x10, s19  }
0x84: {  	[tilespmem:s19+$0xFFFFF980] =	vst v28  }
0x85: {  	v28 =	vld.idx.msk [tilespmem:v29+s2+$0x0], $0xffff;
	_ =	sdelay $0x2  }
0x86: {  	v29 =	vadd.s32 v2, v27;
	_ =	sdelay $0x2  }
0x87: {  	v28 =	vadd.s32 $0x186A0, v28  }
0x88: {  	[tilespmem:s19+$0xFFFFFA00] =	vst v28  }
0x89: {  	v28 =	vld.idx.msk [tilespmem:v29+s2+$0x0], $0xffff;
	_ =	sdelay $0x2  }
0x8a: {  	v29 =	vadd.s32 v3, v27;
	_ =	sdelay $0x2  }
0x8b: {  	v28 =	vadd.s32 $0x30D40, v28  }
0x8c: {  	[tilespmem:s19+$0xFFFFFA80] =	vst v28  }
0x8d: {  	v28 =	vld.idx.msk [tilespmem:v29+s2+$0x0], $0xffff;
	_ =	sdelay $0x2  }
0x8e: {  	v29 =	vadd.s32 v4, v27;
	_ =	sdelay $0x2  }
0x8f: {  	v28 =	vadd.s32 $0x493E0, v28  }
0x90: {  	[tilespmem:s19+$0xFFFFFB00] =	vst v28  }
0x91: {  	v28 =	vld.idx.msk [tilespmem:v29+s2+$0x0], $0xffff;
	_ =	sdelay $0x2  }
0x92: {  	v29 =	vadd.s32 v5, v27;
	_ =	sdelay $0x2  }
0x93: {  	v28 =	vadd.s32 $0x61A80, v28  }
0x94: {  	[tilespmem:s19+$0xFFFFFB80] =	vst v28  }
0x95: {  	v28 =	vld.idx.msk [tilespmem:v29+s2+$0x0], $0xffff;
	_ =	sdelay $0x2  }
0x96: {  	v29 =	vadd.s32 v6, v27;
	_ =	sdelay $0x2  }
0x97: {  	v28 =	vadd.s32 $0x7A120, v28  }
0x98: {  	[tilespmem:s19+$0xFFFFFC00] =	vst v28  }
0x99: {  	v28 =	vld.idx.msk [tilespmem:v29+s2+$0x0], $0xffff;
	_ =	sdelay $0x2  }
0x9a: {  	v29 =	vadd.s32 v7, v27;
	_ =	sdelay $0x2  }
0x9b: {  	v28 =	vadd.s32 $0x927C0, v28  }
0x9c: {  	[tilespmem:s19+$0xFFFFFC80] =	vst v28  }
0x9d: {  	v28 =	vld.idx.msk [tilespmem:v29+s2+$0x0], $0xffff;
	_ =	sdelay $0x2  }
0x9e: {  	v29 =	vadd.s32 v8, v27;
	_ =	sdelay $0x2  }
0x9f: {  	v28 =	vadd.s32 $0xAAE60, v28  }
0xa0: {  	[tilespmem:s19+$0xFFFFFD00] =	vst v28  }
0xa1: {  	v28 =	vld.idx.msk [tilespmem:v29+s2+$0x0], $0xffff;
	_ =	sdelay $0x2  }
0xa2: {  	v29 =	vadd.s32 v9, v27;
	_ =	sdelay $0x2  }
0xa3: {  	v28 =	vadd.s32 $0xC3500, v28  }
0xa4: {  	[tilespmem:s19+$0xFFFFFD80] =	vst v28  }
0xa5: {  	v28 =	vld.idx.msk [tilespmem:v29+s2+$0x0], $0xffff;
	_ =	sdelay $0x2  }
0xa6: {  	v29 =	vadd.s32 v10, v27;
	_ =	sdelay $0x2  }
0xa7: {  	v28 =	vadd.s32 $0xDBBA0, v28  }
0xa8: {  	[tilespmem:s19+$0xFFFFFE00] =	vst v28  }
0xa9: {  	v28 =	vld.idx.msk [tilespmem:v29+s2+$0x0], $0xffff;
	_ =	sdelay $0x2  }
0xaa: {  	v29 =	vadd.s32 v11, v27;
	_ =	sdelay $0x2  }
0xab: {  	v28 =	vadd.s32 $0xF4240, v28  }
0xac: {  	[tilespmem:s19+$0xFFFFFE80] =	vst v28  }
0xad: {  	v28 =	vld.idx.msk [tilespmem:v29+s2+$0x0], $0xffff;
	_ =	sdelay $0x2  }
0xae: {  	v29 =	vadd.s32 v12, v27;
	_ =	sdelay $0x2  }
0xaf: {  	v28 =	vadd.s32 $0x10C8E0, v28  }
0xb0: {  	[tilespmem:s19+$0xFFFFFF00] =	vst v28  }
0xb1: {  	v28 =	vld.idx.msk [tilespmem:v29+s2+$0x0], $0xffff;
	_ =	sdelay $0x2  }
0xb2: {  	v29 =	vadd.s32 v13, v27;
	_ =	sdelay $0x2  }
0xb3: {  	v28 =	vadd.s32 $0x124F80, v28  }
0xb4: {  	[tilespmem:s19+$0xFFFFFF80] =	vst v28  }
0xb5: {  	v28 =	vld.idx.msk [tilespmem:v29+s2+$0x0], $0xffff;
	_ =	sdelay $0x2  }
0xb6: {  	v29 =	vadd.s32 v14, v27;
	_ =	sdelay $0x2  }
0xb7: {  	v28 =	vadd.s32 $0x13D620, v28  }
0xb8: {  	[tilespmem:s19+$0x0] =	vst v28  }
0xb9: {  	v28 =	vld.idx.msk [tilespmem:v29+s2+$0x0], $0xffff;
	_ =	sdelay $0x2  }
0xba: {  	v29 =	vadd.s32 v15, v27;
	_ =	sdelay $0x2  }
0xbb: {  	v28 =	vadd.s32 $0x155CC0, v28  }
0xbc: {  	[tilespmem:s19+$0x80] =	vst v28  }
0xbd: {  	v28 =	vld.idx.msk [tilespmem:v29+s2+$0x0], $0xffff;
	_ =	sdelay $0x2  }
0xbe: {  	v29 =	vadd.s32 v16, v27;
	_ =	sdelay $0x2  }
0xbf: {  	v28 =	vadd.s32 $0x16E360, v28  }
0xc0: {  	[tilespmem:s19+$0x100] =	vst v28  }
0xc1: {  	v28 =	vld.idx.msk [tilespmem:v29+s2+$0x0], $0xffff;
	_ =	sdelay $0x2  }
0xc2: {  	v29 =	vadd.s32 v17, v27;
	_ =	sdelay $0x2  }
0xc3: {  	v28 =	vadd.s32 $0x186A00, v28  }
0xc4: {  	[tilespmem:s19+$0x180] =	vst v28  }
0xc5: {  	v28 =	vld.idx.msk [tilespmem:v29+s2+$0x0], $0xffff;
	_ =	sdelay $0x2  }
0xc6: {  	v29 =	vadd.s32 v18, v27;
	_ =	sdelay $0x2  }
0xc7: {  	v28 =	vadd.s32 $0x19F0A0, v28  }
0xc8: {  	[tilespmem:s19+$0x200] =	vst v28  }
0xc9: {  	v28 =	vld.idx.msk [tilespmem:v29+s2+$0x0], $0xffff;
	_ =	sdelay $0x2  }
0xca: {  	v29 =	vadd.s32 v19, v27;
	_ =	sdelay $0x2  }
0xcb: {  	v28 =	vadd.s32 $0x1B7740, v28  }
0xcc: {  	[tilespmem:s19+$0x280] =	vst v28  }
0xcd: {  	v28 =	vld.idx.msk [tilespmem:v29+s2+$0x0], $0xffff;
	_ =	sdelay $0x2  }
0xce: {  	v29 =	vadd.s32 v20, v27;
	_ =	sdelay $0x2  }
0xcf: {  	v28 =	vadd.s32 $0x1CFDE0, v28  }
0xd0: {  	[tilespmem:s19+$0x300] =	vst v28  }
0xd1: {  	v28 =	vld.idx.msk [tilespmem:v29+s2+$0x0], $0xffff;
	_ =	sdelay $0x2  }
0xd2: {  	v29 =	vadd.s32 v21, v27;
	_ =	sdelay $0x2  }
0xd3: {  	v28 =	vadd.s32 $0x1E8480, v28  }
0xd4: {  	[tilespmem:s19+$0x380] =	vst v28  }
0xd5: {  	v28 =	vld.idx.msk [tilespmem:v29+s2+$0x0], $0xffff;
	_ =	sdelay $0x2  }
0xd6: {  	v29 =	vadd.s32 v22, v27;
	_ =	sdelay $0x2  }
0xd7: {  	v28 =	vadd.s32 $0x200B20, v28  }
0xd8: {  	[tilespmem:s19+$0x400] =	vst v28  }
0xd9: {  	v28 =	vld.idx.msk [tilespmem:v29+s2+$0x0], $0xffff;
	_ =	sdelay $0x2  }
0xda: {  	v29 =	vadd.s32 v23, v27;
	_ =	sdelay $0x2  }
0xdb: {  	v28 =	vadd.s32 $0x2191C0, v28  }
0xdc: {  	[tilespmem:s19+$0x480] =	vst v28  }
0xdd: {  	v28 =	vld.idx.msk [tilespmem:v29+s2+$0x0], $0xffff;
	_ =	sdelay $0x2  }
0xde: {  	v29 =	vadd.s32 v24, v27;
	_ =	sdelay $0x2  }
0xdf: {  	v28 =	vadd.s32 $0x231860, v28  }
0xe0: {  	[tilespmem:s19+$0x500] =	vst v28  }
0xe1: {  	v29 =	vld.idx.msk [tilespmem:v29+s2+$0x0], $0xffff;
	_ =	sdelay $0x1  }
.Ltmp0:
0xe2: {  	(pc) =	sbr.rel @p0 .LBB2_2-.Ltmp0, $2  }
0xe3: {  	v27 =	vadd.s32 v25, v27;
	_ =	sdelay $0x2  }
0xe4: {  	v28 =	vmov s20;
	s20 =	sadd.s32 $0x10, s20;
	v29 =	vadd.s32 $0x249F00, v29  }
0xe5: {  	_ =	sdelay $0x1  }
0xe6: {  	v28 =	vmul.u32 $0x1A, v28  }
0xe7: {  	[tilespmem:s19+$0x580] =	vst v29  }
0xe8: {  	v27 =	vld.idx.msk [tilespmem:v27+s2+$0x0], $0xffff;
	v28 =	vbroadcast v28, $0x0;
	_ =	sdelay $0x1  }
0xe9: {  	v39 =	vadd.s32 v0, v28;
	_ =	sdelay $0x2  }
0xea: {  	v27 =	vadd.s32 $0x2625A0, v27  }
0xeb: {  	[tilespmem:s19+$0x600] =	vst v27  }
0xec: {  	v27 =	vld.idx.msk [tilespmem:v39+s2+$0x0], $0xffff  }
0xed: {  	v40 =	vadd.s32 v1, v28;
	_ =	sdelay $0x2  }
0xee: {  	s26 =	sadd.s32 $0x10, s19  }
0xef: {  	[tilespmem:s26+$0xFFFFF980] =	vst v27  }
0xf0: {  	v27 =	vld.idx.msk [tilespmem:v40+s2+$0x0], $0xffff;
	_ =	sdelay $0x1  }
0xf1: {  	v41 =	vadd.s32 v2, v28;
	_ =	sdelay $0x2  }
0xf2: {  	v27 =	vadd.s32 $0x186A0, v27  }
0xf3: {  	[tilespmem:s26+$0xFFFFFA00] =	vst v27  }
0xf4: {  	v27 =	vld.idx.msk [tilespmem:v41+s2+$0x0], $0xffff;
	_ =	sdelay $0x1  }
0xf5: {  	v42 =	vadd.s32 v3, v28;
	_ =	sdelay $0x2  }
0xf6: {  	v27 =	vadd.s32 $0x30D40, v27  }
0xf7: {  	[tilespmem:s26+$0xFFFFFA80] =	vst v27  }
0xf8: {  	v27 =	vld.idx.msk [tilespmem:v42+s2+$0x0], $0xffff;
	_ =	sdelay $0x1  }
0xf9: {  	v43 =	vadd.s32 v4, v28;
	_ =	sdelay $0x2  }
0xfa: {  	v27 =	vadd.s32 $0x493E0, v27  }
0xfb: {  	[tilespmem:s26+$0xFFFFFB00] =	vst v27  }
0xfc: {  	v27 =	vld.idx.msk [tilespmem:v43+s2+$0x0], $0xffff;
	_ =	sdelay $0x1  }
0xfd: {  	v44 =	vadd.s32 v5, v28;
	_ =	sdelay $0x2  }
0xfe: {  	v27 =	vadd.s32 $0x61A80, v27  }
0xff: {  	[tilespmem:s26+$0xFFFFFB80] =	vst v27  }
0x100: {  	v27 =	vld.idx.msk [tilespmem:v44+s2+$0x0], $0xffff;
	_ =	sdelay $0x1  }
0x101: {  	v45 =	vadd.s32 v6, v28;
	_ =	sdelay $0x2  }
0x102: {  	v27 =	vadd.s32 $0x7A120, v27  }
0x103: {  	[tilespmem:s26+$0xFFFFFC00] =	vst v27  }
0x104: {  	v27 =	vld.idx.msk [tilespmem:v45+s2+$0x0], $0xffff;
	_ =	sdelay $0x1  }
0x105: {  	v46 =	vadd.s32 v7, v28;
	_ =	sdelay $0x2  }
0x106: {  	v27 =	vadd.s32 $0x927C0, v27  }
0x107: {  	[tilespmem:s26+$0xFFFFFC80] =	vst v27  }
0x108: {  	v27 =	vld.idx.msk [tilespmem:v46+s2+$0x0], $0xffff;
	_ =	sdelay $0x1  }
0x109: {  	v47 =	vadd.s32 v8, v28;
	_ =	sdelay $0x2  }
0x10a: {  	v27 =	vadd.s32 $0xAAE60, v27  }
0x10b: {  	[tilespmem:s26+$0xFFFFFD00] =	vst v27  }
0x10c: {  	v27 =	vld.idx.msk [tilespmem:v47+s2+$0x0], $0xffff;
	_ =	sdelay $0x1  }
0x10d: {  	v48 =	vadd.s32 v9, v28;
	_ =	sdelay $0x2  }
0x10e: {  	v27 =	vadd.s32 $0xC3500, v27  }
0x10f: {  	[tilespmem:s26+$0xFFFFFD80] =	vst v27  }
0x110: {  	v27 =	vld.idx.msk [tilespmem:v48+s2+$0x0], $0xffff;
	_ =	sdelay $0x1  }
0x111: {  	v49 =	vadd.s32 v10, v28;
	_ =	sdelay $0x2  }
0x112: {  	v27 =	vadd.s32 $0xDBBA0, v27  }
0x113: {  	[tilespmem:s26+$0xFFFFFE00] =	vst v27  }
0x114: {  	v27 =	vld.idx.msk [tilespmem:v49+s2+$0x0], $0xffff;
	_ =	sdelay $0x1  }
0x115: {  	v50 =	vadd.s32 v11, v28;
	_ =	sdelay $0x2  }
0x116: {  	v27 =	vadd.s32 $0xF4240, v27  }
0x117: {  	[tilespmem:s26+$0xFFFFFE80] =	vst v27  }
0x118: {  	v27 =	vld.idx.msk [tilespmem:v50+s2+$0x0], $0xffff;
	_ =	sdelay $0x1  }
0x119: {  	v51 =	vadd.s32 v12, v28;
	_ =	sdelay $0x2  }
0x11a: {  	v27 =	vadd.s32 $0x10C8E0, v27  }
0x11b: {  	[tilespmem:s26+$0xFFFFFF00] =	vst v27  }
0x11c: {  	v27 =	vld.idx.msk [tilespmem:v51+s2+$0x0], $0xffff;
	_ =	sdelay $0x1  }
0x11d: {  	v52 =	vadd.s32 v13, v28;
	_ =	sdelay $0x2  }
0x11e: {  	v27 =	vadd.s32 $0x124F80, v27  }
0x11f: {  	[tilespmem:s26+$0xFFFFFF80] =	vst v27  }
0x120: {  	v27 =	vld.idx.msk [tilespmem:v52+s2+$0x0], $0xffff;
	_ =	sdelay $0x1  }
0x121: {  	v53 =	vadd.s32 v14, v28;
	_ =	sdelay $0x2  }
0x122: {  	v27 =	vadd.s32 $0x13D620, v27  }
0x123: {  	[tilespmem:s26+$0x0] =	vst v27  }
0x124: {  	v27 =	vld.idx.msk [tilespmem:v53+s2+$0x0], $0xffff;
	_ =	sdelay $0x1  }
0x125: {  	v54 =	vadd.s32 v15, v28;
	_ =	sdelay $0x2  }
0x126: {  	v27 =	vadd.s32 $0x155CC0, v27  }
0x127: {  	[tilespmem:s26+$0x80] =	vst v27  }
0x128: {  	v27 =	vld.idx.msk [tilespmem:v54+s2+$0x0], $0xffff;
	_ =	sdelay $0x1  }
0x129: {  	v55 =	vadd.s32 v16, v28;
	_ =	sdelay $0x2  }
0x12a: {  	v27 =	vadd.s32 $0x16E360, v27  }
0x12b: {  	[tilespmem:s26+$0x100] =	vst v27  }
0x12c: {  	v27 =	vld.idx.msk [tilespmem:v55+s2+$0x0], $0xffff;
	_ =	sdelay $0x1  }
0x12d: {  	v56 =	vadd.s32 v17, v28;
	_ =	sdelay $0x2  }
0x12e: {  	v27 =	vadd.s32 $0x186A00, v27  }
0x12f: {  	[tilespmem:s26+$0x180] =	vst v27  }
0x130: {  	v27 =	vld.idx.msk [tilespmem:v56+s2+$0x0], $0xffff;
	_ =	sdelay $0x1  }
0x131: {  	v57 =	vadd.s32 v18, v28;
	_ =	sdelay $0x2  }
0x132: {  	v27 =	vadd.s32 $0x19F0A0, v27  }
0x133: {  	[tilespmem:s26+$0x200] =	vst v27  }
0x134: {  	v27 =	vld.idx.msk [tilespmem:v57+s2+$0x0], $0xffff;
	_ =	sdelay $0x1  }
0x135: {  	v58 =	vadd.s32 v19, v28;
	_ =	sdelay $0x2  }
0x136: {  	v27 =	vadd.s32 $0x1B7740, v27  }
0x137: {  	[tilespmem:s26+$0x280] =	vst v27  }
0x138: {  	v27 =	vld.idx.msk [tilespmem:v58+s2+$0x0], $0xffff;
	_ =	sdelay $0x1  }
0x139: {  	v59 =	vadd.s32 v20, v28;
	_ =	sdelay $0x2  }
0x13a: {  	v27 =	vadd.s32 $0x1CFDE0, v27  }
0x13b: {  	[tilespmem:s26+$0x300] =	vst v27  }
0x13c: {  	v27 =	vld.idx.msk [tilespmem:v59+s2+$0x0], $0xffff;
	_ =	sdelay $0x1  }
0x13d: {  	v60 =	vadd.s32 v21, v28;
	_ =	sdelay $0x2  }
0x13e: {  	v27 =	vadd.s32 $0x1E8480, v27  }
0x13f: {  	[tilespmem:s26+$0x380] =	vst v27  }
0x140: {  	v27 =	vld.idx.msk [tilespmem:v60+s2+$0x0], $0xffff;
	_ =	sdelay $0x1  }
0x141: {  	v61 =	vadd.s32 v22, v28;
	_ =	sdelay $0x2  }
0x142: {  	v27 =	vadd.s32 $0x200B20, v27  }
0x143: {  	[tilespmem:s26+$0x400] =	vst v27  }
0x144: {  	v27 =	vld.idx.msk [tilespmem:v61+s2+$0x0], $0xffff;
	_ =	sdelay $0x1  }
0x145: {  	v62 =	vadd.s32 v23, v28;
	_ =	sdelay $0x2  }
0x146: {  	v27 =	vadd.s32 $0x2191C0, v27  }
0x147: {  	[tilespmem:s26+$0x480] =	vst v27  }
0x148: {  	v27 =	vld.idx.msk [tilespmem:v62+s2+$0x0], $0xffff;
	_ =	sdelay $0x1  }
0x149: {  	v63 =	vadd.s32 v24, v28;
	_ =	sdelay $0x2  }
0x14a: {  	v27 =	vadd.s32 $0x231860, v27  }
0x14b: {  	[tilespmem:s26+$0x500] =	vst v27  }
0x14c: {  	v27 =	vld.idx.msk [tilespmem:v63+s2+$0x0], $0xffff;
	_ =	sdelay $0x1  }
0x14d: {  	v28 =	vadd.s32 v25, v28;
	_ =	sdelay $0x2  }
0x14e: {  	v27 =	vadd.s32 $0x249F00, v27  }
0x14f: {  	[tilespmem:s26+$0x580] =	vst v27  }
0x150: {  	v27 =	vld.idx.msk [tilespmem:v28+s2+$0x0], $0xffff;
	_ =	sdelay $0x4  }
0x151: {  	v27 =	vadd.s32 $0x2625A0, v27  }
0x152: {  	s20 =	simm.s32 $0x3400;
	s21 =	simm.s32 $0x6800;
	s19 =	simm.s32 $0x80;
	[tilespmem:s26+$0x600] =	vst v27  }
0x153: {  	[tilespmem:s21], [sflag:$0x1] =	stream.indirect.gather [hbm4b:s3+s19], $0x1, s20, s19, $0xb8;
	[tilespmem:$0x9E80] =	vst v63  }
0x154: {  	s28 =	simm.s32 $0x3480;
	s29 =	simm.s32 $0x6880  }
0x155: {  	[tilespmem:s29], [sflag:$0x1] =	stream.indirect.gather [hbm4b:s3+s19], $0x1, s28, s19, $0xb8;
	[tilespmem:$0x9E80] =	vst v63  }
0x156: {  	s22 =	simm.s32 $0x6900;
	s21 =	simm.s32 $0x3500  }
0x157: {  	[tilespmem:s22], [sflag:$0x1] =	stream.indirect.gather [hbm4b:s3+s19], $0x1, s21, s19, $0xb8;
	[tilespmem:$0x9E80] =	vst v63  }
0x158: {  	s23 =	simm.s32 $0x3580;
	s24 =	simm.s32 $0x6980  }
0x159: {  	[tilespmem:s24], [sflag:$0x1] =	stream.indirect.gather [hbm4b:s3+s19], $0x1, s23, s19, $0xb8;
	[tilespmem:$0x9E80] =	vst v63  }
0x15a: {  	s25 =	simm.s32 $0x3600;
	s26 =	simm.s32 $0x6A00  }
0x15b: {  	[tilespmem:s26], [sflag:$0x1] =	stream.indirect.gather [hbm4b:s3+s19], $0x1, s25, s19, $0xb8;
	[tilespmem:$0x9E80] =	vst v63  }
0x15c: {  	s28 =	simm.s32 $0x3680;
	s29 =	simm.s32 $0x6A80  }
0x15d: {  	[tilespmem:s29], [sflag:$0x1] =	stream.indirect.gather [hbm4b:s3+s19], $0x1, s28, s19, $0xb8;
	[tilespmem:$0x9E80] =	vst v63  }
0x15e: {  	s21 =	simm.s32 $0x3700;
	s22 =	simm.s32 $0x6B00  }
0x15f: {  	[tilespmem:s22], [sflag:$0x1] =	stream.indirect.gather [hbm4b:s3+s19], $0x1, s21, s19, $0xb8;
	[tilespmem:$0x9E80] =	vst v63  }
0x160: {  	s23 =	simm.s32 $0x3780;
	s24 =	simm.s32 $0x6B80  }
0x161: {  	[tilespmem:s24], [sflag:$0x1] =	stream.indirect.gather [hbm4b:s3+s19], $0x1, s23, s19, $0xb8;
	[tilespmem:$0x9E80] =	vst v63  }
0x162: {  	s25 =	simm.s32 $0x3800;
	s26 =	simm.s32 $0x6C00  }
0x163: {  	[tilespmem:s26], [sflag:$0x1] =	stream.indirect.gather [hbm4b:s3+s19], $0x1, s25, s19, $0xb8;
	[tilespmem:$0x9E80] =	vst v63  }
0x164: {  	s28 =	simm.s32 $0x3880;
	s29 =	simm.s32 $0x6C80  }
0x165: {  	[tilespmem:s29], [sflag:$0x1] =	stream.indirect.gather [hbm4b:s3+s19], $0x1, s28, s19, $0xb8;
	[tilespmem:$0x9E80] =	vst v63  }
0x166: {  	s22 =	simm.s32 $0x3900;
	s23 =	simm.s32 $0x6D00  }
0x167: {  	[tilespmem:s23], [sflag:$0x1] =	stream.indirect.gather [hbm4b:s3+s19], $0x1, s22, s19, $0xb8;
	[tilespmem:$0x9E80] =	vst v63  }
0x168: {  	s24 =	simm.s32 $0x3980;
	s25 =	simm.s32 $0x6D80  }
0x169: {  	[tilespmem:s25], [sflag:$0x1] =	stream.indirect.gather [hbm4b:s3+s19], $0x1, s24, s19, $0xb8;
	[tilespmem:$0x9E80] =	vst v63  }
0x16a: {  	s26 =	simm.s32 $0x3A00;
	s28 =	simm.s32 $0x6E00  }
0x16b: {  	[tilespmem:s28], [sflag:$0x1] =	stream.indirect.gather [hbm4b:s3+s19], $0x1, s26, s19, $0xb8;
	[tilespmem:$0x9E80] =	vst v63  }
0x16c: {  	s29 =	simm.s32 $0x6E80  }
0x16d: {  	[tilespmem:s29], [sflag:$0x1] =	stream.indirect.gather [hbm4b:s3+s19], $0x1, s12, s19, $0xb8;
	[tilespmem:$0x9E80] =	vst v63  }
0x16e: {  	s21 =	simm.s32 $0x3B00;
	s22 =	simm.s32 $0x6F00  }
0x16f: {  	[tilespmem:s22], [sflag:$0x1] =	stream.indirect.gather [hbm4b:s3+s19], $0x1, s21, s19, $0xb8;
	[tilespmem:$0x9E80] =	vst v63  }
0x170: {  	s23 =	simm.s32 $0x3B80;
	s24 =	simm.s32 $0x6F80  }
0x171: {  	[tilespmem:s24], [sflag:$0x1] =	stream.indirect.gather [hbm4b:s3+s19], $0x1, s23, s19, $0xb8;
	[tilespmem:$0x9E80] =	vst v63  }
0x172: {  	s25 =	simm.s32 $0x3C00;
	s26 =	simm.s32 $0x7000  }
0x173: {  	[tilespmem:s26], [sflag:$0x1] =	stream.indirect.gather [hbm4b:s3+s19], $0x1, s25, s19, $0xb8;
	[tilespmem:$0x9E80] =	vst v63  }
0x174: {  	s28 =	simm.s32 $0x3C80;
	s29 =	simm.s32 $0x7080  }
0x175: {  	[tilespmem:s29], [sflag:$0x1] =	stream.indirect.gather [hbm4b:s3+s19], $0x1, s28, s19, $0xb8;
	[tilespmem:$0x9E80] =	vst v63  }
0x176: {  	s22 =	simm.s32 $0x3D00;
	s23 =	simm.s32 $0x7100  }
0x177: {  	[tilespmem:s23], [sflag:$0x1] =	stream.indirect.gather [hbm4b:s3+s19], $0x1, s22, s19, $0xb8;
	[tilespmem:$0x9E80] =	vst v63  }
0x178: {  	s24 =	simm.s32 $0x3D80;
	s25 =	simm.s32 $0x7180  }
0x179: {  	[tilespmem:s25], [sflag:$0x1] =	stream.indirect.gather [hbm4b:s3+s19], $0x1, s24, s19, $0xb8;
	[tilespmem:$0x9E80] =	vst v63  }
0x17a: {  	s26 =	simm.s32 $0x3E00;
	s28 =	simm.s32 $0x7200  }
0x17b: {  	[tilespmem:s28], [sflag:$0x1] =	stream.indirect.gather [hbm4b:s3+s19], $0x1, s26, s19, $0xb8;
	[tilespmem:$0x9E80] =	vst v63  }
0x17c: {  	s29 =	simm.s32 $0x3E80  }
0x17d: {  	[tilespmem:s30], [sflag:$0x1] =	stream.indirect.gather [hbm4b:s3+s19], $0x1, s29, s19, $0xb8;
	[tilespmem:$0x9E80] =	vst v63  }
0x17e: {  	_ = 	snop  }
0x17f: {  	[tilespmem:s1], [sflag:$0x1] =	stream.indirect.gather [hbm4b:s3+s19], $0x1, s31, s19, $0xb8;
	[tilespmem:$0x9E80] =	vst v63  }
0x180: {  	_ = 	snop  }
0x181: {  	[tilespmem:s9], [sflag:$0x1] =	stream.indirect.gather [hbm4b:s3+s19], $0x1, s0, s19, $0xb8;
	[tilespmem:$0x9E80] =	vst v63  }
0x182: {  	_ = 	snop  }
0x183: {  	[tilespmem:s11], [sflag:$0x1] =	stream.indirect.gather [hbm4b:s3+s19], $0x1, s10, s19, $0xb8;
	[tilespmem:$0x9E80] =	vst v63  }
0x184: {  	s20 =	simm.s32 $0x9C00;
	s21 =	simm.s32 $0x0  }
0x185: {  	[tilespmem:s14], [sflag:$0x1] =	stream.indirect.gather [hbm4b:s3+s19], $0x1, s13, s19, $0xb8;
	[tilespmem:$0x9E80] =	vst v63  }
.LBB2_5:
0x186: {  	p0 =	seq.s32 s21, $0x3  }
.Ltmp1:
0x187: {  	_ = 	snop;
	(pc) =	sbr.rel @p0 .LBB2_9-.Ltmp1, $2  }
0x188: {  	_ =	sdelay $0x2  }
0x189: {  	s22 =	sadd.s32 $0x1, s21  }
0x18a: {  	v27 =	vmov s19  }
0x18b: {  	v27 =	vmul.u32 $0x1A, v27;
	_ =	sdelay $0x1  }
0x18c: {  	v27 =	vbroadcast v27, $0x0;
	_ =	sdelay $0x1  }
0x18d: {  	v28 =	vadd.s32 v0, v27;
	_ =	sdelay $0x3  }
0x18e: {  	s23 =	sshll.u32 s22, $0x3  }
0x18f: {  	s24 =	sshrl.u32 s23, $0x3;
	v28 =	vld.idx.msk [tilespmem:v28+s2+$0x0], $0xffff  }
0x190: {  	s24 =	smul.u32 $0x3400, s24;
	v29 =	vadd.s32 v1, v27;
	_ =	sdelay $0x1  }
0x191: {  	s24 =	sshra.s32 s24, $0x2  }
0x192: {  	s24 =	sadd.s32 $0x0, s24  }
0x193: {  	[tilespmem:s24+$0x3400] =	vst v28  }
0x194: {  	v28 =	vld.idx.msk [tilespmem:v29+s2+$0x0], $0xffff;
	_ =	sdelay $0x1  }
0x195: {  	v29 =	vadd.s32 v2, v27;
	_ =	sdelay $0x2  }
0x196: {  	v28 =	vadd.s32 $0x186A0, v28  }
0x197: {  	[tilespmem:s24+$0x3480] =	vst v28  }
0x198: {  	v28 =	vld.idx.msk [tilespmem:v29+s2+$0x0], $0xffff;
	_ =	sdelay $0x1  }
0x199: {  	v29 =	vadd.s32 v3, v27;
	_ =	sdelay $0x2  }
0x19a: {  	v28 =	vadd.s32 $0x30D40, v28  }
0x19b: {  	[tilespmem:s24+$0x3500] =	vst v28  }
0x19c: {  	v28 =	vld.idx.msk [tilespmem:v29+s2+$0x0], $0xffff;
	_ =	sdelay $0x1  }
0x19d: {  	v29 =	vadd.s32 v4, v27;
	_ =	sdelay $0x2  }
0x19e: {  	v28 =	vadd.s32 $0x493E0, v28  }
0x19f: {  	[tilespmem:s24+$0x3580] =	vst v28  }
0x1a0: {  	v28 =	vld.idx.msk [tilespmem:v29+s2+$0x0], $0xffff;
	_ =	sdelay $0x1  }
0x1a1: {  	v29 =	vadd.s32 v5, v27;
	_ =	sdelay $0x2  }
0x1a2: {  	v28 =	vadd.s32 $0x61A80, v28  }
0x1a3: {  	[tilespmem:s24+$0x3600] =	vst v28  }
0x1a4: {  	v28 =	vld.idx.msk [tilespmem:v29+s2+$0x0], $0xffff;
	_ =	sdelay $0x1  }
0x1a5: {  	v29 =	vadd.s32 v6, v27;
	_ =	sdelay $0x2  }
0x1a6: {  	v28 =	vadd.s32 $0x7A120, v28  }
0x1a7: {  	[tilespmem:s24+$0x3680] =	vst v28  }
0x1a8: {  	v28 =	vld.idx.msk [tilespmem:v29+s2+$0x0], $0xffff;
	_ =	sdelay $0x1  }
0x1a9: {  	v29 =	vadd.s32 v7, v27;
	_ =	sdelay $0x2  }
0x1aa: {  	v28 =	vadd.s32 $0x927C0, v28  }
0x1ab: {  	[tilespmem:s24+$0x3700] =	vst v28  }
0x1ac: {  	v28 =	vld.idx.msk [tilespmem:v29+s2+$0x0], $0xffff;
	_ =	sdelay $0x1  }
0x1ad: {  	v29 =	vadd.s32 v8, v27;
	_ =	sdelay $0x2  }
0x1ae: {  	v28 =	vadd.s32 $0xAAE60, v28  }
0x1af: {  	[tilespmem:s24+$0x3780] =	vst v28  }
0x1b0: {  	v28 =	vld.idx.msk [tilespmem:v29+s2+$0x0], $0xffff;
	_ =	sdelay $0x1  }
0x1b1: {  	v29 =	vadd.s32 v9, v27;
	_ =	sdelay $0x2  }
0x1b2: {  	v28 =	vadd.s32 $0xC3500, v28  }
0x1b3: {  	[tilespmem:s24+$0x3800] =	vst v28  }
0x1b4: {  	v28 =	vld.idx.msk [tilespmem:v29+s2+$0x0], $0xffff;
	_ =	sdelay $0x1  }
0x1b5: {  	v29 =	vadd.s32 v10, v27;
	_ =	sdelay $0x2  }
0x1b6: {  	v28 =	vadd.s32 $0xDBBA0, v28  }
0x1b7: {  	[tilespmem:s24+$0x3880] =	vst v28  }
0x1b8: {  	v28 =	vld.idx.msk [tilespmem:v29+s2+$0x0], $0xffff;
	_ =	sdelay $0x1  }
0x1b9: {  	v29 =	vadd.s32 v11, v27;
	_ =	sdelay $0x2  }
0x1ba: {  	v28 =	vadd.s32 $0xF4240, v28  }
0x1bb: {  	[tilespmem:s24+$0x3900] =	vst v28  }
0x1bc: {  	v28 =	vld.idx.msk [tilespmem:v29+s2+$0x0], $0xffff;
	_ =	sdelay $0x1  }
0x1bd: {  	v29 =	vadd.s32 v12, v27;
	_ =	sdelay $0x2  }
0x1be: {  	v28 =	vadd.s32 $0x10C8E0, v28  }
0x1bf: {  	[tilespmem:s24+$0x3980] =	vst v28  }
0x1c0: {  	v28 =	vld.idx.msk [tilespmem:v29+s2+$0x0], $0xffff;
	_ =	sdelay $0x1  }
0x1c1: {  	v29 =	vadd.s32 v13, v27;
	_ =	sdelay $0x2  }
0x1c2: {  	v28 =	vadd.s32 $0x124F80, v28  }
0x1c3: {  	[tilespmem:s24+$0x3A00] =	vst v28  }
0x1c4: {  	v28 =	vld.idx.msk [tilespmem:v29+s2+$0x0], $0xffff;
	_ =	sdelay $0x1  }
0x1c5: {  	v29 =	vadd.s32 v14, v27;
	_ =	sdelay $0x2  }
0x1c6: {  	v28 =	vadd.s32 $0x13D620, v28  }
0x1c7: {  	[tilespmem:s24+$0x3A80] =	vst v28  }
0x1c8: {  	v28 =	vld.idx.msk [tilespmem:v29+s2+$0x0], $0xffff;
	_ =	sdelay $0x1  }
0x1c9: {  	v29 =	vadd.s32 v15, v27;
	_ =	sdelay $0x2  }
0x1ca: {  	v28 =	vadd.s32 $0x155CC0, v28  }
0x1cb: {  	[tilespmem:s24+$0x3B00] =	vst v28  }
0x1cc: {  	v28 =	vld.idx.msk [tilespmem:v29+s2+$0x0], $0xffff;
	_ =	sdelay $0x1  }
0x1cd: {  	v29 =	vadd.s32 v16, v27;
	_ =	sdelay $0x2  }
0x1ce: {  	v28 =	vadd.s32 $0x16E360, v28  }
0x1cf: {  	[tilespmem:s24+$0x3B80] =	vst v28  }
0x1d0: {  	v28 =	vld.idx.msk [tilespmem:v29+s2+$0x0], $0xffff;
	_ =	sdelay $0x1  }
0x1d1: {  	v29 =	vadd.s32 v17, v27;
	_ =	sdelay $0x2  }
0x1d2: {  	v28 =	vadd.s32 $0x186A00, v28  }
0x1d3: {  	[tilespmem:s24+$0x3C00] =	vst v28  }
0x1d4: {  	v28 =	vld.idx.msk [tilespmem:v29+s2+$0x0], $0xffff;
	_ =	sdelay $0x1  }
0x1d5: {  	v29 =	vadd.s32 v18, v27;
	_ =	sdelay $0x2  }
0x1d6: {  	v28 =	vadd.s32 $0x19F0A0, v28  }
0x1d7: {  	[tilespmem:s24+$0x3C80] =	vst v28  }
0x1d8: {  	v28 =	vld.idx.msk [tilespmem:v29+s2+$0x0], $0xffff;
	_ =	sdelay $0x1  }
0x1d9: {  	v29 =	vadd.s32 v19, v27;
	_ =	sdelay $0x2  }
0x1da: {  	v28 =	vadd.s32 $0x1B7740, v28  }
0x1db: {  	[tilespmem:s24+$0x3D00] =	vst v28  }
0x1dc: {  	v28 =	vld.idx.msk [tilespmem:v29+s2+$0x0], $0xffff;
	_ =	sdelay $0x1  }
0x1dd: {  	v29 =	vadd.s32 v20, v27;
	_ =	sdelay $0x2  }
0x1de: {  	v28 =	vadd.s32 $0x1CFDE0, v28  }
0x1df: {  	[tilespmem:s24+$0x3D80] =	vst v28  }
0x1e0: {  	v28 =	vld.idx.msk [tilespmem:v29+s2+$0x0], $0xffff;
	_ =	sdelay $0x1  }
0x1e1: {  	v29 =	vadd.s32 v21, v27;
	_ =	sdelay $0x2  }
0x1e2: {  	v28 =	vadd.s32 $0x1E8480, v28  }
0x1e3: {  	[tilespmem:s24+$0x3E00] =	vst v28  }
0x1e4: {  	v28 =	vld.idx.msk [tilespmem:v29+s2+$0x0], $0xffff;
	_ =	sdelay $0x1  }
0x1e5: {  	v29 =	vadd.s32 v22, v27;
	_ =	sdelay $0x2  }
0x1e6: {  	v28 =	vadd.s32 $0x200B20, v28  }
0x1e7: {  	[tilespmem:s24+$0x3E80] =	vst v28  }
0x1e8: {  	v28 =	vld.idx.msk [tilespmem:v29+s2+$0x0], $0xffff;
	_ =	sdelay $0x1  }
0x1e9: {  	v29 =	vadd.s32 v23, v27;
	_ =	sdelay $0x2  }
0x1ea: {  	v28 =	vadd.s32 $0x2191C0, v28  }
0x1eb: {  	[tilespmem:s24+$0x3F00] =	vst v28  }
0x1ec: {  	v28 =	vld.idx.msk [tilespmem:v29+s2+$0x0], $0xffff;
	_ =	sdelay $0x1  }
0x1ed: {  	v29 =	vadd.s32 v24, v27;
	_ =	sdelay $0x2  }
0x1ee: {  	v28 =	vadd.s32 $0x231860, v28  }
0x1ef: {  	[tilespmem:s24+$0x3F80] =	vst v28  }
0x1f0: {  	v29 =	vld.idx.msk [tilespmem:v29+s2+$0x0], $0xffff;
	_ =	sdelay $0x1  }
0x1f1: {  	v27 =	vadd.s32 v25, v27;
	_ =	sdelay $0x1  }
0x1f2: {  	s26 =	sadd.s32 $0x10, s19  }
0x1f3: {  	s25 =	simm.s32 $0x40;
	s28 =	simm.s32 $0x80;
	v28 =	vmov s26;
	v29 =	vadd.s32 $0x249F00, v29  }
.LBB2_7:
0x1f4: {  	p0 =	sne.s32 s28, $0x1C0;
	v28 =	vmul.u32 $0x1A, v28;
	[tilespmem:s24+$0x4000] =	vst v29  }
0x1f5: {  	v29 =	vld.idx.msk [tilespmem:v27+s2+$0x0], $0xffff  }
0x1f6: {  	v27 =	vbroadcast v28, $0x0;
	_ =	sdelay $0x1  }
0x1f7: {  	v28 =	vadd.s32 v0, v27;
	_ =	sdelay $0x2  }
0x1f8: {  	v29 =	vadd.s32 $0x2625A0, v29  }
0x1f9: {  	[tilespmem:s24+$0x4080] =	vst v29  }
0x1fa: {  	s23 =	sadd.s32 $0x1, s23;
	v28 =	vld.idx.msk [tilespmem:v28+s2+$0x0], $0xffff  }
0x1fb: {  	s24 =	sshrl.u32 s23, $0x3  }
0x1fc: {  	v29 =	vadd.s32 v1, v27;
	s24 =	smul.u32 $0x3400, s24;
	_ =	sdelay $0x1  }
0x1fd: {  	s29 =	sshra.s32 s25, $0x2;
	s25 =	smov.u32 s28;
	s24 =	sshra.s32 s24, $0x2  }
0x1fe: {  	s24 =	sadd.s32 s29, s24  }
0x1ff: {  	[tilespmem:s24+$0x3400] =	vst v28  }
0x200: {  	v28 =	vld.idx.msk [tilespmem:v29+s2+$0x0], $0xffff;
	_ =	sdelay $0x2  }
0x201: {  	v29 =	vadd.s32 v2, v27;
	_ =	sdelay $0x2  }
0x202: {  	v28 =	vadd.s32 $0x186A0, v28  }
0x203: {  	[tilespmem:s24+$0x3480] =	vst v28  }
0x204: {  	v28 =	vld.idx.msk [tilespmem:v29+s2+$0x0], $0xffff;
	_ =	sdelay $0x2  }
0x205: {  	v29 =	vadd.s32 v3, v27;
	_ =	sdelay $0x2  }
0x206: {  	v28 =	vadd.s32 $0x30D40, v28  }
0x207: {  	[tilespmem:s24+$0x3500] =	vst v28  }
0x208: {  	v28 =	vld.idx.msk [tilespmem:v29+s2+$0x0], $0xffff;
	_ =	sdelay $0x2  }
0x209: {  	v29 =	vadd.s32 v4, v27;
	_ =	sdelay $0x2  }
0x20a: {  	v28 =	vadd.s32 $0x493E0, v28  }
0x20b: {  	[tilespmem:s24+$0x3580] =	vst v28  }
0x20c: {  	v28 =	vld.idx.msk [tilespmem:v29+s2+$0x0], $0xffff;
	_ =	sdelay $0x2  }
0x20d: {  	v29 =	vadd.s32 v5, v27;
	_ =	sdelay $0x2  }
0x20e: {  	v28 =	vadd.s32 $0x61A80, v28  }
0x20f: {  	[tilespmem:s24+$0x3600] =	vst v28  }
0x210: {  	v28 =	vld.idx.msk [tilespmem:v29+s2+$0x0], $0xffff;
	_ =	sdelay $0x2  }
0x211: {  	v29 =	vadd.s32 v6, v27;
	_ =	sdelay $0x2  }
0x212: {  	v28 =	vadd.s32 $0x7A120, v28  }
0x213: {  	[tilespmem:s24+$0x3680] =	vst v28  }
0x214: {  	v28 =	vld.idx.msk [tilespmem:v29+s2+$0x0], $0xffff;
	_ =	sdelay $0x2  }
0x215: {  	v29 =	vadd.s32 v7, v27;
	_ =	sdelay $0x2  }
0x216: {  	v28 =	vadd.s32 $0x927C0, v28  }
0x217: {  	[tilespmem:s24+$0x3700] =	vst v28  }
0x218: {  	v28 =	vld.idx.msk [tilespmem:v29+s2+$0x0], $0xffff;
	_ =	sdelay $0x2  }
0x219: {  	v29 =	vadd.s32 v8, v27;
	_ =	sdelay $0x2  }
0x21a: {  	v28 =	vadd.s32 $0xAAE60, v28  }
0x21b: {  	[tilespmem:s24+$0x3780] =	vst v28  }
0x21c: {  	v28 =	vld.idx.msk [tilespmem:v29+s2+$0x0], $0xffff;
	_ =	sdelay $0x2  }
0x21d: {  	v29 =	vadd.s32 v9, v27;
	_ =	sdelay $0x2  }
0x21e: {  	v28 =	vadd.s32 $0xC3500, v28  }
0x21f: {  	[tilespmem:s24+$0x3800] =	vst v28  }
0x220: {  	v28 =	vld.idx.msk [tilespmem:v29+s2+$0x0], $0xffff;
	_ =	sdelay $0x2  }
0x221: {  	v29 =	vadd.s32 v10, v27;
	_ =	sdelay $0x2  }
0x222: {  	v28 =	vadd.s32 $0xDBBA0, v28  }
0x223: {  	[tilespmem:s24+$0x3880] =	vst v28  }
0x224: {  	v28 =	vld.idx.msk [tilespmem:v29+s2+$0x0], $0xffff;
	_ =	sdelay $0x2  }
0x225: {  	v29 =	vadd.s32 v11, v27;
	_ =	sdelay $0x2  }
0x226: {  	v28 =	vadd.s32 $0xF4240, v28  }
0x227: {  	[tilespmem:s24+$0x3900] =	vst v28  }
0x228: {  	v28 =	vld.idx.msk [tilespmem:v29+s2+$0x0], $0xffff;
	_ =	sdelay $0x2  }
0x229: {  	v29 =	vadd.s32 v12, v27;
	_ =	sdelay $0x2  }
0x22a: {  	v28 =	vadd.s32 $0x10C8E0, v28  }
0x22b: {  	[tilespmem:s24+$0x3980] =	vst v28  }
0x22c: {  	v28 =	vld.idx.msk [tilespmem:v29+s2+$0x0], $0xffff;
	_ =	sdelay $0x2  }
0x22d: {  	v29 =	vadd.s32 v13, v27;
	_ =	sdelay $0x2  }
0x22e: {  	v28 =	vadd.s32 $0x124F80, v28  }
0x22f: {  	[tilespmem:s24+$0x3A00] =	vst v28  }
0x230: {  	v28 =	vld.idx.msk [tilespmem:v29+s2+$0x0], $0xffff;
	_ =	sdelay $0x2  }
0x231: {  	v29 =	vadd.s32 v14, v27;
	_ =	sdelay $0x2  }
0x232: {  	v28 =	vadd.s32 $0x13D620, v28  }
0x233: {  	[tilespmem:s24+$0x3A80] =	vst v28  }
0x234: {  	v28 =	vld.idx.msk [tilespmem:v29+s2+$0x0], $0xffff;
	_ =	sdelay $0x2  }
0x235: {  	v29 =	vadd.s32 v15, v27;
	_ =	sdelay $0x2  }
0x236: {  	v28 =	vadd.s32 $0x155CC0, v28  }
0x237: {  	[tilespmem:s24+$0x3B00] =	vst v28  }
0x238: {  	v28 =	vld.idx.msk [tilespmem:v29+s2+$0x0], $0xffff;
	_ =	sdelay $0x2  }
0x239: {  	v29 =	vadd.s32 v16, v27;
	_ =	sdelay $0x2  }
0x23a: {  	v28 =	vadd.s32 $0x16E360, v28  }
0x23b: {  	[tilespmem:s24+$0x3B80] =	vst v28  }
0x23c: {  	v28 =	vld.idx.msk [tilespmem:v29+s2+$0x0], $0xffff;
	_ =	sdelay $0x2  }
0x23d: {  	v29 =	vadd.s32 v17, v27;
	_ =	sdelay $0x2  }
0x23e: {  	v28 =	vadd.s32 $0x186A00, v28  }
0x23f: {  	[tilespmem:s24+$0x3C00] =	vst v28  }
0x240: {  	v28 =	vld.idx.msk [tilespmem:v29+s2+$0x0], $0xffff;
	_ =	sdelay $0x2  }
0x241: {  	v29 =	vadd.s32 v18, v27;
	_ =	sdelay $0x2  }
0x242: {  	v28 =	vadd.s32 $0x19F0A0, v28  }
0x243: {  	[tilespmem:s24+$0x3C80] =	vst v28  }
0x244: {  	v28 =	vld.idx.msk [tilespmem:v29+s2+$0x0], $0xffff;
	_ =	sdelay $0x2  }
0x245: {  	v29 =	vadd.s32 v19, v27;
	_ =	sdelay $0x2  }
0x246: {  	v28 =	vadd.s32 $0x1B7740, v28  }
0x247: {  	[tilespmem:s24+$0x3D00] =	vst v28  }
0x248: {  	v28 =	vld.idx.msk [tilespmem:v29+s2+$0x0], $0xffff;
	_ =	sdelay $0x2  }
0x249: {  	v29 =	vadd.s32 v20, v27;
	_ =	sdelay $0x2  }
0x24a: {  	v28 =	vadd.s32 $0x1CFDE0, v28  }
0x24b: {  	[tilespmem:s24+$0x3D80] =	vst v28  }
0x24c: {  	v28 =	vld.idx.msk [tilespmem:v29+s2+$0x0], $0xffff;
	_ =	sdelay $0x2  }
0x24d: {  	v29 =	vadd.s32 v21, v27;
	_ =	sdelay $0x2  }
0x24e: {  	v28 =	vadd.s32 $0x1E8480, v28  }
0x24f: {  	[tilespmem:s24+$0x3E00] =	vst v28  }
0x250: {  	v28 =	vld.idx.msk [tilespmem:v29+s2+$0x0], $0xffff;
	_ =	sdelay $0x2  }
0x251: {  	v29 =	vadd.s32 v22, v27;
	_ =	sdelay $0x2  }
0x252: {  	v28 =	vadd.s32 $0x200B20, v28  }
0x253: {  	[tilespmem:s24+$0x3E80] =	vst v28  }
0x254: {  	v28 =	vld.idx.msk [tilespmem:v29+s2+$0x0], $0xffff;
	_ =	sdelay $0x2  }
0x255: {  	v29 =	vadd.s32 v23, v27;
	_ =	sdelay $0x2  }
0x256: {  	v28 =	vadd.s32 $0x2191C0, v28  }
0x257: {  	[tilespmem:s24+$0x3F00] =	vst v28  }
0x258: {  	v28 =	vld.idx.msk [tilespmem:v29+s2+$0x0], $0xffff;
	_ =	sdelay $0x2  }
0x259: {  	v29 =	vadd.s32 v24, v27;
	_ =	sdelay $0x2  }
0x25a: {  	v28 =	vadd.s32 $0x231860, v28  }
0x25b: {  	[tilespmem:s24+$0x3F80] =	vst v28  }
0x25c: {  	v29 =	vld.idx.msk [tilespmem:v29+s2+$0x0], $0xffff;
	_ =	sdelay $0x1  }
.Ltmp2:
0x25d: {  	(pc) =	sbr.rel @p0 .LBB2_7-.Ltmp2, $3  }
0x25e: {  	v27 =	vadd.s32 v25, v27;
	_ =	sdelay $0x1  }
0x25f: {  	s26 =	sadd.s32 $0x10, s26  }
0x260: {  	s28 =	sadd.s32 $0x40, s28;
	v28 =	vmov s26;
	v29 =	vadd.s32 $0x249F00, v29  }
0x261: {  	_ =	sdelay $0x1  }
0x262: {  	v28 =	vmul.u32 $0x1A, v28  }
0x263: {  	[tilespmem:s24+$0x4000] =	vst v29  }
0x264: {  	v27 =	vld.idx.msk [tilespmem:v27+s2+$0x0], $0xffff;
	v28 =	vbroadcast v28, $0x0;
	_ =	sdelay $0x1  }
0x265: {  	v39 =	vadd.s32 v0, v28;
	_ =	sdelay $0x2  }
0x266: {  	v27 =	vadd.s32 $0x2625A0, v27  }
0x267: {  	s23 =	sadd.s32 $0x1, s23;
	[tilespmem:s24+$0x4080] =	vst v27  }
0x268: {  	s23 =	sshrl.u32 s23, $0x3;
	v27 =	vld.idx.msk [tilespmem:v39+s2+$0x0], $0xffff  }
0x269: {  	s23 =	smul.u32 $0x3400, s23;
	v40 =	vadd.s32 v1, v28;
	_ =	sdelay $0x1  }
0x26a: {  	s29 =	sshra.s32 s25, $0x2;
	s23 =	sshra.s32 s23, $0x2  }
0x26b: {  	s23 =	sadd.s32 s29, s23  }
0x26c: {  	[tilespmem:s23+$0x3400] =	vst v27  }
0x26d: {  	v27 =	vld.idx.msk [tilespmem:v40+s2+$0x0], $0xffff;
	_ =	sdelay $0x1  }
0x26e: {  	v41 =	vadd.s32 v2, v28;
	_ =	sdelay $0x2  }
0x26f: {  	v27 =	vadd.s32 $0x186A0, v27  }
0x270: {  	[tilespmem:s23+$0x3480] =	vst v27  }
0x271: {  	v27 =	vld.idx.msk [tilespmem:v41+s2+$0x0], $0xffff;
	_ =	sdelay $0x1  }
0x272: {  	v42 =	vadd.s32 v3, v28;
	_ =	sdelay $0x2  }
0x273: {  	v27 =	vadd.s32 $0x30D40, v27  }
0x274: {  	[tilespmem:s23+$0x3500] =	vst v27  }
0x275: {  	v27 =	vld.idx.msk [tilespmem:v42+s2+$0x0], $0xffff;
	_ =	sdelay $0x1  }
0x276: {  	v43 =	vadd.s32 v4, v28;
	_ =	sdelay $0x2  }
0x277: {  	v27 =	vadd.s32 $0x493E0, v27  }
0x278: {  	[tilespmem:s23+$0x3580] =	vst v27  }
0x279: {  	v27 =	vld.idx.msk [tilespmem:v43+s2+$0x0], $0xffff;
	_ =	sdelay $0x1  }
0x27a: {  	v44 =	vadd.s32 v5, v28;
	_ =	sdelay $0x2  }
0x27b: {  	v27 =	vadd.s32 $0x61A80, v27  }
0x27c: {  	[tilespmem:s23+$0x3600] =	vst v27  }
0x27d: {  	v27 =	vld.idx.msk [tilespmem:v44+s2+$0x0], $0xffff;
	_ =	sdelay $0x1  }
0x27e: {  	v45 =	vadd.s32 v6, v28;
	_ =	sdelay $0x2  }
0x27f: {  	v27 =	vadd.s32 $0x7A120, v27  }
0x280: {  	[tilespmem:s23+$0x3680] =	vst v27  }
0x281: {  	v27 =	vld.idx.msk [tilespmem:v45+s2+$0x0], $0xffff;
	_ =	sdelay $0x1  }
0x282: {  	v46 =	vadd.s32 v7, v28;
	_ =	sdelay $0x2  }
0x283: {  	v27 =	vadd.s32 $0x927C0, v27  }
0x284: {  	[tilespmem:s23+$0x3700] =	vst v27  }
0x285: {  	v27 =	vld.idx.msk [tilespmem:v46+s2+$0x0], $0xffff;
	_ =	sdelay $0x1  }
0x286: {  	v47 =	vadd.s32 v8, v28;
	_ =	sdelay $0x2  }
0x287: {  	v27 =	vadd.s32 $0xAAE60, v27  }
0x288: {  	[tilespmem:s23+$0x3780] =	vst v27  }
0x289: {  	v27 =	vld.idx.msk [tilespmem:v47+s2+$0x0], $0xffff;
	_ =	sdelay $0x1  }
0x28a: {  	v48 =	vadd.s32 v9, v28;
	_ =	sdelay $0x2  }
0x28b: {  	v27 =	vadd.s32 $0xC3500, v27  }
0x28c: {  	[tilespmem:s23+$0x3800] =	vst v27  }
0x28d: {  	v27 =	vld.idx.msk [tilespmem:v48+s2+$0x0], $0xffff;
	_ =	sdelay $0x1  }
0x28e: {  	v49 =	vadd.s32 v10, v28;
	_ =	sdelay $0x2  }
0x28f: {  	v27 =	vadd.s32 $0xDBBA0, v27  }
0x290: {  	[tilespmem:s23+$0x3880] =	vst v27  }
0x291: {  	v27 =	vld.idx.msk [tilespmem:v49+s2+$0x0], $0xffff;
	_ =	sdelay $0x1  }
0x292: {  	v50 =	vadd.s32 v11, v28;
	_ =	sdelay $0x2  }
0x293: {  	v27 =	vadd.s32 $0xF4240, v27  }
0x294: {  	[tilespmem:s23+$0x3900] =	vst v27  }
0x295: {  	v27 =	vld.idx.msk [tilespmem:v50+s2+$0x0], $0xffff;
	_ =	sdelay $0x1  }
0x296: {  	v51 =	vadd.s32 v12, v28;
	_ =	sdelay $0x2  }
0x297: {  	v27 =	vadd.s32 $0x10C8E0, v27  }
0x298: {  	[tilespmem:s23+$0x3980] =	vst v27  }
0x299: {  	v27 =	vld.idx.msk [tilespmem:v51+s2+$0x0], $0xffff;
	_ =	sdelay $0x1  }
0x29a: {  	v52 =	vadd.s32 v13, v28;
	_ =	sdelay $0x2  }
0x29b: {  	v27 =	vadd.s32 $0x124F80, v27  }
0x29c: {  	[tilespmem:s23+$0x3A00] =	vst v27  }
0x29d: {  	v27 =	vld.idx.msk [tilespmem:v52+s2+$0x0], $0xffff;
	_ =	sdelay $0x1  }
0x29e: {  	v53 =	vadd.s32 v14, v28;
	_ =	sdelay $0x2  }
0x29f: {  	v27 =	vadd.s32 $0x13D620, v27  }
0x2a0: {  	[tilespmem:s23+$0x3A80] =	vst v27  }
0x2a1: {  	v27 =	vld.idx.msk [tilespmem:v53+s2+$0x0], $0xffff;
	_ =	sdelay $0x1  }
0x2a2: {  	v54 =	vadd.s32 v15, v28;
	_ =	sdelay $0x2  }
0x2a3: {  	v27 =	vadd.s32 $0x155CC0, v27  }
0x2a4: {  	[tilespmem:s23+$0x3B00] =	vst v27  }
0x2a5: {  	v27 =	vld.idx.msk [tilespmem:v54+s2+$0x0], $0xffff;
	_ =	sdelay $0x1  }
0x2a6: {  	v55 =	vadd.s32 v16, v28;
	_ =	sdelay $0x2  }
0x2a7: {  	v27 =	vadd.s32 $0x16E360, v27  }
0x2a8: {  	[tilespmem:s23+$0x3B80] =	vst v27  }
0x2a9: {  	v27 =	vld.idx.msk [tilespmem:v55+s2+$0x0], $0xffff;
	_ =	sdelay $0x1  }
0x2aa: {  	v56 =	vadd.s32 v17, v28;
	_ =	sdelay $0x2  }
0x2ab: {  	v27 =	vadd.s32 $0x186A00, v27  }
0x2ac: {  	[tilespmem:s23+$0x3C00] =	vst v27  }
0x2ad: {  	v27 =	vld.idx.msk [tilespmem:v56+s2+$0x0], $0xffff;
	_ =	sdelay $0x1  }
0x2ae: {  	v57 =	vadd.s32 v18, v28;
	_ =	sdelay $0x2  }
0x2af: {  	v27 =	vadd.s32 $0x19F0A0, v27  }
0x2b0: {  	[tilespmem:s23+$0x3C80] =	vst v27  }
0x2b1: {  	v27 =	vld.idx.msk [tilespmem:v57+s2+$0x0], $0xffff;
	_ =	sdelay $0x1  }
0x2b2: {  	v58 =	vadd.s32 v19, v28;
	_ =	sdelay $0x2  }
0x2b3: {  	v27 =	vadd.s32 $0x1B7740, v27  }
0x2b4: {  	[tilespmem:s23+$0x3D00] =	vst v27  }
0x2b5: {  	v27 =	vld.idx.msk [tilespmem:v58+s2+$0x0], $0xffff;
	_ =	sdelay $0x1  }
0x2b6: {  	v59 =	vadd.s32 v20, v28;
	_ =	sdelay $0x2  }
0x2b7: {  	v27 =	vadd.s32 $0x1CFDE0, v27  }
0x2b8: {  	[tilespmem:s23+$0x3D80] =	vst v27  }
0x2b9: {  	v27 =	vld.idx.msk [tilespmem:v59+s2+$0x0], $0xffff;
	_ =	sdelay $0x1  }
0x2ba: {  	v60 =	vadd.s32 v21, v28;
	_ =	sdelay $0x2  }
0x2bb: {  	v27 =	vadd.s32 $0x1E8480, v27  }
0x2bc: {  	[tilespmem:s23+$0x3E00] =	vst v27  }
0x2bd: {  	v27 =	vld.idx.msk [tilespmem:v60+s2+$0x0], $0xffff;
	_ =	sdelay $0x1  }
0x2be: {  	v61 =	vadd.s32 v22, v28;
	_ =	sdelay $0x2  }
0x2bf: {  	v27 =	vadd.s32 $0x200B20, v27  }
0x2c0: {  	[tilespmem:s23+$0x3E80] =	vst v27  }
0x2c1: {  	v27 =	vld.idx.msk [tilespmem:v61+s2+$0x0], $0xffff;
	_ =	sdelay $0x1  }
0x2c2: {  	v62 =	vadd.s32 v23, v28;
	_ =	sdelay $0x2  }
0x2c3: {  	v27 =	vadd.s32 $0x2191C0, v27  }
0x2c4: {  	[tilespmem:s23+$0x3F00] =	vst v27  }
0x2c5: {  	v27 =	vld.idx.msk [tilespmem:v62+s2+$0x0], $0xffff;
	_ =	sdelay $0x1  }
0x2c6: {  	v63 =	vadd.s32 v24, v28;
	_ =	sdelay $0x2  }
0x2c7: {  	v27 =	vadd.s32 $0x231860, v27  }
0x2c8: {  	[tilespmem:s23+$0x3F80] =	vst v27  }
0x2c9: {  	v27 =	vld.idx.msk [tilespmem:v63+s2+$0x0], $0xffff;
	_ =	sdelay $0x1  }
0x2ca: {  	v28 =	vadd.s32 v25, v28;
	_ =	sdelay $0x2  }
0x2cb: {  	v27 =	vadd.s32 $0x249F00, v27  }
0x2cc: {  	[tilespmem:s23+$0x4000] =	vst v27  }
0x2cd: {  	v27 =	vld.idx.msk [tilespmem:v28+s2+$0x0], $0xffff;
	_ =	sdelay $0x3  }
0x2ce: {  	s24 =	smul.u32 $0xD00, s22  }
0x2cf: {  	v27 =	vadd.s32 $0x2625A0, v27  }
0x2d0: {  	s25 =	sadd.s32 $0x6800, s24;
	s26 =	sadd.s32 $0x3400, s24;
	[tilespmem:s23+$0x4080] =	vst v27  }
0x2d1: {  	[tilespmem:s25], [sflag:$0x1] =	stream.indirect.gather [hbm4b:s3+s17], $0x1, s26, s17, $0xb8;
	[tilespmem:$0x9E80] =	vst v63  }
0x2d2: {  	s28 =	sadd.s32 $0x6880, s24;
	s29 =	sadd.s32 $0x3480, s24  }
0x2d3: {  	[tilespmem:s28], [sflag:$0x1] =	stream.indirect.gather [hbm4b:s3+s17], $0x1, s29, s17, $0xb8;
	[tilespmem:$0x9E80] =	vst v63  }
0x2d4: {  	s25 =	sadd.s32 $0x6900, s24;
	s26 =	sadd.s32 $0x3500, s24  }
0x2d5: {  	[tilespmem:s25], [sflag:$0x1] =	stream.indirect.gather [hbm4b:s3+s17], $0x1, s26, s17, $0xb8;
	[tilespmem:$0x9E80] =	vst v63  }
0x2d6: {  	s28 =	sadd.s32 $0x6980, s24;
	s29 =	sadd.s32 $0x3580, s24  }
0x2d7: {  	[tilespmem:s28], [sflag:$0x1] =	stream.indirect.gather [hbm4b:s3+s17], $0x1, s29, s17, $0xb8;
	[tilespmem:$0x9E80] =	vst v63  }
0x2d8: {  	s25 =	sadd.s32 $0x6A00, s24;
	s26 =	sadd.s32 $0x3600, s24  }
0x2d9: {  	[tilespmem:s25], [sflag:$0x1] =	stream.indirect.gather [hbm4b:s3+s17], $0x1, s26, s17, $0xb8;
	[tilespmem:$0x9E80] =	vst v63  }
0x2da: {  	s28 =	sadd.s32 $0x6A80, s24;
	s29 =	sadd.s32 $0x3680, s24  }
0x2db: {  	[tilespmem:s28], [sflag:$0x1] =	stream.indirect.gather [hbm4b:s3+s17], $0x1, s29, s17, $0xb8;
	[tilespmem:$0x9E80] =	vst v63  }
0x2dc: {  	s25 =	sadd.s32 $0x6B00, s24;
	s26 =	sadd.s32 $0x3700, s24  }
0x2dd: {  	[tilespmem:s25], [sflag:$0x1] =	stream.indirect.gather [hbm4b:s3+s17], $0x1, s26, s17, $0xb8;
	[tilespmem:$0x9E80] =	vst v63  }
0x2de: {  	s28 =	sadd.s32 $0x6B80, s24;
	s29 =	sadd.s32 $0x3780, s24  }
0x2df: {  	[tilespmem:s28], [sflag:$0x1] =	stream.indirect.gather [hbm4b:s3+s17], $0x1, s29, s17, $0xb8;
	[tilespmem:$0x9E80] =	vst v63  }
0x2e0: {  	s25 =	sadd.s32 $0x6C00, s24;
	s26 =	sadd.s32 $0x3800, s24  }
0x2e1: {  	[tilespmem:s25], [sflag:$0x1] =	stream.indirect.gather [hbm4b:s3+s17], $0x1, s26, s17, $0xb8;
	[tilespmem:$0x9E80] =	vst v63  }
0x2e2: {  	s28 =	sadd.s32 $0x6C80, s24;
	s29 =	sadd.s32 $0x3880, s24  }
0x2e3: {  	[tilespmem:s28], [sflag:$0x1] =	stream.indirect.gather [hbm4b:s3+s17], $0x1, s29, s17, $0xb8;
	[tilespmem:$0x9E80] =	vst v63  }
0x2e4: {  	s25 =	sadd.s32 $0x6D00, s24;
	s26 =	sadd.s32 $0x3900, s24  }
0x2e5: {  	[tilespmem:s25], [sflag:$0x1] =	stream.indirect.gather [hbm4b:s3+s17], $0x1, s26, s17, $0xb8;
	[tilespmem:$0x9E80] =	vst v63  }
0x2e6: {  	s28 =	sadd.s32 $0x6D80, s24;
	s29 =	sadd.s32 $0x3980, s24  }
0x2e7: {  	[tilespmem:s28], [sflag:$0x1] =	stream.indirect.gather [hbm4b:s3+s17], $0x1, s29, s17, $0xb8;
	[tilespmem:$0x9E80] =	vst v63  }
0x2e8: {  	s25 =	sadd.s32 $0x6E00, s24;
	s26 =	sadd.s32 $0x3A00, s24  }
0x2e9: {  	[tilespmem:s25], [sflag:$0x1] =	stream.indirect.gather [hbm4b:s3+s17], $0x1, s26, s17, $0xb8;
	[tilespmem:$0x9E80] =	vst v63  }
0x2ea: {  	s28 =	sadd.s32 $0x6E80, s24;
	s29 =	sadd.s32 $0x3A80, s24  }
0x2eb: {  	[tilespmem:s28], [sflag:$0x1] =	stream.indirect.gather [hbm4b:s3+s17], $0x1, s29, s17, $0xb8;
	[tilespmem:$0x9E80] =	vst v63  }
0x2ec: {  	s25 =	sadd.s32 $0x6F00, s24;
	s26 =	sadd.s32 $0x3B00, s24  }
0x2ed: {  	[tilespmem:s25], [sflag:$0x1] =	stream.indirect.gather [hbm4b:s3+s17], $0x1, s26, s17, $0xb8;
	[tilespmem:$0x9E80] =	vst v63  }
0x2ee: {  	s28 =	sadd.s32 $0x6F80, s24;
	s29 =	sadd.s32 $0x3B80, s24  }
0x2ef: {  	[tilespmem:s28], [sflag:$0x1] =	stream.indirect.gather [hbm4b:s3+s17], $0x1, s29, s17, $0xb8;
	[tilespmem:$0x9E80] =	vst v63  }
0x2f0: {  	s25 =	sadd.s32 $0x7000, s24;
	s26 =	sadd.s32 $0x3C00, s24  }
0x2f1: {  	[tilespmem:s25], [sflag:$0x1] =	stream.indirect.gather [hbm4b:s3+s17], $0x1, s26, s17, $0xb8;
	[tilespmem:$0x9E80] =	vst v63  }
0x2f2: {  	s28 =	sadd.s32 $0x7080, s24;
	s29 =	sadd.s32 $0x3C80, s24  }
0x2f3: {  	[tilespmem:s28], [sflag:$0x1] =	stream.indirect.gather [hbm4b:s3+s17], $0x1, s29, s17, $0xb8;
	[tilespmem:$0x9E80] =	vst v63  }
0x2f4: {  	s25 =	sadd.s32 $0x7100, s24;
	s26 =	sadd.s32 $0x3D00, s24  }
0x2f5: {  	[tilespmem:s25], [sflag:$0x1] =	stream.indirect.gather [hbm4b:s3+s17], $0x1, s26, s17, $0xb8;
	[tilespmem:$0x9E80] =	vst v63  }
0x2f6: {  	s28 =	sadd.s32 $0x7180, s24;
	s29 =	sadd.s32 $0x3D80, s24  }
0x2f7: {  	[tilespmem:s28], [sflag:$0x1] =	stream.indirect.gather [hbm4b:s3+s17], $0x1, s29, s17, $0xb8;
	[tilespmem:$0x9E80] =	vst v63  }
0x2f8: {  	s25 =	sadd.s32 $0x7200, s24;
	s26 =	sadd.s32 $0x3E00, s24  }
0x2f9: {  	[tilespmem:s25], [sflag:$0x1] =	stream.indirect.gather [hbm4b:s3+s17], $0x1, s26, s17, $0xb8;
	[tilespmem:$0x9E80] =	vst v63  }
0x2fa: {  	s28 =	sadd.s32 $0x7280, s24;
	s29 =	sadd.s32 $0x3E80, s24  }
0x2fb: {  	[tilespmem:s28], [sflag:$0x1] =	stream.indirect.gather [hbm4b:s3+s17], $0x1, s29, s17, $0xb8;
	[tilespmem:$0x9E80] =	vst v63  }
0x2fc: {  	s25 =	sadd.s32 $0x7300, s24;
	s26 =	sadd.s32 $0x3F00, s24  }
0x2fd: {  	[tilespmem:s25], [sflag:$0x1] =	stream.indirect.gather [hbm4b:s3+s17], $0x1, s26, s17, $0xb8;
	[tilespmem:$0x9E80] =	vst v63  }
0x2fe: {  	s28 =	sadd.s32 $0x7380, s24;
	s29 =	sadd.s32 $0x3F80, s24  }
0x2ff: {  	[tilespmem:s28], [sflag:$0x1] =	stream.indirect.gather [hbm4b:s3+s17], $0x1, s29, s17, $0xb8;
	[tilespmem:$0x9E80] =	vst v63  }
0x300: {  	s26 =	sadd.s32 $0x7400, s24;
	s28 =	sadd.s32 $0x4000, s24  }
0x301: {  	[tilespmem:s26], [sflag:$0x1] =	stream.indirect.gather [hbm4b:s3+s17], $0x1, s28, s17, $0xb8;
	[tilespmem:$0x9E80] =	vst v63  }
0x302: {  	s29 =	sadd.s32 $0x7480, s24;
	s24 =	sadd.s32 $0x4080, s24  }
0x303: {  	[tilespmem:s29], [sflag:$0x1] =	stream.indirect.gather [hbm4b:s3+s17], $0x1, s24, s17, $0xb8;
	[tilespmem:$0x9E80] =	vst v63  }
.LBB2_9:
0x304: {  	_ =	swait.ge [sflag:s15], $0x80  }
0x305: {  	[sflag:s15] =	ssyncset.done $0x0  }
0x306: {  	[sflag:s15] =	ssyncadd.s32 $0xFFFFFF80  }
0x307: {  	_ =	swait.ge [sflag:s15], $0x80  }
0x308: {  	[sflag:s15] =	ssyncset.done $0x0  }
0x309: {  	[sflag:s15] =	ssyncadd.s32 $0xFFFFFF80  }
0x30a: {  	_ =	swait.ge [sflag:s15], $0x80  }
0x30b: {  	[sflag:s15] =	ssyncset.done $0x0  }
0x30c: {  	[sflag:s15] =	ssyncadd.s32 $0xFFFFFF80  }
0x30d: {  	_ =	swait.ge [sflag:s15], $0x80  }
0x30e: {  	[sflag:s15] =	ssyncset.done $0x0  }
0x30f: {  	[sflag:s15] =	ssyncadd.s32 $0xFFFFFF80  }
0x310: {  	_ =	swait.ge [sflag:s15], $0x80  }
0x311: {  	[sflag:s15] =	ssyncset.done $0x0  }
0x312: {  	[sflag:s15] =	ssyncadd.s32 $0xFFFFFF80  }
0x313: {  	_ =	swait.ge [sflag:s15], $0x80  }
0x314: {  	[sflag:s15] =	ssyncset.done $0x0  }
0x315: {  	[sflag:s15] =	ssyncadd.s32 $0xFFFFFF80  }
0x316: {  	_ =	swait.ge [sflag:s15], $0x80  }
0x317: {  	[sflag:s15] =	ssyncset.done $0x0  }
0x318: {  	[sflag:s15] =	ssyncadd.s32 $0xFFFFFF80  }
0x319: {  	_ =	swait.ge [sflag:s15], $0x80  }
0x31a: {  	[sflag:s15] =	ssyncset.done $0x0  }
0x31b: {  	[sflag:s15] =	ssyncadd.s32 $0xFFFFFF80  }
0x31c: {  	_ =	swait.ge [sflag:s15], $0x80  }
0x31d: {  	[sflag:s15] =	ssyncset.done $0x0  }
0x31e: {  	[sflag:s15] =	ssyncadd.s32 $0xFFFFFF80  }
0x31f: {  	_ =	swait.ge [sflag:s15], $0x80  }
0x320: {  	[sflag:s15] =	ssyncset.done $0x0  }
0x321: {  	[sflag:s15] =	ssyncadd.s32 $0xFFFFFF80  }
0x322: {  	_ =	swait.ge [sflag:s15], $0x80  }
0x323: {  	[sflag:s15] =	ssyncset.done $0x0  }
0x324: {  	[sflag:s15] =	ssyncadd.s32 $0xFFFFFF80  }
0x325: {  	_ =	swait.ge [sflag:s15], $0x80  }
0x326: {  	[sflag:s15] =	ssyncset.done $0x0  }
0x327: {  	[sflag:s15] =	ssyncadd.s32 $0xFFFFFF80  }
0x328: {  	_ =	swait.ge [sflag:s15], $0x80  }
0x329: {  	[sflag:s15] =	ssyncset.done $0x0  }
0x32a: {  	[sflag:s15] =	ssyncadd.s32 $0xFFFFFF80  }
0x32b: {  	_ =	swait.ge [sflag:s15], $0x80  }
0x32c: {  	[sflag:s15] =	ssyncset.done $0x0  }
0x32d: {  	[sflag:s15] =	ssyncadd.s32 $0xFFFFFF80  }
0x32e: {  	_ =	swait.ge [sflag:s15], $0x80  }
0x32f: {  	[sflag:s15] =	ssyncset.done $0x0  }
0x330: {  	[sflag:s15] =	ssyncadd.s32 $0xFFFFFF80  }
0x331: {  	_ =	swait.ge [sflag:s15], $0x80  }
0x332: {  	[sflag:s15] =	ssyncset.done $0x0  }
0x333: {  	[sflag:s15] =	ssyncadd.s32 $0xFFFFFF80  }
0x334: {  	_ =	swait.ge [sflag:s15], $0x80  }
0x335: {  	[sflag:s15] =	ssyncset.done $0x0  }
0x336: {  	[sflag:s15] =	ssyncadd.s32 $0xFFFFFF80  }
0x337: {  	_ =	swait.ge [sflag:s15], $0x80  }
0x338: {  	[sflag:s15] =	ssyncset.done $0x0  }
0x339: {  	[sflag:s15] =	ssyncadd.s32 $0xFFFFFF80  }
0x33a: {  	_ =	swait.ge [sflag:s15], $0x80  }
0x33b: {  	[sflag:s15] =	ssyncset.done $0x0  }
0x33c: {  	[sflag:s15] =	ssyncadd.s32 $0xFFFFFF80  }
0x33d: {  	_ =	swait.ge [sflag:s15], $0x80  }
0x33e: {  	[sflag:s15] =	ssyncset.done $0x0  }
0x33f: {  	[sflag:s15] =	ssyncadd.s32 $0xFFFFFF80  }
0x340: {  	_ =	swait.ge [sflag:s15], $0x80  }
0x341: {  	[sflag:s15] =	ssyncset.done $0x0  }
0x342: {  	[sflag:s15] =	ssyncadd.s32 $0xFFFFFF80  }
0x343: {  	_ =	swait.ge [sflag:s15], $0x80  }
0x344: {  	[sflag:s15] =	ssyncset.done $0x0  }
0x345: {  	[sflag:s15] =	ssyncadd.s32 $0xFFFFFF80  }
0x346: {  	_ =	swait.ge [sflag:s15], $0x80  }
0x347: {  	[sflag:s15] =	ssyncset.done $0x0  }
0x348: {  	[sflag:s15] =	ssyncadd.s32 $0xFFFFFF80  }
0x349: {  	_ =	swait.ge [sflag:s15], $0x80  }
0x34a: {  	[sflag:s15] =	ssyncset.done $0x0  }
0x34b: {  	[sflag:s15] =	ssyncadd.s32 $0xFFFFFF80  }
0x34c: {  	s23 =	sshll.u32 s21, $0x3;
	_ =	swait.ge [sflag:s15], $0x80  }
0x34d: {  	s21 =	sshrl.u32 s23, $0x3;
	[sflag:s15] =	ssyncset.done $0x0  }
0x34e: {  	s21 =	smul.u32 $0x3400, s21;
	[sflag:s15] =	ssyncadd.s32 $0xFFFFFF80  }
0x34f: {  	_ =	swait.ge [sflag:s15], $0x80  }
0x350: {  	s21 =	sshra.s32 s21, $0x2;
	[sflag:s15] =	ssyncset.done $0x0  }
0x351: {  	s25 =	sadd.s32 $0x0, s21;
	[sflag:s15] =	ssyncadd.s32 $0xFFFFFF80  }
0x352: {  	v27 =	vld [tilespmem:s25+$0x6800];
	_ =	sdelay $0x1  }
0x353: {  	v28 =	vld [tilespmem:s25+$0x6880];
	_ =	sdelay $0x1  }
0x354: {  	v29 =	vld [tilespmem:s25+$0x6900]  }
0x355: {  	v27 =	vadd.f32 v27, v26  }
0x356: {  	v30 =	vld [tilespmem:s25+$0x6980]  }
0x357: {  	v27 =	vadd.f32 v28, v27  }
0x358: {  	v28 =	vld [tilespmem:s25+$0x6A00]  }
0x359: {  	v27 =	vadd.f32 v29, v27  }
0x35a: {  	v29 =	vld [tilespmem:s25+$0x6A80]  }
0x35b: {  	v27 =	vadd.f32 v30, v27  }
0x35c: {  	v30 =	vld [tilespmem:s25+$0x6B00]  }
0x35d: {  	v27 =	vadd.f32 v28, v27  }
0x35e: {  	v28 =	vld [tilespmem:s25+$0x6B80]  }
0x35f: {  	v27 =	vadd.f32 v29, v27  }
0x360: {  	v29 =	vld [tilespmem:s25+$0x6C00]  }
0x361: {  	v27 =	vadd.f32 v30, v27  }
0x362: {  	v30 =	vld [tilespmem:s25+$0x6C80]  }
0x363: {  	v27 =	vadd.f32 v28, v27  }
0x364: {  	v28 =	vld [tilespmem:s25+$0x6D00]  }
0x365: {  	v27 =	vadd.f32 v29, v27  }
0x366: {  	v29 =	vld [tilespmem:s25+$0x6D80]  }
0x367: {  	v27 =	vadd.f32 v30, v27  }
0x368: {  	v30 =	vld [tilespmem:s25+$0x6E00]  }
0x369: {  	v27 =	vadd.f32 v28, v27  }
0x36a: {  	v28 =	vld [tilespmem:s25+$0x6E80]  }
0x36b: {  	v27 =	vadd.f32 v29, v27  }
0x36c: {  	v29 =	vld [tilespmem:s25+$0x6F00]  }
0x36d: {  	v27 =	vadd.f32 v30, v27  }
0x36e: {  	v30 =	vld [tilespmem:s25+$0x6F80]  }
0x36f: {  	v27 =	vadd.f32 v28, v27  }
0x370: {  	v28 =	vld [tilespmem:s25+$0x7000]  }
0x371: {  	v27 =	vadd.f32 v29, v27  }
0x372: {  	v29 =	vld [tilespmem:s25+$0x7080]  }
0x373: {  	v27 =	vadd.f32 v30, v27  }
0x374: {  	v30 =	vld [tilespmem:s25+$0x7100]  }
0x375: {  	v27 =	vadd.f32 v28, v27  }
0x376: {  	v28 =	vld [tilespmem:s25+$0x7180]  }
0x377: {  	v27 =	vadd.f32 v29, v27  }
0x378: {  	v29 =	vld [tilespmem:s25+$0x7200]  }
0x379: {  	v27 =	vadd.f32 v30, v27  }
0x37a: {  	v30 =	vld [tilespmem:s25+$0x7280]  }
0x37b: {  	v27 =	vadd.f32 v28, v27  }
0x37c: {  	v28 =	vld [tilespmem:s25+$0x7300]  }
0x37d: {  	v27 =	vadd.f32 v29, v27  }
0x37e: {  	v29 =	vld [tilespmem:s25+$0x7380]  }
0x37f: {  	v27 =	vadd.f32 v30, v27  }
0x380: {  	v30 =	vld [tilespmem:s25+$0x7400]  }
0x381: {  	v27 =	vadd.f32 v28, v27  }
0x382: {  	v28 =	vld [tilespmem:s25+$0x7480]  }
0x383: {  	v29 =	vadd.f32 v29, v27  }
0x384: {  	s24 =	sadd.s32 $0x1, s23;
	s23 =	simm.s32 $0x0;
	v27 =	vmov s20  }
0x385: {  	s26 =	sshrl.u32 s24, $0x3;
	s21 =	simm.s32 $0x40;
	s25 =	simm.s32 $0x80;
	v29 =	vadd.f32 v30, v29  }
.LBB2_10:
0x386: {  	p0 =	seq.s32 s25, $0x1C0;
	s26 =	smul.u32 $0x3400, s26  }
0x387: {  	v28 =	vadd.f32 v28, v29  }
0x388: {  	s28 =	sshra.s32 s21, $0x2;
	s21 =	smov.u32 s25;
	s26 =	sshra.s32 s26, $0x2  }
0x389: {  	s26 =	sadd.s32 s28, s26;
	[tilespmem:v27+s23+$0x0 ss:$0x1] =	vst.idx.msk $0xffff, v28;
	s23 =	smov.u32 s28  }
0x38a: {  	v28 =	vld [tilespmem:s26+$0x6800];
	_ =	sdelay $0x1  }
0x38b: {  	v29 =	vld [tilespmem:s26+$0x6880];
	_ =	sdelay $0x1  }
0x38c: {  	v30 =	vld [tilespmem:s26+$0x6900]  }
0x38d: {  	v28 =	vadd.f32 v28, v26  }
0x38e: {  	v31 =	vld [tilespmem:s26+$0x6980]  }
0x38f: {  	v28 =	vadd.f32 v29, v28  }
0x390: {  	v29 =	vld [tilespmem:s26+$0x6A00]  }
0x391: {  	v28 =	vadd.f32 v30, v28  }
0x392: {  	v30 =	vld [tilespmem:s26+$0x6A80]  }
0x393: {  	v28 =	vadd.f32 v31, v28  }
0x394: {  	v31 =	vld [tilespmem:s26+$0x6B00]  }
0x395: {  	v28 =	vadd.f32 v29, v28  }
0x396: {  	v29 =	vld [tilespmem:s26+$0x6B80]  }
0x397: {  	v28 =	vadd.f32 v30, v28  }
0x398: {  	v30 =	vld [tilespmem:s26+$0x6C00]  }
0x399: {  	v28 =	vadd.f32 v31, v28  }
0x39a: {  	v31 =	vld [tilespmem:s26+$0x6C80]  }
0x39b: {  	v28 =	vadd.f32 v29, v28  }
0x39c: {  	v29 =	vld [tilespmem:s26+$0x6D00]  }
0x39d: {  	v28 =	vadd.f32 v30, v28  }
0x39e: {  	v30 =	vld [tilespmem:s26+$0x6D80]  }
0x39f: {  	v28 =	vadd.f32 v31, v28  }
0x3a0: {  	v31 =	vld [tilespmem:s26+$0x6E00]  }
0x3a1: {  	v28 =	vadd.f32 v29, v28  }
0x3a2: {  	v29 =	vld [tilespmem:s26+$0x6E80]  }
0x3a3: {  	v28 =	vadd.f32 v30, v28  }
0x3a4: {  	v30 =	vld [tilespmem:s26+$0x6F00]  }
0x3a5: {  	v28 =	vadd.f32 v31, v28  }
0x3a6: {  	v31 =	vld [tilespmem:s26+$0x6F80]  }
0x3a7: {  	v28 =	vadd.f32 v29, v28  }
0x3a8: {  	v29 =	vld [tilespmem:s26+$0x7000]  }
0x3a9: {  	v28 =	vadd.f32 v30, v28  }
0x3aa: {  	v30 =	vld [tilespmem:s26+$0x7080]  }
0x3ab: {  	v28 =	vadd.f32 v31, v28  }
0x3ac: {  	v31 =	vld [tilespmem:s26+$0x7100]  }
0x3ad: {  	v28 =	vadd.f32 v29, v28  }
0x3ae: {  	v29 =	vld [tilespmem:s26+$0x7180]  }
0x3af: {  	v28 =	vadd.f32 v30, v28  }
0x3b0: {  	v30 =	vld [tilespmem:s26+$0x7200]  }
0x3b1: {  	v28 =	vadd.f32 v31, v28  }
0x3b2: {  	v31 =	vld [tilespmem:s26+$0x7280]  }
0x3b3: {  	v28 =	vadd.f32 v29, v28  }
0x3b4: {  	v29 =	vld [tilespmem:s26+$0x7300]  }
0x3b5: {  	v28 =	vadd.f32 v30, v28  }
0x3b6: {  	v30 =	vld [tilespmem:s26+$0x7380]  }
0x3b7: {  	v28 =	vadd.f32 v31, v28  }
0x3b8: {  	v31 =	vld [tilespmem:s26+$0x7400]  }
.Ltmp3:
0x3b9: {  	v29 =	vadd.f32 v29, v28;
	(pc) =	sbr.rel @!p0 .LBB2_10-.Ltmp3, $4  }
0x3ba: {  	v28 =	vld [tilespmem:s26+$0x7480]  }
0x3bb: {  	v29 =	vadd.f32 v30, v29  }
0x3bc: {  	s24 =	sadd.s32 $0x1, s24  }
0x3bd: {  	s25 =	sadd.s32 $0x40, s25;
	s26 =	sshrl.u32 s24, $0x3;
	v29 =	vadd.f32 v31, v29  }
0x3be: {  	_ = 	snop  }
0x3bf: {  	s24 =	smul.u32 $0x3400, s26  }
0x3c0: {  	v28 =	vadd.f32 v28, v29  }
0x3c1: {  	s21 =	sshra.s32 s21, $0x2;
	s24 =	sshra.s32 s24, $0x2  }
0x3c2: {  	s24 =	sadd.s32 s21, s24;
	[tilespmem:v27+s23+$0x0 ss:$0x1] =	vst.idx.msk $0xffff, v28  }
0x3c3: {  	v28 =	vld [tilespmem:s24+$0x6800];
	_ =	sdelay $0x1  }
0x3c4: {  	v41 =	vld [tilespmem:s24+$0x6880];
	_ =	sdelay $0x1  }
0x3c5: {  	v30 =	vld [tilespmem:s24+$0x6900]  }
0x3c6: {  	v28 =	vadd.f32 v28, v26  }
0x3c7: {  	v31 =	vld [tilespmem:s24+$0x6980]  }
0x3c8: {  	v28 =	vadd.f32 v41, v28  }
0x3c9: {  	v42 =	vld [tilespmem:s24+$0x6A00]  }
0x3ca: {  	v28 =	vadd.f32 v30, v28  }
0x3cb: {  	v43 =	vld [tilespmem:s24+$0x6A80]  }
0x3cc: {  	v28 =	vadd.f32 v31, v28  }
0x3cd: {  	v44 =	vld [tilespmem:s24+$0x6B00]  }
0x3ce: {  	v28 =	vadd.f32 v42, v28  }
0x3cf: {  	v45 =	vld [tilespmem:s24+$0x6B80]  }
0x3d0: {  	v28 =	vadd.f32 v43, v28  }
0x3d1: {  	v46 =	vld [tilespmem:s24+$0x6C00]  }
0x3d2: {  	v28 =	vadd.f32 v44, v28  }
0x3d3: {  	v47 =	vld [tilespmem:s24+$0x6C80]  }
0x3d4: {  	v28 =	vadd.f32 v45, v28  }
0x3d5: {  	v48 =	vld [tilespmem:s24+$0x6D00]  }
0x3d6: {  	v28 =	vadd.f32 v46, v28  }
0x3d7: {  	v49 =	vld [tilespmem:s24+$0x6D80]  }
0x3d8: {  	v28 =	vadd.f32 v47, v28  }
0x3d9: {  	v50 =	vld [tilespmem:s24+$0x6E00]  }
0x3da: {  	v28 =	vadd.f32 v48, v28  }
0x3db: {  	v51 =	vld [tilespmem:s24+$0x6E80]  }
0x3dc: {  	v28 =	vadd.f32 v49, v28  }
0x3dd: {  	v52 =	vld [tilespmem:s24+$0x6F00]  }
0x3de: {  	v28 =	vadd.f32 v50, v28  }
0x3df: {  	v53 =	vld [tilespmem:s24+$0x6F80]  }
0x3e0: {  	v28 =	vadd.f32 v51, v28  }
0x3e1: {  	v54 =	vld [tilespmem:s24+$0x7000]  }
0x3e2: {  	v28 =	vadd.f32 v52, v28  }
0x3e3: {  	v55 =	vld [tilespmem:s24+$0x7080]  }
0x3e4: {  	v28 =	vadd.f32 v53, v28  }
0x3e5: {  	v56 =	vld [tilespmem:s24+$0x7100]  }
0x3e6: {  	v28 =	vadd.f32 v54, v28  }
0x3e7: {  	v57 =	vld [tilespmem:s24+$0x7180]  }
0x3e8: {  	v28 =	vadd.f32 v55, v28  }
0x3e9: {  	v58 =	vld [tilespmem:s24+$0x7200]  }
0x3ea: {  	v28 =	vadd.f32 v56, v28  }
0x3eb: {  	v59 =	vld [tilespmem:s24+$0x7280]  }
0x3ec: {  	v28 =	vadd.f32 v57, v28  }
0x3ed: {  	v60 =	vld [tilespmem:s24+$0x7300]  }
0x3ee: {  	v28 =	vadd.f32 v58, v28  }
0x3ef: {  	v61 =	vld [tilespmem:s24+$0x7380]  }
0x3f0: {  	v28 =	vadd.f32 v59, v28  }
0x3f1: {  	v62 =	vld [tilespmem:s24+$0x7400]  }
0x3f2: {  	v28 =	vadd.f32 v60, v28  }
0x3f3: {  	v63 =	vld [tilespmem:s24+$0x7480]  }
0x3f4: {  	v28 =	vadd.f32 v61, v28;
	_ =	sdelay $0x1  }
0x3f5: {  	v28 =	vadd.f32 v62, v28;
	_ =	sdelay $0x1  }
0x3f6: {  	v28 =	vadd.f32 v63, v28;
	_ =	sdelay $0x1  }
0x3f7: {  	[tilespmem:v27+s21+$0x0 ss:$0x1] =	vst.idx.msk $0xffff, v28  }
0x3f8: {  	p0 =	seq.s32 s22, $0x4  }
.Ltmp4:
0x3f9: {  	_ = 	snop;
	(pc) =	sbr.rel @!p0 .LBB2_5-.Ltmp4, $2  }
0x3fa: {  	_ =	sdelay $0x2  }
0x3fb: {  	s19 =	sadd.s32 $0x80, s19;
	s20 =	sadd.s32 $0x80, s20;
	s21 =	smov.u32 s22  }
0x3fc: {  	s18 =	sadd.s32 $0x1, s18  }
0x3fd: {  	p0 =	sne.s32 s18, s7  }
.Ltmp5:
0x3fe: {  	_ = 	snop;
	(pc) =	sbr.rel @p0 .LBB2_1-.Ltmp5, $4  }
0x3ff: {  	[hbm4b:s6+s2] =	stream.linear.scatter [tilespmem:s16], [sflag:$0x2], $0x200, $0x38;
	[tilespmem:$0x9E80] =	vst v63  }
0x400: {  	_ =	swait.ge [sflag:s8], $0x200  }
0x401: {  	[sflag:s8] =	ssyncset.done $0x0  }
0x402: {  	[sflag:s8] =	ssyncadd.s32 $0xFFFFFE00  }
0x403: {  	_ =	sfence.sel $0x180000  }
0x404: {  	[bflag:$0x0] =	sbarrier.arrive $0xFFFF  }
0x405: {  	_ =	strace $0x90000047  }
0x406: {  	s0 =	stileid.u32;
	[bflag:$0x2] =	sbarrier.arrive $0xFFFF  }
0x407: {  	p0 =	sne.s32 s0, $0x0;
	s0 =	rddreg [dreg:$0x2]  }
0x408: {  	s0 =	sadd.s32 @!p0 $0x100000, s0  }
0x409: {  	[sflag:s0] =	ssyncadd.tile.s32 @!p0 $0x1;
	_ =	shalt  }
.Lfunc_end2:
_tile_overlayer_lowered:
.L_overlay_start_2:
0x40a: {  	(tag) =	ssettag $0x2  }
0x40b: {  	s0 =	rddreg [dreg:$0x0];
	s2 =	stileid.u32  }
0x40c: {  	s1 =	rddreg [dreg:$0x1];
	p0 =	sne.s32 s2, $0x0  }
0x40d: {  	s3 =	rddreg [dreg:$0x2];
	[bflag:$0x3] =	sbarrier.arrive $0xFFFF;
	s2 =	simm.s32 @!p0 $0x1C02  }
0x40e: {  	[timem:s3], [sflag:s2] =	dma.local @!p0 [hbm:s0], s1  }
0x40f: {  	s0 =	simm.s32 @!p0 $0x2  }
0x410: {  	_ =	swait.ge @!p0 [sflag:s0], s1  }
0x411: {  	s1 =	ssub.s32 @!p0 $0x0, s1;
	[sflag:s0] =	ssyncset.done @!p0 $0x0  }
0x412: {  	[sflag:s0] =	ssyncadd.s32 @!p0 s1  }
0x413: {  	[bflag:$0x3] =	sbarrier.arrive $0xFFFF  }
0x414: {  	_ =	shalt  }

</sc_bundles>
